<compile_context>
chip_gen: v7x
topology: tpu7x:2x2x1
jax: 0.10.2.dev20260603
libtpu: 0.0.44.dev20260713+nightly
codegen_flags: <defaults>
</compile_context>

<pallas_src>
import functools

import jax
import jax.numpy as jnp
from jax import lax
from jax.experimental import pallas as pl
from jax.experimental.pallas import tpu as pltpu
from jax.experimental.pallas import tpu_sc as plsc

NN = 10000
NROW = 80
EE = 320000
EPAIR = 320000
NC, NS = 2, 16
NW = NC * NS


def _mesh():
    return plsc.VectorSubcoreMesh(core_axis_name="c", subcore_axis_name="s")


EPT_DEG = EE // NS


NPAD = NROW * 128
DPT = NPAD // NS


def _deg_body(dst_hbm, out_hbm, dstv, degl, rbuf, sbuf, parts):
    cid = lax.axis_index("c")
    sid = lax.axis_index("s")

    @pl.when(cid == 0)
    def _():
        pltpu.sync_copy(dst_hbm.at[pl.ds(sid * EPT_DEG, EPT_DEG)], dstv)

        def zero_step(i, carry):
            degl[pl.ds(i * 16, 16)] = jnp.zeros((16,), jnp.float32)
            return carry

        lax.fori_loop(0, NPAD // 16, zero_step, 0)

        ones = jnp.ones((16,), jnp.float32)

        def edge_step(i, carry):
            d = dstv[pl.ds(i * 16, 16)]
            plsc.addupdate_scatter(degl, [d], ones)
            return carry

        lax.fori_loop(0, EPT_DEG // 16, edge_step, 0)
        pltpu.sync_copy(degl, parts.at[sid])
        plsc.subcore_barrier()
        pltpu.sync_copy(parts.at[:, pl.ds(sid * DPT, DPT)], rbuf)

        def red_step(j, carry):
            v = rbuf[0, pl.ds(j * 16, 16)]
            for p in range(1, NS):
                v = v + rbuf[p, pl.ds(j * 16, 16)]
            sbuf[pl.ds(j * 16, 16)] = v
            return carry

        lax.fori_loop(0, DPT // 16, red_step, 0)
        pltpu.sync_copy(sbuf, out_hbm.at[pl.ds(sid * DPT, DPT)])


_deg_kernel = pl.kernel(
    _deg_body,
    out_type=jax.ShapeDtypeStruct((NPAD,), jnp.float32),
    mesh=_mesh(),
    compiler_params=pltpu.CompilerParams(needs_layout_passes=False, use_tc_tiling_on_sc=False),
    scratch_types=[
        pltpu.VMEM((EPT_DEG,), jnp.int32),
        pltpu.VMEM((NPAD,), jnp.float32),
        pltpu.VMEM((NS, DPT), jnp.float32),
        pltpu.VMEM((DPT,), jnp.float32),
        pltpu.VMEM_SHARED((NS, NPAD), jnp.float32),
    ],
)


EPT = EE // NW
KCH = 80
NCH = EPT // KCH
CPT = 1000
ZR = 50


NB = 8


def _make_spmm(C, dtype=jnp.float32):
    lanes = 16 if dtype == jnp.float32 else 32
    cb = C // lanes

    def body(g_hbm, s2d_hbm, d2d_hbm, out_a, out_b, sidx, didx, *scr):
        rbufs = scr[:NB]
        zbuf = scr[NB]
        acc = scr[NB + 1]
        sgs = scr[NB + 2:2 * NB + 2]
        sss = scr[2 * NB + 2:]
        cid = lax.axis_index("c")
        sid = lax.axis_index("s")
        wid = sid * NC + cid

        pltpu.sync_copy(s2d_hbm.at[wid], sidx.at[pl.ds(0, NCH)])
        pltpu.sync_copy(d2d_hbm.at[wid], didx.at[pl.ds(0, NCH)])
        for k in range(KCH // 16):
            sidx[NCH, pl.ds(k * 16, 16)] = jnp.zeros((16,), jnp.int32)

        def zero_row(i, carry):
            zbuf[lax.div(i, cb),
                 pl.ds(lax.mul(lax.rem(i, cb), lanes), lanes)] = (
                jnp.zeros((lanes,), dtype))
            return carry

        lax.fori_loop(0, ZR * cb, zero_row, 0)

        @pl.when(sid < 10)
        def _():
            for z in range(CPT // ZR):
                pltpu.sync_copy(zbuf, acc.at[pl.ds(sid * CPT + z * ZR, ZR)])

        plsc.subcore_barrier()

        def wait_g(a, j):
            pltpu.make_async_copy(g_hbm.at[sidx.at[a]], rbufs[j],
                                  sgs[j]).wait()

        def issue_s(a, j):
            pltpu.async_copy(rbufs[j], acc.at[didx.at[a]], sss[j], add=True)

        def wait_s(a, j):
            pltpu.make_async_copy(rbufs[j], acc.at[didx.at[a]],
                                  sss[j]).wait()

        def visit(a, j, jn, issue_gather=True):
            wait_s(a - (NB - 1), jn)
            if issue_gather:
                pltpu.async_copy(g_hbm.at[sidx.at[a + 1]], rbufs[jn],
                                 sgs[jn])
            wait_g(a, j)
            issue_s(a, j)

        for b in range(NB):
            pltpu.async_copy(g_hbm.at[sidx.at[b]], rbufs[b], sgs[b])
        for a in range(NB - 1):
            wait_g(a, a)
            issue_s(a, a)

        def ring_step(i, carry):
            for par in range(NB):
                a = NB * i + (NB - 1) + par
                visit(a, (NB - 1 + par) % NB, par % NB)
            return carry

        n_loops = (NCH - NB) // NB
        lax.fori_loop(0, n_loops, ring_step, 0)
        for a in range(NB - 1 + NB * n_loops, NCH - 1):
            visit(a, a % NB, (a + 1) % NB)
        visit(NCH - 1, (NCH - 1) % NB, NCH % NB, issue_gather=False)
        for a in range(NCH - NB + 1, NCH):
            wait_s(a, a % NB)
        plsc.subcore_barrier()

        @pl.when(jnp.logical_and(cid == 0, sid < 10))
        def _():
            pltpu.sync_copy(acc.at[pl.ds(sid * CPT, CPT)],
                            out_a.at[pl.ds(sid * CPT, CPT)])

        @pl.when(jnp.logical_and(cid == 1, sid < 10))
        def _():
            pltpu.sync_copy(acc.at[pl.ds(sid * CPT, CPT)],
                            out_b.at[pl.ds(sid * CPT, CPT)])

    return pl.kernel(
        body,
        out_type=[jax.ShapeDtypeStruct((NN, C), dtype)] * 2,
        mesh=_mesh(),
        compiler_params=pltpu.CompilerParams(needs_layout_passes=False, use_tc_tiling_on_sc=False),
        scratch_types=[
            pltpu.VMEM((NCH + 3, KCH), jnp.int32),
            pltpu.VMEM((NCH, KCH), jnp.int32),
        ] + [pltpu.VMEM((KCH, C), dtype)] * NB + [
            pltpu.VMEM((ZR, C), dtype),
            pltpu.VMEM_SHARED((NN, C), dtype),
        ] + [pltpu.SemaphoreType.DMA] * (2 * NB),
    )


_spmm128 = _make_spmm(128, jnp.bfloat16)
_spmm64 = _make_spmm(64, jnp.bfloat16)


EPT_F = EPAIR // NW


def _final_body(s1_hbm, s2_hbm, src_hbm, dst_hbm, out_hbm,
                s1v, s2v, siv, dov, ov, sem):
    cid = lax.axis_index("c")
    sid = lax.axis_index("s")
    wid = sid * NC + cid
    base = wid * EPT_F
    pltpu.async_copy(s1_hbm, s1v, sem)
    pltpu.async_copy(s2_hbm, s2v, sem)
    pltpu.async_copy(src_hbm.at[pl.ds(base, EPT_F)], siv, sem)
    pltpu.async_copy(dst_hbm.at[pl.ds(base, EPT_F)], dov, sem)
    pltpu.make_async_copy(s1_hbm, s1v, sem).wait()
    pltpu.make_async_copy(s2_hbm, s2v, sem).wait()
    pltpu.make_async_copy(src_hbm.at[pl.ds(base, EPT_F)], siv, sem).wait()
    pltpu.make_async_copy(dst_hbm.at[pl.ds(base, EPT_F)], dov, sem).wait()

    def edge_step(i, carry):
        s = siv[pl.ds(i * 16, 16)]
        d = dov[pl.ds(i * 16, 16)]
        ov[pl.ds(i * 16, 16)] = (plsc.load_gather(s1v, [s]) +
                                 plsc.load_gather(s2v, [d]))
        return carry

    lax.fori_loop(0, EPT_F // 16, edge_step, 0)
    pltpu.sync_copy(ov, out_hbm.at[pl.ds(base, EPT_F)])


_final_kernel = pl.kernel(
    _final_body,
    out_type=jax.ShapeDtypeStruct((EPAIR,), jnp.float32),
    mesh=_mesh(),
    compiler_params=pltpu.CompilerParams(needs_layout_passes=False, use_tc_tiling_on_sc=False),
    scratch_types=[
        pltpu.VMEM((NN,), jnp.float32),
        pltpu.VMEM((NN,), jnp.float32),
        pltpu.VMEM((EPT_F,), jnp.int32),
        pltpu.VMEM((EPT_F,), jnp.int32),
        pltpu.VMEM((EPT_F,), jnp.float32),
        pltpu.SemaphoreType.DMA,
    ],
)


BLK = 1000
GRID = NN // BLK


def _tc_a_body(x_ref, w_ref, deg_ref, g1_ref):
    dinv = lax.rsqrt(deg_ref[...] + 1.0)
    g1 = dinv * jnp.dot(x_ref[...], w_ref[...],
                        preferred_element_type=jnp.float32)
    g1_ref[...] = g1.astype(jnp.bfloat16)


def _tc_b_body(ta, tb, g1, deg, b1, w2, g2):
    dinv = lax.rsqrt(deg[...] + 1.0)
    t = (ta[...].astype(jnp.float32) + tb[...].astype(jnp.float32)
         + g1[...].astype(jnp.float32))
    h1 = jnp.maximum(dinv * t + b1[...], 0.0)
    g2f = dinv * jnp.dot(h1, w2[...], preferred_element_type=jnp.float32)
    g2[...] = g2f.astype(jnp.bfloat16)


def _tc_c_body(ta, tb, g2, deg, b2, fw1, fw2, fb, s1, s2):
    dinv = lax.rsqrt(deg[...] + 1.0)
    t = (ta[...].astype(jnp.float32) + tb[...].astype(jnp.float32)
         + g2[...].astype(jnp.float32))
    h2 = jnp.maximum(dinv * t + b2[...], 0.0)
    s1[...] = jnp.dot(h2, fw1[...], preferred_element_type=jnp.float32) + fb[...]
    s2[...] = jnp.dot(h2, fw2[...], preferred_element_type=jnp.float32)


def _row_spec(c):
    return pl.BlockSpec((BLK, c), lambda i: (i, 0))


def _full_spec(r, c):
    return pl.BlockSpec((r, c), lambda i: (0, 0))


_tc_a = pl.pallas_call(
    _tc_a_body,
    grid=(GRID,),
    in_specs=[_row_spec(128), _full_spec(128, 128), _row_spec(1)],
    out_specs=_row_spec(128),
    out_shape=jax.ShapeDtypeStruct((NN, 128), jnp.bfloat16),
)

_tc_b = pl.pallas_call(
    _tc_b_body,
    grid=(GRID,),
    in_specs=[_row_spec(128), _row_spec(128), _row_spec(128), _row_spec(1),
              _full_spec(1, 128), _full_spec(128, 64)],
    out_specs=_row_spec(64),
    out_shape=jax.ShapeDtypeStruct((NN, 64), jnp.bfloat16),
)

_tc_c = pl.pallas_call(
    _tc_c_body,
    grid=(GRID,),
    in_specs=[_row_spec(64), _row_spec(64), _row_spec(64), _row_spec(1),
              _full_spec(1, 64), _full_spec(64, 1), _full_spec(64, 1),
              _full_spec(1, 1)],
    out_specs=[_row_spec(1), _row_spec(1)],
    out_shape=[jax.ShapeDtypeStruct((NN, 1), jnp.float32)] * 2,
)


def kernel(x, edge_index, edge_index_pos, edge_index_neg,
           W1, b1, W2, b2, fc_w, fc_b):
    src = edge_index[0]
    dst = edge_index[1]

    deg_flat = _deg_kernel(dst)
    deg_col = deg_flat[:NN].reshape(NN, 1)

    src2d = src.reshape(NW, NCH, KCH)
    dst2d = dst.reshape(NW, NCH, KCH)
    g1 = _tc_a(x, W1, deg_col)
    t1a, t1b = _spmm128(g1, src2d, dst2d)
    g2 = _tc_b(t1a, t1b, g1, deg_col, b1.reshape(1, 128), W2)
    t2a, t2b = _spmm64(g2, src2d, dst2d)
    s1, s2 = _tc_c(t2a, t2b, g2, deg_col, b2.reshape(1, 64),
                   fc_w[:64], fc_w[64:], fc_b.reshape(1, 1))

    esrc = jnp.concatenate([edge_index_pos[0], edge_index_neg[0]])
    edst = jnp.concatenate([edge_index_pos[1], edge_index_neg[1]])
    out = _final_kernel(s1.reshape(-1), s2.reshape(-1), esrc, edst)
    return out.reshape(EPAIR, 1)

# --- scband reference (transcript-rebuilt; emitter-appended) ---
"""Pipeline reference for scband-gcnii-38173669327383 (READ-ONLY COPY).

The authoritative reference and input builder live on the scoring server;
editing this copy changes nothing except your own understanding.
"""

import jax, jax.numpy as jnp
import numpy as np

N = 10000
E = 320000
EP = 160000
IN_C = 128
OUT_C = 64


def gcn_conv(x, edge_index, W, b, n):
    # PyG GCNConv: lin -> add self loops -> sym norm -> scatter-add at dst -> +bias
    loop = jnp.arange(n, dtype=edge_index.dtype)
    src = jnp.concatenate([edge_index[0], loop])
    dst = jnp.concatenate([edge_index[1], loop])
    ew = jnp.ones(src.shape[0], dtype=x.dtype)
    deg = jax.ops.segment_sum(ew, dst, num_segments=n)
    dinv = jnp.where(deg > 0, jax.lax.rsqrt(deg), 0.0)
    norm = dinv[src] * dinv[dst] * ew
    h = x @ W
    msg = norm[:, None] * h[src]
    out = jax.ops.segment_sum(msg, dst, num_segments=n) + b
    return out


def setup_inputs(seed: int = 0) -> dict:
    key = jax.random.key(seed)
    ks = jax.random.split(key, 12)
    x = jax.random.normal(ks[0], (N, IN_C), dtype=jnp.float32)
    edge_index = jax.random.randint(ks[1], (2, E), 0, N, dtype=jnp.int32)
    edge_index_pos = jax.random.randint(ks[2], (2, EP), 0, N, dtype=jnp.int32)
    edge_index_neg = jax.random.randint(ks[3], (2, EP), 0, N, dtype=jnp.int32)
    W1 = jax.random.normal(ks[4], (IN_C, 2 * OUT_C), dtype=jnp.float32) * (1.0 / np.sqrt(IN_C))
    b1 = jnp.zeros((2 * OUT_C,), dtype=jnp.float32)
    W2 = jax.random.normal(ks[5], (2 * OUT_C, OUT_C), dtype=jnp.float32) * (1.0 / np.sqrt(2 * OUT_C))
    b2 = jnp.zeros((OUT_C,), dtype=jnp.float32)
    fc_w = jax.random.normal(ks[6], (2 * OUT_C, 1), dtype=jnp.float32) * (1.0 / np.sqrt(2 * OUT_C))
    fc_b = jnp.zeros((1,), dtype=jnp.float32)
    return {"x": x, "edge_index": edge_index, "edge_index_pos": edge_index_pos,
            "edge_index_neg": edge_index_neg, "W1": W1, "b1": b1, "W2": W2,
            "b2": b2, "fc_w": fc_w, "fc_b": fc_b}


def reference(x, edge_index, edge_index_pos, edge_index_neg, W1, b1, W2, b2, fc_w, fc_b):
    h1 = jax.nn.relu(gcn_conv(x, edge_index, W1, b1, N))
    h2 = jax.nn.relu(gcn_conv(h1, edge_index, W2, b2, N))
    edg_index_all = jnp.concatenate([edge_index_pos, edge_index_neg], axis=1)
    Em = jnp.take(h2, edg_index_all[0], axis=0)
    Ed = jnp.take(h2, edg_index_all[1], axis=0)
    feat = jnp.concatenate([Em, Ed], axis=1)
    out = feat @ fc_w + fc_b
    return out

if __name__ == "__main__":
    import jax
    _d = setup_inputs()
    print(jax.jit(kernel)(*tuple(_d.values())))

</pallas_src>

<mosaic_0001>
#map = affine_map<(d0, d1) -> (0)>
module attributes {stable_mosaic.version = 14 : i64} {
  func.func @_deg_body(%arg0: i32, %arg1: i32, %arg2: memref<320000xi32, #tpu.memory_space<hbm>>, %arg3: memref<10240xf32, #tpu.memory_space<hbm>>, %arg4: memref<20000xi32, #tpu.memory_space<vmem>>, %arg5: memref<10240xf32, #tpu.memory_space<vmem>>, %arg6: memref<16x640xf32, #tpu.memory_space<vmem>>, %arg7: memref<640xf32, #tpu.memory_space<vmem>>, %arg8: memref<16x10240xf32, #tpu.memory_space<vmem_shared>>) attributes {dimension_semantics = [#tpu.dimension_semantics<core_parallel>, #tpu.dimension_semantics<subcore_parallel>], iteration_bounds = array<i64: 2, 16>, scalar_prefetch = 0 : i64, scratch_operands = 5 : i64, tpu.core_type = #tpu.core_type<sc_vector_subcore>, window_params = [{transform_indices = #map}, {transform_indices = #map}]} {
    %eq3A = arith.constant 0 : i32
    %eq3A_0 = arith.cmpi eq, %arg0, %eq3A : i32
    %convert_element_type3A = arith.extui %eq3A_0 : i1 to i32
    %cond3A = arith.constant 0 : i32
    %cond3A_1 = arith.cmpi ne, %convert_element_type3A, %cond3A : i32
    scf.if %cond3A_1 {
      %mul3A = arith.constant 20000 : i32
      %mul3A_2 = arith.muli %arg1, %mul3A : i32
      "tpu.region"() ({
        %run_scoped3A = tpu.sem_alloc : memref<!tpu.dma_semaphore, #tpu.memory_space<semaphore_mem>>
        %dma_start3A = tpu.memref_slice %arg2[%mul3A_2] : memref<320000xi32, #tpu.memory_space<hbm>> -> memref<20000xi32, #tpu.memory_space<hbm>>
        %dma_start3A_25 = tpu.memref_slice %arg2[%mul3A_2] : memref<320000xi32, #tpu.memory_space<hbm>> -> memref<20000xi32, #tpu.memory_space<hbm>>
        tpu.enqueue_dma source(%dma_start3A_25 : memref<20000xi32, #tpu.memory_space<hbm>>) target(%arg4 : memref<20000xi32, #tpu.memory_space<vmem>>) target_semaphore(%run_scoped3A : memref<!tpu.dma_semaphore, #tpu.memory_space<semaphore_mem>>)
        %dma_wait3A = tpu.memref_slice %arg2[%mul3A_2] : memref<320000xi32, #tpu.memory_space<hbm>> -> memref<20000xi32, #tpu.memory_space<hbm>>
        %dma_wait3A_26 = tpu.memref_slice %arg2[%mul3A_2] : memref<320000xi32, #tpu.memory_space<hbm>> -> memref<20000xi32, #tpu.memory_space<hbm>>
        tpu.wait_dma2 semaphore(%run_scoped3A : memref<!tpu.dma_semaphore, #tpu.memory_space<semaphore_mem>>) src(%dma_wait3A_26 : memref<20000xi32, #tpu.memory_space<hbm>>) dst(%arg4 : memref<20000xi32, #tpu.memory_space<vmem>>)
        tpu.yield
      }) : () -> ()
      %scan3A = arith.constant 0 : i32
      %scan3A_3 = arith.constant 0 : i32
      %scan3A_4 = arith.constant 640 : i32
      %scan3A_5 = arith.addi %scan3A_3, %scan3A_4 : i32
      %scan3A_6 = arith.constant 1 : i32
      scf.for %scan3A_25 = %scan3A_3 to %scan3A_5 step %scan3A_6  : i32 {
        %broadcast_in_dim3A_26 = arith.constant 0.000000e+00 : f32
        %broadcast_in_dim3A_27 = vector.broadcast %broadcast_in_dim3A_26 : f32 to vector<16xf32>
        %mul3A_28 = arith.constant 16 : i32
        %mul3A_29 = arith.muli %scan3A_25, %mul3A_28 : i32
        %swap3A = arith.index_cast %mul3A_29 : i32 to index
        %swap3A_30 = tpu.vector_load %arg5[%swap3A] {strides = array<i32>} : memref<10240xf32, #tpu.memory_space<vmem>>, vector<16xf32>,
        tpu.vector_store %arg5[%swap3A], %broadcast_in_dim3A_27 {strides = array<i32>} : memref<10240xf32, #tpu.memory_space<vmem>>, vector<16xf32>,
      }
      %scan3A_7 = arith.constant 640 : i32
      %broadcast_in_dim3A = arith.constant 1.000000e+00 : f32
      %broadcast_in_dim3A_8 = vector.broadcast %broadcast_in_dim3A : f32 to vector<16xf32>
      %scan3A_9 = arith.constant 0 : i32
      %scan3A_10 = arith.constant 0 : i32
      %scan3A_11 = arith.constant 1250 : i32
      %scan3A_12 = arith.addi %scan3A_10, %scan3A_11 : i32
      %scan3A_13 = arith.constant 1 : i32
      scf.for %scan3A_25 = %scan3A_10 to %scan3A_12 step %scan3A_13  : i32 {
        %mul3A_26 = arith.constant 16 : i32
        %mul3A_27 = arith.muli %scan3A_25, %mul3A_26 : i32
        %get3A = arith.index_cast %mul3A_27 : i32 to index
        %get3A_28 = tpu.vector_load %arg4[%get3A] {strides = array<i32>} : memref<20000xi32, #tpu.memory_space<vmem>>, vector<16xi32>,
        tpu.vector_store_idx %arg5[%get3A_28], %broadcast_in_dim3A_8 {add = true} : memref<10240xf32, #tpu.memory_space<vmem>>[vector<16xi32>], vector<16xf32>,
      }
      %scan3A_14 = arith.constant 1250 : i32
      "tpu.region"() ({
        %run_scoped3A = tpu.sem_alloc : memref<!tpu.dma_semaphore, #tpu.memory_space<semaphore_mem>>
        %dma_start3A = arith.constant 0 : i32
        %dma_start3A_25 = tpu.memref_slice %arg8[%arg1, %dma_start3A] : memref<16x10240xf32, #tpu.memory_space<vmem_shared>> -> memref<1x10240xf32, #tpu.memory_space<vmem_shared>>
        %dma_start3A_26 = tpu.memref_squeeze %dma_start3A_25 : memref<1x10240xf32, #tpu.memory_space<vmem_shared>> -> memref<10240xf32, #tpu.memory_space<vmem_shared>>
        %dma_start3A_27 = arith.constant 0 : i32
        %dma_start3A_28 = tpu.memref_slice %arg8[%arg1, %dma_start3A_27] : memref<16x10240xf32, #tpu.memory_space<vmem_shared>> -> memref<1x10240xf32, #tpu.memory_space<vmem_shared>>
        %dma_start3A_29 = tpu.memref_squeeze %dma_start3A_28 : memref<1x10240xf32, #tpu.memory_space<vmem_shared>> -> memref<10240xf32, #tpu.memory_space<vmem_shared>>
        tpu.enqueue_dma source(%arg5 : memref<10240xf32, #tpu.memory_space<vmem>>) target(%dma_start3A_29 : memref<10240xf32, #tpu.memory_space<vmem_shared>>) target_semaphore(%run_scoped3A : memref<!tpu.dma_semaphore, #tpu.memory_space<semaphore_mem>>)
        %dma_wait3A = arith.constant 0 : i32
        %dma_wait3A_30 = tpu.memref_slice %arg8[%arg1, %dma_wait3A] : memref<16x10240xf32, #tpu.memory_space<vmem_shared>> -> memref<1x10240xf32, #tpu.memory_space<vmem_shared>>
        %dma_wait3A_31 = tpu.memref_squeeze %dma_wait3A_30 : memref<1x10240xf32, #tpu.memory_space<vmem_shared>> -> memref<10240xf32, #tpu.memory_space<vmem_shared>>
        %dma_wait3A_32 = arith.constant 0 : i32
        %dma_wait3A_33 = tpu.memref_slice %arg8[%arg1, %dma_wait3A_32] : memref<16x10240xf32, #tpu.memory_space<vmem_shared>> -> memref<1x10240xf32, #tpu.memory_space<vmem_shared>>
        %dma_wait3A_34 = tpu.memref_squeeze %dma_wait3A_33 : memref<1x10240xf32, #tpu.memory_space<vmem_shared>> -> memref<10240xf32, #tpu.memory_space<vmem_shared>>
        tpu.wait_dma2 semaphore(%run_scoped3A : memref<!tpu.dma_semaphore, #tpu.memory_space<semaphore_mem>>) src(%arg5 : memref<10240xf32, #tpu.memory_space<vmem>>) dst(%dma_wait3A_34 : memref<10240xf32, #tpu.memory_space<vmem_shared>>)
        tpu.yield
      }) : () -> ()
      %barrier3A = arith.constant 0 : index
      tpu.barrier barrier_id(%barrier3A)
      %mul3A_15 = arith.constant 640 : i32
      %mul3A_16 = arith.muli %arg1, %mul3A_15 : i32
      "tpu.region"() ({
        %run_scoped3A = tpu.sem_alloc : memref<!tpu.dma_semaphore, #tpu.memory_space<semaphore_mem>>
        %dma_start3A = arith.constant 0 : i32
        %dma_start3A_25 = tpu.memref_slice %arg8[%dma_start3A, %mul3A_16] : memref<16x10240xf32, #tpu.memory_space<vmem_shared>> -> memref<16x640xf32, #tpu.memory_space<vmem_shared>>
        %dma_start3A_26 = arith.constant 0 : i32
        %dma_start3A_27 = tpu.memref_slice %arg8[%dma_start3A_26, %mul3A_16] : memref<16x10240xf32, #tpu.memory_space<vmem_shared>> -> memref<16x640xf32, #tpu.memory_space<vmem_shared>>
        tpu.enqueue_dma source(%dma_start3A_27 : memref<16x640xf32, #tpu.memory_space<vmem_shared>>) target(%arg6 : memref<16x640xf32, #tpu.memory_space<vmem>>) target_semaphore(%run_scoped3A : memref<!tpu.dma_semaphore, #tpu.memory_space<semaphore_mem>>)
        %dma_wait3A = arith.constant 0 : i32
        %dma_wait3A_28 = tpu.memref_slice %arg8[%dma_wait3A, %mul3A_16] : memref<16x10240xf32, #tpu.memory_space<vmem_shared>> -> memref<16x640xf32, #tpu.memory_space<vmem_shared>>
        %dma_wait3A_29 = arith.constant 0 : i32
        %dma_wait3A_30 = tpu.memref_slice %arg8[%dma_wait3A_29, %mul3A_16] : memref<16x10240xf32, #tpu.memory_space<vmem_shared>> -> memref<16x640xf32, #tpu.memory_space<vmem_shared>>
        tpu.wait_dma2 semaphore(%run_scoped3A : memref<!tpu.dma_semaphore, #tpu.memory_space<semaphore_mem>>) src(%dma_wait3A_30 : memref<16x640xf32, #tpu.memory_space<vmem_shared>>) dst(%arg6 : memref<16x640xf32, #tpu.memory_space<vmem>>)
        tpu.yield
      }) : () -> ()
      %scan3A_17 = arith.constant 0 : i32
      %scan3A_18 = arith.constant 0 : i32
      %scan3A_19 = arith.constant 40 : i32
      %scan3A_20 = arith.addi %scan3A_18, %scan3A_19 : i32
      %scan3A_21 = arith.constant 1 : i32
      scf.for %scan3A_25 = %scan3A_18 to %scan3A_20 step %scan3A_21  : i32 {
        %mul3A_26 = arith.constant 16 : i32
        %mul3A_27 = arith.muli %scan3A_25, %mul3A_26 : i32
        %get3A = arith.constant 0 : i32
        %get3A_28 = arith.index_cast %get3A : i32 to index
        %get3A_29 = arith.index_cast %mul3A_27 : i32 to index
        %get3A_30 = tpu.vector_load %arg6[%get3A_28, %get3A_29] {strides = array<i32>} : memref<16x640xf32, #tpu.memory_space<vmem>>, vector<16xf32>,
        %mul3A_31 = arith.constant 16 : i32
        %mul3A_32 = arith.muli %scan3A_25, %mul3A_31 : i32
        %get3A_33 = arith.constant 1 : i32
        %get3A_34 = arith.index_cast %get3A_33 : i32 to index
        %get3A_35 = arith.index_cast %mul3A_32 : i32 to index
        %get3A_36 = tpu.vector_load %arg6[%get3A_34, %get3A_35] {strides = array<i32>} : memref<16x640xf32, #tpu.memory_space<vmem>>, vector<16xf32>,
        %add3A = arith.addf %get3A_30, %get3A_36 : vector<16xf32>
        %mul3A_37 = arith.constant 16 : i32
        %mul3A_38 = arith.muli %scan3A_25, %mul3A_37 : i32
        %get3A_39 = arith.constant 2 : i32
        %get3A_40 = arith.index_cast %get3A_39 : i32 to index
        %get3A_41 = arith.index_cast %mul3A_38 : i32 to index
        %get3A_42 = tpu.vector_load %arg6[%get3A_40, %get3A_41] {strides = array<i32>} : memref<16x640xf32, #tpu.memory_space<vmem>>, vector<16xf32>,
        %add3A_43 = arith.addf %add3A, %get3A_42 : vector<16xf32>
        %mul3A_44 = arith.constant 16 : i32
        %mul3A_45 = arith.muli %scan3A_25, %mul3A_44 : i32
        %get3A_46 = arith.constant 3 : i32
        %get3A_47 = arith.index_cast %get3A_46 : i32 to index
        %get3A_48 = arith.index_cast %mul3A_45 : i32 to index
        %get3A_49 = tpu.vector_load %arg6[%get3A_47, %get3A_48] {strides = array<i32>} : memref<16x640xf32, #tpu.memory_space<vmem>>, vector<16xf32>,
        %add3A_50 = arith.addf %add3A_43, %get3A_49 : vector<16xf32>
        %mul3A_51 = arith.constant 16 : i32
        %mul3A_52 = arith.muli %scan3A_25, %mul3A_51 : i32
        %get3A_53 = arith.constant 4 : i32
        %get3A_54 = arith.index_cast %get3A_53 : i32 to index
        %get3A_55 = arith.index_cast %mul3A_52 : i32 to index
        %get3A_56 = tpu.vector_load %arg6[%get3A_54, %get3A_55] {strides = array<i32>} : memref<16x640xf32, #tpu.memory_space<vmem>>, vector<16xf32>,
        %add3A_57 = arith.addf %add3A_50, %get3A_56 : vector<16xf32>
        %mul3A_58 = arith.constant 16 : i32
        %mul3A_59 = arith.muli %scan3A_25, %mul3A_58 : i32
        %get3A_60 = arith.constant 5 : i32
        %get3A_61 = arith.index_cast %get3A_60 : i32 to index
        %get3A_62 = arith.index_cast %mul3A_59 : i32 to index
        %get3A_63 = tpu.vector_load %arg6[%get3A_61, %get3A_62] {strides = array<i32>} : memref<16x640xf32, #tpu.memory_space<vmem>>, vector<16xf32>,
        %add3A_64 = arith.addf %add3A_57, %get3A_63 : vector<16xf32>
        %mul3A_65 = arith.constant 16 : i32
        %mul3A_66 = arith.muli %scan3A_25, %mul3A_65 : i32
        %get3A_67 = arith.constant 6 : i32
        %get3A_68 = arith.index_cast %get3A_67 : i32 to index
        %get3A_69 = arith.index_cast %mul3A_66 : i32 to index
        %get3A_70 = tpu.vector_load %arg6[%get3A_68, %get3A_69] {strides = array<i32>} : memref<16x640xf32, #tpu.memory_space<vmem>>, vector<16xf32>,
        %add3A_71 = arith.addf %add3A_64, %get3A_70 : vector<16xf32>
        %mul3A_72 = arith.constant 16 : i32
        %mul3A_73 = arith.muli %scan3A_25, %mul3A_72 : i32
        %get3A_74 = arith.constant 7 : i32
        %get3A_75 = arith.index_cast %get3A_74 : i32 to index
        %get3A_76 = arith.index_cast %mul3A_73 : i32 to index
        %get3A_77 = tpu.vector_load %arg6[%get3A_75, %get3A_76] {strides = array<i32>} : memref<16x640xf32, #tpu.memory_space<vmem>>, vector<16xf32>,
        %add3A_78 = arith.addf %add3A_71, %get3A_77 : vector<16xf32>
        %mul3A_79 = arith.constant 16 : i32
        %mul3A_80 = arith.muli %scan3A_25, %mul3A_79 : i32
        %get3A_81 = arith.constant 8 : i32
        %get3A_82 = arith.index_cast %get3A_81 : i32 to index
        %get3A_83 = arith.index_cast %mul3A_80 : i32 to index
        %get3A_84 = tpu.vector_load %arg6[%get3A_82, %get3A_83] {strides = array<i32>} : memref<16x640xf32, #tpu.memory_space<vmem>>, vector<16xf32>,
        %add3A_85 = arith.addf %add3A_78, %get3A_84 : vector<16xf32>
        %mul3A_86 = arith.constant 16 : i32
        %mul3A_87 = arith.muli %scan3A_25, %mul3A_86 : i32
        %get3A_88 = arith.constant 9 : i32
        %get3A_89 = arith.index_cast %get3A_88 : i32 to index
        %get3A_90 = arith.index_cast %mul3A_87 : i32 to index
        %get3A_91 = tpu.vector_load %arg6[%get3A_89, %get3A_90] {strides = array<i32>} : memref<16x640xf32, #tpu.memory_space<vmem>>, vector<16xf32>,
        %add3A_92 = arith.addf %add3A_85, %get3A_91 : vector<16xf32>
        %mul3A_93 = arith.constant 16 : i32
        %mul3A_94 = arith.muli %scan3A_25, %mul3A_93 : i32
        %get3A_95 = arith.constant 10 : i32
        %get3A_96 = arith.index_cast %get3A_95 : i32 to index
        %get3A_97 = arith.index_cast %mul3A_94 : i32 to index
        %get3A_98 = tpu.vector_load %arg6[%get3A_96, %get3A_97] {strides = array<i32>} : memref<16x640xf32, #tpu.memory_space<vmem>>, vector<16xf32>,
        %add3A_99 = arith.addf %add3A_92, %get3A_98 : vector<16xf32>
        %mul3A_100 = arith.constant 16 : i32
        %mul3A_101 = arith.muli %scan3A_25, %mul3A_100 : i32
        %get3A_102 = arith.constant 11 : i32
        %get3A_103 = arith.index_cast %get3A_102 : i32 to index
        %get3A_104 = arith.index_cast %mul3A_101 : i32 to index
        %get3A_105 = tpu.vector_load %arg6[%get3A_103, %get3A_104] {strides = array<i32>} : memref<16x640xf32, #tpu.memory_space<vmem>>, vector<16xf32>,
        %add3A_106 = arith.addf %add3A_99, %get3A_105 : vector<16xf32>
        %mul3A_107 = arith.constant 16 : i32
        %mul3A_108 = arith.muli %scan3A_25, %mul3A_107 : i32
        %get3A_109 = arith.constant 12 : i32
        %get3A_110 = arith.index_cast %get3A_109 : i32 to index
        %get3A_111 = arith.index_cast %mul3A_108 : i32 to index
        %get3A_112 = tpu.vector_load %arg6[%get3A_110, %get3A_111] {strides = array<i32>} : memref<16x640xf32, #tpu.memory_space<vmem>>, vector<16xf32>,
        %add3A_113 = arith.addf %add3A_106, %get3A_112 : vector<16xf32>
        %mul3A_114 = arith.constant 16 : i32
        %mul3A_115 = arith.muli %scan3A_25, %mul3A_114 : i32
        %get3A_116 = arith.constant 13 : i32
        %get3A_117 = arith.index_cast %get3A_116 : i32 to index
        %get3A_118 = arith.index_cast %mul3A_115 : i32 to index
        %get3A_119 = tpu.vector_load %arg6[%get3A_117, %get3A_118] {strides = array<i32>} : memref<16x640xf32, #tpu.memory_space<vmem>>, vector<16xf32>,
        %add3A_120 = arith.addf %add3A_113, %get3A_119 : vector<16xf32>
        %mul3A_121 = arith.constant 16 : i32
        %mul3A_122 = arith.muli %scan3A_25, %mul3A_121 : i32
        %get3A_123 = arith.constant 14 : i32
        %get3A_124 = arith.index_cast %get3A_123 : i32 to index
        %get3A_125 = arith.index_cast %mul3A_122 : i32 to index
        %get3A_126 = tpu.vector_load %arg6[%get3A_124, %get3A_125] {strides = array<i32>} : memref<16x640xf32, #tpu.memory_space<vmem>>, vector<16xf32>,
        %add3A_127 = arith.addf %add3A_120, %get3A_126 : vector<16xf32>
        %mul3A_128 = arith.constant 16 : i32
        %mul3A_129 = arith.muli %scan3A_25, %mul3A_128 : i32
        %get3A_130 = arith.constant 15 : i32
        %get3A_131 = arith.index_cast %get3A_130 : i32 to index
        %get3A_132 = arith.index_cast %mul3A_129 : i32 to index
        %get3A_133 = tpu.vector_load %arg6[%get3A_131, %get3A_132] {strides = array<i32>} : memref<16x640xf32, #tpu.memory_space<vmem>>, vector<16xf32>,
        %add3A_134 = arith.addf %add3A_127, %get3A_133 : vector<16xf32>
        %mul3A_135 = arith.constant 16 : i32
        %mul3A_136 = arith.muli %scan3A_25, %mul3A_135 : i32
        %swap3A = arith.index_cast %mul3A_136 : i32 to index
        %swap3A_137 = tpu.vector_load %arg7[%swap3A] {strides = array<i32>} : memref<640xf32, #tpu.memory_space<vmem>>, vector<16xf32>,
        tpu.vector_store %arg7[%swap3A], %add3A_134 {strides = array<i32>} : memref<640xf32, #tpu.memory_space<vmem>>, vector<16xf32>,
      }
      %scan3A_22 = arith.constant 40 : i32
      %mul3A_23 = arith.constant 640 : i32
      %mul3A_24 = arith.muli %arg1, %mul3A_23 : i32
      "tpu.region"() ({
        %run_scoped3A = tpu.sem_alloc : memref<!tpu.dma_semaphore, #tpu.memory_space<semaphore_mem>>
        %dma_start3A = tpu.memref_slice %arg3[%mul3A_24] : memref<10240xf32, #tpu.memory_space<hbm>> -> memref<640xf32, #tpu.memory_space<hbm>>
        %dma_start3A_25 = tpu.memref_slice %arg3[%mul3A_24] : memref<10240xf32, #tpu.memory_space<hbm>> -> memref<640xf32, #tpu.memory_space<hbm>>
        tpu.enqueue_dma source(%arg7 : memref<640xf32, #tpu.memory_space<vmem>>) target(%dma_start3A_25 : memref<640xf32, #tpu.memory_space<hbm>>) target_semaphore(%run_scoped3A : memref<!tpu.dma_semaphore, #tpu.memory_space<semaphore_mem>>)
        %dma_wait3A = tpu.memref_slice %arg3[%mul3A_24] : memref<10240xf32, #tpu.memory_space<hbm>> -> memref<640xf32, #tpu.memory_space<hbm>>
        %dma_wait3A_26 = tpu.memref_slice %arg3[%mul3A_24] : memref<10240xf32, #tpu.memory_space<hbm>> -> memref<640xf32, #tpu.memory_space<hbm>>
        tpu.wait_dma2 semaphore(%run_scoped3A : memref<!tpu.dma_semaphore, #tpu.memory_space<semaphore_mem>>) src(%arg7 : memref<640xf32, #tpu.memory_space<vmem>>) dst(%dma_wait3A_26 : memref<640xf32, #tpu.memory_space<hbm>>)
        tpu.yield
      }) : () -> ()
    } else {
    }
    return
  }
}

#map = affine_map<(d0, d1) -> (0, 0)>
#map1 = affine_map<(d0, d1) -> (0, 0, 0)>
module attributes {stable_mosaic.version = 14 : i64} {
  func.func @body(%arg0: i32, %arg1: i32, %arg2: memref<10000x128xbf16, #tpu.memory_space<hbm>>, %arg3: memref<32x125x80xi32, #tpu.memory_space<hbm>>, %arg4: memref<32x125x80xi32, #tpu.memory_space<hbm>>, %arg5: memref<10000x128xbf16, #tpu.memory_space<hbm>>, %arg6: memref<10000x128xbf16, #tpu.memory_space<hbm>>, %arg7: memref<128x80xi32, #tpu.memory_space<vmem>>, %arg8: memref<125x80xi32, #tpu.memory_space<vmem>>, %arg9: memref<80x128xbf16, #tpu.memory_space<vmem>>, %arg10: memref<80x128xbf16, #tpu.memory_space<vmem>>, %arg11: memref<80x128xbf16, #tpu.memory_space<vmem>>, %arg12: memref<80x128xbf16, #tpu.memory_space<vmem>>, %arg13: memref<80x128xbf16, #tpu.memory_space<vmem>>, %arg14: memref<80x128xbf16, #tpu.memory_space<vmem>>, %arg15: memref<80x128xbf16, #tpu.memory_space<vmem>>, %arg16: memref<80x128xbf16, #tpu.memory_space<vmem>>, %arg17: memref<50x128xbf16, #tpu.memory_space<vmem>>, %arg18: memref<10000x128xbf16, #tpu.memory_space<vmem_shared>>, %arg19: memref<!tpu.dma_semaphore, #tpu.memory_space<semaphore_mem>>, %arg20: memref<!tpu.dma_semaphore, #tpu.memory_space<semaphore_mem>>, %arg21: memref<!tpu.dma_semaphore, #tpu.memory_space<semaphore_mem>>, %arg22: memref<!tpu.dma_semaphore, #tpu.memory_space<semaphore_mem>>, %arg23: memref<!tpu.dma_semaphore, #tpu.memory_space<semaphore_mem>>, %arg24: memref<!tpu.dma_semaphore, #tpu.memory_space<semaphore_mem>>, %arg25: memref<!tpu.dma_semaphore, #tpu.memory_space<semaphore_mem>>, %arg26: memref<!tpu.dma_semaphore, #tpu.memory_space<semaphore_mem>>, %arg27: memref<!tpu.dma_semaphore, #tpu.memory_space<semaphore_mem>>, %arg28: memref<!tpu.dma_semaphore, #tpu.memory_space<semaphore_mem>>, %arg29: memref<!tpu.dma_semaphore, #tpu.memory_space<semaphore_mem>>, %arg30: memref<!tpu.dma_semaphore, #tpu.memory_space<semaphore_mem>>, %arg31: memref<!tpu.dma_semaphore, #tpu.memory_space<semaphore_mem>>, %arg32: memref<!tpu.dma_semaphore, #tpu.memory_space<semaphore_mem>>, %arg33: memref<!tpu.dma_semaphore, #tpu.memory_space<semaphore_mem>>, %arg34: memref<!tpu.dma_semaphore, #tpu.memory_space<semaphore_mem>>) attributes {dimension_semantics = [#tpu.dimension_semantics<core_parallel>, #tpu.dimension_semantics<subcore_parallel>], iteration_bounds = array<i64: 2, 16>, scalar_prefetch = 0 : i64, scratch_operands = 28 : i64, tpu.core_type = #tpu.core_type<sc_vector_subcore>, window_params = [{transform_indices = #map}, {transform_indices = #map1}, {transform_indices = #map1}, {transform_indices = #map}, {transform_indices = #map}]} {
    %mul3A = arith.constant 2 : i32
    %mul3A_0 = arith.muli %arg1, %mul3A : i32
    %add3A = arith.addi %mul3A_0, %arg0 : i32
    "tpu.region"() ({
      %run_scoped3A = tpu.sem_alloc : memref<!tpu.dma_semaphore, #tpu.memory_space<semaphore_mem>>
      %dma_start3A_419 = arith.constant 0 : i32
      %dma_start3A_420 = arith.constant 0 : i32
      %dma_start3A_421 = tpu.memref_slice %arg7[%dma_start3A_419, %dma_start3A_420] : memref<128x80xi32, #tpu.memory_space<vmem>> -> memref<125x80xi32, #tpu.memory_space<vmem>>
      %dma_start3A_422 = arith.constant 0 : i32
      %dma_start3A_423 = arith.constant 0 : i32
      %dma_start3A_424 = tpu.memref_slice %arg3[%add3A, %dma_start3A_422, %dma_start3A_423] : memref<32x125x80xi32, #tpu.memory_space<hbm>> -> memref<1x125x80xi32, #tpu.memory_space<hbm>>
      %dma_start3A_425 = tpu.memref_squeeze %dma_start3A_424 : memref<1x125x80xi32, #tpu.memory_space<hbm>> -> memref<125x80xi32, #tpu.memory_space<hbm>>
      %dma_start3A_426 = arith.constant 0 : i32
      %dma_start3A_427 = arith.constant 0 : i32
      %dma_start3A_428 = tpu.memref_slice %arg7[%dma_start3A_426, %dma_start3A_427] : memref<128x80xi32, #tpu.memory_space<vmem>> -> memref<125x80xi32, #tpu.memory_space<vmem>>
      %dma_start3A_429 = arith.constant 0 : i32
      %dma_start3A_430 = arith.constant 0 : i32
      %dma_start3A_431 = tpu.memref_slice %arg3[%add3A, %dma_start3A_429, %dma_start3A_430] : memref<32x125x80xi32, #tpu.memory_space<hbm>> -> memref<1x125x80xi32, #tpu.memory_space<hbm>>
      %dma_start3A_432 = tpu.memref_squeeze %dma_start3A_431 : memref<1x125x80xi32, #tpu.memory_space<hbm>> -> memref<125x80xi32, #tpu.memory_space<hbm>>
      tpu.enqueue_dma source(%dma_start3A_432 : memref<125x80xi32, #tpu.memory_space<hbm>>) target(%dma_start3A_428 : memref<125x80xi32, #tpu.memory_space<vmem>>) target_semaphore(%run_scoped3A : memref<!tpu.dma_semaphore, #tpu.memory_space<semaphore_mem>>)
      %dma_wait3A_433 = arith.constant 0 : i32
      %dma_wait3A_434 = arith.constant 0 : i32
      %dma_wait3A_435 = tpu.memref_slice %arg7[%dma_wait3A_433, %dma_wait3A_434] : memref<128x80xi32, #tpu.memory_space<vmem>> -> memref<125x80xi32, #tpu.memory_space<vmem>>
      %dma_wait3A_436 = arith.constant 0 : i32
      %dma_wait3A_437 = arith.constant 0 : i32
      %dma_wait3A_438 = tpu.memref_slice %arg3[%add3A, %dma_wait3A_436, %dma_wait3A_437] : memref<32x125x80xi32, #tpu.memory_space<hbm>> -> memref<1x125x80xi32, #tpu.memory_space<hbm>>
      %dma_wait3A_439 = tpu.memref_squeeze %dma_wait3A_438 : memref<1x125x80xi32, #tpu.memory_space<hbm>> -> memref<125x80xi32, #tpu.memory_space<hbm>>
      %dma_wait3A_440 = arith.constant 0 : i32
      %dma_wait3A_441 = arith.constant 0 : i32
      %dma_wait3A_442 = tpu.memref_slice %arg7[%dma_wait3A_440, %dma_wait3A_441] : memref<128x80xi32, #tpu.memory_space<vmem>> -> memref<125x80xi32, #tpu.memory_space<vmem>>
      %dma_wait3A_443 = arith.constant 0 : i32
      %dma_wait3A_444 = arith.constant 0 : i32
      %dma_wait3A_445 = tpu.memref_slice %arg3[%add3A, %dma_wait3A_443, %dma_wait3A_444] : memref<32x125x80xi32, #tpu.memory_space<hbm>> -> memref<1x125x80xi32, #tpu.memory_space<hbm>>
      %dma_wait3A_446 = tpu.memref_squeeze %dma_wait3A_445 : memref<1x125x80xi32, #tpu.memory_space<hbm>> -> memref<125x80xi32, #tpu.memory_space<hbm>>
      tpu.wait_dma2 semaphore(%run_scoped3A : memref<!tpu.dma_semaphore, #tpu.memory_space<semaphore_mem>>) src(%dma_wait3A_446 : memref<125x80xi32, #tpu.memory_space<hbm>>) dst(%dma_wait3A_442 : memref<125x80xi32, #tpu.memory_space<vmem>>)
      tpu.yield
    }) : () -> ()
    "tpu.region"() ({
      %run_scoped3A = tpu.sem_alloc : memref<!tpu.dma_semaphore, #tpu.memory_space<semaphore_mem>>
      %dma_start3A_419 = arith.constant 0 : i32
      %dma_start3A_420 = arith.constant 0 : i32
      %dma_start3A_421 = tpu.memref_slice %arg8[%dma_start3A_419, %dma_start3A_420] : memref<125x80xi32, #tpu.memory_space<vmem>> -> memref<125x80xi32, #tpu.memory_space<vmem>>
      %dma_start3A_422 = arith.constant 0 : i32
      %dma_start3A_423 = arith.constant 0 : i32
      %dma_start3A_424 = tpu.memref_slice %arg4[%add3A, %dma_start3A_422, %dma_start3A_423] : memref<32x125x80xi32, #tpu.memory_space<hbm>> -> memref<1x125x80xi32, #tpu.memory_space<hbm>>
      %dma_start3A_425 = tpu.memref_squeeze %dma_start3A_424 : memref<1x125x80xi32, #tpu.memory_space<hbm>> -> memref<125x80xi32, #tpu.memory_space<hbm>>
      %dma_start3A_426 = arith.constant 0 : i32
      %dma_start3A_427 = arith.constant 0 : i32
      %dma_start3A_428 = tpu.memref_slice %arg8[%dma_start3A_426, %dma_start3A_427] : memref<125x80xi32, #tpu.memory_space<vmem>> -> memref<125x80xi32, #tpu.memory_space<vmem>>
      %dma_start3A_429 = arith.constant 0 : i32
      %dma_start3A_430 = arith.constant 0 : i32
      %dma_start3A_431 = tpu.memref_slice %arg4[%add3A, %dma_start3A_429, %dma_start3A_430] : memref<32x125x80xi32, #tpu.memory_space<hbm>> -> memref<1x125x80xi32, #tpu.memory_space<hbm>>
      %dma_start3A_432 = tpu.memref_squeeze %dma_start3A_431 : memref<1x125x80xi32, #tpu.memory_space<hbm>> -> memref<125x80xi32, #tpu.memory_space<hbm>>
      tpu.enqueue_dma source(%dma_start3A_432 : memref<125x80xi32, #tpu.memory_space<hbm>>) target(%dma_start3A_428 : memref<125x80xi32, #tpu.memory_space<vmem>>) target_semaphore(%run_scoped3A : memref<!tpu.dma_semaphore, #tpu.memory_space<semaphore_mem>>)
      %dma_wait3A_433 = arith.constant 0 : i32
      %dma_wait3A_434 = arith.constant 0 : i32
      %dma_wait3A_435 = tpu.memref_slice %arg8[%dma_wait3A_433, %dma_wait3A_434] : memref<125x80xi32, #tpu.memory_space<vmem>> -> memref<125x80xi32, #tpu.memory_space<vmem>>
      %dma_wait3A_436 = arith.constant 0 : i32
      %dma_wait3A_437 = arith.constant 0 : i32
      %dma_wait3A_438 = tpu.memref_slice %arg4[%add3A, %dma_wait3A_436, %dma_wait3A_437] : memref<32x125x80xi32, #tpu.memory_space<hbm>> -> memref<1x125x80xi32, #tpu.memory_space<hbm>>
      %dma_wait3A_439 = tpu.memref_squeeze %dma_wait3A_438 : memref<1x125x80xi32, #tpu.memory_space<hbm>> -> memref<125x80xi32, #tpu.memory_space<hbm>>
      %dma_wait3A_440 = arith.constant 0 : i32
      %dma_wait3A_441 = arith.constant 0 : i32
      %dma_wait3A_442 = tpu.memref_slice %arg8[%dma_wait3A_440, %dma_wait3A_441] : memref<125x80xi32, #tpu.memory_space<vmem>> -> memref<125x80xi32, #tpu.memory_space<vmem>>
      %dma_wait3A_443 = arith.constant 0 : i32
      %dma_wait3A_444 = arith.constant 0 : i32
      %dma_wait3A_445 = tpu.memref_slice %arg4[%add3A, %dma_wait3A_443, %dma_wait3A_444] : memref<32x125x80xi32, #tpu.memory_space<hbm>> -> memref<1x125x80xi32, #tpu.memory_space<hbm>>
      %dma_wait3A_446 = tpu.memref_squeeze %dma_wait3A_445 : memref<1x125x80xi32, #tpu.memory_space<hbm>> -> memref<125x80xi32, #tpu.memory_space<hbm>>
      tpu.wait_dma2 semaphore(%run_scoped3A : memref<!tpu.dma_semaphore, #tpu.memory_space<semaphore_mem>>) src(%dma_wait3A_446 : memref<125x80xi32, #tpu.memory_space<hbm>>) dst(%dma_wait3A_442 : memref<125x80xi32, #tpu.memory_space<vmem>>)
      tpu.yield
    }) : () -> ()
    %broadcast_in_dim3A = arith.constant 0 : i32
    %broadcast_in_dim3A_1 = vector.broadcast %broadcast_in_dim3A : i32 to vector<16xi32>
    %swap3A = arith.constant 125 : i32
    %swap3A_2 = arith.index_cast %swap3A : i32 to index
    %swap3A_3 = arith.constant 0 : index
    %swap3A_4 = tpu.vector_load %arg7[%swap3A_2, %swap3A_3] {strides = array<i32>} : memref<128x80xi32, #tpu.memory_space<vmem>>, vector<16xi32>,
    tpu.vector_store %arg7[%swap3A_2, %swap3A_3], %broadcast_in_dim3A_1 {strides = array<i32>} : memref<128x80xi32, #tpu.memory_space<vmem>>, vector<16xi32>,
    %broadcast_in_dim3A_5 = arith.constant 0 : i32
    %broadcast_in_dim3A_6 = vector.broadcast %broadcast_in_dim3A_5 : i32 to vector<16xi32>
    %swap3A_7 = arith.constant 125 : i32
    %swap3A_8 = arith.index_cast %swap3A_7 : i32 to index
    %swap3A_9 = arith.constant 16 : index
    %swap3A_10 = tpu.vector_load %arg7[%swap3A_8, %swap3A_9] {strides = array<i32>} : memref<128x80xi32, #tpu.memory_space<vmem>>, vector<16xi32>,
    tpu.vector_store %arg7[%swap3A_8, %swap3A_9], %broadcast_in_dim3A_6 {strides = array<i32>} : memref<128x80xi32, #tpu.memory_space<vmem>>, vector<16xi32>,
    %broadcast_in_dim3A_11 = arith.constant 0 : i32
    %broadcast_in_dim3A_12 = vector.broadcast %broadcast_in_dim3A_11 : i32 to vector<16xi32>
    %swap3A_13 = arith.constant 125 : i32
    %swap3A_14 = arith.index_cast %swap3A_13 : i32 to index
    %swap3A_15 = arith.constant 32 : index
    %swap3A_16 = tpu.vector_load %arg7[%swap3A_14, %swap3A_15] {strides = array<i32>} : memref<128x80xi32, #tpu.memory_space<vmem>>, vector<16xi32>,
    tpu.vector_store %arg7[%swap3A_14, %swap3A_15], %broadcast_in_dim3A_12 {strides = array<i32>} : memref<128x80xi32, #tpu.memory_space<vmem>>, vector<16xi32>,
    %broadcast_in_dim3A_17 = arith.constant 0 : i32
    %broadcast_in_dim3A_18 = vector.broadcast %broadcast_in_dim3A_17 : i32 to vector<16xi32>
    %swap3A_19 = arith.constant 125 : i32
    %swap3A_20 = arith.index_cast %swap3A_19 : i32 to index
    %swap3A_21 = arith.constant 48 : index
    %swap3A_22 = tpu.vector_load %arg7[%swap3A_20, %swap3A_21] {strides = array<i32>} : memref<128x80xi32, #tpu.memory_space<vmem>>, vector<16xi32>,
    tpu.vector_store %arg7[%swap3A_20, %swap3A_21], %broadcast_in_dim3A_18 {strides = array<i32>} : memref<128x80xi32, #tpu.memory_space<vmem>>, vector<16xi32>,
    %broadcast_in_dim3A_23 = arith.constant 0 : i32
    %broadcast_in_dim3A_24 = vector.broadcast %broadcast_in_dim3A_23 : i32 to vector<16xi32>
    %swap3A_25 = arith.constant 125 : i32
    %swap3A_26 = arith.index_cast %swap3A_25 : i32 to index
    %swap3A_27 = arith.constant 64 : index
    %swap3A_28 = tpu.vector_load %arg7[%swap3A_26, %swap3A_27] {strides = array<i32>} : memref<128x80xi32, #tpu.memory_space<vmem>>, vector<16xi32>,
    tpu.vector_store %arg7[%swap3A_26, %swap3A_27], %broadcast_in_dim3A_24 {strides = array<i32>} : memref<128x80xi32, #tpu.memory_space<vmem>>, vector<16xi32>,
    %scan3A = arith.constant 0 : i32
    %scan3A_29 = arith.constant 0 : i32
    %scan3A_30 = arith.constant 200 : i32
    %scan3A_31 = arith.addi %scan3A_29, %scan3A_30 : i32
    %scan3A_32 = arith.constant 1 : i32
    scf.for %scan3A_419 = %scan3A_29 to %scan3A_31 step %scan3A_32  : i32 {
      %broadcast_in_dim3A_420 = arith.constant 0.000000e+00 : bf16
      %broadcast_in_dim3A_421 = vector.broadcast %broadcast_in_dim3A_420 : bf16 to vector<32xbf16>
      %div3A = arith.constant 4 : i32
      %div3A_422 = arith.divsi %scan3A_419, %div3A : i32
      %rem3A = arith.constant 4 : i32
      %rem3A_423 = arith.remsi %scan3A_419, %rem3A : i32
      %mul3A_424 = arith.constant 32 : i32
      %mul3A_425 = arith.muli %rem3A_423, %mul3A_424 : i32
      %swap3A_426 = arith.index_cast %div3A_422 : i32 to index
      %swap3A_427 = arith.index_cast %mul3A_425 : i32 to index
      %swap3A_428 = tpu.vector_load %arg17[%swap3A_426, %swap3A_427] {strides = array<i32>} : memref<50x128xbf16, #tpu.memory_space<vmem>>, vector<32xbf16>,
      tpu.vector_store %arg17[%swap3A_426, %swap3A_427], %broadcast_in_dim3A_421 {strides = array<i32>} : memref<50x128xbf16, #tpu.memory_space<vmem>>, vector<32xbf16>,
    }
    %scan3A_33 = arith.constant 200 : i32
    %lt3A = arith.constant 10 : i32
    %lt3A_34 = arith.cmpi slt, %arg1, %lt3A : i32
    %convert_element_type3A = arith.extui %lt3A_34 : i1 to i32
    %cond3A = arith.constant 0 : i32
    %cond3A_35 = arith.cmpi ne, %convert_element_type3A, %cond3A : i32
    scf.if %cond3A_35 {
      %mul3A_419 = arith.constant 1000 : i32
      %mul3A_420 = arith.muli %arg1, %mul3A_419 : i32
      %add3A_421 = arith.constant 0 : i32
      %add3A_422 = arith.addi %mul3A_420, %add3A_421 : i32
      "tpu.region"() ({
        %run_scoped3A = tpu.sem_alloc : memref<!tpu.dma_semaphore, #tpu.memory_space<semaphore_mem>>
        %dma_start3A_499 = arith.constant 0 : i32
        %dma_start3A_500 = tpu.memref_slice %arg18[%add3A_422, %dma_start3A_499] : memref<10000x128xbf16, #tpu.memory_space<vmem_shared>> -> memref<50x128xbf16, #tpu.memory_space<vmem_shared>>
        %dma_start3A_501 = arith.constant 0 : i32
        %dma_start3A_502 = tpu.memref_slice %arg18[%add3A_422, %dma_start3A_501] : memref<10000x128xbf16, #tpu.memory_space<vmem_shared>> -> memref<50x128xbf16, #tpu.memory_space<vmem_shared>>
        tpu.enqueue_dma source(%arg17 : memref<50x128xbf16, #tpu.memory_space<vmem>>) target(%dma_start3A_502 : memref<50x128xbf16, #tpu.memory_space<vmem_shared>>) target_semaphore(%run_scoped3A : memref<!tpu.dma_semaphore, #tpu.memory_space<semaphore_mem>>)
        %dma_wait3A_503 = arith.constant 0 : i32
        %dma_wait3A_504 = tpu.memref_slice %arg18[%add3A_422, %dma_wait3A_503] : memref<10000x128xbf16, #tpu.memory_space<vmem_shared>> -> memref<50x128xbf16, #tpu.memory_space<vmem_shared>>
        %dma_wait3A_505 = arith.constant 0 : i32
        %dma_wait3A_506 = tpu.memref_slice %arg18[%add3A_422, %dma_wait3A_505] : memref<10000x128xbf16, #tpu.memory_space<vmem_shared>> -> memref<50x128xbf16, #tpu.memory_space<vmem_shared>>
        tpu.wait_dma2 semaphore(%run_scoped3A : memref<!tpu.dma_semaphore, #tpu.memory_space<semaphore_mem>>) src(%arg17 : memref<50x128xbf16, #tpu.memory_space<vmem>>) dst(%dma_wait3A_506 : memref<50x128xbf16, #tpu.memory_space<vmem_shared>>)
        tpu.yield
      }) : () -> ()
      %mul3A_423 = arith.constant 1000 : i32
      %mul3A_424 = arith.muli %arg1, %mul3A_423 : i32
      %add3A_425 = arith.constant 50 : i32
      %add3A_426 = arith.addi %mul3A_424, %add3A_425 : i32
      "tpu.region"() ({
        %run_scoped3A = tpu.sem_alloc : memref<!tpu.dma_semaphore, #tpu.memory_space<semaphore_mem>>
        %dma_start3A_499 = arith.constant 0 : i32
        %dma_start3A_500 = tpu.memref_slice %arg18[%add3A_426, %dma_start3A_499] : memref<10000x128xbf16, #tpu.memory_space<vmem_shared>> -> memref<50x128xbf16, #tpu.memory_space<vmem_shared>>
        %dma_start3A_501 = arith.constant 0 : i32
        %dma_start3A_502 = tpu.memref_slice %arg18[%add3A_426, %dma_start3A_501] : memref<10000x128xbf16, #tpu.memory_space<vmem_shared>> -> memref<50x128xbf16, #tpu.memory_space<vmem_shared>>
        tpu.enqueue_dma source(%arg17 : memref<50x128xbf16, #tpu.memory_space<vmem>>) target(%dma_start3A_502 : memref<50x128xbf16, #tpu.memory_space<vmem_shared>>) target_semaphore(%run_scoped3A : memref<!tpu.dma_semaphore, #tpu.memory_space<semaphore_mem>>)
        %dma_wait3A_503 = arith.constant 0 : i32
        %dma_wait3A_504 = tpu.memref_slice %arg18[%add3A_426, %dma_wait3A_503] : memref<10000x128xbf16, #tpu.memory_space<vmem_shared>> -> memref<50x128xbf16, #tpu.memory_space<vmem_shared>>
        %dma_wait3A_505 = arith.constant 0 : i32
        %dma_wait3A_506 = tpu.memref_slice %arg18[%add3A_426, %dma_wait3A_505] : memref<10000x128xbf16, #tpu.memory_space<vmem_shared>> -> memref<50x128xbf16, #tpu.memory_space<vmem_shared>>
        tpu.wait_dma2 semaphore(%run_scoped3A : memref<!tpu.dma_semaphore, #tpu.memory_space<semaphore_mem>>) src(%arg17 : memref<50x128xbf16, #tpu.memory_space<vmem>>) dst(%dma_wait3A_506 : memref<50x128xbf16, #tpu.memory_space<vmem_shared>>)
        tpu.yield
      }) : () -> ()
      %mul3A_427 = arith.constant 1000 : i32
      %mul3A_428 = arith.muli %arg1, %mul3A_427 : i32
      %add3A_429 = arith.constant 100 : i32
      %add3A_430 = arith.addi %mul3A_428, %add3A_429 : i32
      "tpu.region"() ({
        %run_scoped3A = tpu.sem_alloc : memref<!tpu.dma_semaphore, #tpu.memory_space<semaphore_mem>>
        %dma_start3A_499 = arith.constant 0 : i32
        %dma_start3A_500 = tpu.memref_slice %arg18[%add3A_430, %dma_start3A_499] : memref<10000x128xbf16, #tpu.memory_space<vmem_shared>> -> memref<50x128xbf16, #tpu.memory_space<vmem_shared>>
        %dma_start3A_501 = arith.constant 0 : i32
        %dma_start3A_502 = tpu.memref_slice %arg18[%add3A_430, %dma_start3A_501] : memref<10000x128xbf16, #tpu.memory_space<vmem_shared>> -> memref<50x128xbf16, #tpu.memory_space<vmem_shared>>
        tpu.enqueue_dma source(%arg17 : memref<50x128xbf16, #tpu.memory_space<vmem>>) target(%dma_start3A_502 : memref<50x128xbf16, #tpu.memory_space<vmem_shared>>) target_semaphore(%run_scoped3A : memref<!tpu.dma_semaphore, #tpu.memory_space<semaphore_mem>>)
        %dma_wait3A_503 = arith.constant 0 : i32
        %dma_wait3A_504 = tpu.memref_slice %arg18[%add3A_430, %dma_wait3A_503] : memref<10000x128xbf16, #tpu.memory_space<vmem_shared>> -> memref<50x128xbf16, #tpu.memory_space<vmem_shared>>
        %dma_wait3A_505 = arith.constant 0 : i32
        %dma_wait3A_506 = tpu.memref_slice %arg18[%add3A_430, %dma_wait3A_505] : memref<10000x128xbf16, #tpu.memory_space<vmem_shared>> -> memref<50x128xbf16, #tpu.memory_space<vmem_shared>>
        tpu.wait_dma2 semaphore(%run_scoped3A : memref<!tpu.dma_semaphore, #tpu.memory_space<semaphore_mem>>) src(%arg17 : memref<50x128xbf16, #tpu.memory_space<vmem>>) dst(%dma_wait3A_506 : memref<50x128xbf16, #tpu.memory_space<vmem_shared>>)
        tpu.yield
      }) : () -> ()
      %mul3A_431 = arith.constant 1000 : i32
      %mul3A_432 = arith.muli %arg1, %mul3A_431 : i32
      %add3A_433 = arith.constant 150 : i32
      %add3A_434 = arith.addi %mul3A_432, %add3A_433 : i32
      "tpu.region"() ({
        %run_scoped3A = tpu.sem_alloc : memref<!tpu.dma_semaphore, #tpu.memory_space<semaphore_mem>>
        %dma_start3A_499 = arith.constant 0 : i32
        %dma_start3A_500 = tpu.memref_slice %arg18[%add3A_434, %dma_start3A_499] : memref<10000x128xbf16, #tpu.memory_space<vmem_shared>> -> memref<50x128xbf16, #tpu.memory_space<vmem_shared>>
        %dma_start3A_501 = arith.constant 0 : i32
        %dma_start3A_502 = tpu.memref_slice %arg18[%add3A_434, %dma_start3A_501] : memref<10000x128xbf16, #tpu.memory_space<vmem_shared>> -> memref<50x128xbf16, #tpu.memory_space<vmem_shared>>
        tpu.enqueue_dma source(%arg17 : memref<50x128xbf16, #tpu.memory_space<vmem>>) target(%dma_start3A_502 : memref<50x128xbf16, #tpu.memory_space<vmem_shared>>) target_semaphore(%run_scoped3A : memref<!tpu.dma_semaphore, #tpu.memory_space<semaphore_mem>>)
        %dma_wait3A_503 = arith.constant 0 : i32
        %dma_wait3A_504 = tpu.memref_slice %arg18[%add3A_434, %dma_wait3A_503] : memref<10000x128xbf16, #tpu.memory_space<vmem_shared>> -> memref<50x128xbf16, #tpu.memory_space<vmem_shared>>
        %dma_wait3A_505 = arith.constant 0 : i32
        %dma_wait3A_506 = tpu.memref_slice %arg18[%add3A_434, %dma_wait3A_505] : memref<10000x128xbf16, #tpu.memory_space<vmem_shared>> -> memref<50x128xbf16, #tpu.memory_space<vmem_shared>>
        tpu.wait_dma2 semaphore(%run_scoped3A : memref<!tpu.dma_semaphore, #tpu.memory_space<semaphore_mem>>) src(%arg17 : memref<50x128xbf16, #tpu.memory_space<vmem>>) dst(%dma_wait3A_506 : memref<50x128xbf16, #tpu.memory_space<vmem_shared>>)
        tpu.yield
      }) : () -> ()
      %mul3A_435 = arith.constant 1000 : i32
      %mul3A_436 = arith.muli %arg1, %mul3A_435 : i32
      %add3A_437 = arith.constant 200 : i32
      %add3A_438 = arith.addi %mul3A_436, %add3A_437 : i32
      "tpu.region"() ({
        %run_scoped3A = tpu.sem_alloc : memref<!tpu.dma_semaphore, #tpu.memory_space<semaphore_mem>>
        %dma_start3A_499 = arith.constant 0 : i32
        %dma_start3A_500 = tpu.memref_slice %arg18[%add3A_438, %dma_start3A_499] : memref<10000x128xbf16, #tpu.memory_space<vmem_shared>> -> memref<50x128xbf16, #tpu.memory_space<vmem_shared>>
        %dma_start3A_501 = arith.constant 0 : i32
        %dma_start3A_502 = tpu.memref_slice %arg18[%add3A_438, %dma_start3A_501] : memref<10000x128xbf16, #tpu.memory_space<vmem_shared>> -> memref<50x128xbf16, #tpu.memory_space<vmem_shared>>
        tpu.enqueue_dma source(%arg17 : memref<50x128xbf16, #tpu.memory_space<vmem>>) target(%dma_start3A_502 : memref<50x128xbf16, #tpu.memory_space<vmem_shared>>) target_semaphore(%run_scoped3A : memref<!tpu.dma_semaphore, #tpu.memory_space<semaphore_mem>>)
        %dma_wait3A_503 = arith.constant 0 : i32
        %dma_wait3A_504 = tpu.memref_slice %arg18[%add3A_438, %dma_wait3A_503] : memref<10000x128xbf16, #tpu.memory_space<vmem_shared>> -> memref<50x128xbf16, #tpu.memory_space<vmem_shared>>
        %dma_wait3A_505 = arith.constant 0 : i32
        %dma_wait3A_506 = tpu.memref_slice %arg18[%add3A_438, %dma_wait3A_505] : memref<10000x128xbf16, #tpu.memory_space<vmem_shared>> -> memref<50x128xbf16, #tpu.memory_space<vmem_shared>>
        tpu.wait_dma2 semaphore(%run_scoped3A : memref<!tpu.dma_semaphore, #tpu.memory_space<semaphore_mem>>) src(%arg17 : memref<50x128xbf16, #tpu.memory_space<vmem>>) dst(%dma_wait3A_506 : memref<50x128xbf16, #tpu.memory_space<vmem_shared>>)
        tpu.yield
      }) : () -> ()
      %mul3A_439 = arith.constant 1000 : i32
      %mul3A_440 = arith.muli %arg1, %mul3A_439 : i32
      %add3A_441 = arith.constant 250 : i32
      %add3A_442 = arith.addi %mul3A_440, %add3A_441 : i32
      "tpu.region"() ({
        %run_scoped3A = tpu.sem_alloc : memref<!tpu.dma_semaphore, #tpu.memory_space<semaphore_mem>>
        %dma_start3A_499 = arith.constant 0 : i32
        %dma_start3A_500 = tpu.memref_slice %arg18[%add3A_442, %dma_start3A_499] : memref<10000x128xbf16, #tpu.memory_space<vmem_shared>> -> memref<50x128xbf16, #tpu.memory_space<vmem_shared>>
        %dma_start3A_501 = arith.constant 0 : i32
        %dma_start3A_502 = tpu.memref_slice %arg18[%add3A_442, %dma_start3A_501] : memref<10000x128xbf16, #tpu.memory_space<vmem_shared>> -> memref<50x128xbf16, #tpu.memory_space<vmem_shared>>
        tpu.enqueue_dma source(%arg17 : memref<50x128xbf16, #tpu.memory_space<vmem>>) target(%dma_start3A_502 : memref<50x128xbf16, #tpu.memory_space<vmem_shared>>) target_semaphore(%run_scoped3A : memref<!tpu.dma_semaphore, #tpu.memory_space<semaphore_mem>>)
        %dma_wait3A_503 = arith.constant 0 : i32
        %dma_wait3A_504 = tpu.memref_slice %arg18[%add3A_442, %dma_wait3A_503] : memref<10000x128xbf16, #tpu.memory_space<vmem_shared>> -> memref<50x128xbf16, #tpu.memory_space<vmem_shared>>
        %dma_wait3A_505 = arith.constant 0 : i32
        %dma_wait3A_506 = tpu.memref_slice %arg18[%add3A_442, %dma_wait3A_505] : memref<10000x128xbf16, #tpu.memory_space<vmem_shared>> -> memref<50x128xbf16, #tpu.memory_space<vmem_shared>>
        tpu.wait_dma2 semaphore(%run_scoped3A : memref<!tpu.dma_semaphore, #tpu.memory_space<semaphore_mem>>) src(%arg17 : memref<50x128xbf16, #tpu.memory_space<vmem>>) dst(%dma_wait3A_506 : memref<50x128xbf16, #tpu.memory_space<vmem_shared>>)
        tpu.yield
      }) : () -> ()
      %mul3A_443 = arith.constant 1000 : i32
      %mul3A_444 = arith.muli %arg1, %mul3A_443 : i32
      %add3A_445 = arith.constant 300 : i32
      %add3A_446 = arith.addi %mul3A_444, %add3A_445 : i32
      "tpu.region"() ({
        %run_scoped3A = tpu.sem_alloc : memref<!tpu.dma_semaphore, #tpu.memory_space<semaphore_mem>>
        %dma_start3A_499 = arith.constant 0 : i32
        %dma_start3A_500 = tpu.memref_slice %arg18[%add3A_446, %dma_start3A_499] : memref<10000x128xbf16, #tpu.memory_space<vmem_shared>> -> memref<50x128xbf16, #tpu.memory_space<vmem_shared>>
        %dma_start3A_501 = arith.constant 0 : i32
        %dma_start3A_502 = tpu.memref_slice %arg18[%add3A_446, %dma_start3A_501] : memref<10000x128xbf16, #tpu.memory_space<vmem_shared>> -> memref<50x128xbf16, #tpu.memory_space<vmem_shared>>
        tpu.enqueue_dma source(%arg17 : memref<50x128xbf16, #tpu.memory_space<vmem>>) target(%dma_start3A_502 : memref<50x128xbf16, #tpu.memory_space<vmem_shared>>) target_semaphore(%run_scoped3A : memref<!tpu.dma_semaphore, #tpu.memory_space<semaphore_mem>>)
        %dma_wait3A_503 = arith.constant 0 : i32
        %dma_wait3A_504 = tpu.memref_slice %arg18[%add3A_446, %dma_wait3A_503] : memref<10000x128xbf16, #tpu.memory_space<vmem_shared>> -> memref<50x128xbf16, #tpu.memory_space<vmem_shared>>
        %dma_wait3A_505 = arith.constant 0 : i32
        %dma_wait3A_506 = tpu.memref_slice %arg18[%add3A_446, %dma_wait3A_505] : memref<10000x128xbf16, #tpu.memory_space<vmem_shared>> -> memref<50x128xbf16, #tpu.memory_space<vmem_shared>>
        tpu.wait_dma2 semaphore(%run_scoped3A : memref<!tpu.dma_semaphore, #tpu.memory_space<semaphore_mem>>) src(%arg17 : memref<50x128xbf16, #tpu.memory_space<vmem>>) dst(%dma_wait3A_506 : memref<50x128xbf16, #tpu.memory_space<vmem_shared>>)
        tpu.yield
      }) : () -> ()
      %mul3A_447 = arith.constant 1000 : i32
      %mul3A_448 = arith.muli %arg1, %mul3A_447 : i32
      %add3A_449 = arith.constant 350 : i32
      %add3A_450 = arith.addi %mul3A_448, %add3A_449 : i32
      "tpu.region"() ({
        %run_scoped3A = tpu.sem_alloc : memref<!tpu.dma_semaphore, #tpu.memory_space<semaphore_mem>>
        %dma_start3A_499 = arith.constant 0 : i32
        %dma_start3A_500 = tpu.memref_slice %arg18[%add3A_450, %dma_start3A_499] : memref<10000x128xbf16, #tpu.memory_space<vmem_shared>> -> memref<50x128xbf16, #tpu.memory_space<vmem_shared>>
        %dma_start3A_501 = arith.constant 0 : i32
        %dma_start3A_502 = tpu.memref_slice %arg18[%add3A_450, %dma_start3A_501] : memref<10000x128xbf16, #tpu.memory_space<vmem_shared>> -> memref<50x128xbf16, #tpu.memory_space<vmem_shared>>
        tpu.enqueue_dma source(%arg17 : memref<50x128xbf16, #tpu.memory_space<vmem>>) target(%dma_start3A_502 : memref<50x128xbf16, #tpu.memory_space<vmem_shared>>) target_semaphore(%run_scoped3A : memref<!tpu.dma_semaphore, #tpu.memory_space<semaphore_mem>>)
        %dma_wait3A_503 = arith.constant 0 : i32
        %dma_wait3A_504 = tpu.memref_slice %arg18[%add3A_450, %dma_wait3A_503] : memref<10000x128xbf16, #tpu.memory_space<vmem_shared>> -> memref<50x128xbf16, #tpu.memory_space<vmem_shared>>
        %dma_wait3A_505 = arith.constant 0 : i32
        %dma_wait3A_506 = tpu.memref_slice %arg18[%add3A_450, %dma_wait3A_505] : memref<10000x128xbf16, #tpu.memory_space<vmem_shared>> -> memref<50x128xbf16, #tpu.memory_space<vmem_shared>>
        tpu.wait_dma2 semaphore(%run_scoped3A : memref<!tpu.dma_semaphore, #tpu.memory_space<semaphore_mem>>) src(%arg17 : memref<50x128xbf16, #tpu.memory_space<vmem>>) dst(%dma_wait3A_506 : memref<50x128xbf16, #tpu.memory_space<vmem_shared>>)
        tpu.yield
      }) : () -> ()
      %mul3A_451 = arith.constant 1000 : i32
      %mul3A_452 = arith.muli %arg1, %mul3A_451 : i32
      %add3A_453 = arith.constant 400 : i32
      %add3A_454 = arith.addi %mul3A_452, %add3A_453 : i32
      "tpu.region"() ({
        %run_scoped3A = tpu.sem_alloc : memref<!tpu.dma_semaphore, #tpu.memory_space<semaphore_mem>>
        %dma_start3A_499 = arith.constant 0 : i32
        %dma_start3A_500 = tpu.memref_slice %arg18[%add3A_454, %dma_start3A_499] : memref<10000x128xbf16, #tpu.memory_space<vmem_shared>> -> memref<50x128xbf16, #tpu.memory_space<vmem_shared>>
        %dma_start3A_501 = arith.constant 0 : i32
        %dma_start3A_502 = tpu.memref_slice %arg18[%add3A_454, %dma_start3A_501] : memref<10000x128xbf16, #tpu.memory_space<vmem_shared>> -> memref<50x128xbf16, #tpu.memory_space<vmem_shared>>
        tpu.enqueue_dma source(%arg17 : memref<50x128xbf16, #tpu.memory_space<vmem>>) target(%dma_start3A_502 : memref<50x128xbf16, #tpu.memory_space<vmem_shared>>) target_semaphore(%run_scoped3A : memref<!tpu.dma_semaphore, #tpu.memory_space<semaphore_mem>>)
        %dma_wait3A_503 = arith.constant 0 : i32
        %dma_wait3A_504 = tpu.memref_slice %arg18[%add3A_454, %dma_wait3A_503] : memref<10000x128xbf16, #tpu.memory_space<vmem_shared>> -> memref<50x128xbf16, #tpu.memory_space<vmem_shared>>
        %dma_wait3A_505 = arith.constant 0 : i32
        %dma_wait3A_506 = tpu.memref_slice %arg18[%add3A_454, %dma_wait3A_505] : memref<10000x128xbf16, #tpu.memory_space<vmem_shared>> -> memref<50x128xbf16, #tpu.memory_space<vmem_shared>>
        tpu.wait_dma2 semaphore(%run_scoped3A : memref<!tpu.dma_semaphore, #tpu.memory_space<semaphore_mem>>) src(%arg17 : memref<50x128xbf16, #tpu.memory_space<vmem>>) dst(%dma_wait3A_506 : memref<50x128xbf16, #tpu.memory_space<vmem_shared>>)
        tpu.yield
      }) : () -> ()
      %mul3A_455 = arith.constant 1000 : i32
      %mul3A_456 = arith.muli %arg1, %mul3A_455 : i32
      %add3A_457 = arith.constant 450 : i32
      %add3A_458 = arith.addi %mul3A_456, %add3A_457 : i32
      "tpu.region"() ({
        %run_scoped3A = tpu.sem_alloc : memref<!tpu.dma_semaphore, #tpu.memory_space<semaphore_mem>>
        %dma_start3A_499 = arith.constant 0 : i32
        %dma_start3A_500 = tpu.memref_slice %arg18[%add3A_458, %dma_start3A_499] : memref<10000x128xbf16, #tpu.memory_space<vmem_shared>> -> memref<50x128xbf16, #tpu.memory_space<vmem_shared>>
        %dma_start3A_501 = arith.constant 0 : i32
        %dma_start3A_502 = tpu.memref_slice %arg18[%add3A_458, %dma_start3A_501] : memref<10000x128xbf16, #tpu.memory_space<vmem_shared>> -> memref<50x128xbf16, #tpu.memory_space<vmem_shared>>
        tpu.enqueue_dma source(%arg17 : memref<50x128xbf16, #tpu.memory_space<vmem>>) target(%dma_start3A_502 : memref<50x128xbf16, #tpu.memory_space<vmem_shared>>) target_semaphore(%run_scoped3A : memref<!tpu.dma_semaphore, #tpu.memory_space<semaphore_mem>>)
        %dma_wait3A_503 = arith.constant 0 : i32
        %dma_wait3A_504 = tpu.memref_slice %arg18[%add3A_458, %dma_wait3A_503] : memref<10000x128xbf16, #tpu.memory_space<vmem_shared>> -> memref<50x128xbf16, #tpu.memory_space<vmem_shared>>
        %dma_wait3A_505 = arith.constant 0 : i32
        %dma_wait3A_506 = tpu.memref_slice %arg18[%add3A_458, %dma_wait3A_505] : memref<10000x128xbf16, #tpu.memory_space<vmem_shared>> -> memref<50x128xbf16, #tpu.memory_space<vmem_shared>>
        tpu.wait_dma2 semaphore(%run_scoped3A : memref<!tpu.dma_semaphore, #tpu.memory_space<semaphore_mem>>) src(%arg17 : memref<50x128xbf16, #tpu.memory_space<vmem>>) dst(%dma_wait3A_506 : memref<50x128xbf16, #tpu.memory_space<vmem_shared>>)
        tpu.yield
      }) : () -> ()
      %mul3A_459 = arith.constant 1000 : i32
      %mul3A_460 = arith.muli %arg1, %mul3A_459 : i32
      %add3A_461 = arith.constant 500 : i32
      %add3A_462 = arith.addi %mul3A_460, %add3A_461 : i32
      "tpu.region"() ({
        %run_scoped3A = tpu.sem_alloc : memref<!tpu.dma_semaphore, #tpu.memory_space<semaphore_mem>>
        %dma_start3A_499 = arith.constant 0 : i32
        %dma_start3A_500 = tpu.memref_slice %arg18[%add3A_462, %dma_start3A_499] : memref<10000x128xbf16, #tpu.memory_space<vmem_shared>> -> memref<50x128xbf16, #tpu.memory_space<vmem_shared>>
        %dma_start3A_501 = arith.constant 0 : i32
        %dma_start3A_502 = tpu.memref_slice %arg18[%add3A_462, %dma_start3A_501] : memref<10000x128xbf16, #tpu.memory_space<vmem_shared>> -> memref<50x128xbf16, #tpu.memory_space<vmem_shared>>
        tpu.enqueue_dma source(%arg17 : memref<50x128xbf16, #tpu.memory_space<vmem>>) target(%dma_start3A_502 : memref<50x128xbf16, #tpu.memory_space<vmem_shared>>) target_semaphore(%run_scoped3A : memref<!tpu.dma_semaphore, #tpu.memory_space<semaphore_mem>>)
        %dma_wait3A_503 = arith.constant 0 : i32
        %dma_wait3A_504 = tpu.memref_slice %arg18[%add3A_462, %dma_wait3A_503] : memref<10000x128xbf16, #tpu.memory_space<vmem_shared>> -> memref<50x128xbf16, #tpu.memory_space<vmem_shared>>
        %dma_wait3A_505 = arith.constant 0 : i32
        %dma_wait3A_506 = tpu.memref_slice %arg18[%add3A_462, %dma_wait3A_505] : memref<10000x128xbf16, #tpu.memory_space<vmem_shared>> -> memref<50x128xbf16, #tpu.memory_space<vmem_shared>>
        tpu.wait_dma2 semaphore(%run_scoped3A : memref<!tpu.dma_semaphore, #tpu.memory_space<semaphore_mem>>) src(%arg17 : memref<50x128xbf16, #tpu.memory_space<vmem>>) dst(%dma_wait3A_506 : memref<50x128xbf16, #tpu.memory_space<vmem_shared>>)
        tpu.yield
      }) : () -> ()
      %mul3A_463 = arith.constant 1000 : i32
      %mul3A_464 = arith.muli %arg1, %mul3A_463 : i32
      %add3A_465 = arith.constant 550 : i32
      %add3A_466 = arith.addi %mul3A_464, %add3A_465 : i32
      "tpu.region"() ({
        %run_scoped3A = tpu.sem_alloc : memref<!tpu.dma_semaphore, #tpu.memory_space<semaphore_mem>>
        %dma_start3A_499 = arith.constant 0 : i32
        %dma_start3A_500 = tpu.memref_slice %arg18[%add3A_466, %dma_start3A_499] : memref<10000x128xbf16, #tpu.memory_space<vmem_shared>> -> memref<50x128xbf16, #tpu.memory_space<vmem_shared>>
        %dma_start3A_501 = arith.constant 0 : i32
        %dma_start3A_502 = tpu.memref_slice %arg18[%add3A_466, %dma_start3A_501] : memref<10000x128xbf16, #tpu.memory_space<vmem_shared>> -> memref<50x128xbf16, #tpu.memory_space<vmem_shared>>
        tpu.enqueue_dma source(%arg17 : memref<50x128xbf16, #tpu.memory_space<vmem>>) target(%dma_start3A_502 : memref<50x128xbf16, #tpu.memory_space<vmem_shared>>) target_semaphore(%run_scoped3A : memref<!tpu.dma_semaphore, #tpu.memory_space<semaphore_mem>>)
        %dma_wait3A_503 = arith.constant 0 : i32
        %dma_wait3A_504 = tpu.memref_slice %arg18[%add3A_466, %dma_wait3A_503] : memref<10000x128xbf16, #tpu.memory_space<vmem_shared>> -> memref<50x128xbf16, #tpu.memory_space<vmem_shared>>
        %dma_wait3A_505 = arith.constant 0 : i32
        %dma_wait3A_506 = tpu.memref_slice %arg18[%add3A_466, %dma_wait3A_505] : memref<10000x128xbf16, #tpu.memory_space<vmem_shared>> -> memref<50x128xbf16, #tpu.memory_space<vmem_shared>>
        tpu.wait_dma2 semaphore(%run_scoped3A : memref<!tpu.dma_semaphore, #tpu.memory_space<semaphore_mem>>) src(%arg17 : memref<50x128xbf16, #tpu.memory_space<vmem>>) dst(%dma_wait3A_506 : memref<50x128xbf16, #tpu.memory_space<vmem_shared>>)
        tpu.yield
      }) : () -> ()
      %mul3A_467 = arith.constant 1000 : i32
      %mul3A_468 = arith.muli %arg1, %mul3A_467 : i32
      %add3A_469 = arith.constant 600 : i32
      %add3A_470 = arith.addi %mul3A_468, %add3A_469 : i32
      "tpu.region"() ({
        %run_scoped3A = tpu.sem_alloc : memref<!tpu.dma_semaphore, #tpu.memory_space<semaphore_mem>>
        %dma_start3A_499 = arith.constant 0 : i32
        %dma_start3A_500 = tpu.memref_slice %arg18[%add3A_470, %dma_start3A_499] : memref<10000x128xbf16, #tpu.memory_space<vmem_shared>> -> memref<50x128xbf16, #tpu.memory_space<vmem_shared>>
        %dma_start3A_501 = arith.constant 0 : i32
        %dma_start3A_502 = tpu.memref_slice %arg18[%add3A_470, %dma_start3A_501] : memref<10000x128xbf16, #tpu.memory_space<vmem_shared>> -> memref<50x128xbf16, #tpu.memory_space<vmem_shared>>
        tpu.enqueue_dma source(%arg17 : memref<50x128xbf16, #tpu.memory_space<vmem>>) target(%dma_start3A_502 : memref<50x128xbf16, #tpu.memory_space<vmem_shared>>) target_semaphore(%run_scoped3A : memref<!tpu.dma_semaphore, #tpu.memory_space<semaphore_mem>>)
        %dma_wait3A_503 = arith.constant 0 : i32
        %dma_wait3A_504 = tpu.memref_slice %arg18[%add3A_470, %dma_wait3A_503] : memref<10000x128xbf16, #tpu.memory_space<vmem_shared>> -> memref<50x128xbf16, #tpu.memory_space<vmem_shared>>
        %dma_wait3A_505 = arith.constant 0 : i32
        %dma_wait3A_506 = tpu.memref_slice %arg18[%add3A_470, %dma_wait3A_505] : memref<10000x128xbf16, #tpu.memory_space<vmem_shared>> -> memref<50x128xbf16, #tpu.memory_space<vmem_shared>>
        tpu.wait_dma2 semaphore(%run_scoped3A : memref<!tpu.dma_semaphore, #tpu.memory_space<semaphore_mem>>) src(%arg17 : memref<50x128xbf16, #tpu.memory_space<vmem>>) dst(%dma_wait3A_506 : memref<50x128xbf16, #tpu.memory_space<vmem_shared>>)
        tpu.yield
      }) : () -> ()
      %mul3A_471 = arith.constant 1000 : i32
      %mul3A_472 = arith.muli %arg1, %mul3A_471 : i32
      %add3A_473 = arith.constant 650 : i32
      %add3A_474 = arith.addi %mul3A_472, %add3A_473 : i32
      "tpu.region"() ({
        %run_scoped3A = tpu.sem_alloc : memref<!tpu.dma_semaphore, #tpu.memory_space<semaphore_mem>>
        %dma_start3A_499 = arith.constant 0 : i32
        %dma_start3A_500 = tpu.memref_slice %arg18[%add3A_474, %dma_start3A_499] : memref<10000x128xbf16, #tpu.memory_space<vmem_shared>> -> memref<50x128xbf16, #tpu.memory_space<vmem_shared>>
        %dma_start3A_501 = arith.constant 0 : i32
        %dma_start3A_502 = tpu.memref_slice %arg18[%add3A_474, %dma_start3A_501] : memref<10000x128xbf16, #tpu.memory_space<vmem_shared>> -> memref<50x128xbf16, #tpu.memory_space<vmem_shared>>
        tpu.enqueue_dma source(%arg17 : memref<50x128xbf16, #tpu.memory_space<vmem>>) target(%dma_start3A_502 : memref<50x128xbf16, #tpu.memory_space<vmem_shared>>) target_semaphore(%run_scoped3A : memref<!tpu.dma_semaphore, #tpu.memory_space<semaphore_mem>>)
        %dma_wait3A_503 = arith.constant 0 : i32
        %dma_wait3A_504 = tpu.memref_slice %arg18[%add3A_474, %dma_wait3A_503] : memref<10000x128xbf16, #tpu.memory_space<vmem_shared>> -> memref<50x128xbf16, #tpu.memory_space<vmem_shared>>
        %dma_wait3A_505 = arith.constant 0 : i32
        %dma_wait3A_506 = tpu.memref_slice %arg18[%add3A_474, %dma_wait3A_505] : memref<10000x128xbf16, #tpu.memory_space<vmem_shared>> -> memref<50x128xbf16, #tpu.memory_space<vmem_shared>>
        tpu.wait_dma2 semaphore(%run_scoped3A : memref<!tpu.dma_semaphore, #tpu.memory_space<semaphore_mem>>) src(%arg17 : memref<50x128xbf16, #tpu.memory_space<vmem>>) dst(%dma_wait3A_506 : memref<50x128xbf16, #tpu.memory_space<vmem_shared>>)
        tpu.yield
      }) : () -> ()
      %mul3A_475 = arith.constant 1000 : i32
      %mul3A_476 = arith.muli %arg1, %mul3A_475 : i32
      %add3A_477 = arith.constant 700 : i32
      %add3A_478 = arith.addi %mul3A_476, %add3A_477 : i32
      "tpu.region"() ({
        %run_scoped3A = tpu.sem_alloc : memref<!tpu.dma_semaphore, #tpu.memory_space<semaphore_mem>>
        %dma_start3A_499 = arith.constant 0 : i32
        %dma_start3A_500 = tpu.memref_slice %arg18[%add3A_478, %dma_start3A_499] : memref<10000x128xbf16, #tpu.memory_space<vmem_shared>> -> memref<50x128xbf16, #tpu.memory_space<vmem_shared>>
        %dma_start3A_501 = arith.constant 0 : i32
        %dma_start3A_502 = tpu.memref_slice %arg18[%add3A_478, %dma_start3A_501] : memref<10000x128xbf16, #tpu.memory_space<vmem_shared>> -> memref<50x128xbf16, #tpu.memory_space<vmem_shared>>
        tpu.enqueue_dma source(%arg17 : memref<50x128xbf16, #tpu.memory_space<vmem>>) target(%dma_start3A_502 : memref<50x128xbf16, #tpu.memory_space<vmem_shared>>) target_semaphore(%run_scoped3A : memref<!tpu.dma_semaphore, #tpu.memory_space<semaphore_mem>>)
        %dma_wait3A_503 = arith.constant 0 : i32
        %dma_wait3A_504 = tpu.memref_slice %arg18[%add3A_478, %dma_wait3A_503] : memref<10000x128xbf16, #tpu.memory_space<vmem_shared>> -> memref<50x128xbf16, #tpu.memory_space<vmem_shared>>
        %dma_wait3A_505 = arith.constant 0 : i32
        %dma_wait3A_506 = tpu.memref_slice %arg18[%add3A_478, %dma_wait3A_505] : memref<10000x128xbf16, #tpu.memory_space<vmem_shared>> -> memref<50x128xbf16, #tpu.memory_space<vmem_shared>>
        tpu.wait_dma2 semaphore(%run_scoped3A : memref<!tpu.dma_semaphore, #tpu.memory_space<semaphore_mem>>) src(%arg17 : memref<50x128xbf16, #tpu.memory_space<vmem>>) dst(%dma_wait3A_506 : memref<50x128xbf16, #tpu.memory_space<vmem_shared>>)
        tpu.yield
      }) : () -> ()
      %mul3A_479 = arith.constant 1000 : i32
      %mul3A_480 = arith.muli %arg1, %mul3A_479 : i32
      %add3A_481 = arith.constant 750 : i32
      %add3A_482 = arith.addi %mul3A_480, %add3A_481 : i32
      "tpu.region"() ({
        %run_scoped3A = tpu.sem_alloc : memref<!tpu.dma_semaphore, #tpu.memory_space<semaphore_mem>>
        %dma_start3A_499 = arith.constant 0 : i32
        %dma_start3A_500 = tpu.memref_slice %arg18[%add3A_482, %dma_start3A_499] : memref<10000x128xbf16, #tpu.memory_space<vmem_shared>> -> memref<50x128xbf16, #tpu.memory_space<vmem_shared>>
        %dma_start3A_501 = arith.constant 0 : i32
        %dma_start3A_502 = tpu.memref_slice %arg18[%add3A_482, %dma_start3A_501] : memref<10000x128xbf16, #tpu.memory_space<vmem_shared>> -> memref<50x128xbf16, #tpu.memory_space<vmem_shared>>
        tpu.enqueue_dma source(%arg17 : memref<50x128xbf16, #tpu.memory_space<vmem>>) target(%dma_start3A_502 : memref<50x128xbf16, #tpu.memory_space<vmem_shared>>) target_semaphore(%run_scoped3A : memref<!tpu.dma_semaphore, #tpu.memory_space<semaphore_mem>>)
        %dma_wait3A_503 = arith.constant 0 : i32
        %dma_wait3A_504 = tpu.memref_slice %arg18[%add3A_482, %dma_wait3A_503] : memref<10000x128xbf16, #tpu.memory_space<vmem_shared>> -> memref<50x128xbf16, #tpu.memory_space<vmem_shared>>
        %dma_wait3A_505 = arith.constant 0 : i32
        %dma_wait3A_506 = tpu.memref_slice %arg18[%add3A_482, %dma_wait3A_505] : memref<10000x128xbf16, #tpu.memory_space<vmem_shared>> -> memref<50x128xbf16, #tpu.memory_space<vmem_shared>>
        tpu.wait_dma2 semaphore(%run_scoped3A : memref<!tpu.dma_semaphore, #tpu.memory_space<semaphore_mem>>) src(%arg17 : memref<50x128xbf16, #tpu.memory_space<vmem>>) dst(%dma_wait3A_506 : memref<50x128xbf16, #tpu.memory_space<vmem_shared>>)
        tpu.yield
      }) : () -> ()
      %mul3A_483 = arith.constant 1000 : i32
      %mul3A_484 = arith.muli %arg1, %mul3A_483 : i32
      %add3A_485 = arith.constant 800 : i32
      %add3A_486 = arith.addi %mul3A_484, %add3A_485 : i32
      "tpu.region"() ({
        %run_scoped3A = tpu.sem_alloc : memref<!tpu.dma_semaphore, #tpu.memory_space<semaphore_mem>>
        %dma_start3A_499 = arith.constant 0 : i32
        %dma_start3A_500 = tpu.memref_slice %arg18[%add3A_486, %dma_start3A_499] : memref<10000x128xbf16, #tpu.memory_space<vmem_shared>> -> memref<50x128xbf16, #tpu.memory_space<vmem_shared>>
        %dma_start3A_501 = arith.constant 0 : i32
        %dma_start3A_502 = tpu.memref_slice %arg18[%add3A_486, %dma_start3A_501] : memref<10000x128xbf16, #tpu.memory_space<vmem_shared>> -> memref<50x128xbf16, #tpu.memory_space<vmem_shared>>
        tpu.enqueue_dma source(%arg17 : memref<50x128xbf16, #tpu.memory_space<vmem>>) target(%dma_start3A_502 : memref<50x128xbf16, #tpu.memory_space<vmem_shared>>) target_semaphore(%run_scoped3A : memref<!tpu.dma_semaphore, #tpu.memory_space<semaphore_mem>>)
        %dma_wait3A_503 = arith.constant 0 : i32
        %dma_wait3A_504 = tpu.memref_slice %arg18[%add3A_486, %dma_wait3A_503] : memref<10000x128xbf16, #tpu.memory_space<vmem_shared>> -> memref<50x128xbf16, #tpu.memory_space<vmem_shared>>
        %dma_wait3A_505 = arith.constant 0 : i32
        %dma_wait3A_506 = tpu.memref_slice %arg18[%add3A_486, %dma_wait3A_505] : memref<10000x128xbf16, #tpu.memory_space<vmem_shared>> -> memref<50x128xbf16, #tpu.memory_space<vmem_shared>>
        tpu.wait_dma2 semaphore(%run_scoped3A : memref<!tpu.dma_semaphore, #tpu.memory_space<semaphore_mem>>) src(%arg17 : memref<50x128xbf16, #tpu.memory_space<vmem>>) dst(%dma_wait3A_506 : memref<50x128xbf16, #tpu.memory_space<vmem_shared>>)
        tpu.yield
      }) : () -> ()
      %mul3A_487 = arith.constant 1000 : i32
      %mul3A_488 = arith.muli %arg1, %mul3A_487 : i32
      %add3A_489 = arith.constant 850 : i32
      %add3A_490 = arith.addi %mul3A_488, %add3A_489 : i32
      "tpu.region"() ({
        %run_scoped3A = tpu.sem_alloc : memref<!tpu.dma_semaphore, #tpu.memory_space<semaphore_mem>>
        %dma_start3A_499 = arith.constant 0 : i32
        %dma_start3A_500 = tpu.memref_slice %arg18[%add3A_490, %dma_start3A_499] : memref<10000x128xbf16, #tpu.memory_space<vmem_shared>> -> memref<50x128xbf16, #tpu.memory_space<vmem_shared>>
        %dma_start3A_501 = arith.constant 0 : i32
        %dma_start3A_502 = tpu.memref_slice %arg18[%add3A_490, %dma_start3A_501] : memref<10000x128xbf16, #tpu.memory_space<vmem_shared>> -> memref<50x128xbf16, #tpu.memory_space<vmem_shared>>
        tpu.enqueue_dma source(%arg17 : memref<50x128xbf16, #tpu.memory_space<vmem>>) target(%dma_start3A_502 : memref<50x128xbf16, #tpu.memory_space<vmem_shared>>) target_semaphore(%run_scoped3A : memref<!tpu.dma_semaphore, #tpu.memory_space<semaphore_mem>>)
        %dma_wait3A_503 = arith.constant 0 : i32
        %dma_wait3A_504 = tpu.memref_slice %arg18[%add3A_490, %dma_wait3A_503] : memref<10000x128xbf16, #tpu.memory_space<vmem_shared>> -> memref<50x128xbf16, #tpu.memory_space<vmem_shared>>
        %dma_wait3A_505 = arith.constant 0 : i32
        %dma_wait3A_506 = tpu.memref_slice %arg18[%add3A_490, %dma_wait3A_505] : memref<10000x128xbf16, #tpu.memory_space<vmem_shared>> -> memref<50x128xbf16, #tpu.memory_space<vmem_shared>>
        tpu.wait_dma2 semaphore(%run_scoped3A : memref<!tpu.dma_semaphore, #tpu.memory_space<semaphore_mem>>) src(%arg17 : memref<50x128xbf16, #tpu.memory_space<vmem>>) dst(%dma_wait3A_506 : memref<50x128xbf16, #tpu.memory_space<vmem_shared>>)
        tpu.yield
      }) : () -> ()
      %mul3A_491 = arith.constant 1000 : i32
      %mul3A_492 = arith.muli %arg1, %mul3A_491 : i32
      %add3A_493 = arith.constant 900 : i32
      %add3A_494 = arith.addi %mul3A_492, %add3A_493 : i32
      "tpu.region"() ({
        %run_scoped3A = tpu.sem_alloc : memref<!tpu.dma_semaphore, #tpu.memory_space<semaphore_mem>>
        %dma_start3A_499 = arith.constant 0 : i32
        %dma_start3A_500 = tpu.memref_slice %arg18[%add3A_494, %dma_start3A_499] : memref<10000x128xbf16, #tpu.memory_space<vmem_shared>> -> memref<50x128xbf16, #tpu.memory_space<vmem_shared>>
        %dma_start3A_501 = arith.constant 0 : i32
        %dma_start3A_502 = tpu.memref_slice %arg18[%add3A_494, %dma_start3A_501] : memref<10000x128xbf16, #tpu.memory_space<vmem_shared>> -> memref<50x128xbf16, #tpu.memory_space<vmem_shared>>
        tpu.enqueue_dma source(%arg17 : memref<50x128xbf16, #tpu.memory_space<vmem>>) target(%dma_start3A_502 : memref<50x128xbf16, #tpu.memory_space<vmem_shared>>) target_semaphore(%run_scoped3A : memref<!tpu.dma_semaphore, #tpu.memory_space<semaphore_mem>>)
        %dma_wait3A_503 = arith.constant 0 : i32
        %dma_wait3A_504 = tpu.memref_slice %arg18[%add3A_494, %dma_wait3A_503] : memref<10000x128xbf16, #tpu.memory_space<vmem_shared>> -> memref<50x128xbf16, #tpu.memory_space<vmem_shared>>
        %dma_wait3A_505 = arith.constant 0 : i32
        %dma_wait3A_506 = tpu.memref_slice %arg18[%add3A_494, %dma_wait3A_505] : memref<10000x128xbf16, #tpu.memory_space<vmem_shared>> -> memref<50x128xbf16, #tpu.memory_space<vmem_shared>>
        tpu.wait_dma2 semaphore(%run_scoped3A : memref<!tpu.dma_semaphore, #tpu.memory_space<semaphore_mem>>) src(%arg17 : memref<50x128xbf16, #tpu.memory_space<vmem>>) dst(%dma_wait3A_506 : memref<50x128xbf16, #tpu.memory_space<vmem_shared>>)
        tpu.yield
      }) : () -> ()
      %mul3A_495 = arith.constant 1000 : i32
      %mul3A_496 = arith.muli %arg1, %mul3A_495 : i32
      %add3A_497 = arith.constant 950 : i32
      %add3A_498 = arith.addi %mul3A_496, %add3A_497 : i32
      "tpu.region"() ({
        %run_scoped3A = tpu.sem_alloc : memref<!tpu.dma_semaphore, #tpu.memory_space<semaphore_mem>>
        %dma_start3A_499 = arith.constant 0 : i32
        %dma_start3A_500 = tpu.memref_slice %arg18[%add3A_498, %dma_start3A_499] : memref<10000x128xbf16, #tpu.memory_space<vmem_shared>> -> memref<50x128xbf16, #tpu.memory_space<vmem_shared>>
        %dma_start3A_501 = arith.constant 0 : i32
        %dma_start3A_502 = tpu.memref_slice %arg18[%add3A_498, %dma_start3A_501] : memref<10000x128xbf16, #tpu.memory_space<vmem_shared>> -> memref<50x128xbf16, #tpu.memory_space<vmem_shared>>
        tpu.enqueue_dma source(%arg17 : memref<50x128xbf16, #tpu.memory_space<vmem>>) target(%dma_start3A_502 : memref<50x128xbf16, #tpu.memory_space<vmem_shared>>) target_semaphore(%run_scoped3A : memref<!tpu.dma_semaphore, #tpu.memory_space<semaphore_mem>>)
        %dma_wait3A_503 = arith.constant 0 : i32
        %dma_wait3A_504 = tpu.memref_slice %arg18[%add3A_498, %dma_wait3A_503] : memref<10000x128xbf16, #tpu.memory_space<vmem_shared>> -> memref<50x128xbf16, #tpu.memory_space<vmem_shared>>
        %dma_wait3A_505 = arith.constant 0 : i32
        %dma_wait3A_506 = tpu.memref_slice %arg18[%add3A_498, %dma_wait3A_505] : memref<10000x128xbf16, #tpu.memory_space<vmem_shared>> -> memref<50x128xbf16, #tpu.memory_space<vmem_shared>>
        tpu.wait_dma2 semaphore(%run_scoped3A : memref<!tpu.dma_semaphore, #tpu.memory_space<semaphore_mem>>) src(%arg17 : memref<50x128xbf16, #tpu.memory_space<vmem>>) dst(%dma_wait3A_506 : memref<50x128xbf16, #tpu.memory_space<vmem_shared>>)
        tpu.yield
      }) : () -> ()
    } else {
    }
    %barrier3A = arith.constant 0 : index
    tpu.barrier barrier_id(%barrier3A)
    %dma_start3A = arith.constant 0 : i32
    %dma_start3A_36 = arith.constant 0 : i32
    %dma_start3A_37 = tpu.memref_slice %arg7[%dma_start3A, %dma_start3A_36] : memref<128x80xi32, #tpu.memory_space<vmem>> -> memref<1x80xi32, #tpu.memory_space<vmem>>
    %dma_start3A_38 = tpu.memref_squeeze %dma_start3A_37 : memref<1x80xi32, #tpu.memory_space<vmem>> -> memref<80xi32, #tpu.memory_space<vmem>>
    %dma_start3A_39 = arith.constant 0 : i32
    %dma_start3A_40 = arith.constant 0 : i32
    %dma_start3A_41 = tpu.memref_slice %arg2[%dma_start3A_39, %dma_start3A_40] : memref<10000x128xbf16, #tpu.memory_space<hbm>> -> memref<10000x128xbf16, #tpu.memory_space<hbm>>
    tpu.enqueue_indirect_dma source(%dma_start3A_41 : memref<10000x128xbf16, #tpu.memory_space<hbm>>) target(%arg9 : memref<80x128xbf16, #tpu.memory_space<vmem>>) offsets(%dma_start3A_38 : memref<80xi32, #tpu.memory_space<vmem>>) semaphore(%arg19 : memref<!tpu.dma_semaphore, #tpu.memory_space<semaphore_mem>>)
    %dma_start3A_42 = arith.constant 1 : i32
    %dma_start3A_43 = arith.constant 0 : i32
    %dma_start3A_44 = tpu.memref_slice %arg7[%dma_start3A_42, %dma_start3A_43] : memref<128x80xi32, #tpu.memory_space<vmem>> -> memref<1x80xi32, #tpu.memory_space<vmem>>
    %dma_start3A_45 = tpu.memref_squeeze %dma_start3A_44 : memref<1x80xi32, #tpu.memory_space<vmem>> -> memref<80xi32, #tpu.memory_space<vmem>>
    %dma_start3A_46 = arith.constant 0 : i32
    %dma_start3A_47 = arith.constant 0 : i32
    %dma_start3A_48 = tpu.memref_slice %arg2[%dma_start3A_46, %dma_start3A_47] : memref<10000x128xbf16, #tpu.memory_space<hbm>> -> memref<10000x128xbf16, #tpu.memory_space<hbm>>
    tpu.enqueue_indirect_dma source(%dma_start3A_48 : memref<10000x128xbf16, #tpu.memory_space<hbm>>) target(%arg10 : memref<80x128xbf16, #tpu.memory_space<vmem>>) offsets(%dma_start3A_45 : memref<80xi32, #tpu.memory_space<vmem>>) semaphore(%arg20 : memref<!tpu.dma_semaphore, #tpu.memory_space<semaphore_mem>>)
    %dma_start3A_49 = arith.constant 2 : i32
    %dma_start3A_50 = arith.constant 0 : i32
    %dma_start3A_51 = tpu.memref_slice %arg7[%dma_start3A_49, %dma_start3A_50] : memref<128x80xi32, #tpu.memory_space<vmem>> -> memref<1x80xi32, #tpu.memory_space<vmem>>
    %dma_start3A_52 = tpu.memref_squeeze %dma_start3A_51 : memref<1x80xi32, #tpu.memory_space<vmem>> -> memref<80xi32, #tpu.memory_space<vmem>>
    %dma_start3A_53 = arith.constant 0 : i32
    %dma_start3A_54 = arith.constant 0 : i32
    %dma_start3A_55 = tpu.memref_slice %arg2[%dma_start3A_53, %dma_start3A_54] : memref<10000x128xbf16, #tpu.memory_space<hbm>> -> memref<10000x128xbf16, #tpu.memory_space<hbm>>
    tpu.enqueue_indirect_dma source(%dma_start3A_55 : memref<10000x128xbf16, #tpu.memory_space<hbm>>) target(%arg11 : memref<80x128xbf16, #tpu.memory_space<vmem>>) offsets(%dma_start3A_52 : memref<80xi32, #tpu.memory_space<vmem>>) semaphore(%arg21 : memref<!tpu.dma_semaphore, #tpu.memory_space<semaphore_mem>>)
    %dma_start3A_56 = arith.constant 3 : i32
    %dma_start3A_57 = arith.constant 0 : i32
    %dma_start3A_58 = tpu.memref_slice %arg7[%dma_start3A_56, %dma_start3A_57] : memref<128x80xi32, #tpu.memory_space<vmem>> -> memref<1x80xi32, #tpu.memory_space<vmem>>
    %dma_start3A_59 = tpu.memref_squeeze %dma_start3A_58 : memref<1x80xi32, #tpu.memory_space<vmem>> -> memref<80xi32, #tpu.memory_space<vmem>>
    %dma_start3A_60 = arith.constant 0 : i32
    %dma_start3A_61 = arith.constant 0 : i32
    %dma_start3A_62 = tpu.memref_slice %arg2[%dma_start3A_60, %dma_start3A_61] : memref<10000x128xbf16, #tpu.memory_space<hbm>> -> memref<10000x128xbf16, #tpu.memory_space<hbm>>
    tpu.enqueue_indirect_dma source(%dma_start3A_62 : memref<10000x128xbf16, #tpu.memory_space<hbm>>) target(%arg12 : memref<80x128xbf16, #tpu.memory_space<vmem>>) offsets(%dma_start3A_59 : memref<80xi32, #tpu.memory_space<vmem>>) semaphore(%arg22 : memref<!tpu.dma_semaphore, #tpu.memory_space<semaphore_mem>>)
    %dma_start3A_63 = arith.constant 4 : i32
    %dma_start3A_64 = arith.constant 0 : i32
    %dma_start3A_65 = tpu.memref_slice %arg7[%dma_start3A_63, %dma_start3A_64] : memref<128x80xi32, #tpu.memory_space<vmem>> -> memref<1x80xi32, #tpu.memory_space<vmem>>
    %dma_start3A_66 = tpu.memref_squeeze %dma_start3A_65 : memref<1x80xi32, #tpu.memory_space<vmem>> -> memref<80xi32, #tpu.memory_space<vmem>>
    %dma_start3A_67 = arith.constant 0 : i32
    %dma_start3A_68 = arith.constant 0 : i32
    %dma_start3A_69 = tpu.memref_slice %arg2[%dma_start3A_67, %dma_start3A_68] : memref<10000x128xbf16, #tpu.memory_space<hbm>> -> memref<10000x128xbf16, #tpu.memory_space<hbm>>
    tpu.enqueue_indirect_dma source(%dma_start3A_69 : memref<10000x128xbf16, #tpu.memory_space<hbm>>) target(%arg13 : memref<80x128xbf16, #tpu.memory_space<vmem>>) offsets(%dma_start3A_66 : memref<80xi32, #tpu.memory_space<vmem>>) semaphore(%arg23 : memref<!tpu.dma_semaphore, #tpu.memory_space<semaphore_mem>>)
    %dma_start3A_70 = arith.constant 5 : i32
    %dma_start3A_71 = arith.constant 0 : i32
    %dma_start3A_72 = tpu.memref_slice %arg7[%dma_start3A_70, %dma_start3A_71] : memref<128x80xi32, #tpu.memory_space<vmem>> -> memref<1x80xi32, #tpu.memory_space<vmem>>
    %dma_start3A_73 = tpu.memref_squeeze %dma_start3A_72 : memref<1x80xi32, #tpu.memory_space<vmem>> -> memref<80xi32, #tpu.memory_space<vmem>>
    %dma_start3A_74 = arith.constant 0 : i32
    %dma_start3A_75 = arith.constant 0 : i32
    %dma_start3A_76 = tpu.memref_slice %arg2[%dma_start3A_74, %dma_start3A_75] : memref<10000x128xbf16, #tpu.memory_space<hbm>> -> memref<10000x128xbf16, #tpu.memory_space<hbm>>
    tpu.enqueue_indirect_dma source(%dma_start3A_76 : memref<10000x128xbf16, #tpu.memory_space<hbm>>) target(%arg14 : memref<80x128xbf16, #tpu.memory_space<vmem>>) offsets(%dma_start3A_73 : memref<80xi32, #tpu.memory_space<vmem>>) semaphore(%arg24 : memref<!tpu.dma_semaphore, #tpu.memory_space<semaphore_mem>>)
    %dma_start3A_77 = arith.constant 6 : i32
    %dma_start3A_78 = arith.constant 0 : i32
    %dma_start3A_79 = tpu.memref_slice %arg7[%dma_start3A_77, %dma_start3A_78] : memref<128x80xi32, #tpu.memory_space<vmem>> -> memref<1x80xi32, #tpu.memory_space<vmem>>
    %dma_start3A_80 = tpu.memref_squeeze %dma_start3A_79 : memref<1x80xi32, #tpu.memory_space<vmem>> -> memref<80xi32, #tpu.memory_space<vmem>>
    %dma_start3A_81 = arith.constant 0 : i32
    %dma_start3A_82 = arith.constant 0 : i32
    %dma_start3A_83 = tpu.memref_slice %arg2[%dma_start3A_81, %dma_start3A_82] : memref<10000x128xbf16, #tpu.memory_space<hbm>> -> memref<10000x128xbf16, #tpu.memory_space<hbm>>
    tpu.enqueue_indirect_dma source(%dma_start3A_83 : memref<10000x128xbf16, #tpu.memory_space<hbm>>) target(%arg15 : memref<80x128xbf16, #tpu.memory_space<vmem>>) offsets(%dma_start3A_80 : memref<80xi32, #tpu.memory_space<vmem>>) semaphore(%arg25 : memref<!tpu.dma_semaphore, #tpu.memory_space<semaphore_mem>>)
    %dma_start3A_84 = arith.constant 7 : i32
    %dma_start3A_85 = arith.constant 0 : i32
    %dma_start3A_86 = tpu.memref_slice %arg7[%dma_start3A_84, %dma_start3A_85] : memref<128x80xi32, #tpu.memory_space<vmem>> -> memref<1x80xi32, #tpu.memory_space<vmem>>
    %dma_start3A_87 = tpu.memref_squeeze %dma_start3A_86 : memref<1x80xi32, #tpu.memory_space<vmem>> -> memref<80xi32, #tpu.memory_space<vmem>>
    %dma_start3A_88 = arith.constant 0 : i32
    %dma_start3A_89 = arith.constant 0 : i32
    %dma_start3A_90 = tpu.memref_slice %arg2[%dma_start3A_88, %dma_start3A_89] : memref<10000x128xbf16, #tpu.memory_space<hbm>> -> memref<10000x128xbf16, #tpu.memory_space<hbm>>
    tpu.enqueue_indirect_dma source(%dma_start3A_90 : memref<10000x128xbf16, #tpu.memory_space<hbm>>) target(%arg16 : memref<80x128xbf16, #tpu.memory_space<vmem>>) offsets(%dma_start3A_87 : memref<80xi32, #tpu.memory_space<vmem>>) semaphore(%arg26 : memref<!tpu.dma_semaphore, #tpu.memory_space<semaphore_mem>>)
    %dma_wait3A = arith.constant 0 : i32
    %dma_wait3A_91 = arith.constant 0 : i32
    %dma_wait3A_92 = tpu.memref_slice %arg7[%dma_wait3A, %dma_wait3A_91] : memref<128x80xi32, #tpu.memory_space<vmem>> -> memref<1x80xi32, #tpu.memory_space<vmem>>
    %dma_wait3A_93 = tpu.memref_squeeze %dma_wait3A_92 : memref<1x80xi32, #tpu.memory_space<vmem>> -> memref<80xi32, #tpu.memory_space<vmem>>
    %dma_wait3A_94 = arith.constant 0 : i32
    %dma_wait3A_95 = arith.constant 0 : i32
    %dma_wait3A_96 = tpu.memref_slice %arg2[%dma_wait3A_94, %dma_wait3A_95] : memref<10000x128xbf16, #tpu.memory_space<hbm>> -> memref<10000x128xbf16, #tpu.memory_space<hbm>>
    tpu.wait_indirect_dma semaphore(%arg19 : memref<!tpu.dma_semaphore, #tpu.memory_space<semaphore_mem>>) src(%dma_wait3A_96 : memref<10000x128xbf16, #tpu.memory_space<hbm>>) dst(%arg9 : memref<80x128xbf16, #tpu.memory_space<vmem>>)
    %dma_start3A_97 = arith.constant 0 : i32
    %dma_start3A_98 = arith.constant 0 : i32
    %dma_start3A_99 = tpu.memref_slice %arg8[%dma_start3A_97, %dma_start3A_98] : memref<125x80xi32, #tpu.memory_space<vmem>> -> memref<1x80xi32, #tpu.memory_space<vmem>>
    %dma_start3A_100 = tpu.memref_squeeze %dma_start3A_99 : memref<1x80xi32, #tpu.memory_space<vmem>> -> memref<80xi32, #tpu.memory_space<vmem>>
    %dma_start3A_101 = arith.constant 0 : i32
    %dma_start3A_102 = arith.constant 0 : i32
    %dma_start3A_103 = tpu.memref_slice %arg18[%dma_start3A_101, %dma_start3A_102] : memref<10000x128xbf16, #tpu.memory_space<vmem_shared>> -> memref<10000x128xbf16, #tpu.memory_space<vmem_shared>>
    tpu.enqueue_indirect_dma source(%arg9 : memref<80x128xbf16, #tpu.memory_space<vmem>>) target(%dma_start3A_103 : memref<10000x128xbf16, #tpu.memory_space<vmem_shared>>) offsets(%dma_start3A_100 : memref<80xi32, #tpu.memory_space<vmem>>) semaphore(%arg27 : memref<!tpu.dma_semaphore, #tpu.memory_space<semaphore_mem>>) {add = true}
    %dma_wait3A_104 = arith.constant 1 : i32
    %dma_wait3A_105 = arith.constant 0 : i32
    %dma_wait3A_106 = tpu.memref_slice %arg7[%dma_wait3A_104, %dma_wait3A_105] : memref<128x80xi32, #tpu.memory_space<vmem>> -> memref<1x80xi32, #tpu.memory_space<vmem>>
    %dma_wait3A_107 = tpu.memref_squeeze %dma_wait3A_106 : memref<1x80xi32, #tpu.memory_space<vmem>> -> memref<80xi32, #tpu.memory_space<vmem>>
    %dma_wait3A_108 = arith.constant 0 : i32
    %dma_wait3A_109 = arith.constant 0 : i32
    %dma_wait3A_110 = tpu.memref_slice %arg2[%dma_wait3A_108, %dma_wait3A_109] : memref<10000x128xbf16, #tpu.memory_space<hbm>> -> memref<10000x128xbf16, #tpu.memory_space<hbm>>
    tpu.wait_indirect_dma semaphore(%arg20 : memref<!tpu.dma_semaphore, #tpu.memory_space<semaphore_mem>>) src(%dma_wait3A_110 : memref<10000x128xbf16, #tpu.memory_space<hbm>>) dst(%arg10 : memref<80x128xbf16, #tpu.memory_space<vmem>>)
    %dma_start3A_111 = arith.constant 1 : i32
    %dma_start3A_112 = arith.constant 0 : i32
    %dma_start3A_113 = tpu.memref_slice %arg8[%dma_start3A_111, %dma_start3A_112] : memref<125x80xi32, #tpu.memory_space<vmem>> -> memref<1x80xi32, #tpu.memory_space<vmem>>
    %dma_start3A_114 = tpu.memref_squeeze %dma_start3A_113 : memref<1x80xi32, #tpu.memory_space<vmem>> -> memref<80xi32, #tpu.memory_space<vmem>>
    %dma_start3A_115 = arith.constant 0 : i32
    %dma_start3A_116 = arith.constant 0 : i32
    %dma_start3A_117 = tpu.memref_slice %arg18[%dma_start3A_115, %dma_start3A_116] : memref<10000x128xbf16, #tpu.memory_space<vmem_shared>> -> memref<10000x128xbf16, #tpu.memory_space<vmem_shared>>
    tpu.enqueue_indirect_dma source(%arg10 : memref<80x128xbf16, #tpu.memory_space<vmem>>) target(%dma_start3A_117 : memref<10000x128xbf16, #tpu.memory_space<vmem_shared>>) offsets(%dma_start3A_114 : memref<80xi32, #tpu.memory_space<vmem>>) semaphore(%arg28 : memref<!tpu.dma_semaphore, #tpu.memory_space<semaphore_mem>>) {add = true}
    %dma_wait3A_118 = arith.constant 2 : i32
    %dma_wait3A_119 = arith.constant 0 : i32
    %dma_wait3A_120 = tpu.memref_slice %arg7[%dma_wait3A_118, %dma_wait3A_119] : memref<128x80xi32, #tpu.memory_space<vmem>> -> memref<1x80xi32, #tpu.memory_space<vmem>>
    %dma_wait3A_121 = tpu.memref_squeeze %dma_wait3A_120 : memref<1x80xi32, #tpu.memory_space<vmem>> -> memref<80xi32, #tpu.memory_space<vmem>>
    %dma_wait3A_122 = arith.constant 0 : i32
    %dma_wait3A_123 = arith.constant 0 : i32
    %dma_wait3A_124 = tpu.memref_slice %arg2[%dma_wait3A_122, %dma_wait3A_123] : memref<10000x128xbf16, #tpu.memory_space<hbm>> -> memref<10000x128xbf16, #tpu.memory_space<hbm>>
    tpu.wait_indirect_dma semaphore(%arg21 : memref<!tpu.dma_semaphore, #tpu.memory_space<semaphore_mem>>) src(%dma_wait3A_124 : memref<10000x128xbf16, #tpu.memory_space<hbm>>) dst(%arg11 : memref<80x128xbf16, #tpu.memory_space<vmem>>)
    %dma_start3A_125 = arith.constant 2 : i32
    %dma_start3A_126 = arith.constant 0 : i32
    %dma_start3A_127 = tpu.memref_slice %arg8[%dma_start3A_125, %dma_start3A_126] : memref<125x80xi32, #tpu.memory_space<vmem>> -> memref<1x80xi32, #tpu.memory_space<vmem>>
    %dma_start3A_128 = tpu.memref_squeeze %dma_start3A_127 : memref<1x80xi32, #tpu.memory_space<vmem>> -> memref<80xi32, #tpu.memory_space<vmem>>
    %dma_start3A_129 = arith.constant 0 : i32
    %dma_start3A_130 = arith.constant 0 : i32
    %dma_start3A_131 = tpu.memref_slice %arg18[%dma_start3A_129, %dma_start3A_130] : memref<10000x128xbf16, #tpu.memory_space<vmem_shared>> -> memref<10000x128xbf16, #tpu.memory_space<vmem_shared>>
    tpu.enqueue_indirect_dma source(%arg11 : memref<80x128xbf16, #tpu.memory_space<vmem>>) target(%dma_start3A_131 : memref<10000x128xbf16, #tpu.memory_space<vmem_shared>>) offsets(%dma_start3A_128 : memref<80xi32, #tpu.memory_space<vmem>>) semaphore(%arg29 : memref<!tpu.dma_semaphore, #tpu.memory_space<semaphore_mem>>) {add = true}
    %dma_wait3A_132 = arith.constant 3 : i32
    %dma_wait3A_133 = arith.constant 0 : i32
    %dma_wait3A_134 = tpu.memref_slice %arg7[%dma_wait3A_132, %dma_wait3A_133] : memref<128x80xi32, #tpu.memory_space<vmem>> -> memref<1x80xi32, #tpu.memory_space<vmem>>
    %dma_wait3A_135 = tpu.memref_squeeze %dma_wait3A_134 : memref<1x80xi32, #tpu.memory_space<vmem>> -> memref<80xi32, #tpu.memory_space<vmem>>
    %dma_wait3A_136 = arith.constant 0 : i32
    %dma_wait3A_137 = arith.constant 0 : i32
    %dma_wait3A_138 = tpu.memref_slice %arg2[%dma_wait3A_136, %dma_wait3A_137] : memref<10000x128xbf16, #tpu.memory_space<hbm>> -> memref<10000x128xbf16, #tpu.memory_space<hbm>>
    tpu.wait_indirect_dma semaphore(%arg22 : memref<!tpu.dma_semaphore, #tpu.memory_space<semaphore_mem>>) src(%dma_wait3A_138 : memref<10000x128xbf16, #tpu.memory_space<hbm>>) dst(%arg12 : memref<80x128xbf16, #tpu.memory_space<vmem>>)
    %dma_start3A_139 = arith.constant 3 : i32
    %dma_start3A_140 = arith.constant 0 : i32
    %dma_start3A_141 = tpu.memref_slice %arg8[%dma_start3A_139, %dma_start3A_140] : memref<125x80xi32, #tpu.memory_space<vmem>> -> memref<1x80xi32, #tpu.memory_space<vmem>>
    %dma_start3A_142 = tpu.memref_squeeze %dma_start3A_141 : memref<1x80xi32, #tpu.memory_space<vmem>> -> memref<80xi32, #tpu.memory_space<vmem>>
    %dma_start3A_143 = arith.constant 0 : i32
    %dma_start3A_144 = arith.constant 0 : i32
    %dma_start3A_145 = tpu.memref_slice %arg18[%dma_start3A_143, %dma_start3A_144] : memref<10000x128xbf16, #tpu.memory_space<vmem_shared>> -> memref<10000x128xbf16, #tpu.memory_space<vmem_shared>>
    tpu.enqueue_indirect_dma source(%arg12 : memref<80x128xbf16, #tpu.memory_space<vmem>>) target(%dma_start3A_145 : memref<10000x128xbf16, #tpu.memory_space<vmem_shared>>) offsets(%dma_start3A_142 : memref<80xi32, #tpu.memory_space<vmem>>) semaphore(%arg30 : memref<!tpu.dma_semaphore, #tpu.memory_space<semaphore_mem>>) {add = true}
    %dma_wait3A_146 = arith.constant 4 : i32
    %dma_wait3A_147 = arith.constant 0 : i32
    %dma_wait3A_148 = tpu.memref_slice %arg7[%dma_wait3A_146, %dma_wait3A_147] : memref<128x80xi32, #tpu.memory_space<vmem>> -> memref<1x80xi32, #tpu.memory_space<vmem>>
    %dma_wait3A_149 = tpu.memref_squeeze %dma_wait3A_148 : memref<1x80xi32, #tpu.memory_space<vmem>> -> memref<80xi32, #tpu.memory_space<vmem>>
    %dma_wait3A_150 = arith.constant 0 : i32
    %dma_wait3A_151 = arith.constant 0 : i32
    %dma_wait3A_152 = tpu.memref_slice %arg2[%dma_wait3A_150, %dma_wait3A_151] : memref<10000x128xbf16, #tpu.memory_space<hbm>> -> memref<10000x128xbf16, #tpu.memory_space<hbm>>
    tpu.wait_indirect_dma semaphore(%arg23 : memref<!tpu.dma_semaphore, #tpu.memory_space<semaphore_mem>>) src(%dma_wait3A_152 : memref<10000x128xbf16, #tpu.memory_space<hbm>>) dst(%arg13 : memref<80x128xbf16, #tpu.memory_space<vmem>>)
    %dma_start3A_153 = arith.constant 4 : i32
    %dma_start3A_154 = arith.constant 0 : i32
    %dma_start3A_155 = tpu.memref_slice %arg8[%dma_start3A_153, %dma_start3A_154] : memref<125x80xi32, #tpu.memory_space<vmem>> -> memref<1x80xi32, #tpu.memory_space<vmem>>
    %dma_start3A_156 = tpu.memref_squeeze %dma_start3A_155 : memref<1x80xi32, #tpu.memory_space<vmem>> -> memref<80xi32, #tpu.memory_space<vmem>>
    %dma_start3A_157 = arith.constant 0 : i32
    %dma_start3A_158 = arith.constant 0 : i32
    %dma_start3A_159 = tpu.memref_slice %arg18[%dma_start3A_157, %dma_start3A_158] : memref<10000x128xbf16, #tpu.memory_space<vmem_shared>> -> memref<10000x128xbf16, #tpu.memory_space<vmem_shared>>
    tpu.enqueue_indirect_dma source(%arg13 : memref<80x128xbf16, #tpu.memory_space<vmem>>) target(%dma_start3A_159 : memref<10000x128xbf16, #tpu.memory_space<vmem_shared>>) offsets(%dma_start3A_156 : memref<80xi32, #tpu.memory_space<vmem>>) semaphore(%arg31 : memref<!tpu.dma_semaphore, #tpu.memory_space<semaphore_mem>>) {add = true}
    %dma_wait3A_160 = arith.constant 5 : i32
    %dma_wait3A_161 = arith.constant 0 : i32
    %dma_wait3A_162 = tpu.memref_slice %arg7[%dma_wait3A_160, %dma_wait3A_161] : memref<128x80xi32, #tpu.memory_space<vmem>> -> memref<1x80xi32, #tpu.memory_space<vmem>>
    %dma_wait3A_163 = tpu.memref_squeeze %dma_wait3A_162 : memref<1x80xi32, #tpu.memory_space<vmem>> -> memref<80xi32, #tpu.memory_space<vmem>>
    %dma_wait3A_164 = arith.constant 0 : i32
    %dma_wait3A_165 = arith.constant 0 : i32
    %dma_wait3A_166 = tpu.memref_slice %arg2[%dma_wait3A_164, %dma_wait3A_165] : memref<10000x128xbf16, #tpu.memory_space<hbm>> -> memref<10000x128xbf16, #tpu.memory_space<hbm>>
    tpu.wait_indirect_dma semaphore(%arg24 : memref<!tpu.dma_semaphore, #tpu.memory_space<semaphore_mem>>) src(%dma_wait3A_166 : memref<10000x128xbf16, #tpu.memory_space<hbm>>) dst(%arg14 : memref<80x128xbf16, #tpu.memory_space<vmem>>)
    %dma_start3A_167 = arith.constant 5 : i32
    %dma_start3A_168 = arith.constant 0 : i32
    %dma_start3A_169 = tpu.memref_slice %arg8[%dma_start3A_167, %dma_start3A_168] : memref<125x80xi32, #tpu.memory_space<vmem>> -> memref<1x80xi32, #tpu.memory_space<vmem>>
    %dma_start3A_170 = tpu.memref_squeeze %dma_start3A_169 : memref<1x80xi32, #tpu.memory_space<vmem>> -> memref<80xi32, #tpu.memory_space<vmem>>
    %dma_start3A_171 = arith.constant 0 : i32
    %dma_start3A_172 = arith.constant 0 : i32
    %dma_start3A_173 = tpu.memref_slice %arg18[%dma_start3A_171, %dma_start3A_172] : memref<10000x128xbf16, #tpu.memory_space<vmem_shared>> -> memref<10000x128xbf16, #tpu.memory_space<vmem_shared>>
    tpu.enqueue_indirect_dma source(%arg14 : memref<80x128xbf16, #tpu.memory_space<vmem>>) target(%dma_start3A_173 : memref<10000x128xbf16, #tpu.memory_space<vmem_shared>>) offsets(%dma_start3A_170 : memref<80xi32, #tpu.memory_space<vmem>>) semaphore(%arg32 : memref<!tpu.dma_semaphore, #tpu.memory_space<semaphore_mem>>) {add = true}
    %dma_wait3A_174 = arith.constant 6 : i32
    %dma_wait3A_175 = arith.constant 0 : i32
    %dma_wait3A_176 = tpu.memref_slice %arg7[%dma_wait3A_174, %dma_wait3A_175] : memref<128x80xi32, #tpu.memory_space<vmem>> -> memref<1x80xi32, #tpu.memory_space<vmem>>
    %dma_wait3A_177 = tpu.memref_squeeze %dma_wait3A_176 : memref<1x80xi32, #tpu.memory_space<vmem>> -> memref<80xi32, #tpu.memory_space<vmem>>
    %dma_wait3A_178 = arith.constant 0 : i32
    %dma_wait3A_179 = arith.constant 0 : i32
    %dma_wait3A_180 = tpu.memref_slice %arg2[%dma_wait3A_178, %dma_wait3A_179] : memref<10000x128xbf16, #tpu.memory_space<hbm>> -> memref<10000x128xbf16, #tpu.memory_space<hbm>>
    tpu.wait_indirect_dma semaphore(%arg25 : memref<!tpu.dma_semaphore, #tpu.memory_space<semaphore_mem>>) src(%dma_wait3A_180 : memref<10000x128xbf16, #tpu.memory_space<hbm>>) dst(%arg15 : memref<80x128xbf16, #tpu.memory_space<vmem>>)
    %dma_start3A_181 = arith.constant 6 : i32
    %dma_start3A_182 = arith.constant 0 : i32
    %dma_start3A_183 = tpu.memref_slice %arg8[%dma_start3A_181, %dma_start3A_182] : memref<125x80xi32, #tpu.memory_space<vmem>> -> memref<1x80xi32, #tpu.memory_space<vmem>>
    %dma_start3A_184 = tpu.memref_squeeze %dma_start3A_183 : memref<1x80xi32, #tpu.memory_space<vmem>> -> memref<80xi32, #tpu.memory_space<vmem>>
    %dma_start3A_185 = arith.constant 0 : i32
    %dma_start3A_186 = arith.constant 0 : i32
    %dma_start3A_187 = tpu.memref_slice %arg18[%dma_start3A_185, %dma_start3A_186] : memref<10000x128xbf16, #tpu.memory_space<vmem_shared>> -> memref<10000x128xbf16, #tpu.memory_space<vmem_shared>>
    tpu.enqueue_indirect_dma source(%arg15 : memref<80x128xbf16, #tpu.memory_space<vmem>>) target(%dma_start3A_187 : memref<10000x128xbf16, #tpu.memory_space<vmem_shared>>) offsets(%dma_start3A_184 : memref<80xi32, #tpu.memory_space<vmem>>) semaphore(%arg33 : memref<!tpu.dma_semaphore, #tpu.memory_space<semaphore_mem>>) {add = true}
    %scan3A_188 = arith.constant 0 : i32
    %scan3A_189 = arith.constant 0 : i32
    %scan3A_190 = arith.constant 14 : i32
    %scan3A_191 = arith.addi %scan3A_189, %scan3A_190 : i32
    %scan3A_192 = arith.constant 1 : i32
    scf.for %scan3A_419 = %scan3A_189 to %scan3A_191 step %scan3A_192  : i32 {
      %mul3A_420 = arith.constant 8 : i32
      %mul3A_421 = arith.muli %mul3A_420, %scan3A_419 : i32
      %add3A_422 = arith.constant 7 : i32
      %add3A_423 = arith.addi %mul3A_421, %add3A_422 : i32
      %add3A_424 = arith.constant 0 : i32
      %add3A_425 = arith.addi %add3A_423, %add3A_424 : i32
      %sub3A = arith.constant 7 : i32
      %sub3A_426 = arith.subi %add3A_425, %sub3A : i32
      %dma_wait3A_427 = arith.constant 0 : i32
      %dma_wait3A_428 = tpu.memref_slice %arg8[%sub3A_426, %dma_wait3A_427] : memref<125x80xi32, #tpu.memory_space<vmem>> -> memref<1x80xi32, #tpu.memory_space<vmem>>
      %dma_wait3A_429 = tpu.memref_squeeze %dma_wait3A_428 : memref<1x80xi32, #tpu.memory_space<vmem>> -> memref<80xi32, #tpu.memory_space<vmem>>
      %dma_wait3A_430 = arith.constant 0 : i32
      %dma_wait3A_431 = arith.constant 0 : i32
      %dma_wait3A_432 = tpu.memref_slice %arg18[%dma_wait3A_430, %dma_wait3A_431] : memref<10000x128xbf16, #tpu.memory_space<vmem_shared>> -> memref<10000x128xbf16, #tpu.memory_space<vmem_shared>>
      tpu.wait_indirect_dma semaphore(%arg27 : memref<!tpu.dma_semaphore, #tpu.memory_space<semaphore_mem>>) src(%arg9 : memref<80x128xbf16, #tpu.memory_space<vmem>>) dst(%dma_wait3A_432 : memref<10000x128xbf16, #tpu.memory_space<vmem_shared>>)
      %add3A_433 = arith.constant 1 : i32
      %add3A_434 = arith.addi %add3A_425, %add3A_433 : i32
      %dma_start3A_435 = arith.constant 0 : i32
      %dma_start3A_436 = tpu.memref_slice %arg7[%add3A_434, %dma_start3A_435] : memref<128x80xi32, #tpu.memory_space<vmem>> -> memref<1x80xi32, #tpu.memory_space<vmem>>
      %dma_start3A_437 = tpu.memref_squeeze %dma_start3A_436 : memref<1x80xi32, #tpu.memory_space<vmem>> -> memref<80xi32, #tpu.memory_space<vmem>>
      %dma_start3A_438 = arith.constant 0 : i32
      %dma_start3A_439 = arith.constant 0 : i32
      %dma_start3A_440 = tpu.memref_slice %arg2[%dma_start3A_438, %dma_start3A_439] : memref<10000x128xbf16, #tpu.memory_space<hbm>> -> memref<10000x128xbf16, #tpu.memory_space<hbm>>
      tpu.enqueue_indirect_dma source(%dma_start3A_440 : memref<10000x128xbf16, #tpu.memory_space<hbm>>) target(%arg9 : memref<80x128xbf16, #tpu.memory_space<vmem>>) offsets(%dma_start3A_437 : memref<80xi32, #tpu.memory_space<vmem>>) semaphore(%arg19 : memref<!tpu.dma_semaphore, #tpu.memory_space<semaphore_mem>>)
      %dma_wait3A_441 = arith.constant 0 : i32
      %dma_wait3A_442 = tpu.memref_slice %arg7[%add3A_425, %dma_wait3A_441] : memref<128x80xi32, #tpu.memory_space<vmem>> -> memref<1x80xi32, #tpu.memory_space<vmem>>
      %dma_wait3A_443 = tpu.memref_squeeze %dma_wait3A_442 : memref<1x80xi32, #tpu.memory_space<vmem>> -> memref<80xi32, #tpu.memory_space<vmem>>
      %dma_wait3A_444 = arith.constant 0 : i32
      %dma_wait3A_445 = arith.constant 0 : i32
      %dma_wait3A_446 = tpu.memref_slice %arg2[%dma_wait3A_444, %dma_wait3A_445] : memref<10000x128xbf16, #tpu.memory_space<hbm>> -> memref<10000x128xbf16, #tpu.memory_space<hbm>>
      tpu.wait_indirect_dma semaphore(%arg26 : memref<!tpu.dma_semaphore, #tpu.memory_space<semaphore_mem>>) src(%dma_wait3A_446 : memref<10000x128xbf16, #tpu.memory_space<hbm>>) dst(%arg16 : memref<80x128xbf16, #tpu.memory_space<vmem>>)
      %dma_start3A_447 = arith.constant 0 : i32
      %dma_start3A_448 = tpu.memref_slice %arg8[%add3A_425, %dma_start3A_447] : memref<125x80xi32, #tpu.memory_space<vmem>> -> memref<1x80xi32, #tpu.memory_space<vmem>>
      %dma_start3A_449 = tpu.memref_squeeze %dma_start3A_448 : memref<1x80xi32, #tpu.memory_space<vmem>> -> memref<80xi32, #tpu.memory_space<vmem>>
      %dma_start3A_450 = arith.constant 0 : i32
      %dma_start3A_451 = arith.constant 0 : i32
      %dma_start3A_452 = tpu.memref_slice %arg18[%dma_start3A_450, %dma_start3A_451] : memref<10000x128xbf16, #tpu.memory_space<vmem_shared>> -> memref<10000x128xbf16, #tpu.memory_space<vmem_shared>>
      tpu.enqueue_indirect_dma source(%arg16 : memref<80x128xbf16, #tpu.memory_space<vmem>>) target(%dma_start3A_452 : memref<10000x128xbf16, #tpu.memory_space<vmem_shared>>) offsets(%dma_start3A_449 : memref<80xi32, #tpu.memory_space<vmem>>) semaphore(%arg34 : memref<!tpu.dma_semaphore, #tpu.memory_space<semaphore_mem>>) {add = true}
      %mul3A_453 = arith.constant 8 : i32
      %mul3A_454 = arith.muli %mul3A_453, %scan3A_419 : i32
      %add3A_455 = arith.constant 7 : i32
      %add3A_456 = arith.addi %mul3A_454, %add3A_455 : i32
      %add3A_457 = arith.constant 1 : i32
      %add3A_458 = arith.addi %add3A_456, %add3A_457 : i32
      %sub3A_459 = arith.constant 7 : i32
      %sub3A_460 = arith.subi %add3A_458, %sub3A_459 : i32
      %dma_wait3A_461 = arith.constant 0 : i32
      %dma_wait3A_462 = tpu.memref_slice %arg8[%sub3A_460, %dma_wait3A_461] : memref<125x80xi32, #tpu.memory_space<vmem>> -> memref<1x80xi32, #tpu.memory_space<vmem>>
      %dma_wait3A_463 = tpu.memref_squeeze %dma_wait3A_462 : memref<1x80xi32, #tpu.memory_space<vmem>> -> memref<80xi32, #tpu.memory_space<vmem>>
      %dma_wait3A_464 = arith.constant 0 : i32
      %dma_wait3A_465 = arith.constant 0 : i32
      %dma_wait3A_466 = tpu.memref_slice %arg18[%dma_wait3A_464, %dma_wait3A_465] : memref<10000x128xbf16, #tpu.memory_space<vmem_shared>> -> memref<10000x128xbf16, #tpu.memory_space<vmem_shared>>
      tpu.wait_indirect_dma semaphore(%arg28 : memref<!tpu.dma_semaphore, #tpu.memory_space<semaphore_mem>>) src(%arg10 : memref<80x128xbf16, #tpu.memory_space<vmem>>) dst(%dma_wait3A_466 : memref<10000x128xbf16, #tpu.memory_space<vmem_shared>>)
      %add3A_467 = arith.constant 1 : i32
      %add3A_468 = arith.addi %add3A_458, %add3A_467 : i32
      %dma_start3A_469 = arith.constant 0 : i32
      %dma_start3A_470 = tpu.memref_slice %arg7[%add3A_468, %dma_start3A_469] : memref<128x80xi32, #tpu.memory_space<vmem>> -> memref<1x80xi32, #tpu.memory_space<vmem>>
      %dma_start3A_471 = tpu.memref_squeeze %dma_start3A_470 : memref<1x80xi32, #tpu.memory_space<vmem>> -> memref<80xi32, #tpu.memory_space<vmem>>
      %dma_start3A_472 = arith.constant 0 : i32
      %dma_start3A_473 = arith.constant 0 : i32
      %dma_start3A_474 = tpu.memref_slice %arg2[%dma_start3A_472, %dma_start3A_473] : memref<10000x128xbf16, #tpu.memory_space<hbm>> -> memref<10000x128xbf16, #tpu.memory_space<hbm>>
      tpu.enqueue_indirect_dma source(%dma_start3A_474 : memref<10000x128xbf16, #tpu.memory_space<hbm>>) target(%arg10 : memref<80x128xbf16, #tpu.memory_space<vmem>>) offsets(%dma_start3A_471 : memref<80xi32, #tpu.memory_space<vmem>>) semaphore(%arg20 : memref<!tpu.dma_semaphore, #tpu.memory_space<semaphore_mem>>)
      %dma_wait3A_475 = arith.constant 0 : i32
      %dma_wait3A_476 = tpu.memref_slice %arg7[%add3A_458, %dma_wait3A_475] : memref<128x80xi32, #tpu.memory_space<vmem>> -> memref<1x80xi32, #tpu.memory_space<vmem>>
      %dma_wait3A_477 = tpu.memref_squeeze %dma_wait3A_476 : memref<1x80xi32, #tpu.memory_space<vmem>> -> memref<80xi32, #tpu.memory_space<vmem>>
      %dma_wait3A_478 = arith.constant 0 : i32
      %dma_wait3A_479 = arith.constant 0 : i32
      %dma_wait3A_480 = tpu.memref_slice %arg2[%dma_wait3A_478, %dma_wait3A_479] : memref<10000x128xbf16, #tpu.memory_space<hbm>> -> memref<10000x128xbf16, #tpu.memory_space<hbm>>
      tpu.wait_indirect_dma semaphore(%arg19 : memref<!tpu.dma_semaphore, #tpu.memory_space<semaphore_mem>>) src(%dma_wait3A_480 : memref<10000x128xbf16, #tpu.memory_space<hbm>>) dst(%arg9 : memref<80x128xbf16, #tpu.memory_space<vmem>>)
      %dma_start3A_481 = arith.constant 0 : i32
      %dma_start3A_482 = tpu.memref_slice %arg8[%add3A_458, %dma_start3A_481] : memref<125x80xi32, #tpu.memory_space<vmem>> -> memref<1x80xi32, #tpu.memory_space<vmem>>
      %dma_start3A_483 = tpu.memref_squeeze %dma_start3A_482 : memref<1x80xi32, #tpu.memory_space<vmem>> -> memref<80xi32, #tpu.memory_space<vmem>>
      %dma_start3A_484 = arith.constant 0 : i32
      %dma_start3A_485 = arith.constant 0 : i32
      %dma_start3A_486 = tpu.memref_slice %arg18[%dma_start3A_484, %dma_start3A_485] : memref<10000x128xbf16, #tpu.memory_space<vmem_shared>> -> memref<10000x128xbf16, #tpu.memory_space<vmem_shared>>
      tpu.enqueue_indirect_dma source(%arg9 : memref<80x128xbf16, #tpu.memory_space<vmem>>) target(%dma_start3A_486 : memref<10000x128xbf16, #tpu.memory_space<vmem_shared>>) offsets(%dma_start3A_483 : memref<80xi32, #tpu.memory_space<vmem>>) semaphore(%arg27 : memref<!tpu.dma_semaphore, #tpu.memory_space<semaphore_mem>>) {add = true}
      %mul3A_487 = arith.constant 8 : i32
      %mul3A_488 = arith.muli %mul3A_487, %scan3A_419 : i32
      %add3A_489 = arith.constant 7 : i32
      %add3A_490 = arith.addi %mul3A_488, %add3A_489 : i32
      %add3A_491 = arith.constant 2 : i32
      %add3A_492 = arith.addi %add3A_490, %add3A_491 : i32
      %sub3A_493 = arith.constant 7 : i32
      %sub3A_494 = arith.subi %add3A_492, %sub3A_493 : i32
      %dma_wait3A_495 = arith.constant 0 : i32
      %dma_wait3A_496 = tpu.memref_slice %arg8[%sub3A_494, %dma_wait3A_495] : memref<125x80xi32, #tpu.memory_space<vmem>> -> memref<1x80xi32, #tpu.memory_space<vmem>>
      %dma_wait3A_497 = tpu.memref_squeeze %dma_wait3A_496 : memref<1x80xi32, #tpu.memory_space<vmem>> -> memref<80xi32, #tpu.memory_space<vmem>>
      %dma_wait3A_498 = arith.constant 0 : i32
      %dma_wait3A_499 = arith.constant 0 : i32
      %dma_wait3A_500 = tpu.memref_slice %arg18[%dma_wait3A_498, %dma_wait3A_499] : memref<10000x128xbf16, #tpu.memory_space<vmem_shared>> -> memref<10000x128xbf16, #tpu.memory_space<vmem_shared>>
      tpu.wait_indirect_dma semaphore(%arg29 : memref<!tpu.dma_semaphore, #tpu.memory_space<semaphore_mem>>) src(%arg11 : memref<80x128xbf16, #tpu.memory_space<vmem>>) dst(%dma_wait3A_500 : memref<10000x128xbf16, #tpu.memory_space<vmem_shared>>)
      %add3A_501 = arith.constant 1 : i32
      %add3A_502 = arith.addi %add3A_492, %add3A_501 : i32
      %dma_start3A_503 = arith.constant 0 : i32
      %dma_start3A_504 = tpu.memref_slice %arg7[%add3A_502, %dma_start3A_503] : memref<128x80xi32, #tpu.memory_space<vmem>> -> memref<1x80xi32, #tpu.memory_space<vmem>>
      %dma_start3A_505 = tpu.memref_squeeze %dma_start3A_504 : memref<1x80xi32, #tpu.memory_space<vmem>> -> memref<80xi32, #tpu.memory_space<vmem>>
      %dma_start3A_506 = arith.constant 0 : i32
      %dma_start3A_507 = arith.constant 0 : i32
      %dma_start3A_508 = tpu.memref_slice %arg2[%dma_start3A_506, %dma_start3A_507] : memref<10000x128xbf16, #tpu.memory_space<hbm>> -> memref<10000x128xbf16, #tpu.memory_space<hbm>>
      tpu.enqueue_indirect_dma source(%dma_start3A_508 : memref<10000x128xbf16, #tpu.memory_space<hbm>>) target(%arg11 : memref<80x128xbf16, #tpu.memory_space<vmem>>) offsets(%dma_start3A_505 : memref<80xi32, #tpu.memory_space<vmem>>) semaphore(%arg21 : memref<!tpu.dma_semaphore, #tpu.memory_space<semaphore_mem>>)
      %dma_wait3A_509 = arith.constant 0 : i32
      %dma_wait3A_510 = tpu.memref_slice %arg7[%add3A_492, %dma_wait3A_509] : memref<128x80xi32, #tpu.memory_space<vmem>> -> memref<1x80xi32, #tpu.memory_space<vmem>>
      %dma_wait3A_511 = tpu.memref_squeeze %dma_wait3A_510 : memref<1x80xi32, #tpu.memory_space<vmem>> -> memref<80xi32, #tpu.memory_space<vmem>>
      %dma_wait3A_512 = arith.constant 0 : i32
      %dma_wait3A_513 = arith.constant 0 : i32
      %dma_wait3A_514 = tpu.memref_slice %arg2[%dma_wait3A_512, %dma_wait3A_513] : memref<10000x128xbf16, #tpu.memory_space<hbm>> -> memref<10000x128xbf16, #tpu.memory_space<hbm>>
      tpu.wait_indirect_dma semaphore(%arg20 : memref<!tpu.dma_semaphore, #tpu.memory_space<semaphore_mem>>) src(%dma_wait3A_514 : memref<10000x128xbf16, #tpu.memory_space<hbm>>) dst(%arg10 : memref<80x128xbf16, #tpu.memory_space<vmem>>)
      %dma_start3A_515 = arith.constant 0 : i32
      %dma_start3A_516 = tpu.memref_slice %arg8[%add3A_492, %dma_start3A_515] : memref<125x80xi32, #tpu.memory_space<vmem>> -> memref<1x80xi32, #tpu.memory_space<vmem>>
      %dma_start3A_517 = tpu.memref_squeeze %dma_start3A_516 : memref<1x80xi32, #tpu.memory_space<vmem>> -> memref<80xi32, #tpu.memory_space<vmem>>
      %dma_start3A_518 = arith.constant 0 : i32
      %dma_start3A_519 = arith.constant 0 : i32
      %dma_start3A_520 = tpu.memref_slice %arg18[%dma_start3A_518, %dma_start3A_519] : memref<10000x128xbf16, #tpu.memory_space<vmem_shared>> -> memref<10000x128xbf16, #tpu.memory_space<vmem_shared>>
      tpu.enqueue_indirect_dma source(%arg10 : memref<80x128xbf16, #tpu.memory_space<vmem>>) target(%dma_start3A_520 : memref<10000x128xbf16, #tpu.memory_space<vmem_shared>>) offsets(%dma_start3A_517 : memref<80xi32, #tpu.memory_space<vmem>>) semaphore(%arg28 : memref<!tpu.dma_semaphore, #tpu.memory_space<semaphore_mem>>) {add = true}
      %mul3A_521 = arith.constant 8 : i32
      %mul3A_522 = arith.muli %mul3A_521, %scan3A_419 : i32
      %add3A_523 = arith.constant 7 : i32
      %add3A_524 = arith.addi %mul3A_522, %add3A_523 : i32
      %add3A_525 = arith.constant 3 : i32
      %add3A_526 = arith.addi %add3A_524, %add3A_525 : i32
      %sub3A_527 = arith.constant 7 : i32
      %sub3A_528 = arith.subi %add3A_526, %sub3A_527 : i32
      %dma_wait3A_529 = arith.constant 0 : i32
      %dma_wait3A_530 = tpu.memref_slice %arg8[%sub3A_528, %dma_wait3A_529] : memref<125x80xi32, #tpu.memory_space<vmem>> -> memref<1x80xi32, #tpu.memory_space<vmem>>
      %dma_wait3A_531 = tpu.memref_squeeze %dma_wait3A_530 : memref<1x80xi32, #tpu.memory_space<vmem>> -> memref<80xi32, #tpu.memory_space<vmem>>
      %dma_wait3A_532 = arith.constant 0 : i32
      %dma_wait3A_533 = arith.constant 0 : i32
      %dma_wait3A_534 = tpu.memref_slice %arg18[%dma_wait3A_532, %dma_wait3A_533] : memref<10000x128xbf16, #tpu.memory_space<vmem_shared>> -> memref<10000x128xbf16, #tpu.memory_space<vmem_shared>>
      tpu.wait_indirect_dma semaphore(%arg30 : memref<!tpu.dma_semaphore, #tpu.memory_space<semaphore_mem>>) src(%arg12 : memref<80x128xbf16, #tpu.memory_space<vmem>>) dst(%dma_wait3A_534 : memref<10000x128xbf16, #tpu.memory_space<vmem_shared>>)
      %add3A_535 = arith.constant 1 : i32
      %add3A_536 = arith.addi %add3A_526, %add3A_535 : i32
      %dma_start3A_537 = arith.constant 0 : i32
      %dma_start3A_538 = tpu.memref_slice %arg7[%add3A_536, %dma_start3A_537] : memref<128x80xi32, #tpu.memory_space<vmem>> -> memref<1x80xi32, #tpu.memory_space<vmem>>
      %dma_start3A_539 = tpu.memref_squeeze %dma_start3A_538 : memref<1x80xi32, #tpu.memory_space<vmem>> -> memref<80xi32, #tpu.memory_space<vmem>>
      %dma_start3A_540 = arith.constant 0 : i32
      %dma_start3A_541 = arith.constant 0 : i32
      %dma_start3A_542 = tpu.memref_slice %arg2[%dma_start3A_540, %dma_start3A_541] : memref<10000x128xbf16, #tpu.memory_space<hbm>> -> memref<10000x128xbf16, #tpu.memory_space<hbm>>
      tpu.enqueue_indirect_dma source(%dma_start3A_542 : memref<10000x128xbf16, #tpu.memory_space<hbm>>) target(%arg12 : memref<80x128xbf16, #tpu.memory_space<vmem>>) offsets(%dma_start3A_539 : memref<80xi32, #tpu.memory_space<vmem>>) semaphore(%arg22 : memref<!tpu.dma_semaphore, #tpu.memory_space<semaphore_mem>>)
      %dma_wait3A_543 = arith.constant 0 : i32
      %dma_wait3A_544 = tpu.memref_slice %arg7[%add3A_526, %dma_wait3A_543] : memref<128x80xi32, #tpu.memory_space<vmem>> -> memref<1x80xi32, #tpu.memory_space<vmem>>
      %dma_wait3A_545 = tpu.memref_squeeze %dma_wait3A_544 : memref<1x80xi32, #tpu.memory_space<vmem>> -> memref<80xi32, #tpu.memory_space<vmem>>
      %dma_wait3A_546 = arith.constant 0 : i32
      %dma_wait3A_547 = arith.constant 0 : i32
      %dma_wait3A_548 = tpu.memref_slice %arg2[%dma_wait3A_546, %dma_wait3A_547] : memref<10000x128xbf16, #tpu.memory_space<hbm>> -> memref<10000x128xbf16, #tpu.memory_space<hbm>>
      tpu.wait_indirect_dma semaphore(%arg21 : memref<!tpu.dma_semaphore, #tpu.memory_space<semaphore_mem>>) src(%dma_wait3A_548 : memref<10000x128xbf16, #tpu.memory_space<hbm>>) dst(%arg11 : memref<80x128xbf16, #tpu.memory_space<vmem>>)
      %dma_start3A_549 = arith.constant 0 : i32
      %dma_start3A_550 = tpu.memref_slice %arg8[%add3A_526, %dma_start3A_549] : memref<125x80xi32, #tpu.memory_space<vmem>> -> memref<1x80xi32, #tpu.memory_space<vmem>>
      %dma_start3A_551 = tpu.memref_squeeze %dma_start3A_550 : memref<1x80xi32, #tpu.memory_space<vmem>> -> memref<80xi32, #tpu.memory_space<vmem>>
      %dma_start3A_552 = arith.constant 0 : i32
      %dma_start3A_553 = arith.constant 0 : i32
      %dma_start3A_554 = tpu.memref_slice %arg18[%dma_start3A_552, %dma_start3A_553] : memref<10000x128xbf16, #tpu.memory_space<vmem_shared>> -> memref<10000x128xbf16, #tpu.memory_space<vmem_shared>>
      tpu.enqueue_indirect_dma source(%arg11 : memref<80x128xbf16, #tpu.memory_space<vmem>>) target(%dma_start3A_554 : memref<10000x128xbf16, #tpu.memory_space<vmem_shared>>) offsets(%dma_start3A_551 : memref<80xi32, #tpu.memory_space<vmem>>) semaphore(%arg29 : memref<!tpu.dma_semaphore, #tpu.memory_space<semaphore_mem>>) {add = true}
      %mul3A_555 = arith.constant 8 : i32
      %mul3A_556 = arith.muli %mul3A_555, %scan3A_419 : i32
      %add3A_557 = arith.constant 7 : i32
      %add3A_558 = arith.addi %mul3A_556, %add3A_557 : i32
      %add3A_559 = arith.constant 4 : i32
      %add3A_560 = arith.addi %add3A_558, %add3A_559 : i32
      %sub3A_561 = arith.constant 7 : i32
      %sub3A_562 = arith.subi %add3A_560, %sub3A_561 : i32
      %dma_wait3A_563 = arith.constant 0 : i32
      %dma_wait3A_564 = tpu.memref_slice %arg8[%sub3A_562, %dma_wait3A_563] : memref<125x80xi32, #tpu.memory_space<vmem>> -> memref<1x80xi32, #tpu.memory_space<vmem>>
      %dma_wait3A_565 = tpu.memref_squeeze %dma_wait3A_564 : memref<1x80xi32, #tpu.memory_space<vmem>> -> memref<80xi32, #tpu.memory_space<vmem>>
      %dma_wait3A_566 = arith.constant 0 : i32
      %dma_wait3A_567 = arith.constant 0 : i32
      %dma_wait3A_568 = tpu.memref_slice %arg18[%dma_wait3A_566, %dma_wait3A_567] : memref<10000x128xbf16, #tpu.memory_space<vmem_shared>> -> memref<10000x128xbf16, #tpu.memory_space<vmem_shared>>
      tpu.wait_indirect_dma semaphore(%arg31 : memref<!tpu.dma_semaphore, #tpu.memory_space<semaphore_mem>>) src(%arg13 : memref<80x128xbf16, #tpu.memory_space<vmem>>) dst(%dma_wait3A_568 : memref<10000x128xbf16, #tpu.memory_space<vmem_shared>>)
      %add3A_569 = arith.constant 1 : i32
      %add3A_570 = arith.addi %add3A_560, %add3A_569 : i32
      %dma_start3A_571 = arith.constant 0 : i32
      %dma_start3A_572 = tpu.memref_slice %arg7[%add3A_570, %dma_start3A_571] : memref<128x80xi32, #tpu.memory_space<vmem>> -> memref<1x80xi32, #tpu.memory_space<vmem>>
      %dma_start3A_573 = tpu.memref_squeeze %dma_start3A_572 : memref<1x80xi32, #tpu.memory_space<vmem>> -> memref<80xi32, #tpu.memory_space<vmem>>
      %dma_start3A_574 = arith.constant 0 : i32
      %dma_start3A_575 = arith.constant 0 : i32
      %dma_start3A_576 = tpu.memref_slice %arg2[%dma_start3A_574, %dma_start3A_575] : memref<10000x128xbf16, #tpu.memory_space<hbm>> -> memref<10000x128xbf16, #tpu.memory_space<hbm>>
      tpu.enqueue_indirect_dma source(%dma_start3A_576 : memref<10000x128xbf16, #tpu.memory_space<hbm>>) target(%arg13 : memref<80x128xbf16, #tpu.memory_space<vmem>>) offsets(%dma_start3A_573 : memref<80xi32, #tpu.memory_space<vmem>>) semaphore(%arg23 : memref<!tpu.dma_semaphore, #tpu.memory_space<semaphore_mem>>)
      %dma_wait3A_577 = arith.constant 0 : i32
      %dma_wait3A_578 = tpu.memref_slice %arg7[%add3A_560, %dma_wait3A_577] : memref<128x80xi32, #tpu.memory_space<vmem>> -> memref<1x80xi32, #tpu.memory_space<vmem>>
      %dma_wait3A_579 = tpu.memref_squeeze %dma_wait3A_578 : memref<1x80xi32, #tpu.memory_space<vmem>> -> memref<80xi32, #tpu.memory_space<vmem>>
      %dma_wait3A_580 = arith.constant 0 : i32
      %dma_wait3A_581 = arith.constant 0 : i32
      %dma_wait3A_582 = tpu.memref_slice %arg2[%dma_wait3A_580, %dma_wait3A_581] : memref<10000x128xbf16, #tpu.memory_space<hbm>> -> memref<10000x128xbf16, #tpu.memory_space<hbm>>
      tpu.wait_indirect_dma semaphore(%arg22 : memref<!tpu.dma_semaphore, #tpu.memory_space<semaphore_mem>>) src(%dma_wait3A_582 : memref<10000x128xbf16, #tpu.memory_space<hbm>>) dst(%arg12 : memref<80x128xbf16, #tpu.memory_space<vmem>>)
      %dma_start3A_583 = arith.constant 0 : i32
      %dma_start3A_584 = tpu.memref_slice %arg8[%add3A_560, %dma_start3A_583] : memref<125x80xi32, #tpu.memory_space<vmem>> -> memref<1x80xi32, #tpu.memory_space<vmem>>
      %dma_start3A_585 = tpu.memref_squeeze %dma_start3A_584 : memref<1x80xi32, #tpu.memory_space<vmem>> -> memref<80xi32, #tpu.memory_space<vmem>>
      %dma_start3A_586 = arith.constant 0 : i32
      %dma_start3A_587 = arith.constant 0 : i32
      %dma_start3A_588 = tpu.memref_slice %arg18[%dma_start3A_586, %dma_start3A_587] : memref<10000x128xbf16, #tpu.memory_space<vmem_shared>> -> memref<10000x128xbf16, #tpu.memory_space<vmem_shared>>
      tpu.enqueue_indirect_dma source(%arg12 : memref<80x128xbf16, #tpu.memory_space<vmem>>) target(%dma_start3A_588 : memref<10000x128xbf16, #tpu.memory_space<vmem_shared>>) offsets(%dma_start3A_585 : memref<80xi32, #tpu.memory_space<vmem>>) semaphore(%arg30 : memref<!tpu.dma_semaphore, #tpu.memory_space<semaphore_mem>>) {add = true}
      %mul3A_589 = arith.constant 8 : i32
      %mul3A_590 = arith.muli %mul3A_589, %scan3A_419 : i32
      %add3A_591 = arith.constant 7 : i32
      %add3A_592 = arith.addi %mul3A_590, %add3A_591 : i32
      %add3A_593 = arith.constant 5 : i32
      %add3A_594 = arith.addi %add3A_592, %add3A_593 : i32
      %sub3A_595 = arith.constant 7 : i32
      %sub3A_596 = arith.subi %add3A_594, %sub3A_595 : i32
      %dma_wait3A_597 = arith.constant 0 : i32
      %dma_wait3A_598 = tpu.memref_slice %arg8[%sub3A_596, %dma_wait3A_597] : memref<125x80xi32, #tpu.memory_space<vmem>> -> memref<1x80xi32, #tpu.memory_space<vmem>>
      %dma_wait3A_599 = tpu.memref_squeeze %dma_wait3A_598 : memref<1x80xi32, #tpu.memory_space<vmem>> -> memref<80xi32, #tpu.memory_space<vmem>>
      %dma_wait3A_600 = arith.constant 0 : i32
      %dma_wait3A_601 = arith.constant 0 : i32
      %dma_wait3A_602 = tpu.memref_slice %arg18[%dma_wait3A_600, %dma_wait3A_601] : memref<10000x128xbf16, #tpu.memory_space<vmem_shared>> -> memref<10000x128xbf16, #tpu.memory_space<vmem_shared>>
      tpu.wait_indirect_dma semaphore(%arg32 : memref<!tpu.dma_semaphore, #tpu.memory_space<semaphore_mem>>) src(%arg14 : memref<80x128xbf16, #tpu.memory_space<vmem>>) dst(%dma_wait3A_602 : memref<10000x128xbf16, #tpu.memory_space<vmem_shared>>)
      %add3A_603 = arith.constant 1 : i32
      %add3A_604 = arith.addi %add3A_594, %add3A_603 : i32
      %dma_start3A_605 = arith.constant 0 : i32
      %dma_start3A_606 = tpu.memref_slice %arg7[%add3A_604, %dma_start3A_605] : memref<128x80xi32, #tpu.memory_space<vmem>> -> memref<1x80xi32, #tpu.memory_space<vmem>>
      %dma_start3A_607 = tpu.memref_squeeze %dma_start3A_606 : memref<1x80xi32, #tpu.memory_space<vmem>> -> memref<80xi32, #tpu.memory_space<vmem>>
      %dma_start3A_608 = arith.constant 0 : i32
      %dma_start3A_609 = arith.constant 0 : i32
      %dma_start3A_610 = tpu.memref_slice %arg2[%dma_start3A_608, %dma_start3A_609] : memref<10000x128xbf16, #tpu.memory_space<hbm>> -> memref<10000x128xbf16, #tpu.memory_space<hbm>>
      tpu.enqueue_indirect_dma source(%dma_start3A_610 : memref<10000x128xbf16, #tpu.memory_space<hbm>>) target(%arg14 : memref<80x128xbf16, #tpu.memory_space<vmem>>) offsets(%dma_start3A_607 : memref<80xi32, #tpu.memory_space<vmem>>) semaphore(%arg24 : memref<!tpu.dma_semaphore, #tpu.memory_space<semaphore_mem>>)
      %dma_wait3A_611 = arith.constant 0 : i32
      %dma_wait3A_612 = tpu.memref_slice %arg7[%add3A_594, %dma_wait3A_611] : memref<128x80xi32, #tpu.memory_space<vmem>> -> memref<1x80xi32, #tpu.memory_space<vmem>>
      %dma_wait3A_613 = tpu.memref_squeeze %dma_wait3A_612 : memref<1x80xi32, #tpu.memory_space<vmem>> -> memref<80xi32, #tpu.memory_space<vmem>>
      %dma_wait3A_614 = arith.constant 0 : i32
      %dma_wait3A_615 = arith.constant 0 : i32
      %dma_wait3A_616 = tpu.memref_slice %arg2[%dma_wait3A_614, %dma_wait3A_615] : memref<10000x128xbf16, #tpu.memory_space<hbm>> -> memref<10000x128xbf16, #tpu.memory_space<hbm>>
      tpu.wait_indirect_dma semaphore(%arg23 : memref<!tpu.dma_semaphore, #tpu.memory_space<semaphore_mem>>) src(%dma_wait3A_616 : memref<10000x128xbf16, #tpu.memory_space<hbm>>) dst(%arg13 : memref<80x128xbf16, #tpu.memory_space<vmem>>)
      %dma_start3A_617 = arith.constant 0 : i32
      %dma_start3A_618 = tpu.memref_slice %arg8[%add3A_594, %dma_start3A_617] : memref<125x80xi32, #tpu.memory_space<vmem>> -> memref<1x80xi32, #tpu.memory_space<vmem>>
      %dma_start3A_619 = tpu.memref_squeeze %dma_start3A_618 : memref<1x80xi32, #tpu.memory_space<vmem>> -> memref<80xi32, #tpu.memory_space<vmem>>
      %dma_start3A_620 = arith.constant 0 : i32
      %dma_start3A_621 = arith.constant 0 : i32
      %dma_start3A_622 = tpu.memref_slice %arg18[%dma_start3A_620, %dma_start3A_621] : memref<10000x128xbf16, #tpu.memory_space<vmem_shared>> -> memref<10000x128xbf16, #tpu.memory_space<vmem_shared>>
      tpu.enqueue_indirect_dma source(%arg13 : memref<80x128xbf16, #tpu.memory_space<vmem>>) target(%dma_start3A_622 : memref<10000x128xbf16, #tpu.memory_space<vmem_shared>>) offsets(%dma_start3A_619 : memref<80xi32, #tpu.memory_space<vmem>>) semaphore(%arg31 : memref<!tpu.dma_semaphore, #tpu.memory_space<semaphore_mem>>) {add = true}
      %mul3A_623 = arith.constant 8 : i32
      %mul3A_624 = arith.muli %mul3A_623, %scan3A_419 : i32
      %add3A_625 = arith.constant 7 : i32
      %add3A_626 = arith.addi %mul3A_624, %add3A_625 : i32
      %add3A_627 = arith.constant 6 : i32
      %add3A_628 = arith.addi %add3A_626, %add3A_627 : i32
      %sub3A_629 = arith.constant 7 : i32
      %sub3A_630 = arith.subi %add3A_628, %sub3A_629 : i32
      %dma_wait3A_631 = arith.constant 0 : i32
      %dma_wait3A_632 = tpu.memref_slice %arg8[%sub3A_630, %dma_wait3A_631] : memref<125x80xi32, #tpu.memory_space<vmem>> -> memref<1x80xi32, #tpu.memory_space<vmem>>
      %dma_wait3A_633 = tpu.memref_squeeze %dma_wait3A_632 : memref<1x80xi32, #tpu.memory_space<vmem>> -> memref<80xi32, #tpu.memory_space<vmem>>
      %dma_wait3A_634 = arith.constant 0 : i32
      %dma_wait3A_635 = arith.constant 0 : i32
      %dma_wait3A_636 = tpu.memref_slice %arg18[%dma_wait3A_634, %dma_wait3A_635] : memref<10000x128xbf16, #tpu.memory_space<vmem_shared>> -> memref<10000x128xbf16, #tpu.memory_space<vmem_shared>>
      tpu.wait_indirect_dma semaphore(%arg33 : memref<!tpu.dma_semaphore, #tpu.memory_space<semaphore_mem>>) src(%arg15 : memref<80x128xbf16, #tpu.memory_space<vmem>>) dst(%dma_wait3A_636 : memref<10000x128xbf16, #tpu.memory_space<vmem_shared>>)
      %add3A_637 = arith.constant 1 : i32
      %add3A_638 = arith.addi %add3A_628, %add3A_637 : i32
      %dma_start3A_639 = arith.constant 0 : i32
      %dma_start3A_640 = tpu.memref_slice %arg7[%add3A_638, %dma_start3A_639] : memref<128x80xi32, #tpu.memory_space<vmem>> -> memref<1x80xi32, #tpu.memory_space<vmem>>
      %dma_start3A_641 = tpu.memref_squeeze %dma_start3A_640 : memref<1x80xi32, #tpu.memory_space<vmem>> -> memref<80xi32, #tpu.memory_space<vmem>>
      %dma_start3A_642 = arith.constant 0 : i32
      %dma_start3A_643 = arith.constant 0 : i32
      %dma_start3A_644 = tpu.memref_slice %arg2[%dma_start3A_642, %dma_start3A_643] : memref<10000x128xbf16, #tpu.memory_space<hbm>> -> memref<10000x128xbf16, #tpu.memory_space<hbm>>
      tpu.enqueue_indirect_dma source(%dma_start3A_644 : memref<10000x128xbf16, #tpu.memory_space<hbm>>) target(%arg15 : memref<80x128xbf16, #tpu.memory_space<vmem>>) offsets(%dma_start3A_641 : memref<80xi32, #tpu.memory_space<vmem>>) semaphore(%arg25 : memref<!tpu.dma_semaphore, #tpu.memory_space<semaphore_mem>>)
      %dma_wait3A_645 = arith.constant 0 : i32
      %dma_wait3A_646 = tpu.memref_slice %arg7[%add3A_628, %dma_wait3A_645] : memref<128x80xi32, #tpu.memory_space<vmem>> -> memref<1x80xi32, #tpu.memory_space<vmem>>
      %dma_wait3A_647 = tpu.memref_squeeze %dma_wait3A_646 : memref<1x80xi32, #tpu.memory_space<vmem>> -> memref<80xi32, #tpu.memory_space<vmem>>
      %dma_wait3A_648 = arith.constant 0 : i32
      %dma_wait3A_649 = arith.constant 0 : i32
      %dma_wait3A_650 = tpu.memref_slice %arg2[%dma_wait3A_648, %dma_wait3A_649] : memref<10000x128xbf16, #tpu.memory_space<hbm>> -> memref<10000x128xbf16, #tpu.memory_space<hbm>>
      tpu.wait_indirect_dma semaphore(%arg24 : memref<!tpu.dma_semaphore, #tpu.memory_space<semaphore_mem>>) src(%dma_wait3A_650 : memref<10000x128xbf16, #tpu.memory_space<hbm>>) dst(%arg14 : memref<80x128xbf16, #tpu.memory_space<vmem>>)
      %dma_start3A_651 = arith.constant 0 : i32
      %dma_start3A_652 = tpu.memref_slice %arg8[%add3A_628, %dma_start3A_651] : memref<125x80xi32, #tpu.memory_space<vmem>> -> memref<1x80xi32, #tpu.memory_space<vmem>>
      %dma_start3A_653 = tpu.memref_squeeze %dma_start3A_652 : memref<1x80xi32, #tpu.memory_space<vmem>> -> memref<80xi32, #tpu.memory_space<vmem>>
      %dma_start3A_654 = arith.constant 0 : i32
      %dma_start3A_655 = arith.constant 0 : i32
      %dma_start3A_656 = tpu.memref_slice %arg18[%dma_start3A_654, %dma_start3A_655] : memref<10000x128xbf16, #tpu.memory_space<vmem_shared>> -> memref<10000x128xbf16, #tpu.memory_space<vmem_shared>>
      tpu.enqueue_indirect_dma source(%arg14 : memref<80x128xbf16, #tpu.memory_space<vmem>>) target(%dma_start3A_656 : memref<10000x128xbf16, #tpu.memory_space<vmem_shared>>) offsets(%dma_start3A_653 : memref<80xi32, #tpu.memory_space<vmem>>) semaphore(%arg32 : memref<!tpu.dma_semaphore, #tpu.memory_space<semaphore_mem>>) {add = true}
      %mul3A_657 = arith.constant 8 : i32
      %mul3A_658 = arith.muli %mul3A_657, %scan3A_419 : i32
      %add3A_659 = arith.constant 7 : i32
      %add3A_660 = arith.addi %mul3A_658, %add3A_659 : i32
      %add3A_661 = arith.constant 7 : i32
      %add3A_662 = arith.addi %add3A_660, %add3A_661 : i32
      %sub3A_663 = arith.constant 7 : i32
      %sub3A_664 = arith.subi %add3A_662, %sub3A_663 : i32
      %dma_wait3A_665 = arith.constant 0 : i32
      %dma_wait3A_666 = tpu.memref_slice %arg8[%sub3A_664, %dma_wait3A_665] : memref<125x80xi32, #tpu.memory_space<vmem>> -> memref<1x80xi32, #tpu.memory_space<vmem>>
      %dma_wait3A_667 = tpu.memref_squeeze %dma_wait3A_666 : memref<1x80xi32, #tpu.memory_space<vmem>> -> memref<80xi32, #tpu.memory_space<vmem>>
      %dma_wait3A_668 = arith.constant 0 : i32
      %dma_wait3A_669 = arith.constant 0 : i32
      %dma_wait3A_670 = tpu.memref_slice %arg18[%dma_wait3A_668, %dma_wait3A_669] : memref<10000x128xbf16, #tpu.memory_space<vmem_shared>> -> memref<10000x128xbf16, #tpu.memory_space<vmem_shared>>
      tpu.wait_indirect_dma semaphore(%arg34 : memref<!tpu.dma_semaphore, #tpu.memory_space<semaphore_mem>>) src(%arg16 : memref<80x128xbf16, #tpu.memory_space<vmem>>) dst(%dma_wait3A_670 : memref<10000x128xbf16, #tpu.memory_space<vmem_shared>>)
      %add3A_671 = arith.constant 1 : i32
      %add3A_672 = arith.addi %add3A_662, %add3A_671 : i32
      %dma_start3A_673 = arith.constant 0 : i32
      %dma_start3A_674 = tpu.memref_slice %arg7[%add3A_672, %dma_start3A_673] : memref<128x80xi32, #tpu.memory_space<vmem>> -> memref<1x80xi32, #tpu.memory_space<vmem>>
      %dma_start3A_675 = tpu.memref_squeeze %dma_start3A_674 : memref<1x80xi32, #tpu.memory_space<vmem>> -> memref<80xi32, #tpu.memory_space<vmem>>
      %dma_start3A_676 = arith.constant 0 : i32
      %dma_start3A_677 = arith.constant 0 : i32
      %dma_start3A_678 = tpu.memref_slice %arg2[%dma_start3A_676, %dma_start3A_677] : memref<10000x128xbf16, #tpu.memory_space<hbm>> -> memref<10000x128xbf16, #tpu.memory_space<hbm>>
      tpu.enqueue_indirect_dma source(%dma_start3A_678 : memref<10000x128xbf16, #tpu.memory_space<hbm>>) target(%arg16 : memref<80x128xbf16, #tpu.memory_space<vmem>>) offsets(%dma_start3A_675 : memref<80xi32, #tpu.memory_space<vmem>>) semaphore(%arg26 : memref<!tpu.dma_semaphore, #tpu.memory_space<semaphore_mem>>)
      %dma_wait3A_679 = arith.constant 0 : i32
      %dma_wait3A_680 = tpu.memref_slice %arg7[%add3A_662, %dma_wait3A_679] : memref<128x80xi32, #tpu.memory_space<vmem>> -> memref<1x80xi32, #tpu.memory_space<vmem>>
      %dma_wait3A_681 = tpu.memref_squeeze %dma_wait3A_680 : memref<1x80xi32, #tpu.memory_space<vmem>> -> memref<80xi32, #tpu.memory_space<vmem>>
      %dma_wait3A_682 = arith.constant 0 : i32
      %dma_wait3A_683 = arith.constant 0 : i32
      %dma_wait3A_684 = tpu.memref_slice %arg2[%dma_wait3A_682, %dma_wait3A_683] : memref<10000x128xbf16, #tpu.memory_space<hbm>> -> memref<10000x128xbf16, #tpu.memory_space<hbm>>
      tpu.wait_indirect_dma semaphore(%arg25 : memref<!tpu.dma_semaphore, #tpu.memory_space<semaphore_mem>>) src(%dma_wait3A_684 : memref<10000x128xbf16, #tpu.memory_space<hbm>>) dst(%arg15 : memref<80x128xbf16, #tpu.memory_space<vmem>>)
      %dma_start3A_685 = arith.constant 0 : i32
      %dma_start3A_686 = tpu.memref_slice %arg8[%add3A_662, %dma_start3A_685] : memref<125x80xi32, #tpu.memory_space<vmem>> -> memref<1x80xi32, #tpu.memory_space<vmem>>
      %dma_start3A_687 = tpu.memref_squeeze %dma_start3A_686 : memref<1x80xi32, #tpu.memory_space<vmem>> -> memref<80xi32, #tpu.memory_space<vmem>>
      %dma_start3A_688 = arith.constant 0 : i32
      %dma_start3A_689 = arith.constant 0 : i32
      %dma_start3A_690 = tpu.memref_slice %arg18[%dma_start3A_688, %dma_start3A_689] : memref<10000x128xbf16, #tpu.memory_space<vmem_shared>> -> memref<10000x128xbf16, #tpu.memory_space<vmem_shared>>
      tpu.enqueue_indirect_dma source(%arg15 : memref<80x128xbf16, #tpu.memory_space<vmem>>) target(%dma_start3A_690 : memref<10000x128xbf16, #tpu.memory_space<vmem_shared>>) offsets(%dma_start3A_687 : memref<80xi32, #tpu.memory_space<vmem>>) semaphore(%arg33 : memref<!tpu.dma_semaphore, #tpu.memory_space<semaphore_mem>>) {add = true}
    }
    %scan3A_193 = arith.constant 14 : i32
    %dma_wait3A_194 = arith.constant 112 : i32
    %dma_wait3A_195 = arith.constant 0 : i32
    %dma_wait3A_196 = tpu.memref_slice %arg8[%dma_wait3A_194, %dma_wait3A_195] : memref<125x80xi32, #tpu.memory_space<vmem>> -> memref<1x80xi32, #tpu.memory_space<vmem>>
    %dma_wait3A_197 = tpu.memref_squeeze %dma_wait3A_196 : memref<1x80xi32, #tpu.memory_space<vmem>> -> memref<80xi32, #tpu.memory_space<vmem>>
    %dma_wait3A_198 = arith.constant 0 : i32
    %dma_wait3A_199 = arith.constant 0 : i32
    %dma_wait3A_200 = tpu.memref_slice %arg18[%dma_wait3A_198, %dma_wait3A_199] : memref<10000x128xbf16, #tpu.memory_space<vmem_shared>> -> memref<10000x128xbf16, #tpu.memory_space<vmem_shared>>
    tpu.wait_indirect_dma semaphore(%arg27 : memref<!tpu.dma_semaphore, #tpu.memory_space<semaphore_mem>>) src(%arg9 : memref<80x128xbf16, #tpu.memory_space<vmem>>) dst(%dma_wait3A_200 : memref<10000x128xbf16, #tpu.memory_space<vmem_shared>>)
    %dma_start3A_201 = arith.constant 120 : i32
    %dma_start3A_202 = arith.constant 0 : i32
    %dma_start3A_203 = tpu.memref_slice %arg7[%dma_start3A_201, %dma_start3A_202] : memref<128x80xi32, #tpu.memory_space<vmem>> -> memref<1x80xi32, #tpu.memory_space<vmem>>
    %dma_start3A_204 = tpu.memref_squeeze %dma_start3A_203 : memref<1x80xi32, #tpu.memory_space<vmem>> -> memref<80xi32, #tpu.memory_space<vmem>>
    %dma_start3A_205 = arith.constant 0 : i32
    %dma_start3A_206 = arith.constant 0 : i32
    %dma_start3A_207 = tpu.memref_slice %arg2[%dma_start3A_205, %dma_start3A_206] : memref<10000x128xbf16, #tpu.memory_space<hbm>> -> memref<10000x128xbf16, #tpu.memory_space<hbm>>
    tpu.enqueue_indirect_dma source(%dma_start3A_207 : memref<10000x128xbf16, #tpu.memory_space<hbm>>) target(%arg9 : memref<80x128xbf16, #tpu.memory_space<vmem>>) offsets(%dma_start3A_204 : memref<80xi32, #tpu.memory_space<vmem>>) semaphore(%arg19 : memref<!tpu.dma_semaphore, #tpu.memory_space<semaphore_mem>>)
    %dma_wait3A_208 = arith.constant 119 : i32
    %dma_wait3A_209 = arith.constant 0 : i32
    %dma_wait3A_210 = tpu.memref_slice %arg7[%dma_wait3A_208, %dma_wait3A_209] : memref<128x80xi32, #tpu.memory_space<vmem>> -> memref<1x80xi32, #tpu.memory_space<vmem>>
    %dma_wait3A_211 = tpu.memref_squeeze %dma_wait3A_210 : memref<1x80xi32, #tpu.memory_space<vmem>> -> memref<80xi32, #tpu.memory_space<vmem>>
    %dma_wait3A_212 = arith.constant 0 : i32
    %dma_wait3A_213 = arith.constant 0 : i32
    %dma_wait3A_214 = tpu.memref_slice %arg2[%dma_wait3A_212, %dma_wait3A_213] : memref<10000x128xbf16, #tpu.memory_space<hbm>> -> memref<10000x128xbf16, #tpu.memory_space<hbm>>
    tpu.wait_indirect_dma semaphore(%arg26 : memref<!tpu.dma_semaphore, #tpu.memory_space<semaphore_mem>>) src(%dma_wait3A_214 : memref<10000x128xbf16, #tpu.memory_space<hbm>>) dst(%arg16 : memref<80x128xbf16, #tpu.memory_space<vmem>>)
    %dma_start3A_215 = arith.constant 119 : i32
    %dma_start3A_216 = arith.constant 0 : i32
    %dma_start3A_217 = tpu.memref_slice %arg8[%dma_start3A_215, %dma_start3A_216] : memref<125x80xi32, #tpu.memory_space<vmem>> -> memref<1x80xi32, #tpu.memory_space<vmem>>
    %dma_start3A_218 = tpu.memref_squeeze %dma_start3A_217 : memref<1x80xi32, #tpu.memory_space<vmem>> -> memref<80xi32, #tpu.memory_space<vmem>>
    %dma_start3A_219 = arith.constant 0 : i32
    %dma_start3A_220 = arith.constant 0 : i32
    %dma_start3A_221 = tpu.memref_slice %arg18[%dma_start3A_219, %dma_start3A_220] : memref<10000x128xbf16, #tpu.memory_space<vmem_shared>> -> memref<10000x128xbf16, #tpu.memory_space<vmem_shared>>
    tpu.enqueue_indirect_dma source(%arg16 : memref<80x128xbf16, #tpu.memory_space<vmem>>) target(%dma_start3A_221 : memref<10000x128xbf16, #tpu.memory_space<vmem_shared>>) offsets(%dma_start3A_218 : memref<80xi32, #tpu.memory_space<vmem>>) semaphore(%arg34 : memref<!tpu.dma_semaphore, #tpu.memory_space<semaphore_mem>>) {add = true}
    %dma_wait3A_222 = arith.constant 113 : i32
    %dma_wait3A_223 = arith.constant 0 : i32
    %dma_wait3A_224 = tpu.memref_slice %arg8[%dma_wait3A_222, %dma_wait3A_223] : memref<125x80xi32, #tpu.memory_space<vmem>> -> memref<1x80xi32, #tpu.memory_space<vmem>>
    %dma_wait3A_225 = tpu.memref_squeeze %dma_wait3A_224 : memref<1x80xi32, #tpu.memory_space<vmem>> -> memref<80xi32, #tpu.memory_space<vmem>>
    %dma_wait3A_226 = arith.constant 0 : i32
    %dma_wait3A_227 = arith.constant 0 : i32
    %dma_wait3A_228 = tpu.memref_slice %arg18[%dma_wait3A_226, %dma_wait3A_227] : memref<10000x128xbf16, #tpu.memory_space<vmem_shared>> -> memref<10000x128xbf16, #tpu.memory_space<vmem_shared>>
    tpu.wait_indirect_dma semaphore(%arg28 : memref<!tpu.dma_semaphore, #tpu.memory_space<semaphore_mem>>) src(%arg10 : memref<80x128xbf16, #tpu.memory_space<vmem>>) dst(%dma_wait3A_228 : memref<10000x128xbf16, #tpu.memory_space<vmem_shared>>)
    %dma_start3A_229 = arith.constant 121 : i32
    %dma_start3A_230 = arith.constant 0 : i32
    %dma_start3A_231 = tpu.memref_slice %arg7[%dma_start3A_229, %dma_start3A_230] : memref<128x80xi32, #tpu.memory_space<vmem>> -> memref<1x80xi32, #tpu.memory_space<vmem>>
    %dma_start3A_232 = tpu.memref_squeeze %dma_start3A_231 : memref<1x80xi32, #tpu.memory_space<vmem>> -> memref<80xi32, #tpu.memory_space<vmem>>
    %dma_start3A_233 = arith.constant 0 : i32
    %dma_start3A_234 = arith.constant 0 : i32
    %dma_start3A_235 = tpu.memref_slice %arg2[%dma_start3A_233, %dma_start3A_234] : memref<10000x128xbf16, #tpu.memory_space<hbm>> -> memref<10000x128xbf16, #tpu.memory_space<hbm>>
    tpu.enqueue_indirect_dma source(%dma_start3A_235 : memref<10000x128xbf16, #tpu.memory_space<hbm>>) target(%arg10 : memref<80x128xbf16, #tpu.memory_space<vmem>>) offsets(%dma_start3A_232 : memref<80xi32, #tpu.memory_space<vmem>>) semaphore(%arg20 : memref<!tpu.dma_semaphore, #tpu.memory_space<semaphore_mem>>)
    %dma_wait3A_236 = arith.constant 120 : i32
    %dma_wait3A_237 = arith.constant 0 : i32
    %dma_wait3A_238 = tpu.memref_slice %arg7[%dma_wait3A_236, %dma_wait3A_237] : memref<128x80xi32, #tpu.memory_space<vmem>> -> memref<1x80xi32, #tpu.memory_space<vmem>>
    %dma_wait3A_239 = tpu.memref_squeeze %dma_wait3A_238 : memref<1x80xi32, #tpu.memory_space<vmem>> -> memref<80xi32, #tpu.memory_space<vmem>>
    %dma_wait3A_240 = arith.constant 0 : i32
    %dma_wait3A_241 = arith.constant 0 : i32
    %dma_wait3A_242 = tpu.memref_slice %arg2[%dma_wait3A_240, %dma_wait3A_241] : memref<10000x128xbf16, #tpu.memory_space<hbm>> -> memref<10000x128xbf16, #tpu.memory_space<hbm>>
    tpu.wait_indirect_dma semaphore(%arg19 : memref<!tpu.dma_semaphore, #tpu.memory_space<semaphore_mem>>) src(%dma_wait3A_242 : memref<10000x128xbf16, #tpu.memory_space<hbm>>) dst(%arg9 : memref<80x128xbf16, #tpu.memory_space<vmem>>)
    %dma_start3A_243 = arith.constant 120 : i32
    %dma_start3A_244 = arith.constant 0 : i32
    %dma_start3A_245 = tpu.memref_slice %arg8[%dma_start3A_243, %dma_start3A_244] : memref<125x80xi32, #tpu.memory_space<vmem>> -> memref<1x80xi32, #tpu.memory_space<vmem>>
    %dma_start3A_246 = tpu.memref_squeeze %dma_start3A_245 : memref<1x80xi32, #tpu.memory_space<vmem>> -> memref<80xi32, #tpu.memory_space<vmem>>
    %dma_start3A_247 = arith.constant 0 : i32
    %dma_start3A_248 = arith.constant 0 : i32
    %dma_start3A_249 = tpu.memref_slice %arg18[%dma_start3A_247, %dma_start3A_248] : memref<10000x128xbf16, #tpu.memory_space<vmem_shared>> -> memref<10000x128xbf16, #tpu.memory_space<vmem_shared>>
    tpu.enqueue_indirect_dma source(%arg9 : memref<80x128xbf16, #tpu.memory_space<vmem>>) target(%dma_start3A_249 : memref<10000x128xbf16, #tpu.memory_space<vmem_shared>>) offsets(%dma_start3A_246 : memref<80xi32, #tpu.memory_space<vmem>>) semaphore(%arg27 : memref<!tpu.dma_semaphore, #tpu.memory_space<semaphore_mem>>) {add = true}
    %dma_wait3A_250 = arith.constant 114 : i32
    %dma_wait3A_251 = arith.constant 0 : i32
    %dma_wait3A_252 = tpu.memref_slice %arg8[%dma_wait3A_250, %dma_wait3A_251] : memref<125x80xi32, #tpu.memory_space<vmem>> -> memref<1x80xi32, #tpu.memory_space<vmem>>
    %dma_wait3A_253 = tpu.memref_squeeze %dma_wait3A_252 : memref<1x80xi32, #tpu.memory_space<vmem>> -> memref<80xi32, #tpu.memory_space<vmem>>
    %dma_wait3A_254 = arith.constant 0 : i32
    %dma_wait3A_255 = arith.constant 0 : i32
    %dma_wait3A_256 = tpu.memref_slice %arg18[%dma_wait3A_254, %dma_wait3A_255] : memref<10000x128xbf16, #tpu.memory_space<vmem_shared>> -> memref<10000x128xbf16, #tpu.memory_space<vmem_shared>>
    tpu.wait_indirect_dma semaphore(%arg29 : memref<!tpu.dma_semaphore, #tpu.memory_space<semaphore_mem>>) src(%arg11 : memref<80x128xbf16, #tpu.memory_space<vmem>>) dst(%dma_wait3A_256 : memref<10000x128xbf16, #tpu.memory_space<vmem_shared>>)
    %dma_start3A_257 = arith.constant 122 : i32
    %dma_start3A_258 = arith.constant 0 : i32
    %dma_start3A_259 = tpu.memref_slice %arg7[%dma_start3A_257, %dma_start3A_258] : memref<128x80xi32, #tpu.memory_space<vmem>> -> memref<1x80xi32, #tpu.memory_space<vmem>>
    %dma_start3A_260 = tpu.memref_squeeze %dma_start3A_259 : memref<1x80xi32, #tpu.memory_space<vmem>> -> memref<80xi32, #tpu.memory_space<vmem>>
    %dma_start3A_261 = arith.constant 0 : i32
    %dma_start3A_262 = arith.constant 0 : i32
    %dma_start3A_263 = tpu.memref_slice %arg2[%dma_start3A_261, %dma_start3A_262] : memref<10000x128xbf16, #tpu.memory_space<hbm>> -> memref<10000x128xbf16, #tpu.memory_space<hbm>>
    tpu.enqueue_indirect_dma source(%dma_start3A_263 : memref<10000x128xbf16, #tpu.memory_space<hbm>>) target(%arg11 : memref<80x128xbf16, #tpu.memory_space<vmem>>) offsets(%dma_start3A_260 : memref<80xi32, #tpu.memory_space<vmem>>) semaphore(%arg21 : memref<!tpu.dma_semaphore, #tpu.memory_space<semaphore_mem>>)
    %dma_wait3A_264 = arith.constant 121 : i32
    %dma_wait3A_265 = arith.constant 0 : i32
    %dma_wait3A_266 = tpu.memref_slice %arg7[%dma_wait3A_264, %dma_wait3A_265] : memref<128x80xi32, #tpu.memory_space<vmem>> -> memref<1x80xi32, #tpu.memory_space<vmem>>
    %dma_wait3A_267 = tpu.memref_squeeze %dma_wait3A_266 : memref<1x80xi32, #tpu.memory_space<vmem>> -> memref<80xi32, #tpu.memory_space<vmem>>
    %dma_wait3A_268 = arith.constant 0 : i32
    %dma_wait3A_269 = arith.constant 0 : i32
    %dma_wait3A_270 = tpu.memref_slice %arg2[%dma_wait3A_268, %dma_wait3A_269] : memref<10000x128xbf16, #tpu.memory_space<hbm>> -> memref<10000x128xbf16, #tpu.memory_space<hbm>>
    tpu.wait_indirect_dma semaphore(%arg20 : memref<!tpu.dma_semaphore, #tpu.memory_space<semaphore_mem>>) src(%dma_wait3A_270 : memref<10000x128xbf16, #tpu.memory_space<hbm>>) dst(%arg10 : memref<80x128xbf16, #tpu.memory_space<vmem>>)
    %dma_start3A_271 = arith.constant 121 : i32
    %dma_start3A_272 = arith.constant 0 : i32
    %dma_start3A_273 = tpu.memref_slice %arg8[%dma_start3A_271, %dma_start3A_272] : memref<125x80xi32, #tpu.memory_space<vmem>> -> memref<1x80xi32, #tpu.memory_space<vmem>>
    %dma_start3A_274 = tpu.memref_squeeze %dma_start3A_273 : memref<1x80xi32, #tpu.memory_space<vmem>> -> memref<80xi32, #tpu.memory_space<vmem>>
    %dma_start3A_275 = arith.constant 0 : i32
    %dma_start3A_276 = arith.constant 0 : i32
    %dma_start3A_277 = tpu.memref_slice %arg18[%dma_start3A_275, %dma_start3A_276] : memref<10000x128xbf16, #tpu.memory_space<vmem_shared>> -> memref<10000x128xbf16, #tpu.memory_space<vmem_shared>>
    tpu.enqueue_indirect_dma source(%arg10 : memref<80x128xbf16, #tpu.memory_space<vmem>>) target(%dma_start3A_277 : memref<10000x128xbf16, #tpu.memory_space<vmem_shared>>) offsets(%dma_start3A_274 : memref<80xi32, #tpu.memory_space<vmem>>) semaphore(%arg28 : memref<!tpu.dma_semaphore, #tpu.memory_space<semaphore_mem>>) {add = true}
    %dma_wait3A_278 = arith.constant 115 : i32
    %dma_wait3A_279 = arith.constant 0 : i32
    %dma_wait3A_280 = tpu.memref_slice %arg8[%dma_wait3A_278, %dma_wait3A_279] : memref<125x80xi32, #tpu.memory_space<vmem>> -> memref<1x80xi32, #tpu.memory_space<vmem>>
    %dma_wait3A_281 = tpu.memref_squeeze %dma_wait3A_280 : memref<1x80xi32, #tpu.memory_space<vmem>> -> memref<80xi32, #tpu.memory_space<vmem>>
    %dma_wait3A_282 = arith.constant 0 : i32
    %dma_wait3A_283 = arith.constant 0 : i32
    %dma_wait3A_284 = tpu.memref_slice %arg18[%dma_wait3A_282, %dma_wait3A_283] : memref<10000x128xbf16, #tpu.memory_space<vmem_shared>> -> memref<10000x128xbf16, #tpu.memory_space<vmem_shared>>
    tpu.wait_indirect_dma semaphore(%arg30 : memref<!tpu.dma_semaphore, #tpu.memory_space<semaphore_mem>>) src(%arg12 : memref<80x128xbf16, #tpu.memory_space<vmem>>) dst(%dma_wait3A_284 : memref<10000x128xbf16, #tpu.memory_space<vmem_shared>>)
    %dma_start3A_285 = arith.constant 123 : i32
    %dma_start3A_286 = arith.constant 0 : i32
    %dma_start3A_287 = tpu.memref_slice %arg7[%dma_start3A_285, %dma_start3A_286] : memref<128x80xi32, #tpu.memory_space<vmem>> -> memref<1x80xi32, #tpu.memory_space<vmem>>
    %dma_start3A_288 = tpu.memref_squeeze %dma_start3A_287 : memref<1x80xi32, #tpu.memory_space<vmem>> -> memref<80xi32, #tpu.memory_space<vmem>>
    %dma_start3A_289 = arith.constant 0 : i32
    %dma_start3A_290 = arith.constant 0 : i32
    %dma_start3A_291 = tpu.memref_slice %arg2[%dma_start3A_289, %dma_start3A_290] : memref<10000x128xbf16, #tpu.memory_space<hbm>> -> memref<10000x128xbf16, #tpu.memory_space<hbm>>
    tpu.enqueue_indirect_dma source(%dma_start3A_291 : memref<10000x128xbf16, #tpu.memory_space<hbm>>) target(%arg12 : memref<80x128xbf16, #tpu.memory_space<vmem>>) offsets(%dma_start3A_288 : memref<80xi32, #tpu.memory_space<vmem>>) semaphore(%arg22 : memref<!tpu.dma_semaphore, #tpu.memory_space<semaphore_mem>>)
    %dma_wait3A_292 = arith.constant 122 : i32
    %dma_wait3A_293 = arith.constant 0 : i32
    %dma_wait3A_294 = tpu.memref_slice %arg7[%dma_wait3A_292, %dma_wait3A_293] : memref<128x80xi32, #tpu.memory_space<vmem>> -> memref<1x80xi32, #tpu.memory_space<vmem>>
    %dma_wait3A_295 = tpu.memref_squeeze %dma_wait3A_294 : memref<1x80xi32, #tpu.memory_space<vmem>> -> memref<80xi32, #tpu.memory_space<vmem>>
    %dma_wait3A_296 = arith.constant 0 : i32
    %dma_wait3A_297 = arith.constant 0 : i32
    %dma_wait3A_298 = tpu.memref_slice %arg2[%dma_wait3A_296, %dma_wait3A_297] : memref<10000x128xbf16, #tpu.memory_space<hbm>> -> memref<10000x128xbf16, #tpu.memory_space<hbm>>
    tpu.wait_indirect_dma semaphore(%arg21 : memref<!tpu.dma_semaphore, #tpu.memory_space<semaphore_mem>>) src(%dma_wait3A_298 : memref<10000x128xbf16, #tpu.memory_space<hbm>>) dst(%arg11 : memref<80x128xbf16, #tpu.memory_space<vmem>>)
    %dma_start3A_299 = arith.constant 122 : i32
    %dma_start3A_300 = arith.constant 0 : i32
    %dma_start3A_301 = tpu.memref_slice %arg8[%dma_start3A_299, %dma_start3A_300] : memref<125x80xi32, #tpu.memory_space<vmem>> -> memref<1x80xi32, #tpu.memory_space<vmem>>
    %dma_start3A_302 = tpu.memref_squeeze %dma_start3A_301 : memref<1x80xi32, #tpu.memory_space<vmem>> -> memref<80xi32, #tpu.memory_space<vmem>>
    %dma_start3A_303 = arith.constant 0 : i32
    %dma_start3A_304 = arith.constant 0 : i32
    %dma_start3A_305 = tpu.memref_slice %arg18[%dma_start3A_303, %dma_start3A_304] : memref<10000x128xbf16, #tpu.memory_space<vmem_shared>> -> memref<10000x128xbf16, #tpu.memory_space<vmem_shared>>
    tpu.enqueue_indirect_dma source(%arg11 : memref<80x128xbf16, #tpu.memory_space<vmem>>) target(%dma_start3A_305 : memref<10000x128xbf16, #tpu.memory_space<vmem_shared>>) offsets(%dma_start3A_302 : memref<80xi32, #tpu.memory_space<vmem>>) semaphore(%arg29 : memref<!tpu.dma_semaphore, #tpu.memory_space<semaphore_mem>>) {add = true}
    %dma_wait3A_306 = arith.constant 116 : i32
    %dma_wait3A_307 = arith.constant 0 : i32
    %dma_wait3A_308 = tpu.memref_slice %arg8[%dma_wait3A_306, %dma_wait3A_307] : memref<125x80xi32, #tpu.memory_space<vmem>> -> memref<1x80xi32, #tpu.memory_space<vmem>>
    %dma_wait3A_309 = tpu.memref_squeeze %dma_wait3A_308 : memref<1x80xi32, #tpu.memory_space<vmem>> -> memref<80xi32, #tpu.memory_space<vmem>>
    %dma_wait3A_310 = arith.constant 0 : i32
    %dma_wait3A_311 = arith.constant 0 : i32
    %dma_wait3A_312 = tpu.memref_slice %arg18[%dma_wait3A_310, %dma_wait3A_311] : memref<10000x128xbf16, #tpu.memory_space<vmem_shared>> -> memref<10000x128xbf16, #tpu.memory_space<vmem_shared>>
    tpu.wait_indirect_dma semaphore(%arg31 : memref<!tpu.dma_semaphore, #tpu.memory_space<semaphore_mem>>) src(%arg13 : memref<80x128xbf16, #tpu.memory_space<vmem>>) dst(%dma_wait3A_312 : memref<10000x128xbf16, #tpu.memory_space<vmem_shared>>)
    %dma_start3A_313 = arith.constant 124 : i32
    %dma_start3A_314 = arith.constant 0 : i32
    %dma_start3A_315 = tpu.memref_slice %arg7[%dma_start3A_313, %dma_start3A_314] : memref<128x80xi32, #tpu.memory_space<vmem>> -> memref<1x80xi32, #tpu.memory_space<vmem>>
    %dma_start3A_316 = tpu.memref_squeeze %dma_start3A_315 : memref<1x80xi32, #tpu.memory_space<vmem>> -> memref<80xi32, #tpu.memory_space<vmem>>
    %dma_start3A_317 = arith.constant 0 : i32
    %dma_start3A_318 = arith.constant 0 : i32
    %dma_start3A_319 = tpu.memref_slice %arg2[%dma_start3A_317, %dma_start3A_318] : memref<10000x128xbf16, #tpu.memory_space<hbm>> -> memref<10000x128xbf16, #tpu.memory_space<hbm>>
    tpu.enqueue_indirect_dma source(%dma_start3A_319 : memref<10000x128xbf16, #tpu.memory_space<hbm>>) target(%arg13 : memref<80x128xbf16, #tpu.memory_space<vmem>>) offsets(%dma_start3A_316 : memref<80xi32, #tpu.memory_space<vmem>>) semaphore(%arg23 : memref<!tpu.dma_semaphore, #tpu.memory_space<semaphore_mem>>)
    %dma_wait3A_320 = arith.constant 123 : i32
    %dma_wait3A_321 = arith.constant 0 : i32
    %dma_wait3A_322 = tpu.memref_slice %arg7[%dma_wait3A_320, %dma_wait3A_321] : memref<128x80xi32, #tpu.memory_space<vmem>> -> memref<1x80xi32, #tpu.memory_space<vmem>>
    %dma_wait3A_323 = tpu.memref_squeeze %dma_wait3A_322 : memref<1x80xi32, #tpu.memory_space<vmem>> -> memref<80xi32, #tpu.memory_space<vmem>>
    %dma_wait3A_324 = arith.constant 0 : i32
    %dma_wait3A_325 = arith.constant 0 : i32
    %dma_wait3A_326 = tpu.memref_slice %arg2[%dma_wait3A_324, %dma_wait3A_325] : memref<10000x128xbf16, #tpu.memory_space<hbm>> -> memref<10000x128xbf16, #tpu.memory_space<hbm>>
    tpu.wait_indirect_dma semaphore(%arg22 : memref<!tpu.dma_semaphore, #tpu.memory_space<semaphore_mem>>) src(%dma_wait3A_326 : memref<10000x128xbf16, #tpu.memory_space<hbm>>) dst(%arg12 : memref<80x128xbf16, #tpu.memory_space<vmem>>)
    %dma_start3A_327 = arith.constant 123 : i32
    %dma_start3A_328 = arith.constant 0 : i32
    %dma_start3A_329 = tpu.memref_slice %arg8[%dma_start3A_327, %dma_start3A_328] : memref<125x80xi32, #tpu.memory_space<vmem>> -> memref<1x80xi32, #tpu.memory_space<vmem>>
    %dma_start3A_330 = tpu.memref_squeeze %dma_start3A_329 : memref<1x80xi32, #tpu.memory_space<vmem>> -> memref<80xi32, #tpu.memory_space<vmem>>
    %dma_start3A_331 = arith.constant 0 : i32
    %dma_start3A_332 = arith.constant 0 : i32
    %dma_start3A_333 = tpu.memref_slice %arg18[%dma_start3A_331, %dma_start3A_332] : memref<10000x128xbf16, #tpu.memory_space<vmem_shared>> -> memref<10000x128xbf16, #tpu.memory_space<vmem_shared>>
    tpu.enqueue_indirect_dma source(%arg12 : memref<80x128xbf16, #tpu.memory_space<vmem>>) target(%dma_start3A_333 : memref<10000x128xbf16, #tpu.memory_space<vmem_shared>>) offsets(%dma_start3A_330 : memref<80xi32, #tpu.memory_space<vmem>>) semaphore(%arg30 : memref<!tpu.dma_semaphore, #tpu.memory_space<semaphore_mem>>) {add = true}
    %dma_wait3A_334 = arith.constant 117 : i32
    %dma_wait3A_335 = arith.constant 0 : i32
    %dma_wait3A_336 = tpu.memref_slice %arg8[%dma_wait3A_334, %dma_wait3A_335] : memref<125x80xi32, #tpu.memory_space<vmem>> -> memref<1x80xi32, #tpu.memory_space<vmem>>
    %dma_wait3A_337 = tpu.memref_squeeze %dma_wait3A_336 : memref<1x80xi32, #tpu.memory_space<vmem>> -> memref<80xi32, #tpu.memory_space<vmem>>
    %dma_wait3A_338 = arith.constant 0 : i32
    %dma_wait3A_339 = arith.constant 0 : i32
    %dma_wait3A_340 = tpu.memref_slice %arg18[%dma_wait3A_338, %dma_wait3A_339] : memref<10000x128xbf16, #tpu.memory_space<vmem_shared>> -> memref<10000x128xbf16, #tpu.memory_space<vmem_shared>>
    tpu.wait_indirect_dma semaphore(%arg32 : memref<!tpu.dma_semaphore, #tpu.memory_space<semaphore_mem>>) src(%arg14 : memref<80x128xbf16, #tpu.memory_space<vmem>>) dst(%dma_wait3A_340 : memref<10000x128xbf16, #tpu.memory_space<vmem_shared>>)
    %dma_wait3A_341 = arith.constant 124 : i32
    %dma_wait3A_342 = arith.constant 0 : i32
    %dma_wait3A_343 = tpu.memref_slice %arg7[%dma_wait3A_341, %dma_wait3A_342] : memref<128x80xi32, #tpu.memory_space<vmem>> -> memref<1x80xi32, #tpu.memory_space<vmem>>
    %dma_wait3A_344 = tpu.memref_squeeze %dma_wait3A_343 : memref<1x80xi32, #tpu.memory_space<vmem>> -> memref<80xi32, #tpu.memory_space<vmem>>
    %dma_wait3A_345 = arith.constant 0 : i32
    %dma_wait3A_346 = arith.constant 0 : i32
    %dma_wait3A_347 = tpu.memref_slice %arg2[%dma_wait3A_345, %dma_wait3A_346] : memref<10000x128xbf16, #tpu.memory_space<hbm>> -> memref<10000x128xbf16, #tpu.memory_space<hbm>>
    tpu.wait_indirect_dma semaphore(%arg23 : memref<!tpu.dma_semaphore, #tpu.memory_space<semaphore_mem>>) src(%dma_wait3A_347 : memref<10000x128xbf16, #tpu.memory_space<hbm>>) dst(%arg13 : memref<80x128xbf16, #tpu.memory_space<vmem>>)
    %dma_start3A_348 = arith.constant 124 : i32
    %dma_start3A_349 = arith.constant 0 : i32
    %dma_start3A_350 = tpu.memref_slice %arg8[%dma_start3A_348, %dma_start3A_349] : memref<125x80xi32, #tpu.memory_space<vmem>> -> memref<1x80xi32, #tpu.memory_space<vmem>>
    %dma_start3A_351 = tpu.memref_squeeze %dma_start3A_350 : memref<1x80xi32, #tpu.memory_space<vmem>> -> memref<80xi32, #tpu.memory_space<vmem>>
    %dma_start3A_352 = arith.constant 0 : i32
    %dma_start3A_353 = arith.constant 0 : i32
    %dma_start3A_354 = tpu.memref_slice %arg18[%dma_start3A_352, %dma_start3A_353] : memref<10000x128xbf16, #tpu.memory_space<vmem_shared>> -> memref<10000x128xbf16, #tpu.memory_space<vmem_shared>>
    tpu.enqueue_indirect_dma source(%arg13 : memref<80x128xbf16, #tpu.memory_space<vmem>>) target(%dma_start3A_354 : memref<10000x128xbf16, #tpu.memory_space<vmem_shared>>) offsets(%dma_start3A_351 : memref<80xi32, #tpu.memory_space<vmem>>) semaphore(%arg31 : memref<!tpu.dma_semaphore, #tpu.memory_space<semaphore_mem>>) {add = true}
    %dma_wait3A_355 = arith.constant 118 : i32
    %dma_wait3A_356 = arith.constant 0 : i32
    %dma_wait3A_357 = tpu.memref_slice %arg8[%dma_wait3A_355, %dma_wait3A_356] : memref<125x80xi32, #tpu.memory_space<vmem>> -> memref<1x80xi32, #tpu.memory_space<vmem>>
    %dma_wait3A_358 = tpu.memref_squeeze %dma_wait3A_357 : memref<1x80xi32, #tpu.memory_space<vmem>> -> memref<80xi32, #tpu.memory_space<vmem>>
    %dma_wait3A_359 = arith.constant 0 : i32
    %dma_wait3A_360 = arith.constant 0 : i32
    %dma_wait3A_361 = tpu.memref_slice %arg18[%dma_wait3A_359, %dma_wait3A_360] : memref<10000x128xbf16, #tpu.memory_space<vmem_shared>> -> memref<10000x128xbf16, #tpu.memory_space<vmem_shared>>
    tpu.wait_indirect_dma semaphore(%arg33 : memref<!tpu.dma_semaphore, #tpu.memory_space<semaphore_mem>>) src(%arg15 : memref<80x128xbf16, #tpu.memory_space<vmem>>) dst(%dma_wait3A_361 : memref<10000x128xbf16, #tpu.memory_space<vmem_shared>>)
    %dma_wait3A_362 = arith.constant 119 : i32
    %dma_wait3A_363 = arith.constant 0 : i32
    %dma_wait3A_364 = tpu.memref_slice %arg8[%dma_wait3A_362, %dma_wait3A_363] : memref<125x80xi32, #tpu.memory_space<vmem>> -> memref<1x80xi32, #tpu.memory_space<vmem>>
    %dma_wait3A_365 = tpu.memref_squeeze %dma_wait3A_364 : memref<1x80xi32, #tpu.memory_space<vmem>> -> memref<80xi32, #tpu.memory_space<vmem>>
    %dma_wait3A_366 = arith.constant 0 : i32
    %dma_wait3A_367 = arith.constant 0 : i32
    %dma_wait3A_368 = tpu.memref_slice %arg18[%dma_wait3A_366, %dma_wait3A_367] : memref<10000x128xbf16, #tpu.memory_space<vmem_shared>> -> memref<10000x128xbf16, #tpu.memory_space<vmem_shared>>
    tpu.wait_indirect_dma semaphore(%arg34 : memref<!tpu.dma_semaphore, #tpu.memory_space<semaphore_mem>>) src(%arg16 : memref<80x128xbf16, #tpu.memory_space<vmem>>) dst(%dma_wait3A_368 : memref<10000x128xbf16, #tpu.memory_space<vmem_shared>>)
    %dma_wait3A_369 = arith.constant 120 : i32
    %dma_wait3A_370 = arith.constant 0 : i32
    %dma_wait3A_371 = tpu.memref_slice %arg8[%dma_wait3A_369, %dma_wait3A_370] : memref<125x80xi32, #tpu.memory_space<vmem>> -> memref<1x80xi32, #tpu.memory_space<vmem>>
    %dma_wait3A_372 = tpu.memref_squeeze %dma_wait3A_371 : memref<1x80xi32, #tpu.memory_space<vmem>> -> memref<80xi32, #tpu.memory_space<vmem>>
    %dma_wait3A_373 = arith.constant 0 : i32
    %dma_wait3A_374 = arith.constant 0 : i32
    %dma_wait3A_375 = tpu.memref_slice %arg18[%dma_wait3A_373, %dma_wait3A_374] : memref<10000x128xbf16, #tpu.memory_space<vmem_shared>> -> memref<10000x128xbf16, #tpu.memory_space<vmem_shared>>
    tpu.wait_indirect_dma semaphore(%arg27 : memref<!tpu.dma_semaphore, #tpu.memory_space<semaphore_mem>>) src(%arg9 : memref<80x128xbf16, #tpu.memory_space<vmem>>) dst(%dma_wait3A_375 : memref<10000x128xbf16, #tpu.memory_space<vmem_shared>>)
    %dma_wait3A_376 = arith.constant 121 : i32
    %dma_wait3A_377 = arith.constant 0 : i32
    %dma_wait3A_378 = tpu.memref_slice %arg8[%dma_wait3A_376, %dma_wait3A_377] : memref<125x80xi32, #tpu.memory_space<vmem>> -> memref<1x80xi32, #tpu.memory_space<vmem>>
    %dma_wait3A_379 = tpu.memref_squeeze %dma_wait3A_378 : memref<1x80xi32, #tpu.memory_space<vmem>> -> memref<80xi32, #tpu.memory_space<vmem>>
    %dma_wait3A_380 = arith.constant 0 : i32
    %dma_wait3A_381 = arith.constant 0 : i32
    %dma_wait3A_382 = tpu.memref_slice %arg18[%dma_wait3A_380, %dma_wait3A_381] : memref<10000x128xbf16, #tpu.memory_space<vmem_shared>> -> memref<10000x128xbf16, #tpu.memory_space<vmem_shared>>
    tpu.wait_indirect_dma semaphore(%arg28 : memref<!tpu.dma_semaphore, #tpu.memory_space<semaphore_mem>>) src(%arg10 : memref<80x128xbf16, #tpu.memory_space<vmem>>) dst(%dma_wait3A_382 : memref<10000x128xbf16, #tpu.memory_space<vmem_shared>>)
    %dma_wait3A_383 = arith.constant 122 : i32
    %dma_wait3A_384 = arith.constant 0 : i32
    %dma_wait3A_385 = tpu.memref_slice %arg8[%dma_wait3A_383, %dma_wait3A_384] : memref<125x80xi32, #tpu.memory_space<vmem>> -> memref<1x80xi32, #tpu.memory_space<vmem>>
    %dma_wait3A_386 = tpu.memref_squeeze %dma_wait3A_385 : memref<1x80xi32, #tpu.memory_space<vmem>> -> memref<80xi32, #tpu.memory_space<vmem>>
    %dma_wait3A_387 = arith.constant 0 : i32
    %dma_wait3A_388 = arith.constant 0 : i32
    %dma_wait3A_389 = tpu.memref_slice %arg18[%dma_wait3A_387, %dma_wait3A_388] : memref<10000x128xbf16, #tpu.memory_space<vmem_shared>> -> memref<10000x128xbf16, #tpu.memory_space<vmem_shared>>
    tpu.wait_indirect_dma semaphore(%arg29 : memref<!tpu.dma_semaphore, #tpu.memory_space<semaphore_mem>>) src(%arg11 : memref<80x128xbf16, #tpu.memory_space<vmem>>) dst(%dma_wait3A_389 : memref<10000x128xbf16, #tpu.memory_space<vmem_shared>>)
    %dma_wait3A_390 = arith.constant 123 : i32
    %dma_wait3A_391 = arith.constant 0 : i32
    %dma_wait3A_392 = tpu.memref_slice %arg8[%dma_wait3A_390, %dma_wait3A_391] : memref<125x80xi32, #tpu.memory_space<vmem>> -> memref<1x80xi32, #tpu.memory_space<vmem>>
    %dma_wait3A_393 = tpu.memref_squeeze %dma_wait3A_392 : memref<1x80xi32, #tpu.memory_space<vmem>> -> memref<80xi32, #tpu.memory_space<vmem>>
    %dma_wait3A_394 = arith.constant 0 : i32
    %dma_wait3A_395 = arith.constant 0 : i32
    %dma_wait3A_396 = tpu.memref_slice %arg18[%dma_wait3A_394, %dma_wait3A_395] : memref<10000x128xbf16, #tpu.memory_space<vmem_shared>> -> memref<10000x128xbf16, #tpu.memory_space<vmem_shared>>
    tpu.wait_indirect_dma semaphore(%arg30 : memref<!tpu.dma_semaphore, #tpu.memory_space<semaphore_mem>>) src(%arg12 : memref<80x128xbf16, #tpu.memory_space<vmem>>) dst(%dma_wait3A_396 : memref<10000x128xbf16, #tpu.memory_space<vmem_shared>>)
    %dma_wait3A_397 = arith.constant 124 : i32
    %dma_wait3A_398 = arith.constant 0 : i32
    %dma_wait3A_399 = tpu.memref_slice %arg8[%dma_wait3A_397, %dma_wait3A_398] : memref<125x80xi32, #tpu.memory_space<vmem>> -> memref<1x80xi32, #tpu.memory_space<vmem>>
    %dma_wait3A_400 = tpu.memref_squeeze %dma_wait3A_399 : memref<1x80xi32, #tpu.memory_space<vmem>> -> memref<80xi32, #tpu.memory_space<vmem>>
    %dma_wait3A_401 = arith.constant 0 : i32
    %dma_wait3A_402 = arith.constant 0 : i32
    %dma_wait3A_403 = tpu.memref_slice %arg18[%dma_wait3A_401, %dma_wait3A_402] : memref<10000x128xbf16, #tpu.memory_space<vmem_shared>> -> memref<10000x128xbf16, #tpu.memory_space<vmem_shared>>
    tpu.wait_indirect_dma semaphore(%arg31 : memref<!tpu.dma_semaphore, #tpu.memory_space<semaphore_mem>>) src(%arg13 : memref<80x128xbf16, #tpu.memory_space<vmem>>) dst(%dma_wait3A_403 : memref<10000x128xbf16, #tpu.memory_space<vmem_shared>>)
    %barrier3A_404 = arith.constant 0 : index
    tpu.barrier barrier_id(%barrier3A_404)
    %eq3A = arith.constant 0 : i32
    %eq3A_405 = arith.cmpi eq, %arg0, %eq3A : i32
    %lt3A_406 = arith.constant 10 : i32
    %lt3A_407 = arith.cmpi slt, %arg1, %lt3A_406 : i32
    %and3A = arith.andi %eq3A_405, %lt3A_407 : i1
    %convert_element_type3A_408 = arith.extui %and3A : i1 to i32
    %cond3A_409 = arith.constant 0 : i32
    %cond3A_410 = arith.cmpi ne, %convert_element_type3A_408, %cond3A_409 : i32
    scf.if %cond3A_410 {
      %mul3A_419 = arith.constant 1000 : i32
      %mul3A_420 = arith.muli %arg1, %mul3A_419 : i32
      %mul3A_421 = arith.constant 1000 : i32
      %mul3A_422 = arith.muli %arg1, %mul3A_421 : i32
      "tpu.region"() ({
        %run_scoped3A = tpu.sem_alloc : memref<!tpu.dma_semaphore, #tpu.memory_space<semaphore_mem>>
        %dma_start3A_423 = arith.constant 0 : i32
        %dma_start3A_424 = tpu.memref_slice %arg5[%mul3A_422, %dma_start3A_423] : memref<10000x128xbf16, #tpu.memory_space<hbm>> -> memref<1000x128xbf16, #tpu.memory_space<hbm>>
        %dma_start3A_425 = arith.constant 0 : i32
        %dma_start3A_426 = tpu.memref_slice %arg18[%mul3A_420, %dma_start3A_425] : memref<10000x128xbf16, #tpu.memory_space<vmem_shared>> -> memref<1000x128xbf16, #tpu.memory_space<vmem_shared>>
        tpu.enqueue_dma source(%dma_start3A_426 : memref<1000x128xbf16, #tpu.memory_space<vmem_shared>>) target(%dma_start3A_424 : memref<1000x128xbf16, #tpu.memory_space<hbm>>) target_semaphore(%run_scoped3A : memref<!tpu.dma_semaphore, #tpu.memory_space<semaphore_mem>>)
        %dma_wait3A_427 = arith.constant 0 : i32
        %dma_wait3A_428 = tpu.memref_slice %arg5[%mul3A_422, %dma_wait3A_427] : memref<10000x128xbf16, #tpu.memory_space<hbm>> -> memref<1000x128xbf16, #tpu.memory_space<hbm>>
        %dma_wait3A_429 = arith.constant 0 : i32
        %dma_wait3A_430 = tpu.memref_slice %arg18[%mul3A_420, %dma_wait3A_429] : memref<10000x128xbf16, #tpu.memory_space<vmem_shared>> -> memref<1000x128xbf16, #tpu.memory_space<vmem_shared>>
        tpu.wait_dma2 semaphore(%run_scoped3A : memref<!tpu.dma_semaphore, #tpu.memory_space<semaphore_mem>>) src(%dma_wait3A_430 : memref<1000x128xbf16, #tpu.memory_space<vmem_shared>>) dst(%dma_wait3A_428 : memref<1000x128xbf16, #tpu.memory_space<hbm>>)
        tpu.yield
      }) : () -> ()
    } else {
    }
    %eq3A_411 = arith.constant 1 : i32
    %eq3A_412 = arith.cmpi eq, %arg0, %eq3A_411 : i32
    %lt3A_413 = arith.constant 10 : i32
    %lt3A_414 = arith.cmpi slt, %arg1, %lt3A_413 : i32
    %and3A_415 = arith.andi %eq3A_412, %lt3A_414 : i1
    %convert_element_type3A_416 = arith.extui %and3A_415 : i1 to i32
    %cond3A_417 = arith.constant 0 : i32
    %cond3A_418 = arith.cmpi ne, %convert_element_type3A_416, %cond3A_417 : i32
    scf.if %cond3A_418 {
      %mul3A_419 = arith.constant 1000 : i32
      %mul3A_420 = arith.muli %arg1, %mul3A_419 : i32
      %mul3A_421 = arith.constant 1000 : i32
      %mul3A_422 = arith.muli %arg1, %mul3A_421 : i32
      "tpu.region"() ({
        %run_scoped3A = tpu.sem_alloc : memref<!tpu.dma_semaphore, #tpu.memory_space<semaphore_mem>>
        %dma_start3A_423 = arith.constant 0 : i32
        %dma_start3A_424 = tpu.memref_slice %arg6[%mul3A_422, %dma_start3A_423] : memref<10000x128xbf16, #tpu.memory_space<hbm>> -> memref<1000x128xbf16, #tpu.memory_space<hbm>>
        %dma_start3A_425 = arith.constant 0 : i32
        %dma_start3A_426 = tpu.memref_slice %arg18[%mul3A_420, %dma_start3A_425] : memref<10000x128xbf16, #tpu.memory_space<vmem_shared>> -> memref<1000x128xbf16, #tpu.memory_space<vmem_shared>>
        tpu.enqueue_dma source(%dma_start3A_426 : memref<1000x128xbf16, #tpu.memory_space<vmem_shared>>) target(%dma_start3A_424 : memref<1000x128xbf16, #tpu.memory_space<hbm>>) target_semaphore(%run_scoped3A : memref<!tpu.dma_semaphore, #tpu.memory_space<semaphore_mem>>)
        %dma_wait3A_427 = arith.constant 0 : i32
        %dma_wait3A_428 = tpu.memref_slice %arg6[%mul3A_422, %dma_wait3A_427] : memref<10000x128xbf16, #tpu.memory_space<hbm>> -> memref<1000x128xbf16, #tpu.memory_space<hbm>>
        %dma_wait3A_429 = arith.constant 0 : i32
        %dma_wait3A_430 = tpu.memref_slice %arg18[%mul3A_420, %dma_wait3A_429] : memref<10000x128xbf16, #tpu.memory_space<vmem_shared>> -> memref<1000x128xbf16, #tpu.memory_space<vmem_shared>>
        tpu.wait_dma2 semaphore(%run_scoped3A : memref<!tpu.dma_semaphore, #tpu.memory_space<semaphore_mem>>) src(%dma_wait3A_430 : memref<1000x128xbf16, #tpu.memory_space<vmem_shared>>) dst(%dma_wait3A_428 : memref<1000x128xbf16, #tpu.memory_space<hbm>>)
        tpu.yield
      }) : () -> ()
    } else {
    }
    return
  }
}

#map = affine_map<(d0, d1) -> (0, 0)>
#map1 = affine_map<(d0, d1) -> (0, 0, 0)>
module attributes {stable_mosaic.version = 14 : i64} {
  func.func @body(%arg0: i32, %arg1: i32, %arg2: memref<10000x64xbf16, #tpu.memory_space<hbm>>, %arg3: memref<32x125x80xi32, #tpu.memory_space<hbm>>, %arg4: memref<32x125x80xi32, #tpu.memory_space<hbm>>, %arg5: memref<10000x64xbf16, #tpu.memory_space<hbm>>, %arg6: memref<10000x64xbf16, #tpu.memory_space<hbm>>, %arg7: memref<128x80xi32, #tpu.memory_space<vmem>>, %arg8: memref<125x80xi32, #tpu.memory_space<vmem>>, %arg9: memref<80x64xbf16, #tpu.memory_space<vmem>>, %arg10: memref<80x64xbf16, #tpu.memory_space<vmem>>, %arg11: memref<80x64xbf16, #tpu.memory_space<vmem>>, %arg12: memref<80x64xbf16, #tpu.memory_space<vmem>>, %arg13: memref<80x64xbf16, #tpu.memory_space<vmem>>, %arg14: memref<80x64xbf16, #tpu.memory_space<vmem>>, %arg15: memref<80x64xbf16, #tpu.memory_space<vmem>>, %arg16: memref<80x64xbf16, #tpu.memory_space<vmem>>, %arg17: memref<50x64xbf16, #tpu.memory_space<vmem>>, %arg18: memref<10000x64xbf16, #tpu.memory_space<vmem_shared>>, %arg19: memref<!tpu.dma_semaphore, #tpu.memory_space<semaphore_mem>>, %arg20: memref<!tpu.dma_semaphore, #tpu.memory_space<semaphore_mem>>, %arg21: memref<!tpu.dma_semaphore, #tpu.memory_space<semaphore_mem>>, %arg22: memref<!tpu.dma_semaphore, #tpu.memory_space<semaphore_mem>>, %arg23: memref<!tpu.dma_semaphore, #tpu.memory_space<semaphore_mem>>, %arg24: memref<!tpu.dma_semaphore, #tpu.memory_space<semaphore_mem>>, %arg25: memref<!tpu.dma_semaphore, #tpu.memory_space<semaphore_mem>>, %arg26: memref<!tpu.dma_semaphore, #tpu.memory_space<semaphore_mem>>, %arg27: memref<!tpu.dma_semaphore, #tpu.memory_space<semaphore_mem>>, %arg28: memref<!tpu.dma_semaphore, #tpu.memory_space<semaphore_mem>>, %arg29: memref<!tpu.dma_semaphore, #tpu.memory_space<semaphore_mem>>, %arg30: memref<!tpu.dma_semaphore, #tpu.memory_space<semaphore_mem>>, %arg31: memref<!tpu.dma_semaphore, #tpu.memory_space<semaphore_mem>>, %arg32: memref<!tpu.dma_semaphore, #tpu.memory_space<semaphore_mem>>, %arg33: memref<!tpu.dma_semaphore, #tpu.memory_space<semaphore_mem>>, %arg34: memref<!tpu.dma_semaphore, #tpu.memory_space<semaphore_mem>>) attributes {dimension_semantics = [#tpu.dimension_semantics<core_parallel>, #tpu.dimension_semantics<subcore_parallel>], iteration_bounds = array<i64: 2, 16>, scalar_prefetch = 0 : i64, scratch_operands = 28 : i64, tpu.core_type = #tpu.core_type<sc_vector_subcore>, window_params = [{transform_indices = #map}, {transform_indices = #map1}, {transform_indices = #map1}, {transform_indices = #map}, {transform_indices = #map}]} {
    %mul3A = arith.constant 2 : i32
    %mul3A_0 = arith.muli %arg1, %mul3A : i32
    %add3A = arith.addi %mul3A_0, %arg0 : i32
    "tpu.region"() ({
      %run_scoped3A = tpu.sem_alloc : memref<!tpu.dma_semaphore, #tpu.memory_space<semaphore_mem>>
      %dma_start3A_419 = arith.constant 0 : i32
      %dma_start3A_420 = arith.constant 0 : i32
      %dma_start3A_421 = tpu.memref_slice %arg7[%dma_start3A_419, %dma_start3A_420] : memref<128x80xi32, #tpu.memory_space<vmem>> -> memref<125x80xi32, #tpu.memory_space<vmem>>
      %dma_start3A_422 = arith.constant 0 : i32
      %dma_start3A_423 = arith.constant 0 : i32
      %dma_start3A_424 = tpu.memref_slice %arg3[%add3A, %dma_start3A_422, %dma_start3A_423] : memref<32x125x80xi32, #tpu.memory_space<hbm>> -> memref<1x125x80xi32, #tpu.memory_space<hbm>>
      %dma_start3A_425 = tpu.memref_squeeze %dma_start3A_424 : memref<1x125x80xi32, #tpu.memory_space<hbm>> -> memref<125x80xi32, #tpu.memory_space<hbm>>
      %dma_start3A_426 = arith.constant 0 : i32
      %dma_start3A_427 = arith.constant 0 : i32
      %dma_start3A_428 = tpu.memref_slice %arg7[%dma_start3A_426, %dma_start3A_427] : memref<128x80xi32, #tpu.memory_space<vmem>> -> memref<125x80xi32, #tpu.memory_space<vmem>>
      %dma_start3A_429 = arith.constant 0 : i32
      %dma_start3A_430 = arith.constant 0 : i32
      %dma_start3A_431 = tpu.memref_slice %arg3[%add3A, %dma_start3A_429, %dma_start3A_430] : memref<32x125x80xi32, #tpu.memory_space<hbm>> -> memref<1x125x80xi32, #tpu.memory_space<hbm>>
      %dma_start3A_432 = tpu.memref_squeeze %dma_start3A_431 : memref<1x125x80xi32, #tpu.memory_space<hbm>> -> memref<125x80xi32, #tpu.memory_space<hbm>>
      tpu.enqueue_dma source(%dma_start3A_432 : memref<125x80xi32, #tpu.memory_space<hbm>>) target(%dma_start3A_428 : memref<125x80xi32, #tpu.memory_space<vmem>>) target_semaphore(%run_scoped3A : memref<!tpu.dma_semaphore, #tpu.memory_space<semaphore_mem>>)
      %dma_wait3A_433 = arith.constant 0 : i32
      %dma_wait3A_434 = arith.constant 0 : i32
      %dma_wait3A_435 = tpu.memref_slice %arg7[%dma_wait3A_433, %dma_wait3A_434] : memref<128x80xi32, #tpu.memory_space<vmem>> -> memref<125x80xi32, #tpu.memory_space<vmem>>
      %dma_wait3A_436 = arith.constant 0 : i32
      %dma_wait3A_437 = arith.constant 0 : i32
      %dma_wait3A_438 = tpu.memref_slice %arg3[%add3A, %dma_wait3A_436, %dma_wait3A_437] : memref<32x125x80xi32, #tpu.memory_space<hbm>> -> memref<1x125x80xi32, #tpu.memory_space<hbm>>
      %dma_wait3A_439 = tpu.memref_squeeze %dma_wait3A_438 : memref<1x125x80xi32, #tpu.memory_space<hbm>> -> memref<125x80xi32, #tpu.memory_space<hbm>>
      %dma_wait3A_440 = arith.constant 0 : i32
      %dma_wait3A_441 = arith.constant 0 : i32
      %dma_wait3A_442 = tpu.memref_slice %arg7[%dma_wait3A_440, %dma_wait3A_441] : memref<128x80xi32, #tpu.memory_space<vmem>> -> memref<125x80xi32, #tpu.memory_space<vmem>>
      %dma_wait3A_443 = arith.constant 0 : i32
      %dma_wait3A_444 = arith.constant 0 : i32
      %dma_wait3A_445 = tpu.memref_slice %arg3[%add3A, %dma_wait3A_443, %dma_wait3A_444] : memref<32x125x80xi32, #tpu.memory_space<hbm>> -> memref<1x125x80xi32, #tpu.memory_space<hbm>>
      %dma_wait3A_446 = tpu.memref_squeeze %dma_wait3A_445 : memref<1x125x80xi32, #tpu.memory_space<hbm>> -> memref<125x80xi32, #tpu.memory_space<hbm>>
      tpu.wait_dma2 semaphore(%run_scoped3A : memref<!tpu.dma_semaphore, #tpu.memory_space<semaphore_mem>>) src(%dma_wait3A_446 : memref<125x80xi32, #tpu.memory_space<hbm>>) dst(%dma_wait3A_442 : memref<125x80xi32, #tpu.memory_space<vmem>>)
      tpu.yield
    }) : () -> ()
    "tpu.region"() ({
      %run_scoped3A = tpu.sem_alloc : memref<!tpu.dma_semaphore, #tpu.memory_space<semaphore_mem>>
      %dma_start3A_419 = arith.constant 0 : i32
      %dma_start3A_420 = arith.constant 0 : i32
      %dma_start3A_421 = tpu.memref_slice %arg8[%dma_start3A_419, %dma_start3A_420] : memref<125x80xi32, #tpu.memory_space<vmem>> -> memref<125x80xi32, #tpu.memory_space<vmem>>
      %dma_start3A_422 = arith.constant 0 : i32
      %dma_start3A_423 = arith.constant 0 : i32
      %dma_start3A_424 = tpu.memref_slice %arg4[%add3A, %dma_start3A_422, %dma_start3A_423] : memref<32x125x80xi32, #tpu.memory_space<hbm>> -> memref<1x125x80xi32, #tpu.memory_space<hbm>>
      %dma_start3A_425 = tpu.memref_squeeze %dma_start3A_424 : memref<1x125x80xi32, #tpu.memory_space<hbm>> -> memref<125x80xi32, #tpu.memory_space<hbm>>
      %dma_start3A_426 = arith.constant 0 : i32
      %dma_start3A_427 = arith.constant 0 : i32
      %dma_start3A_428 = tpu.memref_slice %arg8[%dma_start3A_426, %dma_start3A_427] : memref<125x80xi32, #tpu.memory_space<vmem>> -> memref<125x80xi32, #tpu.memory_space<vmem>>
      %dma_start3A_429 = arith.constant 0 : i32
      %dma_start3A_430 = arith.constant 0 : i32
      %dma_start3A_431 = tpu.memref_slice %arg4[%add3A, %dma_start3A_429, %dma_start3A_430] : memref<32x125x80xi32, #tpu.memory_space<hbm>> -> memref<1x125x80xi32, #tpu.memory_space<hbm>>
      %dma_start3A_432 = tpu.memref_squeeze %dma_start3A_431 : memref<1x125x80xi32, #tpu.memory_space<hbm>> -> memref<125x80xi32, #tpu.memory_space<hbm>>
      tpu.enqueue_dma source(%dma_start3A_432 : memref<125x80xi32, #tpu.memory_space<hbm>>) target(%dma_start3A_428 : memref<125x80xi32, #tpu.memory_space<vmem>>) target_semaphore(%run_scoped3A : memref<!tpu.dma_semaphore, #tpu.memory_space<semaphore_mem>>)
      %dma_wait3A_433 = arith.constant 0 : i32
      %dma_wait3A_434 = arith.constant 0 : i32
      %dma_wait3A_435 = tpu.memref_slice %arg8[%dma_wait3A_433, %dma_wait3A_434] : memref<125x80xi32, #tpu.memory_space<vmem>> -> memref<125x80xi32, #tpu.memory_space<vmem>>
      %dma_wait3A_436 = arith.constant 0 : i32
      %dma_wait3A_437 = arith.constant 0 : i32
      %dma_wait3A_438 = tpu.memref_slice %arg4[%add3A, %dma_wait3A_436, %dma_wait3A_437] : memref<32x125x80xi32, #tpu.memory_space<hbm>> -> memref<1x125x80xi32, #tpu.memory_space<hbm>>
      %dma_wait3A_439 = tpu.memref_squeeze %dma_wait3A_438 : memref<1x125x80xi32, #tpu.memory_space<hbm>> -> memref<125x80xi32, #tpu.memory_space<hbm>>
      %dma_wait3A_440 = arith.constant 0 : i32
      %dma_wait3A_441 = arith.constant 0 : i32
      %dma_wait3A_442 = tpu.memref_slice %arg8[%dma_wait3A_440, %dma_wait3A_441] : memref<125x80xi32, #tpu.memory_space<vmem>> -> memref<125x80xi32, #tpu.memory_space<vmem>>
      %dma_wait3A_443 = arith.constant 0 : i32
      %dma_wait3A_444 = arith.constant 0 : i32
      %dma_wait3A_445 = tpu.memref_slice %arg4[%add3A, %dma_wait3A_443, %dma_wait3A_444] : memref<32x125x80xi32, #tpu.memory_space<hbm>> -> memref<1x125x80xi32, #tpu.memory_space<hbm>>
      %dma_wait3A_446 = tpu.memref_squeeze %dma_wait3A_445 : memref<1x125x80xi32, #tpu.memory_space<hbm>> -> memref<125x80xi32, #tpu.memory_space<hbm>>
      tpu.wait_dma2 semaphore(%run_scoped3A : memref<!tpu.dma_semaphore, #tpu.memory_space<semaphore_mem>>) src(%dma_wait3A_446 : memref<125x80xi32, #tpu.memory_space<hbm>>) dst(%dma_wait3A_442 : memref<125x80xi32, #tpu.memory_space<vmem>>)
      tpu.yield
    }) : () -> ()
    %broadcast_in_dim3A = arith.constant 0 : i32
    %broadcast_in_dim3A_1 = vector.broadcast %broadcast_in_dim3A : i32 to vector<16xi32>
    %swap3A = arith.constant 125 : i32
    %swap3A_2 = arith.index_cast %swap3A : i32 to index
    %swap3A_3 = arith.constant 0 : index
    %swap3A_4 = tpu.vector_load %arg7[%swap3A_2, %swap3A_3] {strides = array<i32>} : memref<128x80xi32, #tpu.memory_space<vmem>>, vector<16xi32>,
    tpu.vector_store %arg7[%swap3A_2, %swap3A_3], %broadcast_in_dim3A_1 {strides = array<i32>} : memref<128x80xi32, #tpu.memory_space<vmem>>, vector<16xi32>,
    %broadcast_in_dim3A_5 = arith.constant 0 : i32
    %broadcast_in_dim3A_6 = vector.broadcast %broadcast_in_dim3A_5 : i32 to vector<16xi32>
    %swap3A_7 = arith.constant 125 : i32
    %swap3A_8 = arith.index_cast %swap3A_7 : i32 to index
    %swap3A_9 = arith.constant 16 : index
    %swap3A_10 = tpu.vector_load %arg7[%swap3A_8, %swap3A_9] {strides = array<i32>} : memref<128x80xi32, #tpu.memory_space<vmem>>, vector<16xi32>,
    tpu.vector_store %arg7[%swap3A_8, %swap3A_9], %broadcast_in_dim3A_6 {strides = array<i32>} : memref<128x80xi32, #tpu.memory_space<vmem>>, vector<16xi32>,
    %broadcast_in_dim3A_11 = arith.constant 0 : i32
    %broadcast_in_dim3A_12 = vector.broadcast %broadcast_in_dim3A_11 : i32 to vector<16xi32>
    %swap3A_13 = arith.constant 125 : i32
    %swap3A_14 = arith.index_cast %swap3A_13 : i32 to index
    %swap3A_15 = arith.constant 32 : index
    %swap3A_16 = tpu.vector_load %arg7[%swap3A_14, %swap3A_15] {strides = array<i32>} : memref<128x80xi32, #tpu.memory_space<vmem>>, vector<16xi32>,
    tpu.vector_store %arg7[%swap3A_14, %swap3A_15], %broadcast_in_dim3A_12 {strides = array<i32>} : memref<128x80xi32, #tpu.memory_space<vmem>>, vector<16xi32>,
    %broadcast_in_dim3A_17 = arith.constant 0 : i32
    %broadcast_in_dim3A_18 = vector.broadcast %broadcast_in_dim3A_17 : i32 to vector<16xi32>
    %swap3A_19 = arith.constant 125 : i32
    %swap3A_20 = arith.index_cast %swap3A_19 : i32 to index
    %swap3A_21 = arith.constant 48 : index
    %swap3A_22 = tpu.vector_load %arg7[%swap3A_20, %swap3A_21] {strides = array<i32>} : memref<128x80xi32, #tpu.memory_space<vmem>>, vector<16xi32>,
    tpu.vector_store %arg7[%swap3A_20, %swap3A_21], %broadcast_in_dim3A_18 {strides = array<i32>} : memref<128x80xi32, #tpu.memory_space<vmem>>, vector<16xi32>,
    %broadcast_in_dim3A_23 = arith.constant 0 : i32
    %broadcast_in_dim3A_24 = vector.broadcast %broadcast_in_dim3A_23 : i32 to vector<16xi32>
    %swap3A_25 = arith.constant 125 : i32
    %swap3A_26 = arith.index_cast %swap3A_25 : i32 to index
    %swap3A_27 = arith.constant 64 : index
    %swap3A_28 = tpu.vector_load %arg7[%swap3A_26, %swap3A_27] {strides = array<i32>} : memref<128x80xi32, #tpu.memory_space<vmem>>, vector<16xi32>,
    tpu.vector_store %arg7[%swap3A_26, %swap3A_27], %broadcast_in_dim3A_24 {strides = array<i32>} : memref<128x80xi32, #tpu.memory_space<vmem>>, vector<16xi32>,
    %scan3A = arith.constant 0 : i32
    %scan3A_29 = arith.constant 0 : i32
    %scan3A_30 = arith.constant 100 : i32
    %scan3A_31 = arith.addi %scan3A_29, %scan3A_30 : i32
    %scan3A_32 = arith.constant 1 : i32
    scf.for %scan3A_419 = %scan3A_29 to %scan3A_31 step %scan3A_32  : i32 {
      %broadcast_in_dim3A_420 = arith.constant 0.000000e+00 : bf16
      %broadcast_in_dim3A_421 = vector.broadcast %broadcast_in_dim3A_420 : bf16 to vector<32xbf16>
      %div3A = arith.constant 2 : i32
      %div3A_422 = arith.divsi %scan3A_419, %div3A : i32
      %rem3A = arith.constant 2 : i32
      %rem3A_423 = arith.remsi %scan3A_419, %rem3A : i32
      %mul3A_424 = arith.constant 32 : i32
      %mul3A_425 = arith.muli %rem3A_423, %mul3A_424 : i32
      %swap3A_426 = arith.index_cast %div3A_422 : i32 to index
      %swap3A_427 = arith.index_cast %mul3A_425 : i32 to index
      %swap3A_428 = tpu.vector_load %arg17[%swap3A_426, %swap3A_427] {strides = array<i32>} : memref<50x64xbf16, #tpu.memory_space<vmem>>, vector<32xbf16>,
      tpu.vector_store %arg17[%swap3A_426, %swap3A_427], %broadcast_in_dim3A_421 {strides = array<i32>} : memref<50x64xbf16, #tpu.memory_space<vmem>>, vector<32xbf16>,
    }
    %scan3A_33 = arith.constant 100 : i32
    %lt3A = arith.constant 10 : i32
    %lt3A_34 = arith.cmpi slt, %arg1, %lt3A : i32
    %convert_element_type3A = arith.extui %lt3A_34 : i1 to i32
    %cond3A = arith.constant 0 : i32
    %cond3A_35 = arith.cmpi ne, %convert_element_type3A, %cond3A : i32
    scf.if %cond3A_35 {
      %mul3A_419 = arith.constant 1000 : i32
      %mul3A_420 = arith.muli %arg1, %mul3A_419 : i32
      %add3A_421 = arith.constant 0 : i32
      %add3A_422 = arith.addi %mul3A_420, %add3A_421 : i32
      "tpu.region"() ({
        %run_scoped3A = tpu.sem_alloc : memref<!tpu.dma_semaphore, #tpu.memory_space<semaphore_mem>>
        %dma_start3A_499 = arith.constant 0 : i32
        %dma_start3A_500 = tpu.memref_slice %arg18[%add3A_422, %dma_start3A_499] : memref<10000x64xbf16, #tpu.memory_space<vmem_shared>> -> memref<50x64xbf16, #tpu.memory_space<vmem_shared>>
        %dma_start3A_501 = arith.constant 0 : i32
        %dma_start3A_502 = tpu.memref_slice %arg18[%add3A_422, %dma_start3A_501] : memref<10000x64xbf16, #tpu.memory_space<vmem_shared>> -> memref<50x64xbf16, #tpu.memory_space<vmem_shared>>
        tpu.enqueue_dma source(%arg17 : memref<50x64xbf16, #tpu.memory_space<vmem>>) target(%dma_start3A_502 : memref<50x64xbf16, #tpu.memory_space<vmem_shared>>) target_semaphore(%run_scoped3A : memref<!tpu.dma_semaphore, #tpu.memory_space<semaphore_mem>>)
        %dma_wait3A_503 = arith.constant 0 : i32
        %dma_wait3A_504 = tpu.memref_slice %arg18[%add3A_422, %dma_wait3A_503] : memref<10000x64xbf16, #tpu.memory_space<vmem_shared>> -> memref<50x64xbf16, #tpu.memory_space<vmem_shared>>
        %dma_wait3A_505 = arith.constant 0 : i32
        %dma_wait3A_506 = tpu.memref_slice %arg18[%add3A_422, %dma_wait3A_505] : memref<10000x64xbf16, #tpu.memory_space<vmem_shared>> -> memref<50x64xbf16, #tpu.memory_space<vmem_shared>>
        tpu.wait_dma2 semaphore(%run_scoped3A : memref<!tpu.dma_semaphore, #tpu.memory_space<semaphore_mem>>) src(%arg17 : memref<50x64xbf16, #tpu.memory_space<vmem>>) dst(%dma_wait3A_506 : memref<50x64xbf16, #tpu.memory_space<vmem_shared>>)
        tpu.yield
      }) : () -> ()
      %mul3A_423 = arith.constant 1000 : i32
      %mul3A_424 = arith.muli %arg1, %mul3A_423 : i32
      %add3A_425 = arith.constant 50 : i32
      %add3A_426 = arith.addi %mul3A_424, %add3A_425 : i32
      "tpu.region"() ({
        %run_scoped3A = tpu.sem_alloc : memref<!tpu.dma_semaphore, #tpu.memory_space<semaphore_mem>>
        %dma_start3A_499 = arith.constant 0 : i32
        %dma_start3A_500 = tpu.memref_slice %arg18[%add3A_426, %dma_start3A_499] : memref<10000x64xbf16, #tpu.memory_space<vmem_shared>> -> memref<50x64xbf16, #tpu.memory_space<vmem_shared>>
        %dma_start3A_501 = arith.constant 0 : i32
        %dma_start3A_502 = tpu.memref_slice %arg18[%add3A_426, %dma_start3A_501] : memref<10000x64xbf16, #tpu.memory_space<vmem_shared>> -> memref<50x64xbf16, #tpu.memory_space<vmem_shared>>
        tpu.enqueue_dma source(%arg17 : memref<50x64xbf16, #tpu.memory_space<vmem>>) target(%dma_start3A_502 : memref<50x64xbf16, #tpu.memory_space<vmem_shared>>) target_semaphore(%run_scoped3A : memref<!tpu.dma_semaphore, #tpu.memory_space<semaphore_mem>>)
        %dma_wait3A_503 = arith.constant 0 : i32
        %dma_wait3A_504 = tpu.memref_slice %arg18[%add3A_426, %dma_wait3A_503] : memref<10000x64xbf16, #tpu.memory_space<vmem_shared>> -> memref<50x64xbf16, #tpu.memory_space<vmem_shared>>
        %dma_wait3A_505 = arith.constant 0 : i32
        %dma_wait3A_506 = tpu.memref_slice %arg18[%add3A_426, %dma_wait3A_505] : memref<10000x64xbf16, #tpu.memory_space<vmem_shared>> -> memref<50x64xbf16, #tpu.memory_space<vmem_shared>>
        tpu.wait_dma2 semaphore(%run_scoped3A : memref<!tpu.dma_semaphore, #tpu.memory_space<semaphore_mem>>) src(%arg17 : memref<50x64xbf16, #tpu.memory_space<vmem>>) dst(%dma_wait3A_506 : memref<50x64xbf16, #tpu.memory_space<vmem_shared>>)
        tpu.yield
      }) : () -> ()
      %mul3A_427 = arith.constant 1000 : i32
      %mul3A_428 = arith.muli %arg1, %mul3A_427 : i32
      %add3A_429 = arith.constant 100 : i32
      %add3A_430 = arith.addi %mul3A_428, %add3A_429 : i32
      "tpu.region"() ({
        %run_scoped3A = tpu.sem_alloc : memref<!tpu.dma_semaphore, #tpu.memory_space<semaphore_mem>>
        %dma_start3A_499 = arith.constant 0 : i32
        %dma_start3A_500 = tpu.memref_slice %arg18[%add3A_430, %dma_start3A_499] : memref<10000x64xbf16, #tpu.memory_space<vmem_shared>> -> memref<50x64xbf16, #tpu.memory_space<vmem_shared>>
        %dma_start3A_501 = arith.constant 0 : i32
        %dma_start3A_502 = tpu.memref_slice %arg18[%add3A_430, %dma_start3A_501] : memref<10000x64xbf16, #tpu.memory_space<vmem_shared>> -> memref<50x64xbf16, #tpu.memory_space<vmem_shared>>
        tpu.enqueue_dma source(%arg17 : memref<50x64xbf16, #tpu.memory_space<vmem>>) target(%dma_start3A_502 : memref<50x64xbf16, #tpu.memory_space<vmem_shared>>) target_semaphore(%run_scoped3A : memref<!tpu.dma_semaphore, #tpu.memory_space<semaphore_mem>>)
        %dma_wait3A_503 = arith.constant 0 : i32
        %dma_wait3A_504 = tpu.memref_slice %arg18[%add3A_430, %dma_wait3A_503] : memref<10000x64xbf16, #tpu.memory_space<vmem_shared>> -> memref<50x64xbf16, #tpu.memory_space<vmem_shared>>
        %dma_wait3A_505 = arith.constant 0 : i32
        %dma_wait3A_506 = tpu.memref_slice %arg18[%add3A_430, %dma_wait3A_505] : memref<10000x64xbf16, #tpu.memory_space<vmem_shared>> -> memref<50x64xbf16, #tpu.memory_space<vmem_shared>>
        tpu.wait_dma2 semaphore(%run_scoped3A : memref<!tpu.dma_semaphore, #tpu.memory_space<semaphore_mem>>) src(%arg17 : memref<50x64xbf16, #tpu.memory_space<vmem>>) dst(%dma_wait3A_506 : memref<50x64xbf16, #tpu.memory_space<vmem_shared>>)
        tpu.yield
      }) : () -> ()
      %mul3A_431 = arith.constant 1000 : i32
      %mul3A_432 = arith.muli %arg1, %mul3A_431 : i32
      %add3A_433 = arith.constant 150 : i32
      %add3A_434 = arith.addi %mul3A_432, %add3A_433 : i32
      "tpu.region"() ({
        %run_scoped3A = tpu.sem_alloc : memref<!tpu.dma_semaphore, #tpu.memory_space<semaphore_mem>>
        %dma_start3A_499 = arith.constant 0 : i32
        %dma_start3A_500 = tpu.memref_slice %arg18[%add3A_434, %dma_start3A_499] : memref<10000x64xbf16, #tpu.memory_space<vmem_shared>> -> memref<50x64xbf16, #tpu.memory_space<vmem_shared>>
        %dma_start3A_501 = arith.constant 0 : i32
        %dma_start3A_502 = tpu.memref_slice %arg18[%add3A_434, %dma_start3A_501] : memref<10000x64xbf16, #tpu.memory_space<vmem_shared>> -> memref<50x64xbf16, #tpu.memory_space<vmem_shared>>
        tpu.enqueue_dma source(%arg17 : memref<50x64xbf16, #tpu.memory_space<vmem>>) target(%dma_start3A_502 : memref<50x64xbf16, #tpu.memory_space<vmem_shared>>) target_semaphore(%run_scoped3A : memref<!tpu.dma_semaphore, #tpu.memory_space<semaphore_mem>>)
        %dma_wait3A_503 = arith.constant 0 : i32
        %dma_wait3A_504 = tpu.memref_slice %arg18[%add3A_434, %dma_wait3A_503] : memref<10000x64xbf16, #tpu.memory_space<vmem_shared>> -> memref<50x64xbf16, #tpu.memory_space<vmem_shared>>
        %dma_wait3A_505 = arith.constant 0 : i32
        %dma_wait3A_506 = tpu.memref_slice %arg18[%add3A_434, %dma_wait3A_505] : memref<10000x64xbf16, #tpu.memory_space<vmem_shared>> -> memref<50x64xbf16, #tpu.memory_space<vmem_shared>>
        tpu.wait_dma2 semaphore(%run_scoped3A : memref<!tpu.dma_semaphore, #tpu.memory_space<semaphore_mem>>) src(%arg17 : memref<50x64xbf16, #tpu.memory_space<vmem>>) dst(%dma_wait3A_506 : memref<50x64xbf16, #tpu.memory_space<vmem_shared>>)
        tpu.yield
      }) : () -> ()
      %mul3A_435 = arith.constant 1000 : i32
      %mul3A_436 = arith.muli %arg1, %mul3A_435 : i32
      %add3A_437 = arith.constant 200 : i32
      %add3A_438 = arith.addi %mul3A_436, %add3A_437 : i32
      "tpu.region"() ({
        %run_scoped3A = tpu.sem_alloc : memref<!tpu.dma_semaphore, #tpu.memory_space<semaphore_mem>>
        %dma_start3A_499 = arith.constant 0 : i32
        %dma_start3A_500 = tpu.memref_slice %arg18[%add3A_438, %dma_start3A_499] : memref<10000x64xbf16, #tpu.memory_space<vmem_shared>> -> memref<50x64xbf16, #tpu.memory_space<vmem_shared>>
        %dma_start3A_501 = arith.constant 0 : i32
        %dma_start3A_502 = tpu.memref_slice %arg18[%add3A_438, %dma_start3A_501] : memref<10000x64xbf16, #tpu.memory_space<vmem_shared>> -> memref<50x64xbf16, #tpu.memory_space<vmem_shared>>
        tpu.enqueue_dma source(%arg17 : memref<50x64xbf16, #tpu.memory_space<vmem>>) target(%dma_start3A_502 : memref<50x64xbf16, #tpu.memory_space<vmem_shared>>) target_semaphore(%run_scoped3A : memref<!tpu.dma_semaphore, #tpu.memory_space<semaphore_mem>>)
        %dma_wait3A_503 = arith.constant 0 : i32
        %dma_wait3A_504 = tpu.memref_slice %arg18[%add3A_438, %dma_wait3A_503] : memref<10000x64xbf16, #tpu.memory_space<vmem_shared>> -> memref<50x64xbf16, #tpu.memory_space<vmem_shared>>
        %dma_wait3A_505 = arith.constant 0 : i32
        %dma_wait3A_506 = tpu.memref_slice %arg18[%add3A_438, %dma_wait3A_505] : memref<10000x64xbf16, #tpu.memory_space<vmem_shared>> -> memref<50x64xbf16, #tpu.memory_space<vmem_shared>>
        tpu.wait_dma2 semaphore(%run_scoped3A : memref<!tpu.dma_semaphore, #tpu.memory_space<semaphore_mem>>) src(%arg17 : memref<50x64xbf16, #tpu.memory_space<vmem>>) dst(%dma_wait3A_506 : memref<50x64xbf16, #tpu.memory_space<vmem_shared>>)
        tpu.yield
      }) : () -> ()
      %mul3A_439 = arith.constant 1000 : i32
      %mul3A_440 = arith.muli %arg1, %mul3A_439 : i32
      %add3A_441 = arith.constant 250 : i32
      %add3A_442 = arith.addi %mul3A_440, %add3A_441 : i32
      "tpu.region"() ({
        %run_scoped3A = tpu.sem_alloc : memref<!tpu.dma_semaphore, #tpu.memory_space<semaphore_mem>>
        %dma_start3A_499 = arith.constant 0 : i32
        %dma_start3A_500 = tpu.memref_slice %arg18[%add3A_442, %dma_start3A_499] : memref<10000x64xbf16, #tpu.memory_space<vmem_shared>> -> memref<50x64xbf16, #tpu.memory_space<vmem_shared>>
        %dma_start3A_501 = arith.constant 0 : i32
        %dma_start3A_502 = tpu.memref_slice %arg18[%add3A_442, %dma_start3A_501] : memref<10000x64xbf16, #tpu.memory_space<vmem_shared>> -> memref<50x64xbf16, #tpu.memory_space<vmem_shared>>
        tpu.enqueue_dma source(%arg17 : memref<50x64xbf16, #tpu.memory_space<vmem>>) target(%dma_start3A_502 : memref<50x64xbf16, #tpu.memory_space<vmem_shared>>) target_semaphore(%run_scoped3A : memref<!tpu.dma_semaphore, #tpu.memory_space<semaphore_mem>>)
        %dma_wait3A_503 = arith.constant 0 : i32
        %dma_wait3A_504 = tpu.memref_slice %arg18[%add3A_442, %dma_wait3A_503] : memref<10000x64xbf16, #tpu.memory_space<vmem_shared>> -> memref<50x64xbf16, #tpu.memory_space<vmem_shared>>
        %dma_wait3A_505 = arith.constant 0 : i32
        %dma_wait3A_506 = tpu.memref_slice %arg18[%add3A_442, %dma_wait3A_505] : memref<10000x64xbf16, #tpu.memory_space<vmem_shared>> -> memref<50x64xbf16, #tpu.memory_space<vmem_shared>>
        tpu.wait_dma2 semaphore(%run_scoped3A : memref<!tpu.dma_semaphore, #tpu.memory_space<semaphore_mem>>) src(%arg17 : memref<50x64xbf16, #tpu.memory_space<vmem>>) dst(%dma_wait3A_506 : memref<50x64xbf16, #tpu.memory_space<vmem_shared>>)
        tpu.yield
      }) : () -> ()
      %mul3A_443 = arith.constant 1000 : i32
      %mul3A_444 = arith.muli %arg1, %mul3A_443 : i32
      %add3A_445 = arith.constant 300 : i32
      %add3A_446 = arith.addi %mul3A_444, %add3A_445 : i32
      "tpu.region"() ({
        %run_scoped3A = tpu.sem_alloc : memref<!tpu.dma_semaphore, #tpu.memory_space<semaphore_mem>>
        %dma_start3A_499 = arith.constant 0 : i32
        %dma_start3A_500 = tpu.memref_slice %arg18[%add3A_446, %dma_start3A_499] : memref<10000x64xbf16, #tpu.memory_space<vmem_shared>> -> memref<50x64xbf16, #tpu.memory_space<vmem_shared>>
        %dma_start3A_501 = arith.constant 0 : i32
        %dma_start3A_502 = tpu.memref_slice %arg18[%add3A_446, %dma_start3A_501] : memref<10000x64xbf16, #tpu.memory_space<vmem_shared>> -> memref<50x64xbf16, #tpu.memory_space<vmem_shared>>
        tpu.enqueue_dma source(%arg17 : memref<50x64xbf16, #tpu.memory_space<vmem>>) target(%dma_start3A_502 : memref<50x64xbf16, #tpu.memory_space<vmem_shared>>) target_semaphore(%run_scoped3A : memref<!tpu.dma_semaphore, #tpu.memory_space<semaphore_mem>>)
        %dma_wait3A_503 = arith.constant 0 : i32
        %dma_wait3A_504 = tpu.memref_slice %arg18[%add3A_446, %dma_wait3A_503] : memref<10000x64xbf16, #tpu.memory_space<vmem_shared>> -> memref<50x64xbf16, #tpu.memory_space<vmem_shared>>
        %dma_wait3A_505 = arith.constant 0 : i32
        %dma_wait3A_506 = tpu.memref_slice %arg18[%add3A_446, %dma_wait3A_505] : memref<10000x64xbf16, #tpu.memory_space<vmem_shared>> -> memref<50x64xbf16, #tpu.memory_space<vmem_shared>>
        tpu.wait_dma2 semaphore(%run_scoped3A : memref<!tpu.dma_semaphore, #tpu.memory_space<semaphore_mem>>) src(%arg17 : memref<50x64xbf16, #tpu.memory_space<vmem>>) dst(%dma_wait3A_506 : memref<50x64xbf16, #tpu.memory_space<vmem_shared>>)
        tpu.yield
      }) : () -> ()
      %mul3A_447 = arith.constant 1000 : i32
      %mul3A_448 = arith.muli %arg1, %mul3A_447 : i32
      %add3A_449 = arith.constant 350 : i32
      %add3A_450 = arith.addi %mul3A_448, %add3A_449 : i32
      "tpu.region"() ({
        %run_scoped3A = tpu.sem_alloc : memref<!tpu.dma_semaphore, #tpu.memory_space<semaphore_mem>>
        %dma_start3A_499 = arith.constant 0 : i32
        %dma_start3A_500 = tpu.memref_slice %arg18[%add3A_450, %dma_start3A_499] : memref<10000x64xbf16, #tpu.memory_space<vmem_shared>> -> memref<50x64xbf16, #tpu.memory_space<vmem_shared>>
        %dma_start3A_501 = arith.constant 0 : i32
        %dma_start3A_502 = tpu.memref_slice %arg18[%add3A_450, %dma_start3A_501] : memref<10000x64xbf16, #tpu.memory_space<vmem_shared>> -> memref<50x64xbf16, #tpu.memory_space<vmem_shared>>
        tpu.enqueue_dma source(%arg17 : memref<50x64xbf16, #tpu.memory_space<vmem>>) target(%dma_start3A_502 : memref<50x64xbf16, #tpu.memory_space<vmem_shared>>) target_semaphore(%run_scoped3A : memref<!tpu.dma_semaphore, #tpu.memory_space<semaphore_mem>>)
        %dma_wait3A_503 = arith.constant 0 : i32
        %dma_wait3A_504 = tpu.memref_slice %arg18[%add3A_450, %dma_wait3A_503] : memref<10000x64xbf16, #tpu.memory_space<vmem_shared>> -> memref<50x64xbf16, #tpu.memory_space<vmem_shared>>
        %dma_wait3A_505 = arith.constant 0 : i32
        %dma_wait3A_506 = tpu.memref_slice %arg18[%add3A_450, %dma_wait3A_505] : memref<10000x64xbf16, #tpu.memory_space<vmem_shared>> -> memref<50x64xbf16, #tpu.memory_space<vmem_shared>>
        tpu.wait_dma2 semaphore(%run_scoped3A : memref<!tpu.dma_semaphore, #tpu.memory_space<semaphore_mem>>) src(%arg17 : memref<50x64xbf16, #tpu.memory_space<vmem>>) dst(%dma_wait3A_506 : memref<50x64xbf16, #tpu.memory_space<vmem_shared>>)
        tpu.yield
      }) : () -> ()
      %mul3A_451 = arith.constant 1000 : i32
      %mul3A_452 = arith.muli %arg1, %mul3A_451 : i32
      %add3A_453 = arith.constant 400 : i32
      %add3A_454 = arith.addi %mul3A_452, %add3A_453 : i32
      "tpu.region"() ({
        %run_scoped3A = tpu.sem_alloc : memref<!tpu.dma_semaphore, #tpu.memory_space<semaphore_mem>>
        %dma_start3A_499 = arith.constant 0 : i32
        %dma_start3A_500 = tpu.memref_slice %arg18[%add3A_454, %dma_start3A_499] : memref<10000x64xbf16, #tpu.memory_space<vmem_shared>> -> memref<50x64xbf16, #tpu.memory_space<vmem_shared>>
        %dma_start3A_501 = arith.constant 0 : i32
        %dma_start3A_502 = tpu.memref_slice %arg18[%add3A_454, %dma_start3A_501] : memref<10000x64xbf16, #tpu.memory_space<vmem_shared>> -> memref<50x64xbf16, #tpu.memory_space<vmem_shared>>
        tpu.enqueue_dma source(%arg17 : memref<50x64xbf16, #tpu.memory_space<vmem>>) target(%dma_start3A_502 : memref<50x64xbf16, #tpu.memory_space<vmem_shared>>) target_semaphore(%run_scoped3A : memref<!tpu.dma_semaphore, #tpu.memory_space<semaphore_mem>>)
        %dma_wait3A_503 = arith.constant 0 : i32
        %dma_wait3A_504 = tpu.memref_slice %arg18[%add3A_454, %dma_wait3A_503] : memref<10000x64xbf16, #tpu.memory_space<vmem_shared>> -> memref<50x64xbf16, #tpu.memory_space<vmem_shared>>
        %dma_wait3A_505 = arith.constant 0 : i32
        %dma_wait3A_506 = tpu.memref_slice %arg18[%add3A_454, %dma_wait3A_505] : memref<10000x64xbf16, #tpu.memory_space<vmem_shared>> -> memref<50x64xbf16, #tpu.memory_space<vmem_shared>>
        tpu.wait_dma2 semaphore(%run_scoped3A : memref<!tpu.dma_semaphore, #tpu.memory_space<semaphore_mem>>) src(%arg17 : memref<50x64xbf16, #tpu.memory_space<vmem>>) dst(%dma_wait3A_506 : memref<50x64xbf16, #tpu.memory_space<vmem_shared>>)
        tpu.yield
      }) : () -> ()
      %mul3A_455 = arith.constant 1000 : i32
      %mul3A_456 = arith.muli %arg1, %mul3A_455 : i32
      %add3A_457 = arith.constant 450 : i32
      %add3A_458 = arith.addi %mul3A_456, %add3A_457 : i32
      "tpu.region"() ({
        %run_scoped3A = tpu.sem_alloc : memref<!tpu.dma_semaphore, #tpu.memory_space<semaphore_mem>>
        %dma_start3A_499 = arith.constant 0 : i32
        %dma_start3A_500 = tpu.memref_slice %arg18[%add3A_458, %dma_start3A_499] : memref<10000x64xbf16, #tpu.memory_space<vmem_shared>> -> memref<50x64xbf16, #tpu.memory_space<vmem_shared>>
        %dma_start3A_501 = arith.constant 0 : i32
        %dma_start3A_502 = tpu.memref_slice %arg18[%add3A_458, %dma_start3A_501] : memref<10000x64xbf16, #tpu.memory_space<vmem_shared>> -> memref<50x64xbf16, #tpu.memory_space<vmem_shared>>
        tpu.enqueue_dma source(%arg17 : memref<50x64xbf16, #tpu.memory_space<vmem>>) target(%dma_start3A_502 : memref<50x64xbf16, #tpu.memory_space<vmem_shared>>) target_semaphore(%run_scoped3A : memref<!tpu.dma_semaphore, #tpu.memory_space<semaphore_mem>>)
        %dma_wait3A_503 = arith.constant 0 : i32
        %dma_wait3A_504 = tpu.memref_slice %arg18[%add3A_458, %dma_wait3A_503] : memref<10000x64xbf16, #tpu.memory_space<vmem_shared>> -> memref<50x64xbf16, #tpu.memory_space<vmem_shared>>
        %dma_wait3A_505 = arith.constant 0 : i32
        %dma_wait3A_506 = tpu.memref_slice %arg18[%add3A_458, %dma_wait3A_505] : memref<10000x64xbf16, #tpu.memory_space<vmem_shared>> -> memref<50x64xbf16, #tpu.memory_space<vmem_shared>>
        tpu.wait_dma2 semaphore(%run_scoped3A : memref<!tpu.dma_semaphore, #tpu.memory_space<semaphore_mem>>) src(%arg17 : memref<50x64xbf16, #tpu.memory_space<vmem>>) dst(%dma_wait3A_506 : memref<50x64xbf16, #tpu.memory_space<vmem_shared>>)
        tpu.yield
      }) : () -> ()
      %mul3A_459 = arith.constant 1000 : i32
      %mul3A_460 = arith.muli %arg1, %mul3A_459 : i32
      %add3A_461 = arith.constant 500 : i32
      %add3A_462 = arith.addi %mul3A_460, %add3A_461 : i32
      "tpu.region"() ({
        %run_scoped3A = tpu.sem_alloc : memref<!tpu.dma_semaphore, #tpu.memory_space<semaphore_mem>>
        %dma_start3A_499 = arith.constant 0 : i32
        %dma_start3A_500 = tpu.memref_slice %arg18[%add3A_462, %dma_start3A_499] : memref<10000x64xbf16, #tpu.memory_space<vmem_shared>> -> memref<50x64xbf16, #tpu.memory_space<vmem_shared>>
        %dma_start3A_501 = arith.constant 0 : i32
        %dma_start3A_502 = tpu.memref_slice %arg18[%add3A_462, %dma_start3A_501] : memref<10000x64xbf16, #tpu.memory_space<vmem_shared>> -> memref<50x64xbf16, #tpu.memory_space<vmem_shared>>
        tpu.enqueue_dma source(%arg17 : memref<50x64xbf16, #tpu.memory_space<vmem>>) target(%dma_start3A_502 : memref<50x64xbf16, #tpu.memory_space<vmem_shared>>) target_semaphore(%run_scoped3A : memref<!tpu.dma_semaphore, #tpu.memory_space<semaphore_mem>>)
        %dma_wait3A_503 = arith.constant 0 : i32
        %dma_wait3A_504 = tpu.memref_slice %arg18[%add3A_462, %dma_wait3A_503] : memref<10000x64xbf16, #tpu.memory_space<vmem_shared>> -> memref<50x64xbf16, #tpu.memory_space<vmem_shared>>
        %dma_wait3A_505 = arith.constant 0 : i32
        %dma_wait3A_506 = tpu.memref_slice %arg18[%add3A_462, %dma_wait3A_505] : memref<10000x64xbf16, #tpu.memory_space<vmem_shared>> -> memref<50x64xbf16, #tpu.memory_space<vmem_shared>>
        tpu.wait_dma2 semaphore(%run_scoped3A : memref<!tpu.dma_semaphore, #tpu.memory_space<semaphore_mem>>) src(%arg17 : memref<50x64xbf16, #tpu.memory_space<vmem>>) dst(%dma_wait3A_506 : memref<50x64xbf16, #tpu.memory_space<vmem_shared>>)
        tpu.yield
      }) : () -> ()
      %mul3A_463 = arith.constant 1000 : i32
      %mul3A_464 = arith.muli %arg1, %mul3A_463 : i32
      %add3A_465 = arith.constant 550 : i32
      %add3A_466 = arith.addi %mul3A_464, %add3A_465 : i32
      "tpu.region"() ({
        %run_scoped3A = tpu.sem_alloc : memref<!tpu.dma_semaphore, #tpu.memory_space<semaphore_mem>>
        %dma_start3A_499 = arith.constant 0 : i32
        %dma_start3A_500 = tpu.memref_slice %arg18[%add3A_466, %dma_start3A_499] : memref<10000x64xbf16, #tpu.memory_space<vmem_shared>> -> memref<50x64xbf16, #tpu.memory_space<vmem_shared>>
        %dma_start3A_501 = arith.constant 0 : i32
        %dma_start3A_502 = tpu.memref_slice %arg18[%add3A_466, %dma_start3A_501] : memref<10000x64xbf16, #tpu.memory_space<vmem_shared>> -> memref<50x64xbf16, #tpu.memory_space<vmem_shared>>
        tpu.enqueue_dma source(%arg17 : memref<50x64xbf16, #tpu.memory_space<vmem>>) target(%dma_start3A_502 : memref<50x64xbf16, #tpu.memory_space<vmem_shared>>) target_semaphore(%run_scoped3A : memref<!tpu.dma_semaphore, #tpu.memory_space<semaphore_mem>>)
        %dma_wait3A_503 = arith.constant 0 : i32
        %dma_wait3A_504 = tpu.memref_slice %arg18[%add3A_466, %dma_wait3A_503] : memref<10000x64xbf16, #tpu.memory_space<vmem_shared>> -> memref<50x64xbf16, #tpu.memory_space<vmem_shared>>
        %dma_wait3A_505 = arith.constant 0 : i32
        %dma_wait3A_506 = tpu.memref_slice %arg18[%add3A_466, %dma_wait3A_505] : memref<10000x64xbf16, #tpu.memory_space<vmem_shared>> -> memref<50x64xbf16, #tpu.memory_space<vmem_shared>>
        tpu.wait_dma2 semaphore(%run_scoped3A : memref<!tpu.dma_semaphore, #tpu.memory_space<semaphore_mem>>) src(%arg17 : memref<50x64xbf16, #tpu.memory_space<vmem>>) dst(%dma_wait3A_506 : memref<50x64xbf16, #tpu.memory_space<vmem_shared>>)
        tpu.yield
      }) : () -> ()
      %mul3A_467 = arith.constant 1000 : i32
      %mul3A_468 = arith.muli %arg1, %mul3A_467 : i32
      %add3A_469 = arith.constant 600 : i32
      %add3A_470 = arith.addi %mul3A_468, %add3A_469 : i32
      "tpu.region"() ({
        %run_scoped3A = tpu.sem_alloc : memref<!tpu.dma_semaphore, #tpu.memory_space<semaphore_mem>>
        %dma_start3A_499 = arith.constant 0 : i32
        %dma_start3A_500 = tpu.memref_slice %arg18[%add3A_470, %dma_start3A_499] : memref<10000x64xbf16, #tpu.memory_space<vmem_shared>> -> memref<50x64xbf16, #tpu.memory_space<vmem_shared>>
        %dma_start3A_501 = arith.constant 0 : i32
        %dma_start3A_502 = tpu.memref_slice %arg18[%add3A_470, %dma_start3A_501] : memref<10000x64xbf16, #tpu.memory_space<vmem_shared>> -> memref<50x64xbf16, #tpu.memory_space<vmem_shared>>
        tpu.enqueue_dma source(%arg17 : memref<50x64xbf16, #tpu.memory_space<vmem>>) target(%dma_start3A_502 : memref<50x64xbf16, #tpu.memory_space<vmem_shared>>) target_semaphore(%run_scoped3A : memref<!tpu.dma_semaphore, #tpu.memory_space<semaphore_mem>>)
        %dma_wait3A_503 = arith.constant 0 : i32
        %dma_wait3A_504 = tpu.memref_slice %arg18[%add3A_470, %dma_wait3A_503] : memref<10000x64xbf16, #tpu.memory_space<vmem_shared>> -> memref<50x64xbf16, #tpu.memory_space<vmem_shared>>
        %dma_wait3A_505 = arith.constant 0 : i32
        %dma_wait3A_506 = tpu.memref_slice %arg18[%add3A_470, %dma_wait3A_505] : memref<10000x64xbf16, #tpu.memory_space<vmem_shared>> -> memref<50x64xbf16, #tpu.memory_space<vmem_shared>>
        tpu.wait_dma2 semaphore(%run_scoped3A : memref<!tpu.dma_semaphore, #tpu.memory_space<semaphore_mem>>) src(%arg17 : memref<50x64xbf16, #tpu.memory_space<vmem>>) dst(%dma_wait3A_506 : memref<50x64xbf16, #tpu.memory_space<vmem_shared>>)
        tpu.yield
      }) : () -> ()
      %mul3A_471 = arith.constant 1000 : i32
      %mul3A_472 = arith.muli %arg1, %mul3A_471 : i32
      %add3A_473 = arith.constant 650 : i32
      %add3A_474 = arith.addi %mul3A_472, %add3A_473 : i32
      "tpu.region"() ({
        %run_scoped3A = tpu.sem_alloc : memref<!tpu.dma_semaphore, #tpu.memory_space<semaphore_mem>>
        %dma_start3A_499 = arith.constant 0 : i32
        %dma_start3A_500 = tpu.memref_slice %arg18[%add3A_474, %dma_start3A_499] : memref<10000x64xbf16, #tpu.memory_space<vmem_shared>> -> memref<50x64xbf16, #tpu.memory_space<vmem_shared>>
        %dma_start3A_501 = arith.constant 0 : i32
        %dma_start3A_502 = tpu.memref_slice %arg18[%add3A_474, %dma_start3A_501] : memref<10000x64xbf16, #tpu.memory_space<vmem_shared>> -> memref<50x64xbf16, #tpu.memory_space<vmem_shared>>
        tpu.enqueue_dma source(%arg17 : memref<50x64xbf16, #tpu.memory_space<vmem>>) target(%dma_start3A_502 : memref<50x64xbf16, #tpu.memory_space<vmem_shared>>) target_semaphore(%run_scoped3A : memref<!tpu.dma_semaphore, #tpu.memory_space<semaphore_mem>>)
        %dma_wait3A_503 = arith.constant 0 : i32
        %dma_wait3A_504 = tpu.memref_slice %arg18[%add3A_474, %dma_wait3A_503] : memref<10000x64xbf16, #tpu.memory_space<vmem_shared>> -> memref<50x64xbf16, #tpu.memory_space<vmem_shared>>
        %dma_wait3A_505 = arith.constant 0 : i32
        %dma_wait3A_506 = tpu.memref_slice %arg18[%add3A_474, %dma_wait3A_505] : memref<10000x64xbf16, #tpu.memory_space<vmem_shared>> -> memref<50x64xbf16, #tpu.memory_space<vmem_shared>>
        tpu.wait_dma2 semaphore(%run_scoped3A : memref<!tpu.dma_semaphore, #tpu.memory_space<semaphore_mem>>) src(%arg17 : memref<50x64xbf16, #tpu.memory_space<vmem>>) dst(%dma_wait3A_506 : memref<50x64xbf16, #tpu.memory_space<vmem_shared>>)
        tpu.yield
      }) : () -> ()
      %mul3A_475 = arith.constant 1000 : i32
      %mul3A_476 = arith.muli %arg1, %mul3A_475 : i32
      %add3A_477 = arith.constant 700 : i32
      %add3A_478 = arith.addi %mul3A_476, %add3A_477 : i32
      "tpu.region"() ({
        %run_scoped3A = tpu.sem_alloc : memref<!tpu.dma_semaphore, #tpu.memory_space<semaphore_mem>>
        %dma_start3A_499 = arith.constant 0 : i32
        %dma_start3A_500 = tpu.memref_slice %arg18[%add3A_478, %dma_start3A_499] : memref<10000x64xbf16, #tpu.memory_space<vmem_shared>> -> memref<50x64xbf16, #tpu.memory_space<vmem_shared>>
        %dma_start3A_501 = arith.constant 0 : i32
        %dma_start3A_502 = tpu.memref_slice %arg18[%add3A_478, %dma_start3A_501] : memref<10000x64xbf16, #tpu.memory_space<vmem_shared>> -> memref<50x64xbf16, #tpu.memory_space<vmem_shared>>
        tpu.enqueue_dma source(%arg17 : memref<50x64xbf16, #tpu.memory_space<vmem>>) target(%dma_start3A_502 : memref<50x64xbf16, #tpu.memory_space<vmem_shared>>) target_semaphore(%run_scoped3A : memref<!tpu.dma_semaphore, #tpu.memory_space<semaphore_mem>>)
        %dma_wait3A_503 = arith.constant 0 : i32
        %dma_wait3A_504 = tpu.memref_slice %arg18[%add3A_478, %dma_wait3A_503] : memref<10000x64xbf16, #tpu.memory_space<vmem_shared>> -> memref<50x64xbf16, #tpu.memory_space<vmem_shared>>
        %dma_wait3A_505 = arith.constant 0 : i32
        %dma_wait3A_506 = tpu.memref_slice %arg18[%add3A_478, %dma_wait3A_505] : memref<10000x64xbf16, #tpu.memory_space<vmem_shared>> -> memref<50x64xbf16, #tpu.memory_space<vmem_shared>>
        tpu.wait_dma2 semaphore(%run_scoped3A : memref<!tpu.dma_semaphore, #tpu.memory_space<semaphore_mem>>) src(%arg17 : memref<50x64xbf16, #tpu.memory_space<vmem>>) dst(%dma_wait3A_506 : memref<50x64xbf16, #tpu.memory_space<vmem_shared>>)
        tpu.yield
      }) : () -> ()
      %mul3A_479 = arith.constant 1000 : i32
      %mul3A_480 = arith.muli %arg1, %mul3A_479 : i32
      %add3A_481 = arith.constant 750 : i32
      %add3A_482 = arith.addi %mul3A_480, %add3A_481 : i32
      "tpu.region"() ({
        %run_scoped3A = tpu.sem_alloc : memref<!tpu.dma_semaphore, #tpu.memory_space<semaphore_mem>>
        %dma_start3A_499 = arith.constant 0 : i32
        %dma_start3A_500 = tpu.memref_slice %arg18[%add3A_482, %dma_start3A_499] : memref<10000x64xbf16, #tpu.memory_space<vmem_shared>> -> memref<50x64xbf16, #tpu.memory_space<vmem_shared>>
        %dma_start3A_501 = arith.constant 0 : i32
        %dma_start3A_502 = tpu.memref_slice %arg18[%add3A_482, %dma_start3A_501] : memref<10000x64xbf16, #tpu.memory_space<vmem_shared>> -> memref<50x64xbf16, #tpu.memory_space<vmem_shared>>
        tpu.enqueue_dma source(%arg17 : memref<50x64xbf16, #tpu.memory_space<vmem>>) target(%dma_start3A_502 : memref<50x64xbf16, #tpu.memory_space<vmem_shared>>) target_semaphore(%run_scoped3A : memref<!tpu.dma_semaphore, #tpu.memory_space<semaphore_mem>>)
        %dma_wait3A_503 = arith.constant 0 : i32
        %dma_wait3A_504 = tpu.memref_slice %arg18[%add3A_482, %dma_wait3A_503] : memref<10000x64xbf16, #tpu.memory_space<vmem_shared>> -> memref<50x64xbf16, #tpu.memory_space<vmem_shared>>
        %dma_wait3A_505 = arith.constant 0 : i32
        %dma_wait3A_506 = tpu.memref_slice %arg18[%add3A_482, %dma_wait3A_505] : memref<10000x64xbf16, #tpu.memory_space<vmem_shared>> -> memref<50x64xbf16, #tpu.memory_space<vmem_shared>>
        tpu.wait_dma2 semaphore(%run_scoped3A : memref<!tpu.dma_semaphore, #tpu.memory_space<semaphore_mem>>) src(%arg17 : memref<50x64xbf16, #tpu.memory_space<vmem>>) dst(%dma_wait3A_506 : memref<50x64xbf16, #tpu.memory_space<vmem_shared>>)
        tpu.yield
      }) : () -> ()
      %mul3A_483 = arith.constant 1000 : i32
      %mul3A_484 = arith.muli %arg1, %mul3A_483 : i32
      %add3A_485 = arith.constant 800 : i32
      %add3A_486 = arith.addi %mul3A_484, %add3A_485 : i32
      "tpu.region"() ({
        %run_scoped3A = tpu.sem_alloc : memref<!tpu.dma_semaphore, #tpu.memory_space<semaphore_mem>>
        %dma_start3A_499 = arith.constant 0 : i32
        %dma_start3A_500 = tpu.memref_slice %arg18[%add3A_486, %dma_start3A_499] : memref<10000x64xbf16, #tpu.memory_space<vmem_shared>> -> memref<50x64xbf16, #tpu.memory_space<vmem_shared>>
        %dma_start3A_501 = arith.constant 0 : i32
        %dma_start3A_502 = tpu.memref_slice %arg18[%add3A_486, %dma_start3A_501] : memref<10000x64xbf16, #tpu.memory_space<vmem_shared>> -> memref<50x64xbf16, #tpu.memory_space<vmem_shared>>
        tpu.enqueue_dma source(%arg17 : memref<50x64xbf16, #tpu.memory_space<vmem>>) target(%dma_start3A_502 : memref<50x64xbf16, #tpu.memory_space<vmem_shared>>) target_semaphore(%run_scoped3A : memref<!tpu.dma_semaphore, #tpu.memory_space<semaphore_mem>>)
        %dma_wait3A_503 = arith.constant 0 : i32
        %dma_wait3A_504 = tpu.memref_slice %arg18[%add3A_486, %dma_wait3A_503] : memref<10000x64xbf16, #tpu.memory_space<vmem_shared>> -> memref<50x64xbf16, #tpu.memory_space<vmem_shared>>
        %dma_wait3A_505 = arith.constant 0 : i32
        %dma_wait3A_506 = tpu.memref_slice %arg18[%add3A_486, %dma_wait3A_505] : memref<10000x64xbf16, #tpu.memory_space<vmem_shared>> -> memref<50x64xbf16, #tpu.memory_space<vmem_shared>>
        tpu.wait_dma2 semaphore(%run_scoped3A : memref<!tpu.dma_semaphore, #tpu.memory_space<semaphore_mem>>) src(%arg17 : memref<50x64xbf16, #tpu.memory_space<vmem>>) dst(%dma_wait3A_506 : memref<50x64xbf16, #tpu.memory_space<vmem_shared>>)
        tpu.yield
      }) : () -> ()
      %mul3A_487 = arith.constant 1000 : i32
      %mul3A_488 = arith.muli %arg1, %mul3A_487 : i32
      %add3A_489 = arith.constant 850 : i32
      %add3A_490 = arith.addi %mul3A_488, %add3A_489 : i32
      "tpu.region"() ({
        %run_scoped3A = tpu.sem_alloc : memref<!tpu.dma_semaphore, #tpu.memory_space<semaphore_mem>>
        %dma_start3A_499 = arith.constant 0 : i32
        %dma_start3A_500 = tpu.memref_slice %arg18[%add3A_490, %dma_start3A_499] : memref<10000x64xbf16, #tpu.memory_space<vmem_shared>> -> memref<50x64xbf16, #tpu.memory_space<vmem_shared>>
        %dma_start3A_501 = arith.constant 0 : i32
        %dma_start3A_502 = tpu.memref_slice %arg18[%add3A_490, %dma_start3A_501] : memref<10000x64xbf16, #tpu.memory_space<vmem_shared>> -> memref<50x64xbf16, #tpu.memory_space<vmem_shared>>
        tpu.enqueue_dma source(%arg17 : memref<50x64xbf16, #tpu.memory_space<vmem>>) target(%dma_start3A_502 : memref<50x64xbf16, #tpu.memory_space<vmem_shared>>) target_semaphore(%run_scoped3A : memref<!tpu.dma_semaphore, #tpu.memory_space<semaphore_mem>>)
        %dma_wait3A_503 = arith.constant 0 : i32
        %dma_wait3A_504 = tpu.memref_slice %arg18[%add3A_490, %dma_wait3A_503] : memref<10000x64xbf16, #tpu.memory_space<vmem_shared>> -> memref<50x64xbf16, #tpu.memory_space<vmem_shared>>
        %dma_wait3A_505 = arith.constant 0 : i32
        %dma_wait3A_506 = tpu.memref_slice %arg18[%add3A_490, %dma_wait3A_505] : memref<10000x64xbf16, #tpu.memory_space<vmem_shared>> -> memref<50x64xbf16, #tpu.memory_space<vmem_shared>>
        tpu.wait_dma2 semaphore(%run_scoped3A : memref<!tpu.dma_semaphore, #tpu.memory_space<semaphore_mem>>) src(%arg17 : memref<50x64xbf16, #tpu.memory_space<vmem>>) dst(%dma_wait3A_506 : memref<50x64xbf16, #tpu.memory_space<vmem_shared>>)
        tpu.yield
      }) : () -> ()
      %mul3A_491 = arith.constant 1000 : i32
      %mul3A_492 = arith.muli %arg1, %mul3A_491 : i32
      %add3A_493 = arith.constant 900 : i32
      %add3A_494 = arith.addi %mul3A_492, %add3A_493 : i32
      "tpu.region"() ({
        %run_scoped3A = tpu.sem_alloc : memref<!tpu.dma_semaphore, #tpu.memory_space<semaphore_mem>>
        %dma_start3A_499 = arith.constant 0 : i32
        %dma_start3A_500 = tpu.memref_slice %arg18[%add3A_494, %dma_start3A_499] : memref<10000x64xbf16, #tpu.memory_space<vmem_shared>> -> memref<50x64xbf16, #tpu.memory_space<vmem_shared>>
        %dma_start3A_501 = arith.constant 0 : i32
        %dma_start3A_502 = tpu.memref_slice %arg18[%add3A_494, %dma_start3A_501] : memref<10000x64xbf16, #tpu.memory_space<vmem_shared>> -> memref<50x64xbf16, #tpu.memory_space<vmem_shared>>
        tpu.enqueue_dma source(%arg17 : memref<50x64xbf16, #tpu.memory_space<vmem>>) target(%dma_start3A_502 : memref<50x64xbf16, #tpu.memory_space<vmem_shared>>) target_semaphore(%run_scoped3A : memref<!tpu.dma_semaphore, #tpu.memory_space<semaphore_mem>>)
        %dma_wait3A_503 = arith.constant 0 : i32
        %dma_wait3A_504 = tpu.memref_slice %arg18[%add3A_494, %dma_wait3A_503] : memref<10000x64xbf16, #tpu.memory_space<vmem_shared>> -> memref<50x64xbf16, #tpu.memory_space<vmem_shared>>
        %dma_wait3A_505 = arith.constant 0 : i32
        %dma_wait3A_506 = tpu.memref_slice %arg18[%add3A_494, %dma_wait3A_505] : memref<10000x64xbf16, #tpu.memory_space<vmem_shared>> -> memref<50x64xbf16, #tpu.memory_space<vmem_shared>>
        tpu.wait_dma2 semaphore(%run_scoped3A : memref<!tpu.dma_semaphore, #tpu.memory_space<semaphore_mem>>) src(%arg17 : memref<50x64xbf16, #tpu.memory_space<vmem>>) dst(%dma_wait3A_506 : memref<50x64xbf16, #tpu.memory_space<vmem_shared>>)
        tpu.yield
      }) : () -> ()
      %mul3A_495 = arith.constant 1000 : i32
      %mul3A_496 = arith.muli %arg1, %mul3A_495 : i32
      %add3A_497 = arith.constant 950 : i32
      %add3A_498 = arith.addi %mul3A_496, %add3A_497 : i32
      "tpu.region"() ({
        %run_scoped3A = tpu.sem_alloc : memref<!tpu.dma_semaphore, #tpu.memory_space<semaphore_mem>>
        %dma_start3A_499 = arith.constant 0 : i32
        %dma_start3A_500 = tpu.memref_slice %arg18[%add3A_498, %dma_start3A_499] : memref<10000x64xbf16, #tpu.memory_space<vmem_shared>> -> memref<50x64xbf16, #tpu.memory_space<vmem_shared>>
        %dma_start3A_501 = arith.constant 0 : i32
        %dma_start3A_502 = tpu.memref_slice %arg18[%add3A_498, %dma_start3A_501] : memref<10000x64xbf16, #tpu.memory_space<vmem_shared>> -> memref<50x64xbf16, #tpu.memory_space<vmem_shared>>
        tpu.enqueue_dma source(%arg17 : memref<50x64xbf16, #tpu.memory_space<vmem>>) target(%dma_start3A_502 : memref<50x64xbf16, #tpu.memory_space<vmem_shared>>) target_semaphore(%run_scoped3A : memref<!tpu.dma_semaphore, #tpu.memory_space<semaphore_mem>>)
        %dma_wait3A_503 = arith.constant 0 : i32
        %dma_wait3A_504 = tpu.memref_slice %arg18[%add3A_498, %dma_wait3A_503] : memref<10000x64xbf16, #tpu.memory_space<vmem_shared>> -> memref<50x64xbf16, #tpu.memory_space<vmem_shared>>
        %dma_wait3A_505 = arith.constant 0 : i32
        %dma_wait3A_506 = tpu.memref_slice %arg18[%add3A_498, %dma_wait3A_505] : memref<10000x64xbf16, #tpu.memory_space<vmem_shared>> -> memref<50x64xbf16, #tpu.memory_space<vmem_shared>>
        tpu.wait_dma2 semaphore(%run_scoped3A : memref<!tpu.dma_semaphore, #tpu.memory_space<semaphore_mem>>) src(%arg17 : memref<50x64xbf16, #tpu.memory_space<vmem>>) dst(%dma_wait3A_506 : memref<50x64xbf16, #tpu.memory_space<vmem_shared>>)
        tpu.yield
      }) : () -> ()
    } else {
    }
    %barrier3A = arith.constant 0 : index
    tpu.barrier barrier_id(%barrier3A)
    %dma_start3A = arith.constant 0 : i32
    %dma_start3A_36 = arith.constant 0 : i32
    %dma_start3A_37 = tpu.memref_slice %arg7[%dma_start3A, %dma_start3A_36] : memref<128x80xi32, #tpu.memory_space<vmem>> -> memref<1x80xi32, #tpu.memory_space<vmem>>
    %dma_start3A_38 = tpu.memref_squeeze %dma_start3A_37 : memref<1x80xi32, #tpu.memory_space<vmem>> -> memref<80xi32, #tpu.memory_space<vmem>>
    %dma_start3A_39 = arith.constant 0 : i32
    %dma_start3A_40 = arith.constant 0 : i32
    %dma_start3A_41 = tpu.memref_slice %arg2[%dma_start3A_39, %dma_start3A_40] : memref<10000x64xbf16, #tpu.memory_space<hbm>> -> memref<10000x64xbf16, #tpu.memory_space<hbm>>
    tpu.enqueue_indirect_dma source(%dma_start3A_41 : memref<10000x64xbf16, #tpu.memory_space<hbm>>) target(%arg9 : memref<80x64xbf16, #tpu.memory_space<vmem>>) offsets(%dma_start3A_38 : memref<80xi32, #tpu.memory_space<vmem>>) semaphore(%arg19 : memref<!tpu.dma_semaphore, #tpu.memory_space<semaphore_mem>>)
    %dma_start3A_42 = arith.constant 1 : i32
    %dma_start3A_43 = arith.constant 0 : i32
    %dma_start3A_44 = tpu.memref_slice %arg7[%dma_start3A_42, %dma_start3A_43] : memref<128x80xi32, #tpu.memory_space<vmem>> -> memref<1x80xi32, #tpu.memory_space<vmem>>
    %dma_start3A_45 = tpu.memref_squeeze %dma_start3A_44 : memref<1x80xi32, #tpu.memory_space<vmem>> -> memref<80xi32, #tpu.memory_space<vmem>>
    %dma_start3A_46 = arith.constant 0 : i32
    %dma_start3A_47 = arith.constant 0 : i32
    %dma_start3A_48 = tpu.memref_slice %arg2[%dma_start3A_46, %dma_start3A_47] : memref<10000x64xbf16, #tpu.memory_space<hbm>> -> memref<10000x64xbf16, #tpu.memory_space<hbm>>
    tpu.enqueue_indirect_dma source(%dma_start3A_48 : memref<10000x64xbf16, #tpu.memory_space<hbm>>) target(%arg10 : memref<80x64xbf16, #tpu.memory_space<vmem>>) offsets(%dma_start3A_45 : memref<80xi32, #tpu.memory_space<vmem>>) semaphore(%arg20 : memref<!tpu.dma_semaphore, #tpu.memory_space<semaphore_mem>>)
    %dma_start3A_49 = arith.constant 2 : i32
    %dma_start3A_50 = arith.constant 0 : i32
    %dma_start3A_51 = tpu.memref_slice %arg7[%dma_start3A_49, %dma_start3A_50] : memref<128x80xi32, #tpu.memory_space<vmem>> -> memref<1x80xi32, #tpu.memory_space<vmem>>
    %dma_start3A_52 = tpu.memref_squeeze %dma_start3A_51 : memref<1x80xi32, #tpu.memory_space<vmem>> -> memref<80xi32, #tpu.memory_space<vmem>>
    %dma_start3A_53 = arith.constant 0 : i32
    %dma_start3A_54 = arith.constant 0 : i32
    %dma_start3A_55 = tpu.memref_slice %arg2[%dma_start3A_53, %dma_start3A_54] : memref<10000x64xbf16, #tpu.memory_space<hbm>> -> memref<10000x64xbf16, #tpu.memory_space<hbm>>
    tpu.enqueue_indirect_dma source(%dma_start3A_55 : memref<10000x64xbf16, #tpu.memory_space<hbm>>) target(%arg11 : memref<80x64xbf16, #tpu.memory_space<vmem>>) offsets(%dma_start3A_52 : memref<80xi32, #tpu.memory_space<vmem>>) semaphore(%arg21 : memref<!tpu.dma_semaphore, #tpu.memory_space<semaphore_mem>>)
    %dma_start3A_56 = arith.constant 3 : i32
    %dma_start3A_57 = arith.constant 0 : i32
    %dma_start3A_58 = tpu.memref_slice %arg7[%dma_start3A_56, %dma_start3A_57] : memref<128x80xi32, #tpu.memory_space<vmem>> -> memref<1x80xi32, #tpu.memory_space<vmem>>
    %dma_start3A_59 = tpu.memref_squeeze %dma_start3A_58 : memref<1x80xi32, #tpu.memory_space<vmem>> -> memref<80xi32, #tpu.memory_space<vmem>>
    %dma_start3A_60 = arith.constant 0 : i32
    %dma_start3A_61 = arith.constant 0 : i32
    %dma_start3A_62 = tpu.memref_slice %arg2[%dma_start3A_60, %dma_start3A_61] : memref<10000x64xbf16, #tpu.memory_space<hbm>> -> memref<10000x64xbf16, #tpu.memory_space<hbm>>
    tpu.enqueue_indirect_dma source(%dma_start3A_62 : memref<10000x64xbf16, #tpu.memory_space<hbm>>) target(%arg12 : memref<80x64xbf16, #tpu.memory_space<vmem>>) offsets(%dma_start3A_59 : memref<80xi32, #tpu.memory_space<vmem>>) semaphore(%arg22 : memref<!tpu.dma_semaphore, #tpu.memory_space<semaphore_mem>>)
    %dma_start3A_63 = arith.constant 4 : i32
    %dma_start3A_64 = arith.constant 0 : i32
    %dma_start3A_65 = tpu.memref_slice %arg7[%dma_start3A_63, %dma_start3A_64] : memref<128x80xi32, #tpu.memory_space<vmem>> -> memref<1x80xi32, #tpu.memory_space<vmem>>
    %dma_start3A_66 = tpu.memref_squeeze %dma_start3A_65 : memref<1x80xi32, #tpu.memory_space<vmem>> -> memref<80xi32, #tpu.memory_space<vmem>>
    %dma_start3A_67 = arith.constant 0 : i32
    %dma_start3A_68 = arith.constant 0 : i32
    %dma_start3A_69 = tpu.memref_slice %arg2[%dma_start3A_67, %dma_start3A_68] : memref<10000x64xbf16, #tpu.memory_space<hbm>> -> memref<10000x64xbf16, #tpu.memory_space<hbm>>
    tpu.enqueue_indirect_dma source(%dma_start3A_69 : memref<10000x64xbf16, #tpu.memory_space<hbm>>) target(%arg13 : memref<80x64xbf16, #tpu.memory_space<vmem>>) offsets(%dma_start3A_66 : memref<80xi32, #tpu.memory_space<vmem>>) semaphore(%arg23 : memref<!tpu.dma_semaphore, #tpu.memory_space<semaphore_mem>>)
    %dma_start3A_70 = arith.constant 5 : i32
    %dma_start3A_71 = arith.constant 0 : i32
    %dma_start3A_72 = tpu.memref_slice %arg7[%dma_start3A_70, %dma_start3A_71] : memref<128x80xi32, #tpu.memory_space<vmem>> -> memref<1x80xi32, #tpu.memory_space<vmem>>
    %dma_start3A_73 = tpu.memref_squeeze %dma_start3A_72 : memref<1x80xi32, #tpu.memory_space<vmem>> -> memref<80xi32, #tpu.memory_space<vmem>>
    %dma_start3A_74 = arith.constant 0 : i32
    %dma_start3A_75 = arith.constant 0 : i32
    %dma_start3A_76 = tpu.memref_slice %arg2[%dma_start3A_74, %dma_start3A_75] : memref<10000x64xbf16, #tpu.memory_space<hbm>> -> memref<10000x64xbf16, #tpu.memory_space<hbm>>
    tpu.enqueue_indirect_dma source(%dma_start3A_76 : memref<10000x64xbf16, #tpu.memory_space<hbm>>) target(%arg14 : memref<80x64xbf16, #tpu.memory_space<vmem>>) offsets(%dma_start3A_73 : memref<80xi32, #tpu.memory_space<vmem>>) semaphore(%arg24 : memref<!tpu.dma_semaphore, #tpu.memory_space<semaphore_mem>>)
    %dma_start3A_77 = arith.constant 6 : i32
    %dma_start3A_78 = arith.constant 0 : i32
    %dma_start3A_79 = tpu.memref_slice %arg7[%dma_start3A_77, %dma_start3A_78] : memref<128x80xi32, #tpu.memory_space<vmem>> -> memref<1x80xi32, #tpu.memory_space<vmem>>
    %dma_start3A_80 = tpu.memref_squeeze %dma_start3A_79 : memref<1x80xi32, #tpu.memory_space<vmem>> -> memref<80xi32, #tpu.memory_space<vmem>>
    %dma_start3A_81 = arith.constant 0 : i32
    %dma_start3A_82 = arith.constant 0 : i32
    %dma_start3A_83 = tpu.memref_slice %arg2[%dma_start3A_81, %dma_start3A_82] : memref<10000x64xbf16, #tpu.memory_space<hbm>> -> memref<10000x64xbf16, #tpu.memory_space<hbm>>
    tpu.enqueue_indirect_dma source(%dma_start3A_83 : memref<10000x64xbf16, #tpu.memory_space<hbm>>) target(%arg15 : memref<80x64xbf16, #tpu.memory_space<vmem>>) offsets(%dma_start3A_80 : memref<80xi32, #tpu.memory_space<vmem>>) semaphore(%arg25 : memref<!tpu.dma_semaphore, #tpu.memory_space<semaphore_mem>>)
    %dma_start3A_84 = arith.constant 7 : i32
    %dma_start3A_85 = arith.constant 0 : i32
    %dma_start3A_86 = tpu.memref_slice %arg7[%dma_start3A_84, %dma_start3A_85] : memref<128x80xi32, #tpu.memory_space<vmem>> -> memref<1x80xi32, #tpu.memory_space<vmem>>
    %dma_start3A_87 = tpu.memref_squeeze %dma_start3A_86 : memref<1x80xi32, #tpu.memory_space<vmem>> -> memref<80xi32, #tpu.memory_space<vmem>>
    %dma_start3A_88 = arith.constant 0 : i32
    %dma_start3A_89 = arith.constant 0 : i32
    %dma_start3A_90 = tpu.memref_slice %arg2[%dma_start3A_88, %dma_start3A_89] : memref<10000x64xbf16, #tpu.memory_space<hbm>> -> memref<10000x64xbf16, #tpu.memory_space<hbm>>
    tpu.enqueue_indirect_dma source(%dma_start3A_90 : memref<10000x64xbf16, #tpu.memory_space<hbm>>) target(%arg16 : memref<80x64xbf16, #tpu.memory_space<vmem>>) offsets(%dma_start3A_87 : memref<80xi32, #tpu.memory_space<vmem>>) semaphore(%arg26 : memref<!tpu.dma_semaphore, #tpu.memory_space<semaphore_mem>>)
    %dma_wait3A = arith.constant 0 : i32
    %dma_wait3A_91 = arith.constant 0 : i32
    %dma_wait3A_92 = tpu.memref_slice %arg7[%dma_wait3A, %dma_wait3A_91] : memref<128x80xi32, #tpu.memory_space<vmem>> -> memref<1x80xi32, #tpu.memory_space<vmem>>
    %dma_wait3A_93 = tpu.memref_squeeze %dma_wait3A_92 : memref<1x80xi32, #tpu.memory_space<vmem>> -> memref<80xi32, #tpu.memory_space<vmem>>
    %dma_wait3A_94 = arith.constant 0 : i32
    %dma_wait3A_95 = arith.constant 0 : i32
    %dma_wait3A_96 = tpu.memref_slice %arg2[%dma_wait3A_94, %dma_wait3A_95] : memref<10000x64xbf16, #tpu.memory_space<hbm>> -> memref<10000x64xbf16, #tpu.memory_space<hbm>>
    tpu.wait_indirect_dma semaphore(%arg19 : memref<!tpu.dma_semaphore, #tpu.memory_space<semaphore_mem>>) src(%dma_wait3A_96 : memref<10000x64xbf16, #tpu.memory_space<hbm>>) dst(%arg9 : memref<80x64xbf16, #tpu.memory_space<vmem>>)
    %dma_start3A_97 = arith.constant 0 : i32
    %dma_start3A_98 = arith.constant 0 : i32
    %dma_start3A_99 = tpu.memref_slice %arg8[%dma_start3A_97, %dma_start3A_98] : memref<125x80xi32, #tpu.memory_space<vmem>> -> memref<1x80xi32, #tpu.memory_space<vmem>>
    %dma_start3A_100 = tpu.memref_squeeze %dma_start3A_99 : memref<1x80xi32, #tpu.memory_space<vmem>> -> memref<80xi32, #tpu.memory_space<vmem>>
    %dma_start3A_101 = arith.constant 0 : i32
    %dma_start3A_102 = arith.constant 0 : i32
    %dma_start3A_103 = tpu.memref_slice %arg18[%dma_start3A_101, %dma_start3A_102] : memref<10000x64xbf16, #tpu.memory_space<vmem_shared>> -> memref<10000x64xbf16, #tpu.memory_space<vmem_shared>>
    tpu.enqueue_indirect_dma source(%arg9 : memref<80x64xbf16, #tpu.memory_space<vmem>>) target(%dma_start3A_103 : memref<10000x64xbf16, #tpu.memory_space<vmem_shared>>) offsets(%dma_start3A_100 : memref<80xi32, #tpu.memory_space<vmem>>) semaphore(%arg27 : memref<!tpu.dma_semaphore, #tpu.memory_space<semaphore_mem>>) {add = true}
    %dma_wait3A_104 = arith.constant 1 : i32
    %dma_wait3A_105 = arith.constant 0 : i32
    %dma_wait3A_106 = tpu.memref_slice %arg7[%dma_wait3A_104, %dma_wait3A_105] : memref<128x80xi32, #tpu.memory_space<vmem>> -> memref<1x80xi32, #tpu.memory_space<vmem>>
    %dma_wait3A_107 = tpu.memref_squeeze %dma_wait3A_106 : memref<1x80xi32, #tpu.memory_space<vmem>> -> memref<80xi32, #tpu.memory_space<vmem>>
    %dma_wait3A_108 = arith.constant 0 : i32
    %dma_wait3A_109 = arith.constant 0 : i32
    %dma_wait3A_110 = tpu.memref_slice %arg2[%dma_wait3A_108, %dma_wait3A_109] : memref<10000x64xbf16, #tpu.memory_space<hbm>> -> memref<10000x64xbf16, #tpu.memory_space<hbm>>
    tpu.wait_indirect_dma semaphore(%arg20 : memref<!tpu.dma_semaphore, #tpu.memory_space<semaphore_mem>>) src(%dma_wait3A_110 : memref<10000x64xbf16, #tpu.memory_space<hbm>>) dst(%arg10 : memref<80x64xbf16, #tpu.memory_space<vmem>>)
    %dma_start3A_111 = arith.constant 1 : i32
    %dma_start3A_112 = arith.constant 0 : i32
    %dma_start3A_113 = tpu.memref_slice %arg8[%dma_start3A_111, %dma_start3A_112] : memref<125x80xi32, #tpu.memory_space<vmem>> -> memref<1x80xi32, #tpu.memory_space<vmem>>
    %dma_start3A_114 = tpu.memref_squeeze %dma_start3A_113 : memref<1x80xi32, #tpu.memory_space<vmem>> -> memref<80xi32, #tpu.memory_space<vmem>>
    %dma_start3A_115 = arith.constant 0 : i32
    %dma_start3A_116 = arith.constant 0 : i32
    %dma_start3A_117 = tpu.memref_slice %arg18[%dma_start3A_115, %dma_start3A_116] : memref<10000x64xbf16, #tpu.memory_space<vmem_shared>> -> memref<10000x64xbf16, #tpu.memory_space<vmem_shared>>
    tpu.enqueue_indirect_dma source(%arg10 : memref<80x64xbf16, #tpu.memory_space<vmem>>) target(%dma_start3A_117 : memref<10000x64xbf16, #tpu.memory_space<vmem_shared>>) offsets(%dma_start3A_114 : memref<80xi32, #tpu.memory_space<vmem>>) semaphore(%arg28 : memref<!tpu.dma_semaphore, #tpu.memory_space<semaphore_mem>>) {add = true}
    %dma_wait3A_118 = arith.constant 2 : i32
    %dma_wait3A_119 = arith.constant 0 : i32
    %dma_wait3A_120 = tpu.memref_slice %arg7[%dma_wait3A_118, %dma_wait3A_119] : memref<128x80xi32, #tpu.memory_space<vmem>> -> memref<1x80xi32, #tpu.memory_space<vmem>>
    %dma_wait3A_121 = tpu.memref_squeeze %dma_wait3A_120 : memref<1x80xi32, #tpu.memory_space<vmem>> -> memref<80xi32, #tpu.memory_space<vmem>>
    %dma_wait3A_122 = arith.constant 0 : i32
    %dma_wait3A_123 = arith.constant 0 : i32
    %dma_wait3A_124 = tpu.memref_slice %arg2[%dma_wait3A_122, %dma_wait3A_123] : memref<10000x64xbf16, #tpu.memory_space<hbm>> -> memref<10000x64xbf16, #tpu.memory_space<hbm>>
    tpu.wait_indirect_dma semaphore(%arg21 : memref<!tpu.dma_semaphore, #tpu.memory_space<semaphore_mem>>) src(%dma_wait3A_124 : memref<10000x64xbf16, #tpu.memory_space<hbm>>) dst(%arg11 : memref<80x64xbf16, #tpu.memory_space<vmem>>)
    %dma_start3A_125 = arith.constant 2 : i32
    %dma_start3A_126 = arith.constant 0 : i32
    %dma_start3A_127 = tpu.memref_slice %arg8[%dma_start3A_125, %dma_start3A_126] : memref<125x80xi32, #tpu.memory_space<vmem>> -> memref<1x80xi32, #tpu.memory_space<vmem>>
    %dma_start3A_128 = tpu.memref_squeeze %dma_start3A_127 : memref<1x80xi32, #tpu.memory_space<vmem>> -> memref<80xi32, #tpu.memory_space<vmem>>
    %dma_start3A_129 = arith.constant 0 : i32
    %dma_start3A_130 = arith.constant 0 : i32
    %dma_start3A_131 = tpu.memref_slice %arg18[%dma_start3A_129, %dma_start3A_130] : memref<10000x64xbf16, #tpu.memory_space<vmem_shared>> -> memref<10000x64xbf16, #tpu.memory_space<vmem_shared>>
    tpu.enqueue_indirect_dma source(%arg11 : memref<80x64xbf16, #tpu.memory_space<vmem>>) target(%dma_start3A_131 : memref<10000x64xbf16, #tpu.memory_space<vmem_shared>>) offsets(%dma_start3A_128 : memref<80xi32, #tpu.memory_space<vmem>>) semaphore(%arg29 : memref<!tpu.dma_semaphore, #tpu.memory_space<semaphore_mem>>) {add = true}
    %dma_wait3A_132 = arith.constant 3 : i32
    %dma_wait3A_133 = arith.constant 0 : i32
    %dma_wait3A_134 = tpu.memref_slice %arg7[%dma_wait3A_132, %dma_wait3A_133] : memref<128x80xi32, #tpu.memory_space<vmem>> -> memref<1x80xi32, #tpu.memory_space<vmem>>
    %dma_wait3A_135 = tpu.memref_squeeze %dma_wait3A_134 : memref<1x80xi32, #tpu.memory_space<vmem>> -> memref<80xi32, #tpu.memory_space<vmem>>
    %dma_wait3A_136 = arith.constant 0 : i32
    %dma_wait3A_137 = arith.constant 0 : i32
    %dma_wait3A_138 = tpu.memref_slice %arg2[%dma_wait3A_136, %dma_wait3A_137] : memref<10000x64xbf16, #tpu.memory_space<hbm>> -> memref<10000x64xbf16, #tpu.memory_space<hbm>>
    tpu.wait_indirect_dma semaphore(%arg22 : memref<!tpu.dma_semaphore, #tpu.memory_space<semaphore_mem>>) src(%dma_wait3A_138 : memref<10000x64xbf16, #tpu.memory_space<hbm>>) dst(%arg12 : memref<80x64xbf16, #tpu.memory_space<vmem>>)
    %dma_start3A_139 = arith.constant 3 : i32
    %dma_start3A_140 = arith.constant 0 : i32
    %dma_start3A_141 = tpu.memref_slice %arg8[%dma_start3A_139, %dma_start3A_140] : memref<125x80xi32, #tpu.memory_space<vmem>> -> memref<1x80xi32, #tpu.memory_space<vmem>>
    %dma_start3A_142 = tpu.memref_squeeze %dma_start3A_141 : memref<1x80xi32, #tpu.memory_space<vmem>> -> memref<80xi32, #tpu.memory_space<vmem>>
    %dma_start3A_143 = arith.constant 0 : i32
    %dma_start3A_144 = arith.constant 0 : i32
    %dma_start3A_145 = tpu.memref_slice %arg18[%dma_start3A_143, %dma_start3A_144] : memref<10000x64xbf16, #tpu.memory_space<vmem_shared>> -> memref<10000x64xbf16, #tpu.memory_space<vmem_shared>>
    tpu.enqueue_indirect_dma source(%arg12 : memref<80x64xbf16, #tpu.memory_space<vmem>>) target(%dma_start3A_145 : memref<10000x64xbf16, #tpu.memory_space<vmem_shared>>) offsets(%dma_start3A_142 : memref<80xi32, #tpu.memory_space<vmem>>) semaphore(%arg30 : memref<!tpu.dma_semaphore, #tpu.memory_space<semaphore_mem>>) {add = true}
    %dma_wait3A_146 = arith.constant 4 : i32
    %dma_wait3A_147 = arith.constant 0 : i32
    %dma_wait3A_148 = tpu.memref_slice %arg7[%dma_wait3A_146, %dma_wait3A_147] : memref<128x80xi32, #tpu.memory_space<vmem>> -> memref<1x80xi32, #tpu.memory_space<vmem>>
    %dma_wait3A_149 = tpu.memref_squeeze %dma_wait3A_148 : memref<1x80xi32, #tpu.memory_space<vmem>> -> memref<80xi32, #tpu.memory_space<vmem>>
    %dma_wait3A_150 = arith.constant 0 : i32
    %dma_wait3A_151 = arith.constant 0 : i32
    %dma_wait3A_152 = tpu.memref_slice %arg2[%dma_wait3A_150, %dma_wait3A_151] : memref<10000x64xbf16, #tpu.memory_space<hbm>> -> memref<10000x64xbf16, #tpu.memory_space<hbm>>
    tpu.wait_indirect_dma semaphore(%arg23 : memref<!tpu.dma_semaphore, #tpu.memory_space<semaphore_mem>>) src(%dma_wait3A_152 : memref<10000x64xbf16, #tpu.memory_space<hbm>>) dst(%arg13 : memref<80x64xbf16, #tpu.memory_space<vmem>>)
    %dma_start3A_153 = arith.constant 4 : i32
    %dma_start3A_154 = arith.constant 0 : i32
    %dma_start3A_155 = tpu.memref_slice %arg8[%dma_start3A_153, %dma_start3A_154] : memref<125x80xi32, #tpu.memory_space<vmem>> -> memref<1x80xi32, #tpu.memory_space<vmem>>
    %dma_start3A_156 = tpu.memref_squeeze %dma_start3A_155 : memref<1x80xi32, #tpu.memory_space<vmem>> -> memref<80xi32, #tpu.memory_space<vmem>>
    %dma_start3A_157 = arith.constant 0 : i32
    %dma_start3A_158 = arith.constant 0 : i32
    %dma_start3A_159 = tpu.memref_slice %arg18[%dma_start3A_157, %dma_start3A_158] : memref<10000x64xbf16, #tpu.memory_space<vmem_shared>> -> memref<10000x64xbf16, #tpu.memory_space<vmem_shared>>
    tpu.enqueue_indirect_dma source(%arg13 : memref<80x64xbf16, #tpu.memory_space<vmem>>) target(%dma_start3A_159 : memref<10000x64xbf16, #tpu.memory_space<vmem_shared>>) offsets(%dma_start3A_156 : memref<80xi32, #tpu.memory_space<vmem>>) semaphore(%arg31 : memref<!tpu.dma_semaphore, #tpu.memory_space<semaphore_mem>>) {add = true}
    %dma_wait3A_160 = arith.constant 5 : i32
    %dma_wait3A_161 = arith.constant 0 : i32
    %dma_wait3A_162 = tpu.memref_slice %arg7[%dma_wait3A_160, %dma_wait3A_161] : memref<128x80xi32, #tpu.memory_space<vmem>> -> memref<1x80xi32, #tpu.memory_space<vmem>>
    %dma_wait3A_163 = tpu.memref_squeeze %dma_wait3A_162 : memref<1x80xi32, #tpu.memory_space<vmem>> -> memref<80xi32, #tpu.memory_space<vmem>>
    %dma_wait3A_164 = arith.constant 0 : i32
    %dma_wait3A_165 = arith.constant 0 : i32
    %dma_wait3A_166 = tpu.memref_slice %arg2[%dma_wait3A_164, %dma_wait3A_165] : memref<10000x64xbf16, #tpu.memory_space<hbm>> -> memref<10000x64xbf16, #tpu.memory_space<hbm>>
    tpu.wait_indirect_dma semaphore(%arg24 : memref<!tpu.dma_semaphore, #tpu.memory_space<semaphore_mem>>) src(%dma_wait3A_166 : memref<10000x64xbf16, #tpu.memory_space<hbm>>) dst(%arg14 : memref<80x64xbf16, #tpu.memory_space<vmem>>)
    %dma_start3A_167 = arith.constant 5 : i32
    %dma_start3A_168 = arith.constant 0 : i32
    %dma_start3A_169 = tpu.memref_slice %arg8[%dma_start3A_167, %dma_start3A_168] : memref<125x80xi32, #tpu.memory_space<vmem>> -> memref<1x80xi32, #tpu.memory_space<vmem>>
    %dma_start3A_170 = tpu.memref_squeeze %dma_start3A_169 : memref<1x80xi32, #tpu.memory_space<vmem>> -> memref<80xi32, #tpu.memory_space<vmem>>
    %dma_start3A_171 = arith.constant 0 : i32
    %dma_start3A_172 = arith.constant 0 : i32
    %dma_start3A_173 = tpu.memref_slice %arg18[%dma_start3A_171, %dma_start3A_172] : memref<10000x64xbf16, #tpu.memory_space<vmem_shared>> -> memref<10000x64xbf16, #tpu.memory_space<vmem_shared>>
    tpu.enqueue_indirect_dma source(%arg14 : memref<80x64xbf16, #tpu.memory_space<vmem>>) target(%dma_start3A_173 : memref<10000x64xbf16, #tpu.memory_space<vmem_shared>>) offsets(%dma_start3A_170 : memref<80xi32, #tpu.memory_space<vmem>>) semaphore(%arg32 : memref<!tpu.dma_semaphore, #tpu.memory_space<semaphore_mem>>) {add = true}
    %dma_wait3A_174 = arith.constant 6 : i32
    %dma_wait3A_175 = arith.constant 0 : i32
    %dma_wait3A_176 = tpu.memref_slice %arg7[%dma_wait3A_174, %dma_wait3A_175] : memref<128x80xi32, #tpu.memory_space<vmem>> -> memref<1x80xi32, #tpu.memory_space<vmem>>
    %dma_wait3A_177 = tpu.memref_squeeze %dma_wait3A_176 : memref<1x80xi32, #tpu.memory_space<vmem>> -> memref<80xi32, #tpu.memory_space<vmem>>
    %dma_wait3A_178 = arith.constant 0 : i32
    %dma_wait3A_179 = arith.constant 0 : i32
    %dma_wait3A_180 = tpu.memref_slice %arg2[%dma_wait3A_178, %dma_wait3A_179] : memref<10000x64xbf16, #tpu.memory_space<hbm>> -> memref<10000x64xbf16, #tpu.memory_space<hbm>>
    tpu.wait_indirect_dma semaphore(%arg25 : memref<!tpu.dma_semaphore, #tpu.memory_space<semaphore_mem>>) src(%dma_wait3A_180 : memref<10000x64xbf16, #tpu.memory_space<hbm>>) dst(%arg15 : memref<80x64xbf16, #tpu.memory_space<vmem>>)
    %dma_start3A_181 = arith.constant 6 : i32
    %dma_start3A_182 = arith.constant 0 : i32
    %dma_start3A_183 = tpu.memref_slice %arg8[%dma_start3A_181, %dma_start3A_182] : memref<125x80xi32, #tpu.memory_space<vmem>> -> memref<1x80xi32, #tpu.memory_space<vmem>>
    %dma_start3A_184 = tpu.memref_squeeze %dma_start3A_183 : memref<1x80xi32, #tpu.memory_space<vmem>> -> memref<80xi32, #tpu.memory_space<vmem>>
    %dma_start3A_185 = arith.constant 0 : i32
    %dma_start3A_186 = arith.constant 0 : i32
    %dma_start3A_187 = tpu.memref_slice %arg18[%dma_start3A_185, %dma_start3A_186] : memref<10000x64xbf16, #tpu.memory_space<vmem_shared>> -> memref<10000x64xbf16, #tpu.memory_space<vmem_shared>>
    tpu.enqueue_indirect_dma source(%arg15 : memref<80x64xbf16, #tpu.memory_space<vmem>>) target(%dma_start3A_187 : memref<10000x64xbf16, #tpu.memory_space<vmem_shared>>) offsets(%dma_start3A_184 : memref<80xi32, #tpu.memory_space<vmem>>) semaphore(%arg33 : memref<!tpu.dma_semaphore, #tpu.memory_space<semaphore_mem>>) {add = true}
    %scan3A_188 = arith.constant 0 : i32
    %scan3A_189 = arith.constant 0 : i32
    %scan3A_190 = arith.constant 14 : i32
    %scan3A_191 = arith.addi %scan3A_189, %scan3A_190 : i32
    %scan3A_192 = arith.constant 1 : i32
    scf.for %scan3A_419 = %scan3A_189 to %scan3A_191 step %scan3A_192  : i32 {
      %mul3A_420 = arith.constant 8 : i32
      %mul3A_421 = arith.muli %mul3A_420, %scan3A_419 : i32
      %add3A_422 = arith.constant 7 : i32
      %add3A_423 = arith.addi %mul3A_421, %add3A_422 : i32
      %add3A_424 = arith.constant 0 : i32
      %add3A_425 = arith.addi %add3A_423, %add3A_424 : i32
      %sub3A = arith.constant 7 : i32
      %sub3A_426 = arith.subi %add3A_425, %sub3A : i32
      %dma_wait3A_427 = arith.constant 0 : i32
      %dma_wait3A_428 = tpu.memref_slice %arg8[%sub3A_426, %dma_wait3A_427] : memref<125x80xi32, #tpu.memory_space<vmem>> -> memref<1x80xi32, #tpu.memory_space<vmem>>
      %dma_wait3A_429 = tpu.memref_squeeze %dma_wait3A_428 : memref<1x80xi32, #tpu.memory_space<vmem>> -> memref<80xi32, #tpu.memory_space<vmem>>
      %dma_wait3A_430 = arith.constant 0 : i32
      %dma_wait3A_431 = arith.constant 0 : i32
      %dma_wait3A_432 = tpu.memref_slice %arg18[%dma_wait3A_430, %dma_wait3A_431] : memref<10000x64xbf16, #tpu.memory_space<vmem_shared>> -> memref<10000x64xbf16, #tpu.memory_space<vmem_shared>>
      tpu.wait_indirect_dma semaphore(%arg27 : memref<!tpu.dma_semaphore, #tpu.memory_space<semaphore_mem>>) src(%arg9 : memref<80x64xbf16, #tpu.memory_space<vmem>>) dst(%dma_wait3A_432 : memref<10000x64xbf16, #tpu.memory_space<vmem_shared>>)
      %add3A_433 = arith.constant 1 : i32
      %add3A_434 = arith.addi %add3A_425, %add3A_433 : i32
      %dma_start3A_435 = arith.constant 0 : i32
      %dma_start3A_436 = tpu.memref_slice %arg7[%add3A_434, %dma_start3A_435] : memref<128x80xi32, #tpu.memory_space<vmem>> -> memref<1x80xi32, #tpu.memory_space<vmem>>
      %dma_start3A_437 = tpu.memref_squeeze %dma_start3A_436 : memref<1x80xi32, #tpu.memory_space<vmem>> -> memref<80xi32, #tpu.memory_space<vmem>>
      %dma_start3A_438 = arith.constant 0 : i32
      %dma_start3A_439 = arith.constant 0 : i32
      %dma_start3A_440 = tpu.memref_slice %arg2[%dma_start3A_438, %dma_start3A_439] : memref<10000x64xbf16, #tpu.memory_space<hbm>> -> memref<10000x64xbf16, #tpu.memory_space<hbm>>
      tpu.enqueue_indirect_dma source(%dma_start3A_440 : memref<10000x64xbf16, #tpu.memory_space<hbm>>) target(%arg9 : memref<80x64xbf16, #tpu.memory_space<vmem>>) offsets(%dma_start3A_437 : memref<80xi32, #tpu.memory_space<vmem>>) semaphore(%arg19 : memref<!tpu.dma_semaphore, #tpu.memory_space<semaphore_mem>>)
      %dma_wait3A_441 = arith.constant 0 : i32
      %dma_wait3A_442 = tpu.memref_slice %arg7[%add3A_425, %dma_wait3A_441] : memref<128x80xi32, #tpu.memory_space<vmem>> -> memref<1x80xi32, #tpu.memory_space<vmem>>
      %dma_wait3A_443 = tpu.memref_squeeze %dma_wait3A_442 : memref<1x80xi32, #tpu.memory_space<vmem>> -> memref<80xi32, #tpu.memory_space<vmem>>
      %dma_wait3A_444 = arith.constant 0 : i32
      %dma_wait3A_445 = arith.constant 0 : i32
      %dma_wait3A_446 = tpu.memref_slice %arg2[%dma_wait3A_444, %dma_wait3A_445] : memref<10000x64xbf16, #tpu.memory_space<hbm>> -> memref<10000x64xbf16, #tpu.memory_space<hbm>>
      tpu.wait_indirect_dma semaphore(%arg26 : memref<!tpu.dma_semaphore, #tpu.memory_space<semaphore_mem>>) src(%dma_wait3A_446 : memref<10000x64xbf16, #tpu.memory_space<hbm>>) dst(%arg16 : memref<80x64xbf16, #tpu.memory_space<vmem>>)
      %dma_start3A_447 = arith.constant 0 : i32
      %dma_start3A_448 = tpu.memref_slice %arg8[%add3A_425, %dma_start3A_447] : memref<125x80xi32, #tpu.memory_space<vmem>> -> memref<1x80xi32, #tpu.memory_space<vmem>>
      %dma_start3A_449 = tpu.memref_squeeze %dma_start3A_448 : memref<1x80xi32, #tpu.memory_space<vmem>> -> memref<80xi32, #tpu.memory_space<vmem>>
      %dma_start3A_450 = arith.constant 0 : i32
      %dma_start3A_451 = arith.constant 0 : i32
      %dma_start3A_452 = tpu.memref_slice %arg18[%dma_start3A_450, %dma_start3A_451] : memref<10000x64xbf16, #tpu.memory_space<vmem_shared>> -> memref<10000x64xbf16, #tpu.memory_space<vmem_shared>>
      tpu.enqueue_indirect_dma source(%arg16 : memref<80x64xbf16, #tpu.memory_space<vmem>>) target(%dma_start3A_452 : memref<10000x64xbf16, #tpu.memory_space<vmem_shared>>) offsets(%dma_start3A_449 : memref<80xi32, #tpu.memory_space<vmem>>) semaphore(%arg34 : memref<!tpu.dma_semaphore, #tpu.memory_space<semaphore_mem>>) {add = true}
      %mul3A_453 = arith.constant 8 : i32
      %mul3A_454 = arith.muli %mul3A_453, %scan3A_419 : i32
      %add3A_455 = arith.constant 7 : i32
      %add3A_456 = arith.addi %mul3A_454, %add3A_455 : i32
      %add3A_457 = arith.constant 1 : i32
      %add3A_458 = arith.addi %add3A_456, %add3A_457 : i32
      %sub3A_459 = arith.constant 7 : i32
      %sub3A_460 = arith.subi %add3A_458, %sub3A_459 : i32
      %dma_wait3A_461 = arith.constant 0 : i32
      %dma_wait3A_462 = tpu.memref_slice %arg8[%sub3A_460, %dma_wait3A_461] : memref<125x80xi32, #tpu.memory_space<vmem>> -> memref<1x80xi32, #tpu.memory_space<vmem>>
      %dma_wait3A_463 = tpu.memref_squeeze %dma_wait3A_462 : memref<1x80xi32, #tpu.memory_space<vmem>> -> memref<80xi32, #tpu.memory_space<vmem>>
      %dma_wait3A_464 = arith.constant 0 : i32
      %dma_wait3A_465 = arith.constant 0 : i32
      %dma_wait3A_466 = tpu.memref_slice %arg18[%dma_wait3A_464, %dma_wait3A_465] : memref<10000x64xbf16, #tpu.memory_space<vmem_shared>> -> memref<10000x64xbf16, #tpu.memory_space<vmem_shared>>
      tpu.wait_indirect_dma semaphore(%arg28 : memref<!tpu.dma_semaphore, #tpu.memory_space<semaphore_mem>>) src(%arg10 : memref<80x64xbf16, #tpu.memory_space<vmem>>) dst(%dma_wait3A_466 : memref<10000x64xbf16, #tpu.memory_space<vmem_shared>>)
      %add3A_467 = arith.constant 1 : i32
      %add3A_468 = arith.addi %add3A_458, %add3A_467 : i32
      %dma_start3A_469 = arith.constant 0 : i32
      %dma_start3A_470 = tpu.memref_slice %arg7[%add3A_468, %dma_start3A_469] : memref<128x80xi32, #tpu.memory_space<vmem>> -> memref<1x80xi32, #tpu.memory_space<vmem>>
      %dma_start3A_471 = tpu.memref_squeeze %dma_start3A_470 : memref<1x80xi32, #tpu.memory_space<vmem>> -> memref<80xi32, #tpu.memory_space<vmem>>
      %dma_start3A_472 = arith.constant 0 : i32
      %dma_start3A_473 = arith.constant 0 : i32
      %dma_start3A_474 = tpu.memref_slice %arg2[%dma_start3A_472, %dma_start3A_473] : memref<10000x64xbf16, #tpu.memory_space<hbm>> -> memref<10000x64xbf16, #tpu.memory_space<hbm>>
      tpu.enqueue_indirect_dma source(%dma_start3A_474 : memref<10000x64xbf16, #tpu.memory_space<hbm>>) target(%arg10 : memref<80x64xbf16, #tpu.memory_space<vmem>>) offsets(%dma_start3A_471 : memref<80xi32, #tpu.memory_space<vmem>>) semaphore(%arg20 : memref<!tpu.dma_semaphore, #tpu.memory_space<semaphore_mem>>)
      %dma_wait3A_475 = arith.constant 0 : i32
      %dma_wait3A_476 = tpu.memref_slice %arg7[%add3A_458, %dma_wait3A_475] : memref<128x80xi32, #tpu.memory_space<vmem>> -> memref<1x80xi32, #tpu.memory_space<vmem>>
      %dma_wait3A_477 = tpu.memref_squeeze %dma_wait3A_476 : memref<1x80xi32, #tpu.memory_space<vmem>> -> memref<80xi32, #tpu.memory_space<vmem>>
      %dma_wait3A_478 = arith.constant 0 : i32
      %dma_wait3A_479 = arith.constant 0 : i32
      %dma_wait3A_480 = tpu.memref_slice %arg2[%dma_wait3A_478, %dma_wait3A_479] : memref<10000x64xbf16, #tpu.memory_space<hbm>> -> memref<10000x64xbf16, #tpu.memory_space<hbm>>
      tpu.wait_indirect_dma semaphore(%arg19 : memref<!tpu.dma_semaphore, #tpu.memory_space<semaphore_mem>>) src(%dma_wait3A_480 : memref<10000x64xbf16, #tpu.memory_space<hbm>>) dst(%arg9 : memref<80x64xbf16, #tpu.memory_space<vmem>>)
      %dma_start3A_481 = arith.constant 0 : i32
      %dma_start3A_482 = tpu.memref_slice %arg8[%add3A_458, %dma_start3A_481] : memref<125x80xi32, #tpu.memory_space<vmem>> -> memref<1x80xi32, #tpu.memory_space<vmem>>
      %dma_start3A_483 = tpu.memref_squeeze %dma_start3A_482 : memref<1x80xi32, #tpu.memory_space<vmem>> -> memref<80xi32, #tpu.memory_space<vmem>>
      %dma_start3A_484 = arith.constant 0 : i32
      %dma_start3A_485 = arith.constant 0 : i32
      %dma_start3A_486 = tpu.memref_slice %arg18[%dma_start3A_484, %dma_start3A_485] : memref<10000x64xbf16, #tpu.memory_space<vmem_shared>> -> memref<10000x64xbf16, #tpu.memory_space<vmem_shared>>
      tpu.enqueue_indirect_dma source(%arg9 : memref<80x64xbf16, #tpu.memory_space<vmem>>) target(%dma_start3A_486 : memref<10000x64xbf16, #tpu.memory_space<vmem_shared>>) offsets(%dma_start3A_483 : memref<80xi32, #tpu.memory_space<vmem>>) semaphore(%arg27 : memref<!tpu.dma_semaphore, #tpu.memory_space<semaphore_mem>>) {add = true}
      %mul3A_487 = arith.constant 8 : i32
      %mul3A_488 = arith.muli %mul3A_487, %scan3A_419 : i32
      %add3A_489 = arith.constant 7 : i32
      %add3A_490 = arith.addi %mul3A_488, %add3A_489 : i32
      %add3A_491 = arith.constant 2 : i32
      %add3A_492 = arith.addi %add3A_490, %add3A_491 : i32
      %sub3A_493 = arith.constant 7 : i32
      %sub3A_494 = arith.subi %add3A_492, %sub3A_493 : i32
      %dma_wait3A_495 = arith.constant 0 : i32
      %dma_wait3A_496 = tpu.memref_slice %arg8[%sub3A_494, %dma_wait3A_495] : memref<125x80xi32, #tpu.memory_space<vmem>> -> memref<1x80xi32, #tpu.memory_space<vmem>>
      %dma_wait3A_497 = tpu.memref_squeeze %dma_wait3A_496 : memref<1x80xi32, #tpu.memory_space<vmem>> -> memref<80xi32, #tpu.memory_space<vmem>>
      %dma_wait3A_498 = arith.constant 0 : i32
      %dma_wait3A_499 = arith.constant 0 : i32
      %dma_wait3A_500 = tpu.memref_slice %arg18[%dma_wait3A_498, %dma_wait3A_499] : memref<10000x64xbf16, #tpu.memory_space<vmem_shared>> -> memref<10000x64xbf16, #tpu.memory_space<vmem_shared>>
      tpu.wait_indirect_dma semaphore(%arg29 : memref<!tpu.dma_semaphore, #tpu.memory_space<semaphore_mem>>) src(%arg11 : memref<80x64xbf16, #tpu.memory_space<vmem>>) dst(%dma_wait3A_500 : memref<10000x64xbf16, #tpu.memory_space<vmem_shared>>)
      %add3A_501 = arith.constant 1 : i32
      %add3A_502 = arith.addi %add3A_492, %add3A_501 : i32
      %dma_start3A_503 = arith.constant 0 : i32
      %dma_start3A_504 = tpu.memref_slice %arg7[%add3A_502, %dma_start3A_503] : memref<128x80xi32, #tpu.memory_space<vmem>> -> memref<1x80xi32, #tpu.memory_space<vmem>>
      %dma_start3A_505 = tpu.memref_squeeze %dma_start3A_504 : memref<1x80xi32, #tpu.memory_space<vmem>> -> memref<80xi32, #tpu.memory_space<vmem>>
      %dma_start3A_506 = arith.constant 0 : i32
      %dma_start3A_507 = arith.constant 0 : i32
      %dma_start3A_508 = tpu.memref_slice %arg2[%dma_start3A_506, %dma_start3A_507] : memref<10000x64xbf16, #tpu.memory_space<hbm>> -> memref<10000x64xbf16, #tpu.memory_space<hbm>>
      tpu.enqueue_indirect_dma source(%dma_start3A_508 : memref<10000x64xbf16, #tpu.memory_space<hbm>>) target(%arg11 : memref<80x64xbf16, #tpu.memory_space<vmem>>) offsets(%dma_start3A_505 : memref<80xi32, #tpu.memory_space<vmem>>) semaphore(%arg21 : memref<!tpu.dma_semaphore, #tpu.memory_space<semaphore_mem>>)
      %dma_wait3A_509 = arith.constant 0 : i32
      %dma_wait3A_510 = tpu.memref_slice %arg7[%add3A_492, %dma_wait3A_509] : memref<128x80xi32, #tpu.memory_space<vmem>> -> memref<1x80xi32, #tpu.memory_space<vmem>>
      %dma_wait3A_511 = tpu.memref_squeeze %dma_wait3A_510 : memref<1x80xi32, #tpu.memory_space<vmem>> -> memref<80xi32, #tpu.memory_space<vmem>>
      %dma_wait3A_512 = arith.constant 0 : i32
      %dma_wait3A_513 = arith.constant 0 : i32
      %dma_wait3A_514 = tpu.memref_slice %arg2[%dma_wait3A_512, %dma_wait3A_513] : memref<10000x64xbf16, #tpu.memory_space<hbm>> -> memref<10000x64xbf16, #tpu.memory_space<hbm>>
      tpu.wait_indirect_dma semaphore(%arg20 : memref<!tpu.dma_semaphore, #tpu.memory_space<semaphore_mem>>) src(%dma_wait3A_514 : memref<10000x64xbf16, #tpu.memory_space<hbm>>) dst(%arg10 : memref<80x64xbf16, #tpu.memory_space<vmem>>)
      %dma_start3A_515 = arith.constant 0 : i32
      %dma_start3A_516 = tpu.memref_slice %arg8[%add3A_492, %dma_start3A_515] : memref<125x80xi32, #tpu.memory_space<vmem>> -> memref<1x80xi32, #tpu.memory_space<vmem>>
      %dma_start3A_517 = tpu.memref_squeeze %dma_start3A_516 : memref<1x80xi32, #tpu.memory_space<vmem>> -> memref<80xi32, #tpu.memory_space<vmem>>
      %dma_start3A_518 = arith.constant 0 : i32
      %dma_start3A_519 = arith.constant 0 : i32
      %dma_start3A_520 = tpu.memref_slice %arg18[%dma_start3A_518, %dma_start3A_519] : memref<10000x64xbf16, #tpu.memory_space<vmem_shared>> -> memref<10000x64xbf16, #tpu.memory_space<vmem_shared>>
      tpu.enqueue_indirect_dma source(%arg10 : memref<80x64xbf16, #tpu.memory_space<vmem>>) target(%dma_start3A_520 : memref<10000x64xbf16, #tpu.memory_space<vmem_shared>>) offsets(%dma_start3A_517 : memref<80xi32, #tpu.memory_space<vmem>>) semaphore(%arg28 : memref<!tpu.dma_semaphore, #tpu.memory_space<semaphore_mem>>) {add = true}
      %mul3A_521 = arith.constant 8 : i32
      %mul3A_522 = arith.muli %mul3A_521, %scan3A_419 : i32
      %add3A_523 = arith.constant 7 : i32
      %add3A_524 = arith.addi %mul3A_522, %add3A_523 : i32
      %add3A_525 = arith.constant 3 : i32
      %add3A_526 = arith.addi %add3A_524, %add3A_525 : i32
      %sub3A_527 = arith.constant 7 : i32
      %sub3A_528 = arith.subi %add3A_526, %sub3A_527 : i32
      %dma_wait3A_529 = arith.constant 0 : i32
      %dma_wait3A_530 = tpu.memref_slice %arg8[%sub3A_528, %dma_wait3A_529] : memref<125x80xi32, #tpu.memory_space<vmem>> -> memref<1x80xi32, #tpu.memory_space<vmem>>
      %dma_wait3A_531 = tpu.memref_squeeze %dma_wait3A_530 : memref<1x80xi32, #tpu.memory_space<vmem>> -> memref<80xi32, #tpu.memory_space<vmem>>
      %dma_wait3A_532 = arith.constant 0 : i32
      %dma_wait3A_533 = arith.constant 0 : i32
      %dma_wait3A_534 = tpu.memref_slice %arg18[%dma_wait3A_532, %dma_wait3A_533] : memref<10000x64xbf16, #tpu.memory_space<vmem_shared>> -> memref<10000x64xbf16, #tpu.memory_space<vmem_shared>>
      tpu.wait_indirect_dma semaphore(%arg30 : memref<!tpu.dma_semaphore, #tpu.memory_space<semaphore_mem>>) src(%arg12 : memref<80x64xbf16, #tpu.memory_space<vmem>>) dst(%dma_wait3A_534 : memref<10000x64xbf16, #tpu.memory_space<vmem_shared>>)
      %add3A_535 = arith.constant 1 : i32
      %add3A_536 = arith.addi %add3A_526, %add3A_535 : i32
      %dma_start3A_537 = arith.constant 0 : i32
      %dma_start3A_538 = tpu.memref_slice %arg7[%add3A_536, %dma_start3A_537] : memref<128x80xi32, #tpu.memory_space<vmem>> -> memref<1x80xi32, #tpu.memory_space<vmem>>
      %dma_start3A_539 = tpu.memref_squeeze %dma_start3A_538 : memref<1x80xi32, #tpu.memory_space<vmem>> -> memref<80xi32, #tpu.memory_space<vmem>>
      %dma_start3A_540 = arith.constant 0 : i32
      %dma_start3A_541 = arith.constant 0 : i32
      %dma_start3A_542 = tpu.memref_slice %arg2[%dma_start3A_540, %dma_start3A_541] : memref<10000x64xbf16, #tpu.memory_space<hbm>> -> memref<10000x64xbf16, #tpu.memory_space<hbm>>
      tpu.enqueue_indirect_dma source(%dma_start3A_542 : memref<10000x64xbf16, #tpu.memory_space<hbm>>) target(%arg12 : memref<80x64xbf16, #tpu.memory_space<vmem>>) offsets(%dma_start3A_539 : memref<80xi32, #tpu.memory_space<vmem>>) semaphore(%arg22 : memref<!tpu.dma_semaphore, #tpu.memory_space<semaphore_mem>>)
      %dma_wait3A_543 = arith.constant 0 : i32
      %dma_wait3A_544 = tpu.memref_slice %arg7[%add3A_526, %dma_wait3A_543] : memref<128x80xi32, #tpu.memory_space<vmem>> -> memref<1x80xi32, #tpu.memory_space<vmem>>
      %dma_wait3A_545 = tpu.memref_squeeze %dma_wait3A_544 : memref<1x80xi32, #tpu.memory_space<vmem>> -> memref<80xi32, #tpu.memory_space<vmem>>
      %dma_wait3A_546 = arith.constant 0 : i32
      %dma_wait3A_547 = arith.constant 0 : i32
      %dma_wait3A_548 = tpu.memref_slice %arg2[%dma_wait3A_546, %dma_wait3A_547] : memref<10000x64xbf16, #tpu.memory_space<hbm>> -> memref<10000x64xbf16, #tpu.memory_space<hbm>>
      tpu.wait_indirect_dma semaphore(%arg21 : memref<!tpu.dma_semaphore, #tpu.memory_space<semaphore_mem>>) src(%dma_wait3A_548 : memref<10000x64xbf16, #tpu.memory_space<hbm>>) dst(%arg11 : memref<80x64xbf16, #tpu.memory_space<vmem>>)
      %dma_start3A_549 = arith.constant 0 : i32
      %dma_start3A_550 = tpu.memref_slice %arg8[%add3A_526, %dma_start3A_549] : memref<125x80xi32, #tpu.memory_space<vmem>> -> memref<1x80xi32, #tpu.memory_space<vmem>>
      %dma_start3A_551 = tpu.memref_squeeze %dma_start3A_550 : memref<1x80xi32, #tpu.memory_space<vmem>> -> memref<80xi32, #tpu.memory_space<vmem>>
      %dma_start3A_552 = arith.constant 0 : i32
      %dma_start3A_553 = arith.constant 0 : i32
      %dma_start3A_554 = tpu.memref_slice %arg18[%dma_start3A_552, %dma_start3A_553] : memref<10000x64xbf16, #tpu.memory_space<vmem_shared>> -> memref<10000x64xbf16, #tpu.memory_space<vmem_shared>>
      tpu.enqueue_indirect_dma source(%arg11 : memref<80x64xbf16, #tpu.memory_space<vmem>>) target(%dma_start3A_554 : memref<10000x64xbf16, #tpu.memory_space<vmem_shared>>) offsets(%dma_start3A_551 : memref<80xi32, #tpu.memory_space<vmem>>) semaphore(%arg29 : memref<!tpu.dma_semaphore, #tpu.memory_space<semaphore_mem>>) {add = true}
      %mul3A_555 = arith.constant 8 : i32
      %mul3A_556 = arith.muli %mul3A_555, %scan3A_419 : i32
      %add3A_557 = arith.constant 7 : i32
      %add3A_558 = arith.addi %mul3A_556, %add3A_557 : i32
      %add3A_559 = arith.constant 4 : i32
      %add3A_560 = arith.addi %add3A_558, %add3A_559 : i32
      %sub3A_561 = arith.constant 7 : i32
      %sub3A_562 = arith.subi %add3A_560, %sub3A_561 : i32
      %dma_wait3A_563 = arith.constant 0 : i32
      %dma_wait3A_564 = tpu.memref_slice %arg8[%sub3A_562, %dma_wait3A_563] : memref<125x80xi32, #tpu.memory_space<vmem>> -> memref<1x80xi32, #tpu.memory_space<vmem>>
      %dma_wait3A_565 = tpu.memref_squeeze %dma_wait3A_564 : memref<1x80xi32, #tpu.memory_space<vmem>> -> memref<80xi32, #tpu.memory_space<vmem>>
      %dma_wait3A_566 = arith.constant 0 : i32
      %dma_wait3A_567 = arith.constant 0 : i32
      %dma_wait3A_568 = tpu.memref_slice %arg18[%dma_wait3A_566, %dma_wait3A_567] : memref<10000x64xbf16, #tpu.memory_space<vmem_shared>> -> memref<10000x64xbf16, #tpu.memory_space<vmem_shared>>
      tpu.wait_indirect_dma semaphore(%arg31 : memref<!tpu.dma_semaphore, #tpu.memory_space<semaphore_mem>>) src(%arg13 : memref<80x64xbf16, #tpu.memory_space<vmem>>) dst(%dma_wait3A_568 : memref<10000x64xbf16, #tpu.memory_space<vmem_shared>>)
      %add3A_569 = arith.constant 1 : i32
      %add3A_570 = arith.addi %add3A_560, %add3A_569 : i32
      %dma_start3A_571 = arith.constant 0 : i32
      %dma_start3A_572 = tpu.memref_slice %arg7[%add3A_570, %dma_start3A_571] : memref<128x80xi32, #tpu.memory_space<vmem>> -> memref<1x80xi32, #tpu.memory_space<vmem>>
      %dma_start3A_573 = tpu.memref_squeeze %dma_start3A_572 : memref<1x80xi32, #tpu.memory_space<vmem>> -> memref<80xi32, #tpu.memory_space<vmem>>
      %dma_start3A_574 = arith.constant 0 : i32
      %dma_start3A_575 = arith.constant 0 : i32
      %dma_start3A_576 = tpu.memref_slice %arg2[%dma_start3A_574, %dma_start3A_575] : memref<10000x64xbf16, #tpu.memory_space<hbm>> -> memref<10000x64xbf16, #tpu.memory_space<hbm>>
      tpu.enqueue_indirect_dma source(%dma_start3A_576 : memref<10000x64xbf16, #tpu.memory_space<hbm>>) target(%arg13 : memref<80x64xbf16, #tpu.memory_space<vmem>>) offsets(%dma_start3A_573 : memref<80xi32, #tpu.memory_space<vmem>>) semaphore(%arg23 : memref<!tpu.dma_semaphore, #tpu.memory_space<semaphore_mem>>)
      %dma_wait3A_577 = arith.constant 0 : i32
      %dma_wait3A_578 = tpu.memref_slice %arg7[%add3A_560, %dma_wait3A_577] : memref<128x80xi32, #tpu.memory_space<vmem>> -> memref<1x80xi32, #tpu.memory_space<vmem>>
      %dma_wait3A_579 = tpu.memref_squeeze %dma_wait3A_578 : memref<1x80xi32, #tpu.memory_space<vmem>> -> memref<80xi32, #tpu.memory_space<vmem>>
      %dma_wait3A_580 = arith.constant 0 : i32
      %dma_wait3A_581 = arith.constant 0 : i32
      %dma_wait3A_582 = tpu.memref_slice %arg2[%dma_wait3A_580, %dma_wait3A_581] : memref<10000x64xbf16, #tpu.memory_space<hbm>> -> memref<10000x64xbf16, #tpu.memory_space<hbm>>
      tpu.wait_indirect_dma semaphore(%arg22 : memref<!tpu.dma_semaphore, #tpu.memory_space<semaphore_mem>>) src(%dma_wait3A_582 : memref<10000x64xbf16, #tpu.memory_space<hbm>>) dst(%arg12 : memref<80x64xbf16, #tpu.memory_space<vmem>>)
      %dma_start3A_583 = arith.constant 0 : i32
      %dma_start3A_584 = tpu.memref_slice %arg8[%add3A_560, %dma_start3A_583] : memref<125x80xi32, #tpu.memory_space<vmem>> -> memref<1x80xi32, #tpu.memory_space<vmem>>
      %dma_start3A_585 = tpu.memref_squeeze %dma_start3A_584 : memref<1x80xi32, #tpu.memory_space<vmem>> -> memref<80xi32, #tpu.memory_space<vmem>>
      %dma_start3A_586 = arith.constant 0 : i32
      %dma_start3A_587 = arith.constant 0 : i32
      %dma_start3A_588 = tpu.memref_slice %arg18[%dma_start3A_586, %dma_start3A_587] : memref<10000x64xbf16, #tpu.memory_space<vmem_shared>> -> memref<10000x64xbf16, #tpu.memory_space<vmem_shared>>
      tpu.enqueue_indirect_dma source(%arg12 : memref<80x64xbf16, #tpu.memory_space<vmem>>) target(%dma_start3A_588 : memref<10000x64xbf16, #tpu.memory_space<vmem_shared>>) offsets(%dma_start3A_585 : memref<80xi32, #tpu.memory_space<vmem>>) semaphore(%arg30 : memref<!tpu.dma_semaphore, #tpu.memory_space<semaphore_mem>>) {add = true}
      %mul3A_589 = arith.constant 8 : i32
      %mul3A_590 = arith.muli %mul3A_589, %scan3A_419 : i32
      %add3A_591 = arith.constant 7 : i32
      %add3A_592 = arith.addi %mul3A_590, %add3A_591 : i32
      %add3A_593 = arith.constant 5 : i32
      %add3A_594 = arith.addi %add3A_592, %add3A_593 : i32
      %sub3A_595 = arith.constant 7 : i32
      %sub3A_596 = arith.subi %add3A_594, %sub3A_595 : i32
      %dma_wait3A_597 = arith.constant 0 : i32
      %dma_wait3A_598 = tpu.memref_slice %arg8[%sub3A_596, %dma_wait3A_597] : memref<125x80xi32, #tpu.memory_space<vmem>> -> memref<1x80xi32, #tpu.memory_space<vmem>>
      %dma_wait3A_599 = tpu.memref_squeeze %dma_wait3A_598 : memref<1x80xi32, #tpu.memory_space<vmem>> -> memref<80xi32, #tpu.memory_space<vmem>>
      %dma_wait3A_600 = arith.constant 0 : i32
      %dma_wait3A_601 = arith.constant 0 : i32
      %dma_wait3A_602 = tpu.memref_slice %arg18[%dma_wait3A_600, %dma_wait3A_601] : memref<10000x64xbf16, #tpu.memory_space<vmem_shared>> -> memref<10000x64xbf16, #tpu.memory_space<vmem_shared>>
      tpu.wait_indirect_dma semaphore(%arg32 : memref<!tpu.dma_semaphore, #tpu.memory_space<semaphore_mem>>) src(%arg14 : memref<80x64xbf16, #tpu.memory_space<vmem>>) dst(%dma_wait3A_602 : memref<10000x64xbf16, #tpu.memory_space<vmem_shared>>)
      %add3A_603 = arith.constant 1 : i32
      %add3A_604 = arith.addi %add3A_594, %add3A_603 : i32
      %dma_start3A_605 = arith.constant 0 : i32
      %dma_start3A_606 = tpu.memref_slice %arg7[%add3A_604, %dma_start3A_605] : memref<128x80xi32, #tpu.memory_space<vmem>> -> memref<1x80xi32, #tpu.memory_space<vmem>>
      %dma_start3A_607 = tpu.memref_squeeze %dma_start3A_606 : memref<1x80xi32, #tpu.memory_space<vmem>> -> memref<80xi32, #tpu.memory_space<vmem>>
      %dma_start3A_608 = arith.constant 0 : i32
      %dma_start3A_609 = arith.constant 0 : i32
      %dma_start3A_610 = tpu.memref_slice %arg2[%dma_start3A_608, %dma_start3A_609] : memref<10000x64xbf16, #tpu.memory_space<hbm>> -> memref<10000x64xbf16, #tpu.memory_space<hbm>>
      tpu.enqueue_indirect_dma source(%dma_start3A_610 : memref<10000x64xbf16, #tpu.memory_space<hbm>>) target(%arg14 : memref<80x64xbf16, #tpu.memory_space<vmem>>) offsets(%dma_start3A_607 : memref<80xi32, #tpu.memory_space<vmem>>) semaphore(%arg24 : memref<!tpu.dma_semaphore, #tpu.memory_space<semaphore_mem>>)
      %dma_wait3A_611 = arith.constant 0 : i32
      %dma_wait3A_612 = tpu.memref_slice %arg7[%add3A_594, %dma_wait3A_611] : memref<128x80xi32, #tpu.memory_space<vmem>> -> memref<1x80xi32, #tpu.memory_space<vmem>>
      %dma_wait3A_613 = tpu.memref_squeeze %dma_wait3A_612 : memref<1x80xi32, #tpu.memory_space<vmem>> -> memref<80xi32, #tpu.memory_space<vmem>>
      %dma_wait3A_614 = arith.constant 0 : i32
      %dma_wait3A_615 = arith.constant 0 : i32
      %dma_wait3A_616 = tpu.memref_slice %arg2[%dma_wait3A_614, %dma_wait3A_615] : memref<10000x64xbf16, #tpu.memory_space<hbm>> -> memref<10000x64xbf16, #tpu.memory_space<hbm>>
      tpu.wait_indirect_dma semaphore(%arg23 : memref<!tpu.dma_semaphore, #tpu.memory_space<semaphore_mem>>) src(%dma_wait3A_616 : memref<10000x64xbf16, #tpu.memory_space<hbm>>) dst(%arg13 : memref<80x64xbf16, #tpu.memory_space<vmem>>)
      %dma_start3A_617 = arith.constant 0 : i32
      %dma_start3A_618 = tpu.memref_slice %arg8[%add3A_594, %dma_start3A_617] : memref<125x80xi32, #tpu.memory_space<vmem>> -> memref<1x80xi32, #tpu.memory_space<vmem>>
      %dma_start3A_619 = tpu.memref_squeeze %dma_start3A_618 : memref<1x80xi32, #tpu.memory_space<vmem>> -> memref<80xi32, #tpu.memory_space<vmem>>
      %dma_start3A_620 = arith.constant 0 : i32
      %dma_start3A_621 = arith.constant 0 : i32
      %dma_start3A_622 = tpu.memref_slice %arg18[%dma_start3A_620, %dma_start3A_621] : memref<10000x64xbf16, #tpu.memory_space<vmem_shared>> -> memref<10000x64xbf16, #tpu.memory_space<vmem_shared>>
      tpu.enqueue_indirect_dma source(%arg13 : memref<80x64xbf16, #tpu.memory_space<vmem>>) target(%dma_start3A_622 : memref<10000x64xbf16, #tpu.memory_space<vmem_shared>>) offsets(%dma_start3A_619 : memref<80xi32, #tpu.memory_space<vmem>>) semaphore(%arg31 : memref<!tpu.dma_semaphore, #tpu.memory_space<semaphore_mem>>) {add = true}
      %mul3A_623 = arith.constant 8 : i32
      %mul3A_624 = arith.muli %mul3A_623, %scan3A_419 : i32
      %add3A_625 = arith.constant 7 : i32
      %add3A_626 = arith.addi %mul3A_624, %add3A_625 : i32
      %add3A_627 = arith.constant 6 : i32
      %add3A_628 = arith.addi %add3A_626, %add3A_627 : i32
      %sub3A_629 = arith.constant 7 : i32
      %sub3A_630 = arith.subi %add3A_628, %sub3A_629 : i32
      %dma_wait3A_631 = arith.constant 0 : i32
      %dma_wait3A_632 = tpu.memref_slice %arg8[%sub3A_630, %dma_wait3A_631] : memref<125x80xi32, #tpu.memory_space<vmem>> -> memref<1x80xi32, #tpu.memory_space<vmem>>
      %dma_wait3A_633 = tpu.memref_squeeze %dma_wait3A_632 : memref<1x80xi32, #tpu.memory_space<vmem>> -> memref<80xi32, #tpu.memory_space<vmem>>
      %dma_wait3A_634 = arith.constant 0 : i32
      %dma_wait3A_635 = arith.constant 0 : i32
      %dma_wait3A_636 = tpu.memref_slice %arg18[%dma_wait3A_634, %dma_wait3A_635] : memref<10000x64xbf16, #tpu.memory_space<vmem_shared>> -> memref<10000x64xbf16, #tpu.memory_space<vmem_shared>>
      tpu.wait_indirect_dma semaphore(%arg33 : memref<!tpu.dma_semaphore, #tpu.memory_space<semaphore_mem>>) src(%arg15 : memref<80x64xbf16, #tpu.memory_space<vmem>>) dst(%dma_wait3A_636 : memref<10000x64xbf16, #tpu.memory_space<vmem_shared>>)
      %add3A_637 = arith.constant 1 : i32
      %add3A_638 = arith.addi %add3A_628, %add3A_637 : i32
      %dma_start3A_639 = arith.constant 0 : i32
      %dma_start3A_640 = tpu.memref_slice %arg7[%add3A_638, %dma_start3A_639] : memref<128x80xi32, #tpu.memory_space<vmem>> -> memref<1x80xi32, #tpu.memory_space<vmem>>
      %dma_start3A_641 = tpu.memref_squeeze %dma_start3A_640 : memref<1x80xi32, #tpu.memory_space<vmem>> -> memref<80xi32, #tpu.memory_space<vmem>>
      %dma_start3A_642 = arith.constant 0 : i32
      %dma_start3A_643 = arith.constant 0 : i32
      %dma_start3A_644 = tpu.memref_slice %arg2[%dma_start3A_642, %dma_start3A_643] : memref<10000x64xbf16, #tpu.memory_space<hbm>> -> memref<10000x64xbf16, #tpu.memory_space<hbm>>
      tpu.enqueue_indirect_dma source(%dma_start3A_644 : memref<10000x64xbf16, #tpu.memory_space<hbm>>) target(%arg15 : memref<80x64xbf16, #tpu.memory_space<vmem>>) offsets(%dma_start3A_641 : memref<80xi32, #tpu.memory_space<vmem>>) semaphore(%arg25 : memref<!tpu.dma_semaphore, #tpu.memory_space<semaphore_mem>>)
      %dma_wait3A_645 = arith.constant 0 : i32
      %dma_wait3A_646 = tpu.memref_slice %arg7[%add3A_628, %dma_wait3A_645] : memref<128x80xi32, #tpu.memory_space<vmem>> -> memref<1x80xi32, #tpu.memory_space<vmem>>
      %dma_wait3A_647 = tpu.memref_squeeze %dma_wait3A_646 : memref<1x80xi32, #tpu.memory_space<vmem>> -> memref<80xi32, #tpu.memory_space<vmem>>
      %dma_wait3A_648 = arith.constant 0 : i32
      %dma_wait3A_649 = arith.constant 0 : i32
      %dma_wait3A_650 = tpu.memref_slice %arg2[%dma_wait3A_648, %dma_wait3A_649] : memref<10000x64xbf16, #tpu.memory_space<hbm>> -> memref<10000x64xbf16, #tpu.memory_space<hbm>>
      tpu.wait_indirect_dma semaphore(%arg24 : memref<!tpu.dma_semaphore, #tpu.memory_space<semaphore_mem>>) src(%dma_wait3A_650 : memref<10000x64xbf16, #tpu.memory_space<hbm>>) dst(%arg14 : memref<80x64xbf16, #tpu.memory_space<vmem>>)
      %dma_start3A_651 = arith.constant 0 : i32
      %dma_start3A_652 = tpu.memref_slice %arg8[%add3A_628, %dma_start3A_651] : memref<125x80xi32, #tpu.memory_space<vmem>> -> memref<1x80xi32, #tpu.memory_space<vmem>>
      %dma_start3A_653 = tpu.memref_squeeze %dma_start3A_652 : memref<1x80xi32, #tpu.memory_space<vmem>> -> memref<80xi32, #tpu.memory_space<vmem>>
      %dma_start3A_654 = arith.constant 0 : i32
      %dma_start3A_655 = arith.constant 0 : i32
      %dma_start3A_656 = tpu.memref_slice %arg18[%dma_start3A_654, %dma_start3A_655] : memref<10000x64xbf16, #tpu.memory_space<vmem_shared>> -> memref<10000x64xbf16, #tpu.memory_space<vmem_shared>>
      tpu.enqueue_indirect_dma source(%arg14 : memref<80x64xbf16, #tpu.memory_space<vmem>>) target(%dma_start3A_656 : memref<10000x64xbf16, #tpu.memory_space<vmem_shared>>) offsets(%dma_start3A_653 : memref<80xi32, #tpu.memory_space<vmem>>) semaphore(%arg32 : memref<!tpu.dma_semaphore, #tpu.memory_space<semaphore_mem>>) {add = true}
      %mul3A_657 = arith.constant 8 : i32
      %mul3A_658 = arith.muli %mul3A_657, %scan3A_419 : i32
      %add3A_659 = arith.constant 7 : i32
      %add3A_660 = arith.addi %mul3A_658, %add3A_659 : i32
      %add3A_661 = arith.constant 7 : i32
      %add3A_662 = arith.addi %add3A_660, %add3A_661 : i32
      %sub3A_663 = arith.constant 7 : i32
      %sub3A_664 = arith.subi %add3A_662, %sub3A_663 : i32
      %dma_wait3A_665 = arith.constant 0 : i32
      %dma_wait3A_666 = tpu.memref_slice %arg8[%sub3A_664, %dma_wait3A_665] : memref<125x80xi32, #tpu.memory_space<vmem>> -> memref<1x80xi32, #tpu.memory_space<vmem>>
      %dma_wait3A_667 = tpu.memref_squeeze %dma_wait3A_666 : memref<1x80xi32, #tpu.memory_space<vmem>> -> memref<80xi32, #tpu.memory_space<vmem>>
      %dma_wait3A_668 = arith.constant 0 : i32
      %dma_wait3A_669 = arith.constant 0 : i32
      %dma_wait3A_670 = tpu.memref_slice %arg18[%dma_wait3A_668, %dma_wait3A_669] : memref<10000x64xbf16, #tpu.memory_space<vmem_shared>> -> memref<10000x64xbf16, #tpu.memory_space<vmem_shared>>
      tpu.wait_indirect_dma semaphore(%arg34 : memref<!tpu.dma_semaphore, #tpu.memory_space<semaphore_mem>>) src(%arg16 : memref<80x64xbf16, #tpu.memory_space<vmem>>) dst(%dma_wait3A_670 : memref<10000x64xbf16, #tpu.memory_space<vmem_shared>>)
      %add3A_671 = arith.constant 1 : i32
      %add3A_672 = arith.addi %add3A_662, %add3A_671 : i32
      %dma_start3A_673 = arith.constant 0 : i32
      %dma_start3A_674 = tpu.memref_slice %arg7[%add3A_672, %dma_start3A_673] : memref<128x80xi32, #tpu.memory_space<vmem>> -> memref<1x80xi32, #tpu.memory_space<vmem>>
      %dma_start3A_675 = tpu.memref_squeeze %dma_start3A_674 : memref<1x80xi32, #tpu.memory_space<vmem>> -> memref<80xi32, #tpu.memory_space<vmem>>
      %dma_start3A_676 = arith.constant 0 : i32
      %dma_start3A_677 = arith.constant 0 : i32
      %dma_start3A_678 = tpu.memref_slice %arg2[%dma_start3A_676, %dma_start3A_677] : memref<10000x64xbf16, #tpu.memory_space<hbm>> -> memref<10000x64xbf16, #tpu.memory_space<hbm>>
      tpu.enqueue_indirect_dma source(%dma_start3A_678 : memref<10000x64xbf16, #tpu.memory_space<hbm>>) target(%arg16 : memref<80x64xbf16, #tpu.memory_space<vmem>>) offsets(%dma_start3A_675 : memref<80xi32, #tpu.memory_space<vmem>>) semaphore(%arg26 : memref<!tpu.dma_semaphore, #tpu.memory_space<semaphore_mem>>)
      %dma_wait3A_679 = arith.constant 0 : i32
      %dma_wait3A_680 = tpu.memref_slice %arg7[%add3A_662, %dma_wait3A_679] : memref<128x80xi32, #tpu.memory_space<vmem>> -> memref<1x80xi32, #tpu.memory_space<vmem>>
      %dma_wait3A_681 = tpu.memref_squeeze %dma_wait3A_680 : memref<1x80xi32, #tpu.memory_space<vmem>> -> memref<80xi32, #tpu.memory_space<vmem>>
      %dma_wait3A_682 = arith.constant 0 : i32
      %dma_wait3A_683 = arith.constant 0 : i32
      %dma_wait3A_684 = tpu.memref_slice %arg2[%dma_wait3A_682, %dma_wait3A_683] : memref<10000x64xbf16, #tpu.memory_space<hbm>> -> memref<10000x64xbf16, #tpu.memory_space<hbm>>
      tpu.wait_indirect_dma semaphore(%arg25 : memref<!tpu.dma_semaphore, #tpu.memory_space<semaphore_mem>>) src(%dma_wait3A_684 : memref<10000x64xbf16, #tpu.memory_space<hbm>>) dst(%arg15 : memref<80x64xbf16, #tpu.memory_space<vmem>>)
      %dma_start3A_685 = arith.constant 0 : i32
      %dma_start3A_686 = tpu.memref_slice %arg8[%add3A_662, %dma_start3A_685] : memref<125x80xi32, #tpu.memory_space<vmem>> -> memref<1x80xi32, #tpu.memory_space<vmem>>
      %dma_start3A_687 = tpu.memref_squeeze %dma_start3A_686 : memref<1x80xi32, #tpu.memory_space<vmem>> -> memref<80xi32, #tpu.memory_space<vmem>>
      %dma_start3A_688 = arith.constant 0 : i32
      %dma_start3A_689 = arith.constant 0 : i32
      %dma_start3A_690 = tpu.memref_slice %arg18[%dma_start3A_688, %dma_start3A_689] : memref<10000x64xbf16, #tpu.memory_space<vmem_shared>> -> memref<10000x64xbf16, #tpu.memory_space<vmem_shared>>
      tpu.enqueue_indirect_dma source(%arg15 : memref<80x64xbf16, #tpu.memory_space<vmem>>) target(%dma_start3A_690 : memref<10000x64xbf16, #tpu.memory_space<vmem_shared>>) offsets(%dma_start3A_687 : memref<80xi32, #tpu.memory_space<vmem>>) semaphore(%arg33 : memref<!tpu.dma_semaphore, #tpu.memory_space<semaphore_mem>>) {add = true}
    }
    %scan3A_193 = arith.constant 14 : i32
    %dma_wait3A_194 = arith.constant 112 : i32
    %dma_wait3A_195 = arith.constant 0 : i32
    %dma_wait3A_196 = tpu.memref_slice %arg8[%dma_wait3A_194, %dma_wait3A_195] : memref<125x80xi32, #tpu.memory_space<vmem>> -> memref<1x80xi32, #tpu.memory_space<vmem>>
    %dma_wait3A_197 = tpu.memref_squeeze %dma_wait3A_196 : memref<1x80xi32, #tpu.memory_space<vmem>> -> memref<80xi32, #tpu.memory_space<vmem>>
    %dma_wait3A_198 = arith.constant 0 : i32
    %dma_wait3A_199 = arith.constant 0 : i32
    %dma_wait3A_200 = tpu.memref_slice %arg18[%dma_wait3A_198, %dma_wait3A_199] : memref<10000x64xbf16, #tpu.memory_space<vmem_shared>> -> memref<10000x64xbf16, #tpu.memory_space<vmem_shared>>
    tpu.wait_indirect_dma semaphore(%arg27 : memref<!tpu.dma_semaphore, #tpu.memory_space<semaphore_mem>>) src(%arg9 : memref<80x64xbf16, #tpu.memory_space<vmem>>) dst(%dma_wait3A_200 : memref<10000x64xbf16, #tpu.memory_space<vmem_shared>>)
    %dma_start3A_201 = arith.constant 120 : i32
    %dma_start3A_202 = arith.constant 0 : i32
    %dma_start3A_203 = tpu.memref_slice %arg7[%dma_start3A_201, %dma_start3A_202] : memref<128x80xi32, #tpu.memory_space<vmem>> -> memref<1x80xi32, #tpu.memory_space<vmem>>
    %dma_start3A_204 = tpu.memref_squeeze %dma_start3A_203 : memref<1x80xi32, #tpu.memory_space<vmem>> -> memref<80xi32, #tpu.memory_space<vmem>>
    %dma_start3A_205 = arith.constant 0 : i32
    %dma_start3A_206 = arith.constant 0 : i32
    %dma_start3A_207 = tpu.memref_slice %arg2[%dma_start3A_205, %dma_start3A_206] : memref<10000x64xbf16, #tpu.memory_space<hbm>> -> memref<10000x64xbf16, #tpu.memory_space<hbm>>
    tpu.enqueue_indirect_dma source(%dma_start3A_207 : memref<10000x64xbf16, #tpu.memory_space<hbm>>) target(%arg9 : memref<80x64xbf16, #tpu.memory_space<vmem>>) offsets(%dma_start3A_204 : memref<80xi32, #tpu.memory_space<vmem>>) semaphore(%arg19 : memref<!tpu.dma_semaphore, #tpu.memory_space<semaphore_mem>>)
    %dma_wait3A_208 = arith.constant 119 : i32
    %dma_wait3A_209 = arith.constant 0 : i32
    %dma_wait3A_210 = tpu.memref_slice %arg7[%dma_wait3A_208, %dma_wait3A_209] : memref<128x80xi32, #tpu.memory_space<vmem>> -> memref<1x80xi32, #tpu.memory_space<vmem>>
    %dma_wait3A_211 = tpu.memref_squeeze %dma_wait3A_210 : memref<1x80xi32, #tpu.memory_space<vmem>> -> memref<80xi32, #tpu.memory_space<vmem>>
    %dma_wait3A_212 = arith.constant 0 : i32
    %dma_wait3A_213 = arith.constant 0 : i32
    %dma_wait3A_214 = tpu.memref_slice %arg2[%dma_wait3A_212, %dma_wait3A_213] : memref<10000x64xbf16, #tpu.memory_space<hbm>> -> memref<10000x64xbf16, #tpu.memory_space<hbm>>
    tpu.wait_indirect_dma semaphore(%arg26 : memref<!tpu.dma_semaphore, #tpu.memory_space<semaphore_mem>>) src(%dma_wait3A_214 : memref<10000x64xbf16, #tpu.memory_space<hbm>>) dst(%arg16 : memref<80x64xbf16, #tpu.memory_space<vmem>>)
    %dma_start3A_215 = arith.constant 119 : i32
    %dma_start3A_216 = arith.constant 0 : i32
    %dma_start3A_217 = tpu.memref_slice %arg8[%dma_start3A_215, %dma_start3A_216] : memref<125x80xi32, #tpu.memory_space<vmem>> -> memref<1x80xi32, #tpu.memory_space<vmem>>
    %dma_start3A_218 = tpu.memref_squeeze %dma_start3A_217 : memref<1x80xi32, #tpu.memory_space<vmem>> -> memref<80xi32, #tpu.memory_space<vmem>>
    %dma_start3A_219 = arith.constant 0 : i32
    %dma_start3A_220 = arith.constant 0 : i32
    %dma_start3A_221 = tpu.memref_slice %arg18[%dma_start3A_219, %dma_start3A_220] : memref<10000x64xbf16, #tpu.memory_space<vmem_shared>> -> memref<10000x64xbf16, #tpu.memory_space<vmem_shared>>
    tpu.enqueue_indirect_dma source(%arg16 : memref<80x64xbf16, #tpu.memory_space<vmem>>) target(%dma_start3A_221 : memref<10000x64xbf16, #tpu.memory_space<vmem_shared>>) offsets(%dma_start3A_218 : memref<80xi32, #tpu.memory_space<vmem>>) semaphore(%arg34 : memref<!tpu.dma_semaphore, #tpu.memory_space<semaphore_mem>>) {add = true}
    %dma_wait3A_222 = arith.constant 113 : i32
    %dma_wait3A_223 = arith.constant 0 : i32
    %dma_wait3A_224 = tpu.memref_slice %arg8[%dma_wait3A_222, %dma_wait3A_223] : memref<125x80xi32, #tpu.memory_space<vmem>> -> memref<1x80xi32, #tpu.memory_space<vmem>>
    %dma_wait3A_225 = tpu.memref_squeeze %dma_wait3A_224 : memref<1x80xi32, #tpu.memory_space<vmem>> -> memref<80xi32, #tpu.memory_space<vmem>>
    %dma_wait3A_226 = arith.constant 0 : i32
    %dma_wait3A_227 = arith.constant 0 : i32
    %dma_wait3A_228 = tpu.memref_slice %arg18[%dma_wait3A_226, %dma_wait3A_227] : memref<10000x64xbf16, #tpu.memory_space<vmem_shared>> -> memref<10000x64xbf16, #tpu.memory_space<vmem_shared>>
    tpu.wait_indirect_dma semaphore(%arg28 : memref<!tpu.dma_semaphore, #tpu.memory_space<semaphore_mem>>) src(%arg10 : memref<80x64xbf16, #tpu.memory_space<vmem>>) dst(%dma_wait3A_228 : memref<10000x64xbf16, #tpu.memory_space<vmem_shared>>)
    %dma_start3A_229 = arith.constant 121 : i32
    %dma_start3A_230 = arith.constant 0 : i32
    %dma_start3A_231 = tpu.memref_slice %arg7[%dma_start3A_229, %dma_start3A_230] : memref<128x80xi32, #tpu.memory_space<vmem>> -> memref<1x80xi32, #tpu.memory_space<vmem>>
    %dma_start3A_232 = tpu.memref_squeeze %dma_start3A_231 : memref<1x80xi32, #tpu.memory_space<vmem>> -> memref<80xi32, #tpu.memory_space<vmem>>
    %dma_start3A_233 = arith.constant 0 : i32
    %dma_start3A_234 = arith.constant 0 : i32
    %dma_start3A_235 = tpu.memref_slice %arg2[%dma_start3A_233, %dma_start3A_234] : memref<10000x64xbf16, #tpu.memory_space<hbm>> -> memref<10000x64xbf16, #tpu.memory_space<hbm>>
    tpu.enqueue_indirect_dma source(%dma_start3A_235 : memref<10000x64xbf16, #tpu.memory_space<hbm>>) target(%arg10 : memref<80x64xbf16, #tpu.memory_space<vmem>>) offsets(%dma_start3A_232 : memref<80xi32, #tpu.memory_space<vmem>>) semaphore(%arg20 : memref<!tpu.dma_semaphore, #tpu.memory_space<semaphore_mem>>)
    %dma_wait3A_236 = arith.constant 120 : i32
    %dma_wait3A_237 = arith.constant 0 : i32
    %dma_wait3A_238 = tpu.memref_slice %arg7[%dma_wait3A_236, %dma_wait3A_237] : memref<128x80xi32, #tpu.memory_space<vmem>> -> memref<1x80xi32, #tpu.memory_space<vmem>>
    %dma_wait3A_239 = tpu.memref_squeeze %dma_wait3A_238 : memref<1x80xi32, #tpu.memory_space<vmem>> -> memref<80xi32, #tpu.memory_space<vmem>>
    %dma_wait3A_240 = arith.constant 0 : i32
    %dma_wait3A_241 = arith.constant 0 : i32
    %dma_wait3A_242 = tpu.memref_slice %arg2[%dma_wait3A_240, %dma_wait3A_241] : memref<10000x64xbf16, #tpu.memory_space<hbm>> -> memref<10000x64xbf16, #tpu.memory_space<hbm>>
    tpu.wait_indirect_dma semaphore(%arg19 : memref<!tpu.dma_semaphore, #tpu.memory_space<semaphore_mem>>) src(%dma_wait3A_242 : memref<10000x64xbf16, #tpu.memory_space<hbm>>) dst(%arg9 : memref<80x64xbf16, #tpu.memory_space<vmem>>)
    %dma_start3A_243 = arith.constant 120 : i32
    %dma_start3A_244 = arith.constant 0 : i32
    %dma_start3A_245 = tpu.memref_slice %arg8[%dma_start3A_243, %dma_start3A_244] : memref<125x80xi32, #tpu.memory_space<vmem>> -> memref<1x80xi32, #tpu.memory_space<vmem>>
    %dma_start3A_246 = tpu.memref_squeeze %dma_start3A_245 : memref<1x80xi32, #tpu.memory_space<vmem>> -> memref<80xi32, #tpu.memory_space<vmem>>
    %dma_start3A_247 = arith.constant 0 : i32
    %dma_start3A_248 = arith.constant 0 : i32
    %dma_start3A_249 = tpu.memref_slice %arg18[%dma_start3A_247, %dma_start3A_248] : memref<10000x64xbf16, #tpu.memory_space<vmem_shared>> -> memref<10000x64xbf16, #tpu.memory_space<vmem_shared>>
    tpu.enqueue_indirect_dma source(%arg9 : memref<80x64xbf16, #tpu.memory_space<vmem>>) target(%dma_start3A_249 : memref<10000x64xbf16, #tpu.memory_space<vmem_shared>>) offsets(%dma_start3A_246 : memref<80xi32, #tpu.memory_space<vmem>>) semaphore(%arg27 : memref<!tpu.dma_semaphore, #tpu.memory_space<semaphore_mem>>) {add = true}
    %dma_wait3A_250 = arith.constant 114 : i32
    %dma_wait3A_251 = arith.constant 0 : i32
    %dma_wait3A_252 = tpu.memref_slice %arg8[%dma_wait3A_250, %dma_wait3A_251] : memref<125x80xi32, #tpu.memory_space<vmem>> -> memref<1x80xi32, #tpu.memory_space<vmem>>
    %dma_wait3A_253 = tpu.memref_squeeze %dma_wait3A_252 : memref<1x80xi32, #tpu.memory_space<vmem>> -> memref<80xi32, #tpu.memory_space<vmem>>
    %dma_wait3A_254 = arith.constant 0 : i32
    %dma_wait3A_255 = arith.constant 0 : i32
    %dma_wait3A_256 = tpu.memref_slice %arg18[%dma_wait3A_254, %dma_wait3A_255] : memref<10000x64xbf16, #tpu.memory_space<vmem_shared>> -> memref<10000x64xbf16, #tpu.memory_space<vmem_shared>>
    tpu.wait_indirect_dma semaphore(%arg29 : memref<!tpu.dma_semaphore, #tpu.memory_space<semaphore_mem>>) src(%arg11 : memref<80x64xbf16, #tpu.memory_space<vmem>>) dst(%dma_wait3A_256 : memref<10000x64xbf16, #tpu.memory_space<vmem_shared>>)
    %dma_start3A_257 = arith.constant 122 : i32
    %dma_start3A_258 = arith.constant 0 : i32
    %dma_start3A_259 = tpu.memref_slice %arg7[%dma_start3A_257, %dma_start3A_258] : memref<128x80xi32, #tpu.memory_space<vmem>> -> memref<1x80xi32, #tpu.memory_space<vmem>>
    %dma_start3A_260 = tpu.memref_squeeze %dma_start3A_259 : memref<1x80xi32, #tpu.memory_space<vmem>> -> memref<80xi32, #tpu.memory_space<vmem>>
    %dma_start3A_261 = arith.constant 0 : i32
    %dma_start3A_262 = arith.constant 0 : i32
    %dma_start3A_263 = tpu.memref_slice %arg2[%dma_start3A_261, %dma_start3A_262] : memref<10000x64xbf16, #tpu.memory_space<hbm>> -> memref<10000x64xbf16, #tpu.memory_space<hbm>>
    tpu.enqueue_indirect_dma source(%dma_start3A_263 : memref<10000x64xbf16, #tpu.memory_space<hbm>>) target(%arg11 : memref<80x64xbf16, #tpu.memory_space<vmem>>) offsets(%dma_start3A_260 : memref<80xi32, #tpu.memory_space<vmem>>) semaphore(%arg21 : memref<!tpu.dma_semaphore, #tpu.memory_space<semaphore_mem>>)
    %dma_wait3A_264 = arith.constant 121 : i32
    %dma_wait3A_265 = arith.constant 0 : i32
    %dma_wait3A_266 = tpu.memref_slice %arg7[%dma_wait3A_264, %dma_wait3A_265] : memref<128x80xi32, #tpu.memory_space<vmem>> -> memref<1x80xi32, #tpu.memory_space<vmem>>
    %dma_wait3A_267 = tpu.memref_squeeze %dma_wait3A_266 : memref<1x80xi32, #tpu.memory_space<vmem>> -> memref<80xi32, #tpu.memory_space<vmem>>
    %dma_wait3A_268 = arith.constant 0 : i32
    %dma_wait3A_269 = arith.constant 0 : i32
    %dma_wait3A_270 = tpu.memref_slice %arg2[%dma_wait3A_268, %dma_wait3A_269] : memref<10000x64xbf16, #tpu.memory_space<hbm>> -> memref<10000x64xbf16, #tpu.memory_space<hbm>>
    tpu.wait_indirect_dma semaphore(%arg20 : memref<!tpu.dma_semaphore, #tpu.memory_space<semaphore_mem>>) src(%dma_wait3A_270 : memref<10000x64xbf16, #tpu.memory_space<hbm>>) dst(%arg10 : memref<80x64xbf16, #tpu.memory_space<vmem>>)
    %dma_start3A_271 = arith.constant 121 : i32
    %dma_start3A_272 = arith.constant 0 : i32
    %dma_start3A_273 = tpu.memref_slice %arg8[%dma_start3A_271, %dma_start3A_272] : memref<125x80xi32, #tpu.memory_space<vmem>> -> memref<1x80xi32, #tpu.memory_space<vmem>>
    %dma_start3A_274 = tpu.memref_squeeze %dma_start3A_273 : memref<1x80xi32, #tpu.memory_space<vmem>> -> memref<80xi32, #tpu.memory_space<vmem>>
    %dma_start3A_275 = arith.constant 0 : i32
    %dma_start3A_276 = arith.constant 0 : i32
    %dma_start3A_277 = tpu.memref_slice %arg18[%dma_start3A_275, %dma_start3A_276] : memref<10000x64xbf16, #tpu.memory_space<vmem_shared>> -> memref<10000x64xbf16, #tpu.memory_space<vmem_shared>>
    tpu.enqueue_indirect_dma source(%arg10 : memref<80x64xbf16, #tpu.memory_space<vmem>>) target(%dma_start3A_277 : memref<10000x64xbf16, #tpu.memory_space<vmem_shared>>) offsets(%dma_start3A_274 : memref<80xi32, #tpu.memory_space<vmem>>) semaphore(%arg28 : memref<!tpu.dma_semaphore, #tpu.memory_space<semaphore_mem>>) {add = true}
    %dma_wait3A_278 = arith.constant 115 : i32
    %dma_wait3A_279 = arith.constant 0 : i32
    %dma_wait3A_280 = tpu.memref_slice %arg8[%dma_wait3A_278, %dma_wait3A_279] : memref<125x80xi32, #tpu.memory_space<vmem>> -> memref<1x80xi32, #tpu.memory_space<vmem>>
    %dma_wait3A_281 = tpu.memref_squeeze %dma_wait3A_280 : memref<1x80xi32, #tpu.memory_space<vmem>> -> memref<80xi32, #tpu.memory_space<vmem>>
    %dma_wait3A_282 = arith.constant 0 : i32
    %dma_wait3A_283 = arith.constant 0 : i32
    %dma_wait3A_284 = tpu.memref_slice %arg18[%dma_wait3A_282, %dma_wait3A_283] : memref<10000x64xbf16, #tpu.memory_space<vmem_shared>> -> memref<10000x64xbf16, #tpu.memory_space<vmem_shared>>
    tpu.wait_indirect_dma semaphore(%arg30 : memref<!tpu.dma_semaphore, #tpu.memory_space<semaphore_mem>>) src(%arg12 : memref<80x64xbf16, #tpu.memory_space<vmem>>) dst(%dma_wait3A_284 : memref<10000x64xbf16, #tpu.memory_space<vmem_shared>>)
    %dma_start3A_285 = arith.constant 123 : i32
    %dma_start3A_286 = arith.constant 0 : i32
    %dma_start3A_287 = tpu.memref_slice %arg7[%dma_start3A_285, %dma_start3A_286] : memref<128x80xi32, #tpu.memory_space<vmem>> -> memref<1x80xi32, #tpu.memory_space<vmem>>
    %dma_start3A_288 = tpu.memref_squeeze %dma_start3A_287 : memref<1x80xi32, #tpu.memory_space<vmem>> -> memref<80xi32, #tpu.memory_space<vmem>>
    %dma_start3A_289 = arith.constant 0 : i32
    %dma_start3A_290 = arith.constant 0 : i32
    %dma_start3A_291 = tpu.memref_slice %arg2[%dma_start3A_289, %dma_start3A_290] : memref<10000x64xbf16, #tpu.memory_space<hbm>> -> memref<10000x64xbf16, #tpu.memory_space<hbm>>
    tpu.enqueue_indirect_dma source(%dma_start3A_291 : memref<10000x64xbf16, #tpu.memory_space<hbm>>) target(%arg12 : memref<80x64xbf16, #tpu.memory_space<vmem>>) offsets(%dma_start3A_288 : memref<80xi32, #tpu.memory_space<vmem>>) semaphore(%arg22 : memref<!tpu.dma_semaphore, #tpu.memory_space<semaphore_mem>>)
    %dma_wait3A_292 = arith.constant 122 : i32
    %dma_wait3A_293 = arith.constant 0 : i32
    %dma_wait3A_294 = tpu.memref_slice %arg7[%dma_wait3A_292, %dma_wait3A_293] : memref<128x80xi32, #tpu.memory_space<vmem>> -> memref<1x80xi32, #tpu.memory_space<vmem>>
    %dma_wait3A_295 = tpu.memref_squeeze %dma_wait3A_294 : memref<1x80xi32, #tpu.memory_space<vmem>> -> memref<80xi32, #tpu.memory_space<vmem>>
    %dma_wait3A_296 = arith.constant 0 : i32
    %dma_wait3A_297 = arith.constant 0 : i32
    %dma_wait3A_298 = tpu.memref_slice %arg2[%dma_wait3A_296, %dma_wait3A_297] : memref<10000x64xbf16, #tpu.memory_space<hbm>> -> memref<10000x64xbf16, #tpu.memory_space<hbm>>
    tpu.wait_indirect_dma semaphore(%arg21 : memref<!tpu.dma_semaphore, #tpu.memory_space<semaphore_mem>>) src(%dma_wait3A_298 : memref<10000x64xbf16, #tpu.memory_space<hbm>>) dst(%arg11 : memref<80x64xbf16, #tpu.memory_space<vmem>>)
    %dma_start3A_299 = arith.constant 122 : i32
    %dma_start3A_300 = arith.constant 0 : i32
    %dma_start3A_301 = tpu.memref_slice %arg8[%dma_start3A_299, %dma_start3A_300] : memref<125x80xi32, #tpu.memory_space<vmem>> -> memref<1x80xi32, #tpu.memory_space<vmem>>
    %dma_start3A_302 = tpu.memref_squeeze %dma_start3A_301 : memref<1x80xi32, #tpu.memory_space<vmem>> -> memref<80xi32, #tpu.memory_space<vmem>>
    %dma_start3A_303 = arith.constant 0 : i32
    %dma_start3A_304 = arith.constant 0 : i32
    %dma_start3A_305 = tpu.memref_slice %arg18[%dma_start3A_303, %dma_start3A_304] : memref<10000x64xbf16, #tpu.memory_space<vmem_shared>> -> memref<10000x64xbf16, #tpu.memory_space<vmem_shared>>
    tpu.enqueue_indirect_dma source(%arg11 : memref<80x64xbf16, #tpu.memory_space<vmem>>) target(%dma_start3A_305 : memref<10000x64xbf16, #tpu.memory_space<vmem_shared>>) offsets(%dma_start3A_302 : memref<80xi32, #tpu.memory_space<vmem>>) semaphore(%arg29 : memref<!tpu.dma_semaphore, #tpu.memory_space<semaphore_mem>>) {add = true}
    %dma_wait3A_306 = arith.constant 116 : i32
    %dma_wait3A_307 = arith.constant 0 : i32
    %dma_wait3A_308 = tpu.memref_slice %arg8[%dma_wait3A_306, %dma_wait3A_307] : memref<125x80xi32, #tpu.memory_space<vmem>> -> memref<1x80xi32, #tpu.memory_space<vmem>>
    %dma_wait3A_309 = tpu.memref_squeeze %dma_wait3A_308 : memref<1x80xi32, #tpu.memory_space<vmem>> -> memref<80xi32, #tpu.memory_space<vmem>>
    %dma_wait3A_310 = arith.constant 0 : i32
    %dma_wait3A_311 = arith.constant 0 : i32
    %dma_wait3A_312 = tpu.memref_slice %arg18[%dma_wait3A_310, %dma_wait3A_311] : memref<10000x64xbf16, #tpu.memory_space<vmem_shared>> -> memref<10000x64xbf16, #tpu.memory_space<vmem_shared>>
    tpu.wait_indirect_dma semaphore(%arg31 : memref<!tpu.dma_semaphore, #tpu.memory_space<semaphore_mem>>) src(%arg13 : memref<80x64xbf16, #tpu.memory_space<vmem>>) dst(%dma_wait3A_312 : memref<10000x64xbf16, #tpu.memory_space<vmem_shared>>)
    %dma_start3A_313 = arith.constant 124 : i32
    %dma_start3A_314 = arith.constant 0 : i32
    %dma_start3A_315 = tpu.memref_slice %arg7[%dma_start3A_313, %dma_start3A_314] : memref<128x80xi32, #tpu.memory_space<vmem>> -> memref<1x80xi32, #tpu.memory_space<vmem>>
    %dma_start3A_316 = tpu.memref_squeeze %dma_start3A_315 : memref<1x80xi32, #tpu.memory_space<vmem>> -> memref<80xi32, #tpu.memory_space<vmem>>
    %dma_start3A_317 = arith.constant 0 : i32
    %dma_start3A_318 = arith.constant 0 : i32
    %dma_start3A_319 = tpu.memref_slice %arg2[%dma_start3A_317, %dma_start3A_318] : memref<10000x64xbf16, #tpu.memory_space<hbm>> -> memref<10000x64xbf16, #tpu.memory_space<hbm>>
    tpu.enqueue_indirect_dma source(%dma_start3A_319 : memref<10000x64xbf16, #tpu.memory_space<hbm>>) target(%arg13 : memref<80x64xbf16, #tpu.memory_space<vmem>>) offsets(%dma_start3A_316 : memref<80xi32, #tpu.memory_space<vmem>>) semaphore(%arg23 : memref<!tpu.dma_semaphore, #tpu.memory_space<semaphore_mem>>)
    %dma_wait3A_320 = arith.constant 123 : i32
    %dma_wait3A_321 = arith.constant 0 : i32
    %dma_wait3A_322 = tpu.memref_slice %arg7[%dma_wait3A_320, %dma_wait3A_321] : memref<128x80xi32, #tpu.memory_space<vmem>> -> memref<1x80xi32, #tpu.memory_space<vmem>>
    %dma_wait3A_323 = tpu.memref_squeeze %dma_wait3A_322 : memref<1x80xi32, #tpu.memory_space<vmem>> -> memref<80xi32, #tpu.memory_space<vmem>>
    %dma_wait3A_324 = arith.constant 0 : i32
    %dma_wait3A_325 = arith.constant 0 : i32
    %dma_wait3A_326 = tpu.memref_slice %arg2[%dma_wait3A_324, %dma_wait3A_325] : memref<10000x64xbf16, #tpu.memory_space<hbm>> -> memref<10000x64xbf16, #tpu.memory_space<hbm>>
    tpu.wait_indirect_dma semaphore(%arg22 : memref<!tpu.dma_semaphore, #tpu.memory_space<semaphore_mem>>) src(%dma_wait3A_326 : memref<10000x64xbf16, #tpu.memory_space<hbm>>) dst(%arg12 : memref<80x64xbf16, #tpu.memory_space<vmem>>)
    %dma_start3A_327 = arith.constant 123 : i32
    %dma_start3A_328 = arith.constant 0 : i32
    %dma_start3A_329 = tpu.memref_slice %arg8[%dma_start3A_327, %dma_start3A_328] : memref<125x80xi32, #tpu.memory_space<vmem>> -> memref<1x80xi32, #tpu.memory_space<vmem>>
    %dma_start3A_330 = tpu.memref_squeeze %dma_start3A_329 : memref<1x80xi32, #tpu.memory_space<vmem>> -> memref<80xi32, #tpu.memory_space<vmem>>
    %dma_start3A_331 = arith.constant 0 : i32
    %dma_start3A_332 = arith.constant 0 : i32
    %dma_start3A_333 = tpu.memref_slice %arg18[%dma_start3A_331, %dma_start3A_332] : memref<10000x64xbf16, #tpu.memory_space<vmem_shared>> -> memref<10000x64xbf16, #tpu.memory_space<vmem_shared>>
    tpu.enqueue_indirect_dma source(%arg12 : memref<80x64xbf16, #tpu.memory_space<vmem>>) target(%dma_start3A_333 : memref<10000x64xbf16, #tpu.memory_space<vmem_shared>>) offsets(%dma_start3A_330 : memref<80xi32, #tpu.memory_space<vmem>>) semaphore(%arg30 : memref<!tpu.dma_semaphore, #tpu.memory_space<semaphore_mem>>) {add = true}
    %dma_wait3A_334 = arith.constant 117 : i32
    %dma_wait3A_335 = arith.constant 0 : i32
    %dma_wait3A_336 = tpu.memref_slice %arg8[%dma_wait3A_334, %dma_wait3A_335] : memref<125x80xi32, #tpu.memory_space<vmem>> -> memref<1x80xi32, #tpu.memory_space<vmem>>
    %dma_wait3A_337 = tpu.memref_squeeze %dma_wait3A_336 : memref<1x80xi32, #tpu.memory_space<vmem>> -> memref<80xi32, #tpu.memory_space<vmem>>
    %dma_wait3A_338 = arith.constant 0 : i32
    %dma_wait3A_339 = arith.constant 0 : i32
    %dma_wait3A_340 = tpu.memref_slice %arg18[%dma_wait3A_338, %dma_wait3A_339] : memref<10000x64xbf16, #tpu.memory_space<vmem_shared>> -> memref<10000x64xbf16, #tpu.memory_space<vmem_shared>>
    tpu.wait_indirect_dma semaphore(%arg32 : memref<!tpu.dma_semaphore, #tpu.memory_space<semaphore_mem>>) src(%arg14 : memref<80x64xbf16, #tpu.memory_space<vmem>>) dst(%dma_wait3A_340 : memref<10000x64xbf16, #tpu.memory_space<vmem_shared>>)
    %dma_wait3A_341 = arith.constant 124 : i32
    %dma_wait3A_342 = arith.constant 0 : i32
    %dma_wait3A_343 = tpu.memref_slice %arg7[%dma_wait3A_341, %dma_wait3A_342] : memref<128x80xi32, #tpu.memory_space<vmem>> -> memref<1x80xi32, #tpu.memory_space<vmem>>
    %dma_wait3A_344 = tpu.memref_squeeze %dma_wait3A_343 : memref<1x80xi32, #tpu.memory_space<vmem>> -> memref<80xi32, #tpu.memory_space<vmem>>
    %dma_wait3A_345 = arith.constant 0 : i32
    %dma_wait3A_346 = arith.constant 0 : i32
    %dma_wait3A_347 = tpu.memref_slice %arg2[%dma_wait3A_345, %dma_wait3A_346] : memref<10000x64xbf16, #tpu.memory_space<hbm>> -> memref<10000x64xbf16, #tpu.memory_space<hbm>>
    tpu.wait_indirect_dma semaphore(%arg23 : memref<!tpu.dma_semaphore, #tpu.memory_space<semaphore_mem>>) src(%dma_wait3A_347 : memref<10000x64xbf16, #tpu.memory_space<hbm>>) dst(%arg13 : memref<80x64xbf16, #tpu.memory_space<vmem>>)
    %dma_start3A_348 = arith.constant 124 : i32
    %dma_start3A_349 = arith.constant 0 : i32
    %dma_start3A_350 = tpu.memref_slice %arg8[%dma_start3A_348, %dma_start3A_349] : memref<125x80xi32, #tpu.memory_space<vmem>> -> memref<1x80xi32, #tpu.memory_space<vmem>>
    %dma_start3A_351 = tpu.memref_squeeze %dma_start3A_350 : memref<1x80xi32, #tpu.memory_space<vmem>> -> memref<80xi32, #tpu.memory_space<vmem>>
    %dma_start3A_352 = arith.constant 0 : i32
    %dma_start3A_353 = arith.constant 0 : i32
    %dma_start3A_354 = tpu.memref_slice %arg18[%dma_start3A_352, %dma_start3A_353] : memref<10000x64xbf16, #tpu.memory_space<vmem_shared>> -> memref<10000x64xbf16, #tpu.memory_space<vmem_shared>>
    tpu.enqueue_indirect_dma source(%arg13 : memref<80x64xbf16, #tpu.memory_space<vmem>>) target(%dma_start3A_354 : memref<10000x64xbf16, #tpu.memory_space<vmem_shared>>) offsets(%dma_start3A_351 : memref<80xi32, #tpu.memory_space<vmem>>) semaphore(%arg31 : memref<!tpu.dma_semaphore, #tpu.memory_space<semaphore_mem>>) {add = true}
    %dma_wait3A_355 = arith.constant 118 : i32
    %dma_wait3A_356 = arith.constant 0 : i32
    %dma_wait3A_357 = tpu.memref_slice %arg8[%dma_wait3A_355, %dma_wait3A_356] : memref<125x80xi32, #tpu.memory_space<vmem>> -> memref<1x80xi32, #tpu.memory_space<vmem>>
    %dma_wait3A_358 = tpu.memref_squeeze %dma_wait3A_357 : memref<1x80xi32, #tpu.memory_space<vmem>> -> memref<80xi32, #tpu.memory_space<vmem>>
    %dma_wait3A_359 = arith.constant 0 : i32
    %dma_wait3A_360 = arith.constant 0 : i32
    %dma_wait3A_361 = tpu.memref_slice %arg18[%dma_wait3A_359, %dma_wait3A_360] : memref<10000x64xbf16, #tpu.memory_space<vmem_shared>> -> memref<10000x64xbf16, #tpu.memory_space<vmem_shared>>
    tpu.wait_indirect_dma semaphore(%arg33 : memref<!tpu.dma_semaphore, #tpu.memory_space<semaphore_mem>>) src(%arg15 : memref<80x64xbf16, #tpu.memory_space<vmem>>) dst(%dma_wait3A_361 : memref<10000x64xbf16, #tpu.memory_space<vmem_shared>>)
    %dma_wait3A_362 = arith.constant 119 : i32
    %dma_wait3A_363 = arith.constant 0 : i32
    %dma_wait3A_364 = tpu.memref_slice %arg8[%dma_wait3A_362, %dma_wait3A_363] : memref<125x80xi32, #tpu.memory_space<vmem>> -> memref<1x80xi32, #tpu.memory_space<vmem>>
    %dma_wait3A_365 = tpu.memref_squeeze %dma_wait3A_364 : memref<1x80xi32, #tpu.memory_space<vmem>> -> memref<80xi32, #tpu.memory_space<vmem>>
    %dma_wait3A_366 = arith.constant 0 : i32
    %dma_wait3A_367 = arith.constant 0 : i32
    %dma_wait3A_368 = tpu.memref_slice %arg18[%dma_wait3A_366, %dma_wait3A_367] : memref<10000x64xbf16, #tpu.memory_space<vmem_shared>> -> memref<10000x64xbf16, #tpu.memory_space<vmem_shared>>
    tpu.wait_indirect_dma semaphore(%arg34 : memref<!tpu.dma_semaphore, #tpu.memory_space<semaphore_mem>>) src(%arg16 : memref<80x64xbf16, #tpu.memory_space<vmem>>) dst(%dma_wait3A_368 : memref<10000x64xbf16, #tpu.memory_space<vmem_shared>>)
    %dma_wait3A_369 = arith.constant 120 : i32
    %dma_wait3A_370 = arith.constant 0 : i32
    %dma_wait3A_371 = tpu.memref_slice %arg8[%dma_wait3A_369, %dma_wait3A_370] : memref<125x80xi32, #tpu.memory_space<vmem>> -> memref<1x80xi32, #tpu.memory_space<vmem>>
    %dma_wait3A_372 = tpu.memref_squeeze %dma_wait3A_371 : memref<1x80xi32, #tpu.memory_space<vmem>> -> memref<80xi32, #tpu.memory_space<vmem>>
    %dma_wait3A_373 = arith.constant 0 : i32
    %dma_wait3A_374 = arith.constant 0 : i32
    %dma_wait3A_375 = tpu.memref_slice %arg18[%dma_wait3A_373, %dma_wait3A_374] : memref<10000x64xbf16, #tpu.memory_space<vmem_shared>> -> memref<10000x64xbf16, #tpu.memory_space<vmem_shared>>
    tpu.wait_indirect_dma semaphore(%arg27 : memref<!tpu.dma_semaphore, #tpu.memory_space<semaphore_mem>>) src(%arg9 : memref<80x64xbf16, #tpu.memory_space<vmem>>) dst(%dma_wait3A_375 : memref<10000x64xbf16, #tpu.memory_space<vmem_shared>>)
    %dma_wait3A_376 = arith.constant 121 : i32
    %dma_wait3A_377 = arith.constant 0 : i32
    %dma_wait3A_378 = tpu.memref_slice %arg8[%dma_wait3A_376, %dma_wait3A_377] : memref<125x80xi32, #tpu.memory_space<vmem>> -> memref<1x80xi32, #tpu.memory_space<vmem>>
    %dma_wait3A_379 = tpu.memref_squeeze %dma_wait3A_378 : memref<1x80xi32, #tpu.memory_space<vmem>> -> memref<80xi32, #tpu.memory_space<vmem>>
    %dma_wait3A_380 = arith.constant 0 : i32
    %dma_wait3A_381 = arith.constant 0 : i32
    %dma_wait3A_382 = tpu.memref_slice %arg18[%dma_wait3A_380, %dma_wait3A_381] : memref<10000x64xbf16, #tpu.memory_space<vmem_shared>> -> memref<10000x64xbf16, #tpu.memory_space<vmem_shared>>
    tpu.wait_indirect_dma semaphore(%arg28 : memref<!tpu.dma_semaphore, #tpu.memory_space<semaphore_mem>>) src(%arg10 : memref<80x64xbf16, #tpu.memory_space<vmem>>) dst(%dma_wait3A_382 : memref<10000x64xbf16, #tpu.memory_space<vmem_shared>>)
    %dma_wait3A_383 = arith.constant 122 : i32
    %dma_wait3A_384 = arith.constant 0 : i32
    %dma_wait3A_385 = tpu.memref_slice %arg8[%dma_wait3A_383, %dma_wait3A_384] : memref<125x80xi32, #tpu.memory_space<vmem>> -> memref<1x80xi32, #tpu.memory_space<vmem>>
    %dma_wait3A_386 = tpu.memref_squeeze %dma_wait3A_385 : memref<1x80xi32, #tpu.memory_space<vmem>> -> memref<80xi32, #tpu.memory_space<vmem>>
    %dma_wait3A_387 = arith.constant 0 : i32
    %dma_wait3A_388 = arith.constant 0 : i32
    %dma_wait3A_389 = tpu.memref_slice %arg18[%dma_wait3A_387, %dma_wait3A_388] : memref<10000x64xbf16, #tpu.memory_space<vmem_shared>> -> memref<10000x64xbf16, #tpu.memory_space<vmem_shared>>
    tpu.wait_indirect_dma semaphore(%arg29 : memref<!tpu.dma_semaphore, #tpu.memory_space<semaphore_mem>>) src(%arg11 : memref<80x64xbf16, #tpu.memory_space<vmem>>) dst(%dma_wait3A_389 : memref<10000x64xbf16, #tpu.memory_space<vmem_shared>>)
    %dma_wait3A_390 = arith.constant 123 : i32
    %dma_wait3A_391 = arith.constant 0 : i32
    %dma_wait3A_392 = tpu.memref_slice %arg8[%dma_wait3A_390, %dma_wait3A_391] : memref<125x80xi32, #tpu.memory_space<vmem>> -> memref<1x80xi32, #tpu.memory_space<vmem>>
    %dma_wait3A_393 = tpu.memref_squeeze %dma_wait3A_392 : memref<1x80xi32, #tpu.memory_space<vmem>> -> memref<80xi32, #tpu.memory_space<vmem>>
    %dma_wait3A_394 = arith.constant 0 : i32
    %dma_wait3A_395 = arith.constant 0 : i32
    %dma_wait3A_396 = tpu.memref_slice %arg18[%dma_wait3A_394, %dma_wait3A_395] : memref<10000x64xbf16, #tpu.memory_space<vmem_shared>> -> memref<10000x64xbf16, #tpu.memory_space<vmem_shared>>
    tpu.wait_indirect_dma semaphore(%arg30 : memref<!tpu.dma_semaphore, #tpu.memory_space<semaphore_mem>>) src(%arg12 : memref<80x64xbf16, #tpu.memory_space<vmem>>) dst(%dma_wait3A_396 : memref<10000x64xbf16, #tpu.memory_space<vmem_shared>>)
    %dma_wait3A_397 = arith.constant 124 : i32
    %dma_wait3A_398 = arith.constant 0 : i32
    %dma_wait3A_399 = tpu.memref_slice %arg8[%dma_wait3A_397, %dma_wait3A_398] : memref<125x80xi32, #tpu.memory_space<vmem>> -> memref<1x80xi32, #tpu.memory_space<vmem>>
    %dma_wait3A_400 = tpu.memref_squeeze %dma_wait3A_399 : memref<1x80xi32, #tpu.memory_space<vmem>> -> memref<80xi32, #tpu.memory_space<vmem>>
    %dma_wait3A_401 = arith.constant 0 : i32
    %dma_wait3A_402 = arith.constant 0 : i32
    %dma_wait3A_403 = tpu.memref_slice %arg18[%dma_wait3A_401, %dma_wait3A_402] : memref<10000x64xbf16, #tpu.memory_space<vmem_shared>> -> memref<10000x64xbf16, #tpu.memory_space<vmem_shared>>
    tpu.wait_indirect_dma semaphore(%arg31 : memref<!tpu.dma_semaphore, #tpu.memory_space<semaphore_mem>>) src(%arg13 : memref<80x64xbf16, #tpu.memory_space<vmem>>) dst(%dma_wait3A_403 : memref<10000x64xbf16, #tpu.memory_space<vmem_shared>>)
    %barrier3A_404 = arith.constant 0 : index
    tpu.barrier barrier_id(%barrier3A_404)
    %eq3A = arith.constant 0 : i32
    %eq3A_405 = arith.cmpi eq, %arg0, %eq3A : i32
    %lt3A_406 = arith.constant 10 : i32
    %lt3A_407 = arith.cmpi slt, %arg1, %lt3A_406 : i32
    %and3A = arith.andi %eq3A_405, %lt3A_407 : i1
    %convert_element_type3A_408 = arith.extui %and3A : i1 to i32
    %cond3A_409 = arith.constant 0 : i32
    %cond3A_410 = arith.cmpi ne, %convert_element_type3A_408, %cond3A_409 : i32
    scf.if %cond3A_410 {
      %mul3A_419 = arith.constant 1000 : i32
      %mul3A_420 = arith.muli %arg1, %mul3A_419 : i32
      %mul3A_421 = arith.constant 1000 : i32
      %mul3A_422 = arith.muli %arg1, %mul3A_421 : i32
      "tpu.region"() ({
        %run_scoped3A = tpu.sem_alloc : memref<!tpu.dma_semaphore, #tpu.memory_space<semaphore_mem>>
        %dma_start3A_423 = arith.constant 0 : i32
        %dma_start3A_424 = tpu.memref_slice %arg5[%mul3A_422, %dma_start3A_423] : memref<10000x64xbf16, #tpu.memory_space<hbm>> -> memref<1000x64xbf16, #tpu.memory_space<hbm>>
        %dma_start3A_425 = arith.constant 0 : i32
        %dma_start3A_426 = tpu.memref_slice %arg18[%mul3A_420, %dma_start3A_425] : memref<10000x64xbf16, #tpu.memory_space<vmem_shared>> -> memref<1000x64xbf16, #tpu.memory_space<vmem_shared>>
        tpu.enqueue_dma source(%dma_start3A_426 : memref<1000x64xbf16, #tpu.memory_space<vmem_shared>>) target(%dma_start3A_424 : memref<1000x64xbf16, #tpu.memory_space<hbm>>) target_semaphore(%run_scoped3A : memref<!tpu.dma_semaphore, #tpu.memory_space<semaphore_mem>>)
        %dma_wait3A_427 = arith.constant 0 : i32
        %dma_wait3A_428 = tpu.memref_slice %arg5[%mul3A_422, %dma_wait3A_427] : memref<10000x64xbf16, #tpu.memory_space<hbm>> -> memref<1000x64xbf16, #tpu.memory_space<hbm>>
        %dma_wait3A_429 = arith.constant 0 : i32
        %dma_wait3A_430 = tpu.memref_slice %arg18[%mul3A_420, %dma_wait3A_429] : memref<10000x64xbf16, #tpu.memory_space<vmem_shared>> -> memref<1000x64xbf16, #tpu.memory_space<vmem_shared>>
        tpu.wait_dma2 semaphore(%run_scoped3A : memref<!tpu.dma_semaphore, #tpu.memory_space<semaphore_mem>>) src(%dma_wait3A_430 : memref<1000x64xbf16, #tpu.memory_space<vmem_shared>>) dst(%dma_wait3A_428 : memref<1000x64xbf16, #tpu.memory_space<hbm>>)
        tpu.yield
      }) : () -> ()
    } else {
    }
    %eq3A_411 = arith.constant 1 : i32
    %eq3A_412 = arith.cmpi eq, %arg0, %eq3A_411 : i32
    %lt3A_413 = arith.constant 10 : i32
    %lt3A_414 = arith.cmpi slt, %arg1, %lt3A_413 : i32
    %and3A_415 = arith.andi %eq3A_412, %lt3A_414 : i1
    %convert_element_type3A_416 = arith.extui %and3A_415 : i1 to i32
    %cond3A_417 = arith.constant 0 : i32
    %cond3A_418 = arith.cmpi ne, %convert_element_type3A_416, %cond3A_417 : i32
    scf.if %cond3A_418 {
      %mul3A_419 = arith.constant 1000 : i32
      %mul3A_420 = arith.muli %arg1, %mul3A_419 : i32
      %mul3A_421 = arith.constant 1000 : i32
      %mul3A_422 = arith.muli %arg1, %mul3A_421 : i32
      "tpu.region"() ({
        %run_scoped3A = tpu.sem_alloc : memref<!tpu.dma_semaphore, #tpu.memory_space<semaphore_mem>>
        %dma_start3A_423 = arith.constant 0 : i32
        %dma_start3A_424 = tpu.memref_slice %arg6[%mul3A_422, %dma_start3A_423] : memref<10000x64xbf16, #tpu.memory_space<hbm>> -> memref<1000x64xbf16, #tpu.memory_space<hbm>>
        %dma_start3A_425 = arith.constant 0 : i32
        %dma_start3A_426 = tpu.memref_slice %arg18[%mul3A_420, %dma_start3A_425] : memref<10000x64xbf16, #tpu.memory_space<vmem_shared>> -> memref<1000x64xbf16, #tpu.memory_space<vmem_shared>>
        tpu.enqueue_dma source(%dma_start3A_426 : memref<1000x64xbf16, #tpu.memory_space<vmem_shared>>) target(%dma_start3A_424 : memref<1000x64xbf16, #tpu.memory_space<hbm>>) target_semaphore(%run_scoped3A : memref<!tpu.dma_semaphore, #tpu.memory_space<semaphore_mem>>)
        %dma_wait3A_427 = arith.constant 0 : i32
        %dma_wait3A_428 = tpu.memref_slice %arg6[%mul3A_422, %dma_wait3A_427] : memref<10000x64xbf16, #tpu.memory_space<hbm>> -> memref<1000x64xbf16, #tpu.memory_space<hbm>>
        %dma_wait3A_429 = arith.constant 0 : i32
        %dma_wait3A_430 = tpu.memref_slice %arg18[%mul3A_420, %dma_wait3A_429] : memref<10000x64xbf16, #tpu.memory_space<vmem_shared>> -> memref<1000x64xbf16, #tpu.memory_space<vmem_shared>>
        tpu.wait_dma2 semaphore(%run_scoped3A : memref<!tpu.dma_semaphore, #tpu.memory_space<semaphore_mem>>) src(%dma_wait3A_430 : memref<1000x64xbf16, #tpu.memory_space<vmem_shared>>) dst(%dma_wait3A_428 : memref<1000x64xbf16, #tpu.memory_space<hbm>>)
        tpu.yield
      }) : () -> ()
    } else {
    }
    return
  }
}

#map = affine_map<(d0, d1) -> (0)>
module attributes {stable_mosaic.version = 14 : i64} {
  func.func @_final_body(%arg0: i32, %arg1: i32, %arg2: memref<10000xf32, #tpu.memory_space<hbm>>, %arg3: memref<10000xf32, #tpu.memory_space<hbm>>, %arg4: memref<320000xi32, #tpu.memory_space<hbm>>, %arg5: memref<320000xi32, #tpu.memory_space<hbm>>, %arg6: memref<320000xf32, #tpu.memory_space<hbm>>, %arg7: memref<10000xf32, #tpu.memory_space<vmem>>, %arg8: memref<10000xf32, #tpu.memory_space<vmem>>, %arg9: memref<10000xi32, #tpu.memory_space<vmem>>, %arg10: memref<10000xi32, #tpu.memory_space<vmem>>, %arg11: memref<10000xf32, #tpu.memory_space<vmem>>, %arg12: memref<!tpu.dma_semaphore, #tpu.memory_space<semaphore_mem>>) attributes {dimension_semantics = [#tpu.dimension_semantics<core_parallel>, #tpu.dimension_semantics<subcore_parallel>], iteration_bounds = array<i64: 2, 16>, scalar_prefetch = 0 : i64, scratch_operands = 6 : i64, tpu.core_type = #tpu.core_type<sc_vector_subcore>, window_params = [{transform_indices = #map}, {transform_indices = #map}, {transform_indices = #map}, {transform_indices = #map}, {transform_indices = #map}]} {
    %mul3A = arith.constant 2 : i32
    %mul3A_0 = arith.muli %arg1, %mul3A : i32
    %add3A = arith.addi %mul3A_0, %arg0 : i32
    %mul3A_1 = arith.constant 10000 : i32
    %mul3A_2 = arith.muli %add3A, %mul3A_1 : i32
    tpu.enqueue_dma source(%arg2 : memref<10000xf32, #tpu.memory_space<hbm>>) target(%arg7 : memref<10000xf32, #tpu.memory_space<vmem>>) target_semaphore(%arg12 : memref<!tpu.dma_semaphore, #tpu.memory_space<semaphore_mem>>)
    tpu.enqueue_dma source(%arg3 : memref<10000xf32, #tpu.memory_space<hbm>>) target(%arg8 : memref<10000xf32, #tpu.memory_space<vmem>>) target_semaphore(%arg12 : memref<!tpu.dma_semaphore, #tpu.memory_space<semaphore_mem>>)
    %dma_start3A = tpu.memref_slice %arg4[%mul3A_2] : memref<320000xi32, #tpu.memory_space<hbm>> -> memref<10000xi32, #tpu.memory_space<hbm>>
    %dma_start3A_3 = tpu.memref_slice %arg4[%mul3A_2] : memref<320000xi32, #tpu.memory_space<hbm>> -> memref<10000xi32, #tpu.memory_space<hbm>>
    tpu.enqueue_dma source(%dma_start3A_3 : memref<10000xi32, #tpu.memory_space<hbm>>) target(%arg9 : memref<10000xi32, #tpu.memory_space<vmem>>) target_semaphore(%arg12 : memref<!tpu.dma_semaphore, #tpu.memory_space<semaphore_mem>>)
    %dma_start3A_4 = tpu.memref_slice %arg5[%mul3A_2] : memref<320000xi32, #tpu.memory_space<hbm>> -> memref<10000xi32, #tpu.memory_space<hbm>>
    %dma_start3A_5 = tpu.memref_slice %arg5[%mul3A_2] : memref<320000xi32, #tpu.memory_space<hbm>> -> memref<10000xi32, #tpu.memory_space<hbm>>
    tpu.enqueue_dma source(%dma_start3A_5 : memref<10000xi32, #tpu.memory_space<hbm>>) target(%arg10 : memref<10000xi32, #tpu.memory_space<vmem>>) target_semaphore(%arg12 : memref<!tpu.dma_semaphore, #tpu.memory_space<semaphore_mem>>)
    tpu.wait_dma2 semaphore(%arg12 : memref<!tpu.dma_semaphore, #tpu.memory_space<semaphore_mem>>) src(%arg2 : memref<10000xf32, #tpu.memory_space<hbm>>) dst(%arg7 : memref<10000xf32, #tpu.memory_space<vmem>>)
    tpu.wait_dma2 semaphore(%arg12 : memref<!tpu.dma_semaphore, #tpu.memory_space<semaphore_mem>>) src(%arg3 : memref<10000xf32, #tpu.memory_space<hbm>>) dst(%arg8 : memref<10000xf32, #tpu.memory_space<vmem>>)
    %dma_wait3A = tpu.memref_slice %arg4[%mul3A_2] : memref<320000xi32, #tpu.memory_space<hbm>> -> memref<10000xi32, #tpu.memory_space<hbm>>
    %dma_wait3A_6 = tpu.memref_slice %arg4[%mul3A_2] : memref<320000xi32, #tpu.memory_space<hbm>> -> memref<10000xi32, #tpu.memory_space<hbm>>
    tpu.wait_dma2 semaphore(%arg12 : memref<!tpu.dma_semaphore, #tpu.memory_space<semaphore_mem>>) src(%dma_wait3A_6 : memref<10000xi32, #tpu.memory_space<hbm>>) dst(%arg9 : memref<10000xi32, #tpu.memory_space<vmem>>)
    %dma_wait3A_7 = tpu.memref_slice %arg5[%mul3A_2] : memref<320000xi32, #tpu.memory_space<hbm>> -> memref<10000xi32, #tpu.memory_space<hbm>>
    %dma_wait3A_8 = tpu.memref_slice %arg5[%mul3A_2] : memref<320000xi32, #tpu.memory_space<hbm>> -> memref<10000xi32, #tpu.memory_space<hbm>>
    tpu.wait_dma2 semaphore(%arg12 : memref<!tpu.dma_semaphore, #tpu.memory_space<semaphore_mem>>) src(%dma_wait3A_8 : memref<10000xi32, #tpu.memory_space<hbm>>) dst(%arg10 : memref<10000xi32, #tpu.memory_space<vmem>>)
    %scan3A = arith.constant 0 : i32
    %scan3A_9 = arith.constant 0 : i32
    %scan3A_10 = arith.constant 625 : i32
    %scan3A_11 = arith.addi %scan3A_9, %scan3A_10 : i32
    %scan3A_12 = arith.constant 1 : i32
    scf.for %scan3A_14 = %scan3A_9 to %scan3A_11 step %scan3A_12  : i32 {
      %mul3A_15 = arith.constant 16 : i32
      %mul3A_16 = arith.muli %scan3A_14, %mul3A_15 : i32
      %get3A = arith.index_cast %mul3A_16 : i32 to index
      %get3A_17 = tpu.vector_load %arg9[%get3A] {strides = array<i32>} : memref<10000xi32, #tpu.memory_space<vmem>>, vector<16xi32>,
      %mul3A_18 = arith.constant 16 : i32
      %mul3A_19 = arith.muli %scan3A_14, %mul3A_18 : i32
      %get3A_20 = arith.index_cast %mul3A_19 : i32 to index
      %get3A_21 = tpu.vector_load %arg10[%get3A_20] {strides = array<i32>} : memref<10000xi32, #tpu.memory_space<vmem>>, vector<16xi32>,
      %gather3A = tpu.vector_load_idx %arg7[%get3A_17] : memref<10000xf32, #tpu.memory_space<vmem>>[vector<16xi32>], vector<16xf32>,
      %gather3A_22 = tpu.vector_load_idx %arg8[%get3A_21] : memref<10000xf32, #tpu.memory_space<vmem>>[vector<16xi32>], vector<16xf32>,
      %add3A_23 = arith.addf %gather3A, %gather3A_22 : vector<16xf32>
      %mul3A_24 = arith.constant 16 : i32
      %mul3A_25 = arith.muli %scan3A_14, %mul3A_24 : i32
      %swap3A = arith.index_cast %mul3A_25 : i32 to index
      %swap3A_26 = tpu.vector_load %arg11[%swap3A] {strides = array<i32>} : memref<10000xf32, #tpu.memory_space<vmem>>, vector<16xf32>,
      tpu.vector_store %arg11[%swap3A], %add3A_23 {strides = array<i32>} : memref<10000xf32, #tpu.memory_space<vmem>>, vector<16xf32>,
    }
    %scan3A_13 = arith.constant 625 : i32
    "tpu.region"() ({
      %run_scoped3A = tpu.sem_alloc : memref<!tpu.dma_semaphore, #tpu.memory_space<semaphore_mem>>
      %dma_start3A_14 = tpu.memref_slice %arg6[%mul3A_2] : memref<320000xf32, #tpu.memory_space<hbm>> -> memref<10000xf32, #tpu.memory_space<hbm>>
      %dma_start3A_15 = tpu.memref_slice %arg6[%mul3A_2] : memref<320000xf32, #tpu.memory_space<hbm>> -> memref<10000xf32, #tpu.memory_space<hbm>>
      tpu.enqueue_dma source(%arg11 : memref<10000xf32, #tpu.memory_space<vmem>>) target(%dma_start3A_15 : memref<10000xf32, #tpu.memory_space<hbm>>) target_semaphore(%run_scoped3A : memref<!tpu.dma_semaphore, #tpu.memory_space<semaphore_mem>>)
      %dma_wait3A_16 = tpu.memref_slice %arg6[%mul3A_2] : memref<320000xf32, #tpu.memory_space<hbm>> -> memref<10000xf32, #tpu.memory_space<hbm>>
      %dma_wait3A_17 = tpu.memref_slice %arg6[%mul3A_2] : memref<320000xf32, #tpu.memory_space<hbm>> -> memref<10000xf32, #tpu.memory_space<hbm>>
      tpu.wait_dma2 semaphore(%run_scoped3A : memref<!tpu.dma_semaphore, #tpu.memory_space<semaphore_mem>>) src(%arg11 : memref<10000xf32, #tpu.memory_space<vmem>>) dst(%dma_wait3A_17 : memref<10000xf32, #tpu.memory_space<hbm>>)
      tpu.yield
    }) : () -> ()
    return
  }
}

module attributes {stable_mosaic.version = 14 : i64} {
  func.func @_tc_a_body(%arg0: i32, %arg1: memref<1000x128xf32, #tpu.memory_space<vmem>>, %arg2: memref<128x128xf32, #tpu.memory_space<vmem>>, %arg3: memref<1000x1xf32, #tpu.memory_space<vmem>>, %arg4: memref<1000x128xbf16, #tpu.memory_space<vmem>>) attributes {dimension_semantics = [#tpu.dimension_semantics<arbitrary>], iteration_bounds = array<i64: 10>, scalar_prefetch = 0 : i64, scratch_operands = 0 : i64, tpu.core_type = #tpu.core_type<tc>, window_params = [{transform_indices = @transform_0, window_bounds = array<i64: 1000, 128>}, {pipeline_mode = #tpu.pipeline_mode<synchronous>, transform_indices = @transform_1, window_bounds = array<i64: 128, 128>}, {transform_indices = @transform_2, window_bounds = array<i64: 1000, 1>}, {transform_indices = @transform_3, window_bounds = array<i64: 1000, 128>}]} {
    %get3A = arith.constant 0 : index
    %get3A_0 = arith.constant 0 : index
    %get3A_1 = vector.load %arg3[%get3A, %get3A_0] : memref<1000x1xf32, #tpu.memory_space<vmem>>, vector<1000x1xf32>
    %add3A = arith.constant 1.000000e+00 : f32
    %add3A_2 = vector.broadcast %add3A : f32 to vector<1000x1xf32>
    %add3A_3 = arith.addf %get3A_1, %add3A_2 : vector<1000x1xf32>
    %rsqrt3A = math.rsqrt %add3A_3 : vector<1000x1xf32>
    %get3A_4 = arith.constant 0 : index
    %get3A_5 = arith.constant 0 : index
    %get3A_6 = vector.load %arg1[%get3A_4, %get3A_5] : memref<1000x128xf32, #tpu.memory_space<vmem>>, vector<1000x128xf32>
    %get3A_7 = arith.constant 0 : index
    %get3A_8 = arith.constant 0 : index
    %get3A_9 = vector.load %arg2[%get3A_7, %get3A_8] : memref<128x128xf32, #tpu.memory_space<vmem>>, vector<128x128xf32>
    %dot_general3A = arith.constant dense<0.000000e+00> : vector<1000x128xf32>
    %dot_general3A_10 = tpu.matmul %get3A_6, %get3A_9, %dot_general3A {dimension_numbers = #tpu.dot_dimension_numbers<[1], [0], [0], [1], [0, 0, 1, 1], [], []>, transpose_lhs_hint = false} : vector<1000x128xf32>, vector<128x128xf32>, vector<1000x128xf32> -> vector<1000x128xf32>
    %mul3A = vector.broadcast %rsqrt3A : vector<1000x1xf32> to vector<1000x128xf32>
    %mul3A_11 = arith.mulf %mul3A, %dot_general3A_10 : vector<1000x128xf32>
    %convert_element_type3A = arith.truncf %mul3A_11 : vector<1000x128xf32> to vector<1000x128xbf16>
    %swap3A = arith.constant 0 : index
    %swap3A_12 = arith.constant 0 : index
    %swap3A_13 = vector.load %arg4[%swap3A, %swap3A_12] : memref<1000x128xbf16, #tpu.memory_space<vmem>>, vector<1000x128xbf16>
    tpu.vector_store %arg4[%swap3A, %swap3A_12], %convert_element_type3A {strides = array<i32>} : memref<1000x128xbf16, #tpu.memory_space<vmem>>, vector<1000x128xbf16>,
    return
  }
  func.func @transform_0(%arg0: i32) -> (i32, i32) {
    %c0_i32 = arith.constant 0 : i32
    %c0_i32_0 = arith.constant 0 : i32
    return %arg0, %c0_i32 : i32, i32
  }
  func.func @transform_1(%arg0: i32) -> (i32, i32) {
    %c0_i32 = arith.constant 0 : i32
    %c0_i32_0 = arith.constant 0 : i32
    %c0_i32_1 = arith.constant 0 : i32
    return %c0_i32, %c0_i32_0 : i32, i32
  }
  func.func @transform_2(%arg0: i32) -> (i32, i32) {
    %c0_i32 = arith.constant 0 : i32
    %c0_i32_0 = arith.constant 0 : i32
    return %arg0, %c0_i32 : i32, i32
  }
  func.func @transform_3(%arg0: i32) -> (i32, i32) {
    %c0_i32 = arith.constant 0 : i32
    %c0_i32_0 = arith.constant 0 : i32
    return %arg0, %c0_i32 : i32, i32
  }
}

module attributes {stable_mosaic.version = 14 : i64} {
  func.func @_tc_b_body(%arg0: i32, %arg1: memref<1000x128xbf16, #tpu.memory_space<vmem>>, %arg2: memref<1000x128xbf16, #tpu.memory_space<vmem>>, %arg3: memref<1000x128xbf16, #tpu.memory_space<vmem>>, %arg4: memref<1000x1xf32, #tpu.memory_space<vmem>>, %arg5: memref<1x128xf32, #tpu.memory_space<vmem>>, %arg6: memref<128x64xf32, #tpu.memory_space<vmem>>, %arg7: memref<1000x64xbf16, #tpu.memory_space<vmem>>) attributes {dimension_semantics = [#tpu.dimension_semantics<arbitrary>], iteration_bounds = array<i64: 10>, scalar_prefetch = 0 : i64, scratch_operands = 0 : i64, tpu.core_type = #tpu.core_type<tc>, window_params = [{transform_indices = @transform_0, window_bounds = array<i64: 1000, 128>}, {transform_indices = @transform_1, window_bounds = array<i64: 1000, 128>}, {transform_indices = @transform_2, window_bounds = array<i64: 1000, 128>}, {transform_indices = @transform_3, window_bounds = array<i64: 1000, 1>}, {pipeline_mode = #tpu.pipeline_mode<synchronous>, transform_indices = @transform_4, window_bounds = array<i64: 1, 128>}, {pipeline_mode = #tpu.pipeline_mode<synchronous>, transform_indices = @transform_5, window_bounds = array<i64: 128, 64>}, {transform_indices = @transform_6, window_bounds = array<i64: 1000, 64>}]} {
    %get3A = arith.constant 0 : index
    %get3A_0 = arith.constant 0 : index
    %get3A_1 = vector.load %arg4[%get3A, %get3A_0] : memref<1000x1xf32, #tpu.memory_space<vmem>>, vector<1000x1xf32>
    %add3A = arith.constant 1.000000e+00 : f32
    %add3A_2 = vector.broadcast %add3A : f32 to vector<1000x1xf32>
    %add3A_3 = arith.addf %get3A_1, %add3A_2 : vector<1000x1xf32>
    %rsqrt3A = math.rsqrt %add3A_3 : vector<1000x1xf32>
    %get3A_4 = arith.constant 0 : index
    %get3A_5 = arith.constant 0 : index
    %get3A_6 = vector.load %arg1[%get3A_4, %get3A_5] : memref<1000x128xbf16, #tpu.memory_space<vmem>>, vector<1000x128xbf16>
    %convert_element_type3A = arith.extf %get3A_6 : vector<1000x128xbf16> to vector<1000x128xf32>
    %get3A_7 = arith.constant 0 : index
    %get3A_8 = arith.constant 0 : index
    %get3A_9 = vector.load %arg2[%get3A_7, %get3A_8] : memref<1000x128xbf16, #tpu.memory_space<vmem>>, vector<1000x128xbf16>
    %convert_element_type3A_10 = arith.extf %get3A_9 : vector<1000x128xbf16> to vector<1000x128xf32>
    %add3A_11 = arith.addf %convert_element_type3A, %convert_element_type3A_10 : vector<1000x128xf32>
    %get3A_12 = arith.constant 0 : index
    %get3A_13 = arith.constant 0 : index
    %get3A_14 = vector.load %arg3[%get3A_12, %get3A_13] : memref<1000x128xbf16, #tpu.memory_space<vmem>>, vector<1000x128xbf16>
    %convert_element_type3A_15 = arith.extf %get3A_14 : vector<1000x128xbf16> to vector<1000x128xf32>
    %add3A_16 = arith.addf %add3A_11, %convert_element_type3A_15 : vector<1000x128xf32>
    %mul3A = vector.broadcast %rsqrt3A : vector<1000x1xf32> to vector<1000x128xf32>
    %mul3A_17 = arith.mulf %mul3A, %add3A_16 : vector<1000x128xf32>
    %get3A_18 = arith.constant 0 : index
    %get3A_19 = arith.constant 0 : index
    %get3A_20 = vector.load %arg5[%get3A_18, %get3A_19] : memref<1x128xf32, #tpu.memory_space<vmem>>, vector<1x128xf32>
    %add3A_21 = vector.broadcast %get3A_20 : vector<1x128xf32> to vector<1000x128xf32>
    %add3A_22 = arith.addf %mul3A_17, %add3A_21 : vector<1000x128xf32>
    %max3A = arith.constant 0.000000e+00 : f32
    %max3A_23 = vector.broadcast %max3A : f32 to vector<1000x128xf32>
    %max3A_24 = arith.maximumf %add3A_22, %max3A_23 : vector<1000x128xf32>
    %get3A_25 = arith.constant 0 : index
    %get3A_26 = arith.constant 0 : index
    %get3A_27 = vector.load %arg6[%get3A_25, %get3A_26] : memref<128x64xf32, #tpu.memory_space<vmem>>, vector<128x64xf32>
    %dot_general3A = arith.constant dense<0.000000e+00> : vector<1000x64xf32>
    %dot_general3A_28 = tpu.matmul %max3A_24, %get3A_27, %dot_general3A {dimension_numbers = #tpu.dot_dimension_numbers<[1], [0], [0], [1], [0, 0, 1, 1], [], []>, transpose_lhs_hint = false} : vector<1000x128xf32>, vector<128x64xf32>, vector<1000x64xf32> -> vector<1000x64xf32>
    %mul3A_29 = vector.broadcast %rsqrt3A : vector<1000x1xf32> to vector<1000x64xf32>
    %mul3A_30 = arith.mulf %mul3A_29, %dot_general3A_28 : vector<1000x64xf32>
    %convert_element_type3A_31 = arith.truncf %mul3A_30 : vector<1000x64xf32> to vector<1000x64xbf16>
    %swap3A = arith.constant 0 : index
    %swap3A_32 = arith.constant 0 : index
    %swap3A_33 = vector.load %arg7[%swap3A, %swap3A_32] : memref<1000x64xbf16, #tpu.memory_space<vmem>>, vector<1000x64xbf16>
    tpu.vector_store %arg7[%swap3A, %swap3A_32], %convert_element_type3A_31 {strides = array<i32>} : memref<1000x64xbf16, #tpu.memory_space<vmem>>, vector<1000x64xbf16>,
    return
  }
  func.func @transform_0(%arg0: i32) -> (i32, i32) {
    %c0_i32 = arith.constant 0 : i32
    %c0_i32_0 = arith.constant 0 : i32
    return %arg0, %c0_i32 : i32, i32
  }
  func.func @transform_1(%arg0: i32) -> (i32, i32) {
    %c0_i32 = arith.constant 0 : i32
    %c0_i32_0 = arith.constant 0 : i32
    return %arg0, %c0_i32 : i32, i32
  }
  func.func @transform_2(%arg0: i32) -> (i32, i32) {
    %c0_i32 = arith.constant 0 : i32
    %c0_i32_0 = arith.constant 0 : i32
    return %arg0, %c0_i32 : i32, i32
  }
  func.func @transform_3(%arg0: i32) -> (i32, i32) {
    %c0_i32 = arith.constant 0 : i32
    %c0_i32_0 = arith.constant 0 : i32
    return %arg0, %c0_i32 : i32, i32
  }
  func.func @transform_4(%arg0: i32) -> (i32, i32) {
    %c0_i32 = arith.constant 0 : i32
    %c0_i32_0 = arith.constant 0 : i32
    %c0_i32_1 = arith.constant 0 : i32
    return %c0_i32, %c0_i32_0 : i32, i32
  }
  func.func @transform_5(%arg0: i32) -> (i32, i32) {
    %c0_i32 = arith.constant 0 : i32
    %c0_i32_0 = arith.constant 0 : i32
    %c0_i32_1 = arith.constant 0 : i32
    return %c0_i32, %c0_i32_0 : i32, i32
  }
  func.func @transform_6(%arg0: i32) -> (i32, i32) {
    %c0_i32 = arith.constant 0 : i32
    %c0_i32_0 = arith.constant 0 : i32
    return %arg0, %c0_i32 : i32, i32
  }
}

module attributes {stable_mosaic.version = 14 : i64} {
  func.func @_tc_c_body(%arg0: i32, %arg1: memref<1000x64xbf16, #tpu.memory_space<vmem>>, %arg2: memref<1000x64xbf16, #tpu.memory_space<vmem>>, %arg3: memref<1000x64xbf16, #tpu.memory_space<vmem>>, %arg4: memref<1000x1xf32, #tpu.memory_space<vmem>>, %arg5: memref<1x64xf32, #tpu.memory_space<vmem>>, %arg6: memref<64x1xf32, #tpu.memory_space<vmem>>, %arg7: memref<64x1xf32, #tpu.memory_space<vmem>>, %arg8: memref<1x1xf32, #tpu.memory_space<vmem>>, %arg9: memref<1000x1xf32, #tpu.memory_space<vmem>>, %arg10: memref<1000x1xf32, #tpu.memory_space<vmem>>) attributes {dimension_semantics = [#tpu.dimension_semantics<arbitrary>], iteration_bounds = array<i64: 10>, scalar_prefetch = 0 : i64, scratch_operands = 0 : i64, tpu.core_type = #tpu.core_type<tc>, window_params = [{transform_indices = @transform_0, window_bounds = array<i64: 1000, 64>}, {transform_indices = @transform_1, window_bounds = array<i64: 1000, 64>}, {transform_indices = @transform_2, window_bounds = array<i64: 1000, 64>}, {transform_indices = @transform_3, window_bounds = array<i64: 1000, 1>}, {pipeline_mode = #tpu.pipeline_mode<synchronous>, transform_indices = @transform_4, window_bounds = array<i64: 1, 64>}, {pipeline_mode = #tpu.pipeline_mode<synchronous>, transform_indices = @transform_5, window_bounds = array<i64: 64, 1>}, {pipeline_mode = #tpu.pipeline_mode<synchronous>, transform_indices = @transform_6, window_bounds = array<i64: 64, 1>}, {pipeline_mode = #tpu.pipeline_mode<synchronous>, transform_indices = @transform_7, window_bounds = array<i64: 1, 1>}, {transform_indices = @transform_8, window_bounds = array<i64: 1000, 1>}, {transform_indices = @transform_9, window_bounds = array<i64: 1000, 1>}]} {
    %get3A = arith.constant 0 : index
    %get3A_0 = arith.constant 0 : index
    %get3A_1 = vector.load %arg4[%get3A, %get3A_0] : memref<1000x1xf32, #tpu.memory_space<vmem>>, vector<1000x1xf32>
    %add3A = arith.constant 1.000000e+00 : f32
    %add3A_2 = vector.broadcast %add3A : f32 to vector<1000x1xf32>
    %add3A_3 = arith.addf %get3A_1, %add3A_2 : vector<1000x1xf32>
    %rsqrt3A = math.rsqrt %add3A_3 : vector<1000x1xf32>
    %get3A_4 = arith.constant 0 : index
    %get3A_5 = arith.constant 0 : index
    %get3A_6 = vector.load %arg1[%get3A_4, %get3A_5] : memref<1000x64xbf16, #tpu.memory_space<vmem>>, vector<1000x64xbf16>
    %convert_element_type3A = arith.extf %get3A_6 : vector<1000x64xbf16> to vector<1000x64xf32>
    %get3A_7 = arith.constant 0 : index
    %get3A_8 = arith.constant 0 : index
    %get3A_9 = vector.load %arg2[%get3A_7, %get3A_8] : memref<1000x64xbf16, #tpu.memory_space<vmem>>, vector<1000x64xbf16>
    %convert_element_type3A_10 = arith.extf %get3A_9 : vector<1000x64xbf16> to vector<1000x64xf32>
    %add3A_11 = arith.addf %convert_element_type3A, %convert_element_type3A_10 : vector<1000x64xf32>
    %get3A_12 = arith.constant 0 : index
    %get3A_13 = arith.constant 0 : index
    %get3A_14 = vector.load %arg3[%get3A_12, %get3A_13] : memref<1000x64xbf16, #tpu.memory_space<vmem>>, vector<1000x64xbf16>
    %convert_element_type3A_15 = arith.extf %get3A_14 : vector<1000x64xbf16> to vector<1000x64xf32>
    %add3A_16 = arith.addf %add3A_11, %convert_element_type3A_15 : vector<1000x64xf32>
    %mul3A = vector.broadcast %rsqrt3A : vector<1000x1xf32> to vector<1000x64xf32>
    %mul3A_17 = arith.mulf %mul3A, %add3A_16 : vector<1000x64xf32>
    %get3A_18 = arith.constant 0 : index
    %get3A_19 = arith.constant 0 : index
    %get3A_20 = vector.load %arg5[%get3A_18, %get3A_19] : memref<1x64xf32, #tpu.memory_space<vmem>>, vector<1x64xf32>
    %add3A_21 = vector.broadcast %get3A_20 : vector<1x64xf32> to vector<1000x64xf32>
    %add3A_22 = arith.addf %mul3A_17, %add3A_21 : vector<1000x64xf32>
    %max3A = arith.constant 0.000000e+00 : f32
    %max3A_23 = vector.broadcast %max3A : f32 to vector<1000x64xf32>
    %max3A_24 = arith.maximumf %add3A_22, %max3A_23 : vector<1000x64xf32>
    %get3A_25 = arith.constant 0 : index
    %get3A_26 = arith.constant 0 : index
    %get3A_27 = vector.load %arg6[%get3A_25, %get3A_26] : memref<64x1xf32, #tpu.memory_space<vmem>>, vector<64x1xf32>
    %dot_general3A = arith.constant dense<0.000000e+00> : vector<1000x1xf32>
    %dot_general3A_28 = tpu.matmul %max3A_24, %get3A_27, %dot_general3A {dimension_numbers = #tpu.dot_dimension_numbers<[1], [0], [0], [1], [0, 0, 1, 1], [], []>, transpose_lhs_hint = false} : vector<1000x64xf32>, vector<64x1xf32>, vector<1000x1xf32> -> vector<1000x1xf32>
    %get3A_29 = arith.constant 0 : index
    %get3A_30 = arith.constant 0 : index
    %get3A_31 = vector.load %arg8[%get3A_29, %get3A_30] : memref<1x1xf32, #tpu.memory_space<vmem>>, vector<1x1xf32>
    %add3A_32 = vector.broadcast %get3A_31 : vector<1x1xf32> to vector<1000x1xf32>
    %add3A_33 = arith.addf %dot_general3A_28, %add3A_32 : vector<1000x1xf32>
    %swap3A = arith.constant 0 : index
    %swap3A_34 = arith.constant 0 : index
    %swap3A_35 = vector.load %arg9[%swap3A, %swap3A_34] : memref<1000x1xf32, #tpu.memory_space<vmem>>, vector<1000x1xf32>
    tpu.vector_store %arg9[%swap3A, %swap3A_34], %add3A_33 {strides = array<i32>} : memref<1000x1xf32, #tpu.memory_space<vmem>>, vector<1000x1xf32>,
    %get3A_36 = arith.constant 0 : index
    %get3A_37 = arith.constant 0 : index
    %get3A_38 = vector.load %arg7[%get3A_36, %get3A_37] : memref<64x1xf32, #tpu.memory_space<vmem>>, vector<64x1xf32>
    %dot_general3A_39 = arith.constant dense<0.000000e+00> : vector<1000x1xf32>
    %dot_general3A_40 = tpu.matmul %max3A_24, %get3A_38, %dot_general3A_39 {dimension_numbers = #tpu.dot_dimension_numbers<[1], [0], [0], [1], [0, 0, 1, 1], [], []>, transpose_lhs_hint = false} : vector<1000x64xf32>, vector<64x1xf32>, vector<1000x1xf32> -> vector<1000x1xf32>
    %swap3A_41 = arith.constant 0 : index
    %swap3A_42 = arith.constant 0 : index
    %swap3A_43 = vector.load %arg10[%swap3A_41, %swap3A_42] : memref<1000x1xf32, #tpu.memory_space<vmem>>, vector<1000x1xf32>
    tpu.vector_store %arg10[%swap3A_41, %swap3A_42], %dot_general3A_40 {strides = array<i32>} : memref<1000x1xf32, #tpu.memory_space<vmem>>, vector<1000x1xf32>,
    return
  }
  func.func @transform_0(%arg0: i32) -> (i32, i32) {
    %c0_i32 = arith.constant 0 : i32
    %c0_i32_0 = arith.constant 0 : i32
    return %arg0, %c0_i32 : i32, i32
  }
  func.func @transform_1(%arg0: i32) -> (i32, i32) {
    %c0_i32 = arith.constant 0 : i32
    %c0_i32_0 = arith.constant 0 : i32
    return %arg0, %c0_i32 : i32, i32
  }
  func.func @transform_2(%arg0: i32) -> (i32, i32) {
    %c0_i32 = arith.constant 0 : i32
    %c0_i32_0 = arith.constant 0 : i32
    return %arg0, %c0_i32 : i32, i32
  }
  func.func @transform_3(%arg0: i32) -> (i32, i32) {
    %c0_i32 = arith.constant 0 : i32
    %c0_i32_0 = arith.constant 0 : i32
    return %arg0, %c0_i32 : i32, i32
  }
  func.func @transform_4(%arg0: i32) -> (i32, i32) {
    %c0_i32 = arith.constant 0 : i32
    %c0_i32_0 = arith.constant 0 : i32
    %c0_i32_1 = arith.constant 0 : i32
    return %c0_i32, %c0_i32_0 : i32, i32
  }
  func.func @transform_5(%arg0: i32) -> (i32, i32) {
    %c0_i32 = arith.constant 0 : i32
    %c0_i32_0 = arith.constant 0 : i32
    %c0_i32_1 = arith.constant 0 : i32
    return %c0_i32, %c0_i32_0 : i32, i32
  }
  func.func @transform_6(%arg0: i32) -> (i32, i32) {
    %c0_i32 = arith.constant 0 : i32
    %c0_i32_0 = arith.constant 0 : i32
    %c0_i32_1 = arith.constant 0 : i32
    return %c0_i32, %c0_i32_0 : i32, i32
  }
  func.func @transform_7(%arg0: i32) -> (i32, i32) {
    %c0_i32 = arith.constant 0 : i32
    %c0_i32_0 = arith.constant 0 : i32
    %c0_i32_1 = arith.constant 0 : i32
    return %c0_i32, %c0_i32_0 : i32, i32
  }
  func.func @transform_8(%arg0: i32) -> (i32, i32) {
    %c0_i32 = arith.constant 0 : i32
    %c0_i32_0 = arith.constant 0 : i32
    return %arg0, %c0_i32 : i32, i32
  }
  func.func @transform_9(%arg0: i32) -> (i32, i32) {
    %c0_i32 = arith.constant 0 : i32
    %c0_i32_0 = arith.constant 0 : i32
    return %arg0, %c0_i32 : i32, i32
  }
}

</mosaic_0001>

<sc_bundles>
// kernel: kernel.12.cloned.1.call-start
scs
__scs_entry_jumppad:
0x0: {  	(pc) =	sbr.rel $0x88, $3  }
0x1: {  	(tag) =	ssettag $0x0;
	lr =	simm.s32 $0x1  }
0x2: {  	[smem:$0x3F97] =	sst lr;
	_ =	strace $0xD0000000  }
0x3: {  	_ = 	snop  }
0x4: {  	_ = 	snop  }
0x5: {  	_ = 	snop  }
0x6: {  	_ = 	snop  }
0x7: {  	_ = 	snop  }
__scs_overlays_trampoline_lowered:
0x8: {  	[smem:$0x3FA6] =	sst s0  }
0x9: {  	[smem:$0x3FA7] =	sst s1  }
0xa: {  	[smem:$0x3FA8] =	sst s2  }
0xb: {  	[smem:$0x3FA9] =	sst s3  }
0xc: {  	[smem:$0x3FAA] =	sst s4  }
0xd: {  	[smem:$0x3FAB] =	sst s5  }
0xe: {  	[smem:$0x3FAC] =	sst s6  }
0xf: {  	[smem:$0x3FAD] =	sst s7  }
0x10: {  	[smem:$0x3FAE] =	sst s8  }
0x11: {  	[smem:$0x3FAF] =	sst s9;
	s0 =	simm.s32 @!p0 $0x0  }
0x12: {  	s1 =	sld [smem:$0x3F95];
	s0 =	simm.s32 @p0 $0x1  }
0x13: {  	[smem:$0x3FB0] =	sst s0;
	s0 =	simm.s32 @!p1 $0x0  }
0x14: {  	s2 =	sld [smem:$0x3F94];
	s0 =	simm.s32 @p1 $0x1  }
0x15: {  	[smem:$0x3FB1] =	sst s0;
	s0 =	simm.s32 @!p2 $0x0  }
0x16: {  	s3 =	sld [smem:$0x3FDB];
	s0 =	simm.s32 @p2 $0x1  }
0x17: {  	s4 =	simm.s32 $0x1BF5;
	[smem:$0x3FB3] =	sst s0  }
0x18: {  	s0 =	sld [smem:$0x3F96];
	_ =	swait.ge [sflag:s4], $0x0  }
0x19: {  	s7 =	sld [smem:$0x3F97]  }
0x1a: {  	s8 =	sadd.s32 $0xFFFFE003, lr  }
0x1b: {  	s9 =	sadd.s32 $0xFFFFFEF7, lr;
	s5 =	simm.s32 $0xFFFFFFFF;
	p2 =	slt.u32 s8, $0xFFFFF086  }
0x1c: {  	p1 =	slt.u32 s9, $0xF7A;
	s5 =	simm.s32 @!p2 $0x0  }
0x1d: {  	s5 =	simm.s32 @p1 $0x1;
	p0 =	seq.s32 s7, s2  }
0x1e: {  	s7 =	smul.u32 @!p0 $0xF7A, s2;
	p2 =	seq.s32 @!p0 s5, $0x0  }
0x1f: {  	s9 =	smul.u32 $0xF7A, s1;
	s8 =	simm.s32 @!p0 $0x1BF5;
	p2 =	por !p2, p0  }
0x20: {  	[sflag:s8] =	ssyncset.s32 @!p0 $0xFFFFF086;
	s6 =	sadd.s32 @!p0 s3, s7;
	s7 =	simm.s32 @!p0 $0x108  }
0x21: {  	s3 =	sadd.s32 s3, s9;
	s6 =	sadd.s32 @!p0 $0x88, s6;
	s7 =	simm.s32 @p2 $0x1082  }
0x22: {  	[simem:s7], [sflag:s8] =	dma.local @!p0 [hbm:s6], $0xF7A  }
0x23: {  	s9 =	sor.u32 $0xD0000000, s2;
	s6 =	simm.s32 $0x108;
	_ =	swait.ge @!p0 [sflag:s8], $0x0  }
0x24: {  	s3 =	sadd.s32 $0x88, s3;
	s6 =	simm.s32 @!p1 $0x1082;
	[sflag:s4] =	ssyncset.s32 $0xFFFFF086  }
0x25: {  	[simem:s6], [sflag:s4] =	dma.local [hbm:s3], $0xF7A  }
0x26: {  	[smem:$0x3F97] =	sst s1;
	(tag) =	ssettag s2;
	_ =	strace s9  }
0x27: {  	s1 =	sld [smem:$0x3FA7]  }
0x28: {  	s2 =	sld [smem:$0x3FA8]  }
0x29: {  	s4 =	sld [smem:$0x3FAA]  }
0x2a: {  	p0 =	seq.s32 s5, $0x0;
	s5 =	sld [smem:$0x3FAB]  }
0x2b: {  	s6 =	sld [smem:$0x3FAC]  }
0x2c: {  	s7 =	sld [smem:$0x3FAD]  }
0x2d: {  	s3 =	simm.s32 $0x108;
	s8 =	sld [smem:$0x3FAE]  }
0x2e: {  	s3 =	simm.s32 @!p0 $0x1082;
	s9 =	sld [smem:$0x3FAF]  }
0x2f: {  	lr =	sadd.s32 s0, s3;
	s0 =	sld [smem:$0x3FA6]  }
0x30: {  	s3 =	sld [smem:$0x3FA9]  }
0x31: {  	[smem:$0x3FB2] =	sst s10  }
0x32: {  	s10 =	sld [smem:$0x3FB0];
	_ =	sdelay $0x3  }
0x33: {  	p0 =	seq.s32 s10, $0x1;
	s10 =	sld [smem:$0x3FB2];
	_ =	sdelay $0x3  }
0x34: {  	[smem:$0x3FB2] =	sst s10  }
0x35: {  	s10 =	sld [smem:$0x3FB1];
	_ =	sdelay $0x3  }
0x36: {  	p1 =	seq.s32 s10, $0x1;
	s10 =	sld [smem:$0x3FB2];
	_ =	sdelay $0x3  }
0x37: {  	[smem:$0x3FB2] =	sst s10  }
0x38: {  	s10 =	sld [smem:$0x3FB3]  }
0x39: {  	_ = 	snop;
	(pc) =	sbr.ind lr, $3  }
0x3a: {  	_ = 	snop  }
0x3b: {  	_ = 	snop  }
0x3c: {  	p2 =	seq.s32 s10, $0x1;
	s10 =	sld [smem:$0x3FB2]  }
0x3d: {  	_ =	shalt  }
0x3e: {  	_ =	shalt  }
0x3f: {  	_ =	shalt  }
0x40: {  	_ =	shalt  }
0x41: {  	_ =	shalt  }
0x42: {  	_ =	shalt  }
0x43: {  	_ =	shalt  }
0x44: {  	_ =	shalt  }
0x45: {  	_ =	shalt  }
0x46: {  	_ =	shalt  }
0x47: {  	_ =	shalt  }
0x48: {  	_ =	shalt  }
0x49: {  	_ =	shalt  }
0x4a: {  	_ =	shalt  }
0x4b: {  	_ =	shalt  }
0x4c: {  	_ =	shalt  }
0x4d: {  	_ =	shalt  }
0x4e: {  	_ =	shalt  }
0x4f: {  	_ =	shalt  }
0x50: {  	_ =	shalt  }
0x51: {  	_ =	shalt  }
0x52: {  	_ =	shalt  }
0x53: {  	_ =	shalt  }
0x54: {  	_ =	shalt  }
0x55: {  	_ =	shalt  }
0x56: {  	_ =	shalt  }
0x57: {  	_ =	shalt  }
0x58: {  	_ =	shalt  }
0x59: {  	_ =	shalt  }
0x5a: {  	_ =	shalt  }
0x5b: {  	_ =	shalt  }
0x5c: {  	_ =	shalt  }
0x5d: {  	_ =	shalt  }
0x5e: {  	_ =	shalt  }
0x5f: {  	_ =	shalt  }
0x60: {  	_ =	shalt  }
0x61: {  	_ =	shalt  }
0x62: {  	_ =	shalt  }
0x63: {  	_ =	shalt  }
0x64: {  	_ =	shalt  }
0x65: {  	_ =	shalt  }
0x66: {  	_ =	shalt  }
0x67: {  	_ =	shalt  }
0x68: {  	_ =	shalt  }
0x69: {  	_ =	shalt  }
0x6a: {  	_ =	shalt  }
0x6b: {  	_ =	shalt  }
0x6c: {  	_ =	shalt  }
0x6d: {  	_ =	shalt  }
0x6e: {  	_ =	shalt  }
0x6f: {  	_ =	shalt  }
0x70: {  	_ =	shalt  }
0x71: {  	_ =	shalt  }
0x72: {  	_ =	shalt  }
0x73: {  	_ =	shalt  }
0x74: {  	_ =	shalt  }
0x75: {  	_ =	shalt  }
0x76: {  	_ =	shalt  }
0x77: {  	_ =	shalt  }
0x78: {  	_ =	shalt  }
0x79: {  	_ =	shalt  }
0x7a: {  	_ =	shalt  }
0x7b: {  	_ =	shalt  }
0x7c: {  	_ =	shalt  }
0x7d: {  	_ =	shalt  }
0x7e: {  	_ =	shalt  }
0x7f: {  	_ =	shalt  }
0x80: {  	_ =	shalt  }
0x81: {  	_ =	shalt  }
0x82: {  	_ =	shalt  }
0x83: {  	_ =	shalt  }
0x84: {  	_ =	shalt  }
0x85: {  	_ =	shalt  }
0x86: {  	_ =	shalt  }
0x87: {  	_ =	shalt  }
.Lfunc_end0:
.L_simem_size_0:
called_computation.1_lowered:
.L_overlay_start_0:
0x88: {  	s2 =	sld [smem:$0x3FD9]  }
0x89: {  	s3 =	sld [smem:$0x3FFE];
	_ =	sdelay $0x1  }
0x8a: {  	s1 =	srdreg.scid  }
0x8b: {  	s0 =	sand.u32 $0x1, s1  }
0x8c: {  	s16 =	sshll.u32 s0, $0xA;
	s2 =	sadd.s32 s3, s2  }
0x8d: {  	s2 =	sadd.s32 s2, s16  }
0x8e: {  	[smem:$0x3FBE] =	sst s2  }
0x8f: {  	_ = 	snop  }
0x90: {  	(tm) =	ssettm $0x1  }
0x91: {  	s17 =	sld [smem:$0x3FFB];
	_ =	sdelay $0x3  }
0x92: {  	_ =	strace s17  }
0x93: {  	s2 =	sld [smem:$0x3FFC];
	_ =	sdelay $0x3  }
0x94: {  	_ =	strace s2  }
0x95: {  	s2 =	sld [smem:$0x3FFD];
	_ =	sdelay $0x3  }
0x96: {  	_ =	strace s2  }
0x97: {  	_ =	strace $0x8FFFFFFF  }
0x98: {  	s18 =	sld [smem:$0x3FDB];
	_ =	sdelay $0x1  }
0x99: {  	s19 =	simm.s32 $_scs_section_size  }
0x9a: {  	s4 =	simm.s32 $_size__tile_overlayer_lowered;
	s5 =	simm.s32 $_tile_overlayer_lowered  }
0x9b: {  	s22 =	simm.s32 $0x1BFF;
	s21 =	sshll.u32 s5, $0x1;
	s2 =	sadd.s32 s19, s18  }
0x9c: {  	s6 =	simm.s32 $0x0;
	s20 =	sshll.u32 s4, $0x1;
	s4 =	sadd.s32 s21, s2  }
0x9d: {  	[timem:s6], [sflag:s22] =	dma.local [hbm:s4], s20  }
0x9e: {  	_ =	swait.ge [sflag:s22], s20  }
0x9f: {  	s3 =	ssub.s32 $0x0, s20;
	[sflag:s22] =	ssyncset.done $0x0  }
0xa0: {  	[sflag:s22] =	ssyncadd.s32 s3;
	_ =	sdelay $0x1  }
0xa1: {  	s23 =	simm.s32 $0x1B8B  }
0xa2: {  	_ =	swait.ge [sflag:s23], $0x1  }
0xa3: {  	[sflag:s23] =	ssyncset.done $0x0  }
0xa4: {  	s25 =	simm.s32 $0x1B8E;
	s24 =	sld [smem:$0x3FFE];
	[sflag:s23] =	ssyncadd.s32 $0xFFFFFFFF  }
0xa5: {  	s26 =	simm.s32 $execute0_lowered;
	[smem:$0x3FD2] =	sst s25  }
0xa6: {  	s4 =	sshll.u32 s26, $0x1;
	_ =	strace $0x80000049;
	[dreg:$0x1] =	wrdreg $0xFFFFFFFF  }
0xa7: {  	s28 =	simm.s32 $_size_execute0_lowered;
	s2 =	sadd.s32 s2, s4;
	[dreg:$0x0] =	wrdreg $0x0  }
0xa8: {  	s4 =	sshll.u32 s28, $0x1;
	[dreg:$0x2] =	wrdreg s2  }
0xa9: {  	[dreg:$0x3] =	wrdreg s4  }
0xaa: {  	[dreg:$0x4] =	wrdreg $0xC0  }
0xab: {  	_ =	task [dreg:s6], $0x5FFFF  }
0xac: {  	[dreg:$0x1] =	wrdreg $0xFFFFFFFF  }
0xad: {  	[dreg:$0x0] =	wrdreg $0x60  }
0xae: {  	[dreg:$0x2] =	wrdreg s24  }
0xaf: {  	[dreg:$0x3] =	wrdreg $0xFB900  }
0xb0: {  	[dreg:$0x4] =	wrdreg $0x9  }
0xb1: {  	_ =	task.clear_ibuf [dreg:s6], $0x5FFFF;
	_ =	strace $0x90000049  }
0xb2: {  	s29 =	simm.s32 $0x9;
	_ =	strace $0x8000004B  }
0xb3: {  	_ =	swait.ge [sflag:s29], $0x1  }
0xb4: {  	[sflag:s29] =	ssyncadd.s32 $0xFFFFFFFF  }
0xb5: {  	_ =	strace $0x9000004B  }
0xb6: {  	_ =	sfence  }
0xb7: {  	s30 =	sld [smem:$0x0];
	_ =	sdelay $0x2  }
0xb8: {  	s31 =	sshll.u32 s1, $0xD;
	s1 =	sshrl.u32 s1, $0x2  }
0xb9: {  	s3 =	sand.u32 $0x4000, s31;
	s1 =	sadd.s32 s1, s30  }
0xba: {  	s0 =	sor.u32 s3, s0;
	s1 =	sshll.u32 s1, $0x11  }
0xbb: {  	s0 =	sor.u32 s1, s0  }
0xbc: {  	s0 =	sadd.s32 $0x8F2B, s0  }
0xbd: {  	[sflag:s0] =	ssyncadd.remote.s32 $0x1  }
0xbe: {  	_ =	sfence.sel $0xFFFF  }
0xbf: {  	[dreg:$0x0] =	wrdreg $0xFFFFFFFF;
	(pc) =	sbr.abs _section_cstart, $3  }
0xc0: {  	[dreg:$0x1] =	wrdreg $0xFFFFFFFF  }
0xc1: {  	_ =	task.clear_ibuf [dreg:s6], $0x2FFFF;
	_ =	strace $0x9FFFFFFF  }
0xc2: {  	(tm) =	ssettm $0x7FFFFFFF  }
0xc3: {  	_ =	shalt  }
tec
execute0_lowered:
.L_overlay_start_1:
0x0: {  	(tag) =	ssettag $0x1  }
0x1: {  	s0 =	rddreg [dreg:$0x0]  }
0x2: {  	s1 =	srdreg.scid;
	s10 =	stileid.u32  }
0x3: {  	s2 =	rddreg [dreg:$0x1];
	s4 =	simm.s32 $0x0;
	s1 =	sand.u32 $0x1, s1  }
0x4: {  	s3 =	sshll.u32 s10, $0x1;
	[smem:$0x7FF] =	sst s4;
	s5 =	smul.u32 $0x1F400, s10  }
0x5: {  	s4 =	sadd.s32 $0x3C000, s0;
	s7 =	smul.u32 $0x3E800, s10;
	s3 =	sor.u32 s1, s3  }
0x6: {  	_ =	strace $0x8000004A;
	s6 =	ssub.s32 $0x2, s1;
	p0 =	seq.s32 s1, $0x0  }
0x7: {  	s3 =	smul.u32 $0x4E2, s3;
	s9 =	sshrl.u32 s6, $0x1;
	s19 =	sshrl.u32 s5, $0x1  }
0x8: {  	p2 =	seq.s32 s1, $0x1;
	s6 =	ssub.s32 s6, s9;
	s1 =	sadd.s32 s19, s2  }
0x9: {  	s3 =	sadd.s32 s3, s0;
	[dreg:$0x15] =	wrdreg s1;
	s21 =	smax.u32 s6, $0x1  }
0xa: {  	s8 =	sshrl.u32 s5, $0x4;
	s23 =	sadd.s32 $0x1200, s3;
	[dreg:$0x17] =	wrdreg s21  }
0xb: {  	s0 =	sadd.s32 s8, s0;
	s3 =	sadd.s32 $0xB000, s3;
	[dreg:$0x3] =	wrdreg s23  }
0xc: {  	s20 =	sadd.s32 $0x63400, s0;
	[dreg:$0x4] =	wrdreg s3  }
0xd: {  	s7 =	sshrl.u32 s7, $0x2;
	s0 =	sadd.s32 $0x4FA00, s0;
	[dreg:$0x14] =	wrdreg s20  }
0xe: {  	s3 =	sadd.s32 s7, s2;
	[dreg:$0x16] =	wrdreg s0  }
0xf: {  	s7 =	sadd.s32 $0xC80, s3;
	[dreg:$0x5] =	wrdreg s3  }
0x10: {  	s29 =	simm.s32 $0x3;
	s24 =	sadd.s32 $0x1900, s3;
	[dreg:$0x6] =	wrdreg s7  }
0x11: {  	s30 =	simm.s32 $0x4;
	s25 =	sadd.s32 $0x2580, s3;
	[dreg:$0x7] =	wrdreg s24  }
0x12: {  	s28 =	simm.s32 $0x7;
	s26 =	sadd.s32 $0x3200, s3;
	[dreg:$0x8] =	wrdreg s25  }
0x13: {  	s31 =	simm.s32 $0x9;
	s8 =	sadd.s32 $0x3E80, s3;
	[dreg:$0x9] =	wrdreg s26  }
0x14: {  	p1 =	slt.u32 s10, $0xA;
	s9 =	sadd.s32 $0x4B00, s3;
	[dreg:$0xa] =	wrdreg s8  }
0x15: {  	p0 =	por !p0, !p1;
	s11 =	sadd.s32 $0x5780, s3;
	[dreg:$0xb] =	wrdreg s9  }
0x16: {  	p1 =	por !p1, !p2;
	s12 =	sadd.s32 $0x6400, s3;
	[dreg:$0xc] =	wrdreg s11  }
0x17: {  	p2 =	sgt.u32 s10, $0x9;
	s13 =	sadd.s32 $0x7080, s3;
	[dreg:$0xd] =	wrdreg s12  }
0x18: {  	s10 =	simm.s32 $0x50;
	s14 =	sadd.s32 $0x7D00, s3;
	[dreg:$0xe] =	wrdreg s13  }
0x19: {  	s5 =	simm.s32 $0x8;
	s15 =	sadd.s32 $0x8980, s3;
	[dreg:$0xf] =	wrdreg s14  }
0x1a: {  	p0 =	por !p0, !p0;
	s16 =	sadd.s32 $0x9600, s3;
	[dreg:$0x10] =	wrdreg s15  }
0x1b: {  	p1 =	por !p1, !p1;
	s17 =	sadd.s32 $0xA280, s3;
	[dreg:$0x11] =	wrdreg s16  }
0x1c: {  	s19 =	simm.s32 $0x2;
	s18 =	sadd.s32 $0xAF00, s3;
	[dreg:$0x12] =	wrdreg s17  }
0x1d: {  	s6 =	simm.s32 $0xA;
	s22 =	sadd.s32 $0xBB80, s3;
	[dreg:$0x13] =	wrdreg s18  }
0x1e: {  	s21 =	simm.s32 $0x6;
	s23 =	sadd.s32 $0xC800, s3;
	[dreg:$0x18] =	wrdreg s22  }
0x1f: {  	s20 =	simm.s32 $0xB310;
	s0 =	simm.s32 $0xB;
	[dreg:$0x19] =	wrdreg s23  }
0x20: {  	s24 =	sadd.s32 $0xD480, s3;
	s25 =	sadd.s32 $0xE100, s3;
	s26 =	sadd.s32 $0xED80, s3  }
0x21: {  	s11 =	simm.s32 $0x4F10;
	s12 =	simm.s32 $0x6310;
	s14 =	simm.s32 $0x7710  }
0x22: {  	s16 =	simm.s32 $0x8B10;
	s18 =	simm.s32 $0x9F10;
	s13 =	simm.s32 $0xC710  }
0x23: {  	s17 =	simm.s32 $0xDB10;
	s15 =	simm.s32 $0x5;
	[dreg:$0x1a] =	wrdreg s24  }
0x24: {  	s22 =	simm.s32 $0xC;
	s8 =	simm.s32 $0xE;
	[dreg:$0x1b] =	wrdreg s25  }
0x25: {  	s7 =	simm.s32 $0x10;
	s9 =	simm.s32 $0x0;
	[dreg:$0x1c] =	wrdreg s26  }
0x26: {  	v0 =	vimm.s32 $0x0;
	v1 =	vimm.bf16 $0.0e+00;
	s26 =	simm.s32 $0x1;
	s24 =	simm.s32 $0xD;
	s25 =	simm.s32 $0xF  }
.LBB2_1:
0x27: {  	[dreg:$0x1d] =	wrdreg s9  }
0x28: {  	s1 =	simm.s32 $0x0;
	s3 =	rddreg [dreg:$0x3];
	s9 =	simm.s32 $0x11  }
0x29: {  	[tilespmem:s1], [sflag:$0x11] =	stream.linear.gather [hbm4b:s3+s1], $0x2710, $0x38;
	[tilespmem:$0x197D0] =	vst v63  }
0x2a: {  	_ =	swait.ge [sflag:s9], $0x2710  }
0x2b: {  	[sflag:s9] =	ssyncset.done $0x0  }
0x2c: {  	s23 =	simm.s32 $0x2800;
	s3 =	rddreg [dreg:$0x4];
	[sflag:s9] =	ssyncadd.s32 $0xFFFFD8F0  }
0x2d: {  	[tilespmem:s23], [sflag:$0x11] =	stream.linear.gather [hbm4b:s3+s1], $0x2710, $0x38;
	[tilespmem:$0x197D0] =	vst v63  }
0x2e: {  	_ =	swait.ge [sflag:s9], $0x2710  }
0x2f: {  	[sflag:s9] =	ssyncset.done $0x0  }
0x30: {  	[sflag:s9] =	ssyncadd.s32 $0xFFFFD8F0  }
0x31: {  	[tilespmem:$0x2710] =	vst v0  }
0x32: {  	[tilespmem:$0x2720] =	vst v0  }
0x33: {  	[tilespmem:$0x2730] =	vst v0  }
0x34: {  	s3 =	sand.u32 $0x3FC0, s1;
	[tilespmem:$0x2740] =	vst v0  }
0x35: {  	s23 =	sshrl.u32 s3, $0x2;
	s9 =	simm.s32 $0x40;
	[tilespmem:$0x2750] =	vst v0  }
.LBB2_2:
0x36: {  	p3 =	sne.s32 s9, $0x31C0;
	[tilespmem:s23+$0xEF10] =	vst v1;
	s23 =	smov.u32 s9;
	s9 =	sadd.s32 $0x40, s9  }
.Ltmp0:
0x37: {  	(pc) =	sbr.rel @p3 .LBB2_2-.Ltmp0, $3  }
0x38: {  	_ =	sdelay $0x1  }
0x39: {  	s23 =	sand.u32 $0x3FC0, s23  }
0x3a: {  	s23 =	sshrl.u32 s23, $0x2  }
.Ltmp1:
0x3b: {  	(pc) =	sbr.rel @p2 .LBB2_5-.Ltmp1, $2  }
0x3c: {  	_ =	sdelay $0x2  }
0x3d: {  	[tilespmem:s23+$0xEF10] =	vst v1  }
0x3e: {  	s1 =	rddreg [dreg:$0x5];
	s9 =	simm.s32 $0xEF10;
	s3 =	simm.s32 $0x11  }
0x3f: {  	[spmem:s1] =	stream.linear.scatter [tilespmem:s9], [sflag:$0x11], $0xC80, $0x38;
	[tilespmem:$0x197D0] =	vst v63  }
0x40: {  	_ =	swait.ge [sflag:s3], $0xC80  }
0x41: {  	[sflag:s3] =	ssyncset.done $0x0  }
0x42: {  	s23 =	rddreg [dreg:$0x6];
	[sflag:s3] =	ssyncadd.s32 $0xFFFFF380  }
0x43: {  	[spmem:s23] =	stream.linear.scatter [tilespmem:s9], [sflag:$0x11], $0xC80, $0x38;
	[tilespmem:$0x197D0] =	vst v63  }
0x44: {  	_ =	swait.ge [sflag:s3], $0xC80  }
0x45: {  	[sflag:s3] =	ssyncset.done $0x0  }
0x46: {  	s23 =	rddreg [dreg:$0x7];
	[sflag:s3] =	ssyncadd.s32 $0xFFFFF380  }
0x47: {  	[spmem:s23] =	stream.linear.scatter [tilespmem:s9], [sflag:$0x11], $0xC80, $0x38;
	[tilespmem:$0x197D0] =	vst v63  }
0x48: {  	_ =	swait.ge [sflag:s3], $0xC80  }
0x49: {  	[sflag:s3] =	ssyncset.done $0x0  }
0x4a: {  	s23 =	rddreg [dreg:$0x8];
	[sflag:s3] =	ssyncadd.s32 $0xFFFFF380  }
0x4b: {  	[spmem:s23] =	stream.linear.scatter [tilespmem:s9], [sflag:$0x11], $0xC80, $0x38;
	[tilespmem:$0x197D0] =	vst v63  }
0x4c: {  	_ =	swait.ge [sflag:s3], $0xC80  }
0x4d: {  	[sflag:s3] =	ssyncset.done $0x0  }
0x4e: {  	s23 =	rddreg [dreg:$0x9];
	[sflag:s3] =	ssyncadd.s32 $0xFFFFF380  }
0x4f: {  	[spmem:s23] =	stream.linear.scatter [tilespmem:s9], [sflag:$0x11], $0xC80, $0x38;
	[tilespmem:$0x197D0] =	vst v63  }
0x50: {  	_ =	swait.ge [sflag:s3], $0xC80  }
0x51: {  	[sflag:s3] =	ssyncset.done $0x0  }
0x52: {  	s23 =	rddreg [dreg:$0xa];
	[sflag:s3] =	ssyncadd.s32 $0xFFFFF380  }
0x53: {  	[spmem:s23] =	stream.linear.scatter [tilespmem:s9], [sflag:$0x11], $0xC80, $0x38;
	[tilespmem:$0x197D0] =	vst v63  }
0x54: {  	_ =	swait.ge [sflag:s3], $0xC80  }
0x55: {  	[sflag:s3] =	ssyncset.done $0x0  }
0x56: {  	s23 =	rddreg [dreg:$0xb];
	[sflag:s3] =	ssyncadd.s32 $0xFFFFF380  }
0x57: {  	[spmem:s23] =	stream.linear.scatter [tilespmem:s9], [sflag:$0x11], $0xC80, $0x38;
	[tilespmem:$0x197D0] =	vst v63  }
0x58: {  	_ =	swait.ge [sflag:s3], $0xC80  }
0x59: {  	[sflag:s3] =	ssyncset.done $0x0  }
0x5a: {  	s23 =	rddreg [dreg:$0xc];
	[sflag:s3] =	ssyncadd.s32 $0xFFFFF380  }
0x5b: {  	[spmem:s23] =	stream.linear.scatter [tilespmem:s9], [sflag:$0x11], $0xC80, $0x38;
	[tilespmem:$0x197D0] =	vst v63  }
0x5c: {  	_ =	swait.ge [sflag:s3], $0xC80  }
0x5d: {  	[sflag:s3] =	ssyncset.done $0x0  }
0x5e: {  	s23 =	rddreg [dreg:$0xd];
	[sflag:s3] =	ssyncadd.s32 $0xFFFFF380  }
0x5f: {  	[spmem:s23] =	stream.linear.scatter [tilespmem:s9], [sflag:$0x11], $0xC80, $0x38;
	[tilespmem:$0x197D0] =	vst v63  }
0x60: {  	_ =	swait.ge [sflag:s3], $0xC80  }
0x61: {  	[sflag:s3] =	ssyncset.done $0x0  }
0x62: {  	s23 =	rddreg [dreg:$0xe];
	[sflag:s3] =	ssyncadd.s32 $0xFFFFF380  }
0x63: {  	[spmem:s23] =	stream.linear.scatter [tilespmem:s9], [sflag:$0x11], $0xC80, $0x38;
	[tilespmem:$0x197D0] =	vst v63  }
0x64: {  	_ =	swait.ge [sflag:s3], $0xC80  }
0x65: {  	[sflag:s3] =	ssyncset.done $0x0  }
0x66: {  	s23 =	rddreg [dreg:$0xf];
	[sflag:s3] =	ssyncadd.s32 $0xFFFFF380  }
0x67: {  	[spmem:s23] =	stream.linear.scatter [tilespmem:s9], [sflag:$0x11], $0xC80, $0x38;
	[tilespmem:$0x197D0] =	vst v63  }
0x68: {  	_ =	swait.ge [sflag:s3], $0xC80  }
0x69: {  	[sflag:s3] =	ssyncset.done $0x0  }
0x6a: {  	s23 =	rddreg [dreg:$0x10];
	[sflag:s3] =	ssyncadd.s32 $0xFFFFF380  }
0x6b: {  	[spmem:s23] =	stream.linear.scatter [tilespmem:s9], [sflag:$0x11], $0xC80, $0x38;
	[tilespmem:$0x197D0] =	vst v63  }
0x6c: {  	_ =	swait.ge [sflag:s3], $0xC80  }
0x6d: {  	[sflag:s3] =	ssyncset.done $0x0  }
0x6e: {  	s23 =	rddreg [dreg:$0x11];
	[sflag:s3] =	ssyncadd.s32 $0xFFFFF380  }
0x6f: {  	[spmem:s23] =	stream.linear.scatter [tilespmem:s9], [sflag:$0x11], $0xC80, $0x38;
	[tilespmem:$0x197D0] =	vst v63  }
0x70: {  	_ =	swait.ge [sflag:s3], $0xC80  }
0x71: {  	[sflag:s3] =	ssyncset.done $0x0  }
0x72: {  	s23 =	rddreg [dreg:$0x12];
	[sflag:s3] =	ssyncadd.s32 $0xFFFFF380  }
0x73: {  	[spmem:s23] =	stream.linear.scatter [tilespmem:s9], [sflag:$0x11], $0xC80, $0x38;
	[tilespmem:$0x197D0] =	vst v63  }
0x74: {  	_ =	swait.ge [sflag:s3], $0xC80  }
0x75: {  	[sflag:s3] =	ssyncset.done $0x0  }
0x76: {  	s23 =	rddreg [dreg:$0x13];
	[sflag:s3] =	ssyncadd.s32 $0xFFFFF380  }
0x77: {  	[spmem:s23] =	stream.linear.scatter [tilespmem:s9], [sflag:$0x11], $0xC80, $0x38;
	[tilespmem:$0x197D0] =	vst v63  }
0x78: {  	_ =	swait.ge [sflag:s3], $0xC80  }
0x79: {  	[sflag:s3] =	ssyncset.done $0x0  }
0x7a: {  	s23 =	rddreg [dreg:$0x18];
	[sflag:s3] =	ssyncadd.s32 $0xFFFFF380  }
0x7b: {  	[spmem:s23] =	stream.linear.scatter [tilespmem:s9], [sflag:$0x11], $0xC80, $0x38;
	[tilespmem:$0x197D0] =	vst v63  }
0x7c: {  	_ =	swait.ge [sflag:s3], $0xC80  }
0x7d: {  	[sflag:s3] =	ssyncset.done $0x0  }
0x7e: {  	s23 =	rddreg [dreg:$0x19];
	[sflag:s3] =	ssyncadd.s32 $0xFFFFF380  }
0x7f: {  	[spmem:s23] =	stream.linear.scatter [tilespmem:s9], [sflag:$0x11], $0xC80, $0x38;
	[tilespmem:$0x197D0] =	vst v63  }
0x80: {  	_ =	swait.ge [sflag:s3], $0xC80  }
0x81: {  	[sflag:s3] =	ssyncset.done $0x0  }
0x82: {  	s23 =	rddreg [dreg:$0x1a];
	[sflag:s3] =	ssyncadd.s32 $0xFFFFF380  }
0x83: {  	[spmem:s23] =	stream.linear.scatter [tilespmem:s9], [sflag:$0x11], $0xC80, $0x38;
	[tilespmem:$0x197D0] =	vst v63  }
0x84: {  	_ =	swait.ge [sflag:s3], $0xC80  }
0x85: {  	[sflag:s3] =	ssyncset.done $0x0  }
0x86: {  	s23 =	rddreg [dreg:$0x1b];
	[sflag:s3] =	ssyncadd.s32 $0xFFFFF380  }
0x87: {  	[spmem:s23] =	stream.linear.scatter [tilespmem:s9], [sflag:$0x11], $0xC80, $0x38;
	[tilespmem:$0x197D0] =	vst v63  }
0x88: {  	_ =	swait.ge [sflag:s3], $0xC80  }
0x89: {  	[sflag:s3] =	ssyncset.done $0x0  }
0x8a: {  	s23 =	rddreg [dreg:$0x1c];
	[sflag:s3] =	ssyncadd.s32 $0xFFFFF380  }
0x8b: {  	[spmem:s23] =	stream.linear.scatter [tilespmem:s9], [sflag:$0x11], $0xC80, $0x38;
	[tilespmem:$0x197D0] =	vst v63  }
0x8c: {  	_ =	swait.ge [sflag:s3], $0xC80  }
0x8d: {  	[sflag:s3] =	ssyncset.done $0x0  }
0x8e: {  	[sflag:s3] =	ssyncadd.s32 $0xFFFFF380  }
.LBB2_5:
0x8f: {  	[bflag:$0x0] =	sbarrier.arrive $0xFFFF;
	s9 =	simm.s32 $0x0  }
0x90: {  	[tilespmem:s11], [sflag:$0x1] =	stream.indirect.gather [hbm4b:s4+s10], $0x40, s9, s10, $0xb8;
	[tilespmem:$0x197D0] =	vst v63  }
0x91: {  	_ = 	snop  }
0x92: {  	[tilespmem:s12], [sflag:$0x2] =	stream.indirect.gather [hbm4b:s4+s10], $0x40, s10, s10, $0xb8;
	[tilespmem:$0x197D0] =	vst v63  }
0x93: {  	s1 =	simm.s32 $0xA0  }
0x94: {  	[tilespmem:s14], [sflag:$0x3] =	stream.indirect.gather [hbm4b:s4+s10], $0x40, s1, s10, $0xb8;
	[tilespmem:$0x197D0] =	vst v63  }
0x95: {  	s3 =	simm.s32 $0xF0  }
0x96: {  	[tilespmem:s16], [sflag:$0x4] =	stream.indirect.gather [hbm4b:s4+s10], $0x40, s3, s10, $0xb8;
	[tilespmem:$0x197D0] =	vst v63  }
0x97: {  	s9 =	simm.s32 $0x140  }
0x98: {  	[tilespmem:s18], [sflag:$0x5] =	stream.indirect.gather [hbm4b:s4+s10], $0x40, s9, s10, $0xb8;
	[tilespmem:$0x197D0] =	vst v63  }
0x99: {  	s23 =	simm.s32 $0x190  }
0x9a: {  	[tilespmem:s20], [sflag:$0x6] =	stream.indirect.gather [hbm4b:s4+s10], $0x40, s23, s10, $0xb8;
	[tilespmem:$0x197D0] =	vst v63  }
0x9b: {  	s3 =	simm.s32 $0x1E0  }
0x9c: {  	[tilespmem:s13], [sflag:$0x7] =	stream.indirect.gather [hbm4b:s4+s10], $0x40, s3, s10, $0xb8;
	[tilespmem:$0x197D0] =	vst v63  }
0x9d: {  	s9 =	simm.s32 $0x230  }
0x9e: {  	[tilespmem:s17], [sflag:$0x8] =	stream.indirect.gather [hbm4b:s4+s10], $0x40, s9, s10, $0xb8;
	[tilespmem:$0x197D0] =	vst v63  }
0x9f: {  	_ =	swait.ge [sflag:s26], $0x1400  }
0xa0: {  	[sflag:s26] =	ssyncset.done $0x0  }
0xa1: {  	s23 =	simm.s32 $0x2800;
	[sflag:s26] =	ssyncadd.s32 $0xFFFFEC00  }
0xa2: {  	[spmem:s2] =	stream.indirect.scatter.add.bf16 [tilespmem:s11], [sflag:$0x9], $0x40, s23, s10, $0xb8;
	[tilespmem:$0x197D0] =	vst v63  }
0xa3: {  	_ =	swait.ge [sflag:s19], $0x1400  }
0xa4: {  	[sflag:s19] =	ssyncset.done $0x0  }
0xa5: {  	s3 =	simm.s32 $0x2850;
	[sflag:s19] =	ssyncadd.s32 $0xFFFFEC00  }
0xa6: {  	[spmem:s2] =	stream.indirect.scatter.add.bf16 [tilespmem:s12], [sflag:$0xA], $0x40, s3, s10, $0xb8;
	[tilespmem:$0x197D0] =	vst v63  }
0xa7: {  	_ =	swait.ge [sflag:s29], $0x1400  }
0xa8: {  	[sflag:s29] =	ssyncset.done $0x0  }
0xa9: {  	s9 =	simm.s32 $0x28A0;
	[sflag:s29] =	ssyncadd.s32 $0xFFFFEC00  }
0xaa: {  	[spmem:s2] =	stream.indirect.scatter.add.bf16 [tilespmem:s14], [sflag:$0xB], $0x40, s9, s10, $0xb8;
	[tilespmem:$0x197D0] =	vst v63  }
0xab: {  	_ =	swait.ge [sflag:s30], $0x1400  }
0xac: {  	[sflag:s30] =	ssyncset.done $0x0  }
0xad: {  	s23 =	simm.s32 $0x28F0;
	[sflag:s30] =	ssyncadd.s32 $0xFFFFEC00  }
0xae: {  	[spmem:s2] =	stream.indirect.scatter.add.bf16 [tilespmem:s16], [sflag:$0xC], $0x40, s23, s10, $0xb8;
	[tilespmem:$0x197D0] =	vst v63  }
0xaf: {  	_ =	swait.ge [sflag:s15], $0x1400  }
0xb0: {  	[sflag:s15] =	ssyncset.done $0x0  }
0xb1: {  	s3 =	simm.s32 $0x2940;
	[sflag:s15] =	ssyncadd.s32 $0xFFFFEC00  }
0xb2: {  	[spmem:s2] =	stream.indirect.scatter.add.bf16 [tilespmem:s18], [sflag:$0xD], $0x40, s3, s10, $0xb8;
	[tilespmem:$0x197D0] =	vst v63  }
0xb3: {  	_ =	swait.ge [sflag:s21], $0x1400  }
0xb4: {  	[sflag:s21] =	ssyncset.done $0x0  }
0xb5: {  	s9 =	simm.s32 $0x2990;
	[sflag:s21] =	ssyncadd.s32 $0xFFFFEC00  }
0xb6: {  	[spmem:s2] =	stream.indirect.scatter.add.bf16 [tilespmem:s20], [sflag:$0xE], $0x40, s9, s10, $0xb8;
	[tilespmem:$0x197D0] =	vst v63  }
0xb7: {  	_ =	swait.ge [sflag:s28], $0x1400  }
0xb8: {  	[sflag:s28] =	ssyncset.done $0x0  }
0xb9: {  	s23 =	simm.s32 $0x29E0;
	[sflag:s28] =	ssyncadd.s32 $0xFFFFEC00  }
0xba: {  	[spmem:s2] =	stream.indirect.scatter.add.bf16 [tilespmem:s13], [sflag:$0xF], $0x40, s23, s10, $0xb8;
	[tilespmem:$0x197D0] =	vst v63  }
0xbb: {  	_ =	swait.ge [sflag:s31], $0x1400  }
0xbc: {  	[sflag:s31] =	ssyncset.done $0x0  }
0xbd: {  	s1 =	simm.s32 $0x280;
	[sflag:s31] =	ssyncadd.s32 $0xFFFFEC00  }
0xbe: {  	[tilespmem:s11], [sflag:$0x1] =	stream.indirect.gather [hbm4b:s4+s10], $0x40, s1, s10, $0xb8;
	[tilespmem:$0x197D0] =	vst v63  }
0xbf: {  	_ =	swait.ge [sflag:s5], $0x1400  }
0xc0: {  	[sflag:s5] =	ssyncset.done $0x0  }
0xc1: {  	s3 =	simm.s32 $0x2A30;
	[sflag:s5] =	ssyncadd.s32 $0xFFFFEC00  }
0xc2: {  	[spmem:s2] =	stream.indirect.scatter.add.bf16 [tilespmem:s17], [sflag:$0x10], $0x40, s3, s10, $0xb8;
	[tilespmem:$0x197D0] =	vst v63  }
0xc3: {  	_ =	swait.ge [sflag:s6], $0x1400  }
0xc4: {  	[sflag:s6] =	ssyncset.done $0x0  }
0xc5: {  	s23 =	simm.s32 $0x2D0;
	[sflag:s6] =	ssyncadd.s32 $0xFFFFEC00  }
0xc6: {  	[tilespmem:s12], [sflag:$0x2] =	stream.indirect.gather [hbm4b:s4+s10], $0x40, s23, s10, $0xb8;
	[tilespmem:$0x197D0] =	vst v63  }
0xc7: {  	_ =	swait.ge [sflag:s26], $0x1400  }
0xc8: {  	[sflag:s26] =	ssyncset.done $0x0  }
0xc9: {  	s1 =	simm.s32 $0x2A80;
	[sflag:s26] =	ssyncadd.s32 $0xFFFFEC00  }
0xca: {  	[spmem:s2] =	stream.indirect.scatter.add.bf16 [tilespmem:s11], [sflag:$0x9], $0x40, s1, s10, $0xb8;
	[tilespmem:$0x197D0] =	vst v63  }
0xcb: {  	_ =	swait.ge [sflag:s0], $0x1400  }
0xcc: {  	[sflag:s0] =	ssyncset.done $0x0  }
0xcd: {  	s3 =	simm.s32 $0x320;
	[sflag:s0] =	ssyncadd.s32 $0xFFFFEC00  }
0xce: {  	[tilespmem:s14], [sflag:$0x3] =	stream.indirect.gather [hbm4b:s4+s10], $0x40, s3, s10, $0xb8;
	[tilespmem:$0x197D0] =	vst v63  }
0xcf: {  	_ =	swait.ge [sflag:s19], $0x1400  }
0xd0: {  	[sflag:s19] =	ssyncset.done $0x0  }
0xd1: {  	s23 =	simm.s32 $0x2AD0;
	[sflag:s19] =	ssyncadd.s32 $0xFFFFEC00  }
0xd2: {  	[spmem:s2] =	stream.indirect.scatter.add.bf16 [tilespmem:s12], [sflag:$0xA], $0x40, s23, s10, $0xb8;
	[tilespmem:$0x197D0] =	vst v63  }
0xd3: {  	_ =	swait.ge [sflag:s22], $0x1400  }
0xd4: {  	[sflag:s22] =	ssyncset.done $0x0  }
0xd5: {  	s1 =	simm.s32 $0x370;
	[sflag:s22] =	ssyncadd.s32 $0xFFFFEC00  }
0xd6: {  	[tilespmem:s16], [sflag:$0x4] =	stream.indirect.gather [hbm4b:s4+s10], $0x40, s1, s10, $0xb8;
	[tilespmem:$0x197D0] =	vst v63  }
0xd7: {  	_ =	swait.ge [sflag:s29], $0x1400  }
0xd8: {  	[sflag:s29] =	ssyncset.done $0x0  }
0xd9: {  	s3 =	simm.s32 $0x2B20;
	[sflag:s29] =	ssyncadd.s32 $0xFFFFEC00  }
0xda: {  	[spmem:s2] =	stream.indirect.scatter.add.bf16 [tilespmem:s14], [sflag:$0xB], $0x40, s3, s10, $0xb8;
	[tilespmem:$0x197D0] =	vst v63  }
0xdb: {  	_ =	swait.ge [sflag:s24], $0x1400  }
0xdc: {  	[sflag:s24] =	ssyncset.done $0x0  }
0xdd: {  	s23 =	simm.s32 $0x3C0;
	[sflag:s24] =	ssyncadd.s32 $0xFFFFEC00  }
0xde: {  	[tilespmem:s18], [sflag:$0x5] =	stream.indirect.gather [hbm4b:s4+s10], $0x40, s23, s10, $0xb8;
	[tilespmem:$0x197D0] =	vst v63  }
0xdf: {  	_ =	swait.ge [sflag:s30], $0x1400  }
0xe0: {  	[sflag:s30] =	ssyncset.done $0x0  }
0xe1: {  	s1 =	simm.s32 $0x2B70;
	[sflag:s30] =	ssyncadd.s32 $0xFFFFEC00  }
0xe2: {  	[spmem:s2] =	stream.indirect.scatter.add.bf16 [tilespmem:s16], [sflag:$0xC], $0x40, s1, s10, $0xb8;
	[tilespmem:$0x197D0] =	vst v63  }
0xe3: {  	_ =	swait.ge [sflag:s8], $0x1400  }
0xe4: {  	[sflag:s8] =	ssyncset.done $0x0  }
0xe5: {  	s3 =	simm.s32 $0x410;
	[sflag:s8] =	ssyncadd.s32 $0xFFFFEC00  }
0xe6: {  	[tilespmem:s20], [sflag:$0x6] =	stream.indirect.gather [hbm4b:s4+s10], $0x40, s3, s10, $0xb8;
	[tilespmem:$0x197D0] =	vst v63  }
0xe7: {  	_ =	swait.ge [sflag:s15], $0x1400  }
0xe8: {  	[sflag:s15] =	ssyncset.done $0x0  }
0xe9: {  	s23 =	simm.s32 $0x2BC0;
	[sflag:s15] =	ssyncadd.s32 $0xFFFFEC00  }
0xea: {  	[spmem:s2] =	stream.indirect.scatter.add.bf16 [tilespmem:s18], [sflag:$0xD], $0x40, s23, s10, $0xb8;
	[tilespmem:$0x197D0] =	vst v63  }
0xeb: {  	_ =	swait.ge [sflag:s25], $0x1400  }
0xec: {  	[sflag:s25] =	ssyncset.done $0x0  }
0xed: {  	s1 =	simm.s32 $0x460;
	[sflag:s25] =	ssyncadd.s32 $0xFFFFEC00  }
0xee: {  	[tilespmem:s13], [sflag:$0x7] =	stream.indirect.gather [hbm4b:s4+s10], $0x40, s1, s10, $0xb8;
	[tilespmem:$0x197D0] =	vst v63  }
0xef: {  	_ =	swait.ge [sflag:s21], $0x1400  }
0xf0: {  	[sflag:s21] =	ssyncset.done $0x0  }
0xf1: {  	s3 =	simm.s32 $0x2C10;
	[sflag:s21] =	ssyncadd.s32 $0xFFFFEC00  }
0xf2: {  	[spmem:s2] =	stream.indirect.scatter.add.bf16 [tilespmem:s20], [sflag:$0xE], $0x40, s3, s10, $0xb8;
	[tilespmem:$0x197D0] =	vst v63  }
0xf3: {  	_ =	swait.ge [sflag:s7], $0x1400  }
0xf4: {  	[sflag:s7] =	ssyncset.done $0x0  }
0xf5: {  	s23 =	simm.s32 $0x4B0;
	[sflag:s7] =	ssyncadd.s32 $0xFFFFEC00  }
0xf6: {  	[tilespmem:s17], [sflag:$0x8] =	stream.indirect.gather [hbm4b:s4+s10], $0x40, s23, s10, $0xb8;
	[tilespmem:$0x197D0] =	vst v63  }
0xf7: {  	_ =	swait.ge [sflag:s28], $0x1400  }
0xf8: {  	[sflag:s28] =	ssyncset.done $0x0  }
0xf9: {  	s9 =	simm.s32 $0x2C60;
	s23 =	simm.s32 $0xA00;
	[sflag:s28] =	ssyncadd.s32 $0xFFFFEC00  }
.LBB2_6:
0xfa: {  	[spmem:s2] =	stream.indirect.scatter.add.bf16 [tilespmem:s13], [sflag:$0xF], $0x40, s9, s10, $0xb8;
	[tilespmem:$0x197D0] =	vst v63  }
0xfb: {  	s9 =	smov.u32 s23  }
0xfc: {  	p3 =	sne.s32 s23, $0x8200;
	s23 =	sadd.s32 $0xA00, s23;
	_ =	swait.ge [sflag:s31], $0x1400  }
0xfd: {  	s9 =	sshra.s32 s9, $0x2;
	[sflag:s31] =	ssyncset.done $0x0  }
0xfe: {  	s3 =	sadd.s32 $0x280, s9;
	[sflag:s31] =	ssyncadd.s32 $0xFFFFEC00  }
0xff: {  	[tilespmem:s11], [sflag:$0x1] =	stream.indirect.gather [hbm4b:s4+s10], $0x40, s3, s10, $0xb8;
	[tilespmem:$0x197D0] =	vst v63  }
0x100: {  	_ =	swait.ge [sflag:s5], $0x1400  }
0x101: {  	[sflag:s5] =	ssyncset.done $0x0  }
0x102: {  	s3 =	sadd.s32 $0x2A30, s9;
	[sflag:s5] =	ssyncadd.s32 $0xFFFFEC00  }
0x103: {  	[spmem:s2] =	stream.indirect.scatter.add.bf16 [tilespmem:s17], [sflag:$0x10], $0x40, s3, s10, $0xb8;
	[tilespmem:$0x197D0] =	vst v63  }
0x104: {  	_ =	swait.ge [sflag:s6], $0x1400  }
0x105: {  	[sflag:s6] =	ssyncset.done $0x0  }
0x106: {  	s3 =	sadd.s32 $0x2D0, s9;
	[sflag:s6] =	ssyncadd.s32 $0xFFFFEC00  }
0x107: {  	[tilespmem:s12], [sflag:$0x2] =	stream.indirect.gather [hbm4b:s4+s10], $0x40, s3, s10, $0xb8;
	[tilespmem:$0x197D0] =	vst v63  }
0x108: {  	_ =	swait.ge [sflag:s26], $0x1400  }
0x109: {  	[sflag:s26] =	ssyncset.done $0x0  }
0x10a: {  	s3 =	sadd.s32 $0x2A80, s9;
	[sflag:s26] =	ssyncadd.s32 $0xFFFFEC00  }
0x10b: {  	[spmem:s2] =	stream.indirect.scatter.add.bf16 [tilespmem:s11], [sflag:$0x9], $0x40, s3, s10, $0xb8;
	[tilespmem:$0x197D0] =	vst v63  }
0x10c: {  	_ =	swait.ge [sflag:s0], $0x1400  }
0x10d: {  	[sflag:s0] =	ssyncset.done $0x0  }
0x10e: {  	s3 =	sadd.s32 $0x320, s9;
	[sflag:s0] =	ssyncadd.s32 $0xFFFFEC00  }
0x10f: {  	[tilespmem:s14], [sflag:$0x3] =	stream.indirect.gather [hbm4b:s4+s10], $0x40, s3, s10, $0xb8;
	[tilespmem:$0x197D0] =	vst v63  }
0x110: {  	_ =	swait.ge [sflag:s19], $0x1400  }
0x111: {  	[sflag:s19] =	ssyncset.done $0x0  }
0x112: {  	s3 =	sadd.s32 $0x2AD0, s9;
	[sflag:s19] =	ssyncadd.s32 $0xFFFFEC00  }
0x113: {  	[spmem:s2] =	stream.indirect.scatter.add.bf16 [tilespmem:s12], [sflag:$0xA], $0x40, s3, s10, $0xb8;
	[tilespmem:$0x197D0] =	vst v63  }
0x114: {  	_ =	swait.ge [sflag:s22], $0x1400  }
0x115: {  	[sflag:s22] =	ssyncset.done $0x0  }
0x116: {  	s3 =	sadd.s32 $0x370, s9;
	[sflag:s22] =	ssyncadd.s32 $0xFFFFEC00  }
0x117: {  	[tilespmem:s16], [sflag:$0x4] =	stream.indirect.gather [hbm4b:s4+s10], $0x40, s3, s10, $0xb8;
	[tilespmem:$0x197D0] =	vst v63  }
0x118: {  	_ =	swait.ge [sflag:s29], $0x1400  }
0x119: {  	[sflag:s29] =	ssyncset.done $0x0  }
0x11a: {  	s3 =	sadd.s32 $0x2B20, s9;
	[sflag:s29] =	ssyncadd.s32 $0xFFFFEC00  }
0x11b: {  	[spmem:s2] =	stream.indirect.scatter.add.bf16 [tilespmem:s14], [sflag:$0xB], $0x40, s3, s10, $0xb8;
	[tilespmem:$0x197D0] =	vst v63  }
0x11c: {  	_ =	swait.ge [sflag:s24], $0x1400  }
0x11d: {  	[sflag:s24] =	ssyncset.done $0x0  }
0x11e: {  	s3 =	sadd.s32 $0x3C0, s9;
	[sflag:s24] =	ssyncadd.s32 $0xFFFFEC00  }
0x11f: {  	[tilespmem:s18], [sflag:$0x5] =	stream.indirect.gather [hbm4b:s4+s10], $0x40, s3, s10, $0xb8;
	[tilespmem:$0x197D0] =	vst v63  }
0x120: {  	_ =	swait.ge [sflag:s30], $0x1400  }
0x121: {  	[sflag:s30] =	ssyncset.done $0x0  }
0x122: {  	s3 =	sadd.s32 $0x2B70, s9;
	[sflag:s30] =	ssyncadd.s32 $0xFFFFEC00  }
0x123: {  	[spmem:s2] =	stream.indirect.scatter.add.bf16 [tilespmem:s16], [sflag:$0xC], $0x40, s3, s10, $0xb8;
	[tilespmem:$0x197D0] =	vst v63  }
0x124: {  	_ =	swait.ge [sflag:s8], $0x1400  }
0x125: {  	[sflag:s8] =	ssyncset.done $0x0  }
0x126: {  	s3 =	sadd.s32 $0x410, s9;
	[sflag:s8] =	ssyncadd.s32 $0xFFFFEC00  }
0x127: {  	[tilespmem:s20], [sflag:$0x6] =	stream.indirect.gather [hbm4b:s4+s10], $0x40, s3, s10, $0xb8;
	[tilespmem:$0x197D0] =	vst v63  }
0x128: {  	_ =	swait.ge [sflag:s15], $0x1400  }
0x129: {  	[sflag:s15] =	ssyncset.done $0x0  }
0x12a: {  	s3 =	sadd.s32 $0x2BC0, s9;
	[sflag:s15] =	ssyncadd.s32 $0xFFFFEC00  }
0x12b: {  	[spmem:s2] =	stream.indirect.scatter.add.bf16 [tilespmem:s18], [sflag:$0xD], $0x40, s3, s10, $0xb8;
	[tilespmem:$0x197D0] =	vst v63  }
0x12c: {  	_ =	swait.ge [sflag:s25], $0x1400  }
0x12d: {  	[sflag:s25] =	ssyncset.done $0x0  }
0x12e: {  	s3 =	sadd.s32 $0x460, s9;
	[sflag:s25] =	ssyncadd.s32 $0xFFFFEC00  }
0x12f: {  	[tilespmem:s13], [sflag:$0x7] =	stream.indirect.gather [hbm4b:s4+s10], $0x40, s3, s10, $0xb8;
	[tilespmem:$0x197D0] =	vst v63  }
0x130: {  	_ =	swait.ge [sflag:s21], $0x1400  }
0x131: {  	[sflag:s21] =	ssyncset.done $0x0  }
0x132: {  	s3 =	sadd.s32 $0x2C10, s9;
	[sflag:s21] =	ssyncadd.s32 $0xFFFFEC00  }
0x133: {  	[spmem:s2] =	stream.indirect.scatter.add.bf16 [tilespmem:s20], [sflag:$0xE], $0x40, s3, s10, $0xb8;
	[tilespmem:$0x197D0] =	vst v63  }
0x134: {  	_ =	swait.ge [sflag:s7], $0x1400  }
0x135: {  	[sflag:s7] =	ssyncset.done $0x0  }
.Ltmp2:
0x136: {  	s3 =	sadd.s32 $0x4B0, s9;
	[sflag:s7] =	ssyncadd.s32 $0xFFFFEC00;
	(pc) =	sbr.rel @p3 .LBB2_6-.Ltmp2, $4  }
0x137: {  	[tilespmem:s17], [sflag:$0x8] =	stream.indirect.gather [hbm4b:s4+s10], $0x40, s3, s10, $0xb8;
	[tilespmem:$0x197D0] =	vst v63  }
0x138: {  	_ =	swait.ge [sflag:s28], $0x1400  }
0x139: {  	[sflag:s28] =	ssyncset.done $0x0  }
0x13a: {  	s9 =	sadd.s32 $0x2C60, s9;
	[sflag:s28] =	ssyncadd.s32 $0xFFFFEC00  }
0x13b: {  	[spmem:s2] =	stream.indirect.scatter.add.bf16 [tilespmem:s13], [sflag:$0xF], $0x40, s9, s10, $0xb8;
	[tilespmem:$0x197D0] =	vst v63  }
0x13c: {  	_ =	swait.ge [sflag:s31], $0x1400  }
0x13d: {  	[sflag:s31] =	ssyncset.done $0x0  }
0x13e: {  	s1 =	simm.s32 $0x2580;
	[sflag:s31] =	ssyncadd.s32 $0xFFFFEC00  }
0x13f: {  	[tilespmem:s11], [sflag:$0x1] =	stream.indirect.gather [hbm4b:s4+s10], $0x40, s1, s10, $0xb8;
	[tilespmem:$0x197D0] =	vst v63  }
0x140: {  	_ =	swait.ge [sflag:s5], $0x1400  }
0x141: {  	[sflag:s5] =	ssyncset.done $0x0  }
0x142: {  	s23 =	simm.s32 $0x4D30;
	[sflag:s5] =	ssyncadd.s32 $0xFFFFEC00  }
0x143: {  	[spmem:s2] =	stream.indirect.scatter.add.bf16 [tilespmem:s17], [sflag:$0x10], $0x40, s23, s10, $0xb8;
	[tilespmem:$0x197D0] =	vst v63  }
0x144: {  	_ =	swait.ge [sflag:s6], $0x1400  }
0x145: {  	[sflag:s6] =	ssyncset.done $0x0  }
0x146: {  	s3 =	simm.s32 $0x25D0;
	[sflag:s6] =	ssyncadd.s32 $0xFFFFEC00  }
0x147: {  	[tilespmem:s12], [sflag:$0x2] =	stream.indirect.gather [hbm4b:s4+s10], $0x40, s3, s10, $0xb8;
	[tilespmem:$0x197D0] =	vst v63  }
0x148: {  	_ =	swait.ge [sflag:s26], $0x1400  }
0x149: {  	[sflag:s26] =	ssyncset.done $0x0  }
0x14a: {  	s9 =	simm.s32 $0x4D80;
	[sflag:s26] =	ssyncadd.s32 $0xFFFFEC00  }
0x14b: {  	[spmem:s2] =	stream.indirect.scatter.add.bf16 [tilespmem:s11], [sflag:$0x9], $0x40, s9, s10, $0xb8;
	[tilespmem:$0x197D0] =	vst v63  }
0x14c: {  	_ =	swait.ge [sflag:s0], $0x1400  }
0x14d: {  	[sflag:s0] =	ssyncset.done $0x0  }
0x14e: {  	s23 =	simm.s32 $0x2620;
	[sflag:s0] =	ssyncadd.s32 $0xFFFFEC00  }
0x14f: {  	[tilespmem:s14], [sflag:$0x3] =	stream.indirect.gather [hbm4b:s4+s10], $0x40, s23, s10, $0xb8;
	[tilespmem:$0x197D0] =	vst v63  }
0x150: {  	_ =	swait.ge [sflag:s19], $0x1400  }
0x151: {  	[sflag:s19] =	ssyncset.done $0x0  }
0x152: {  	s3 =	simm.s32 $0x4DD0;
	[sflag:s19] =	ssyncadd.s32 $0xFFFFEC00  }
0x153: {  	[spmem:s2] =	stream.indirect.scatter.add.bf16 [tilespmem:s12], [sflag:$0xA], $0x40, s3, s10, $0xb8;
	[tilespmem:$0x197D0] =	vst v63  }
0x154: {  	_ =	swait.ge [sflag:s22], $0x1400  }
0x155: {  	[sflag:s22] =	ssyncset.done $0x0  }
0x156: {  	s9 =	simm.s32 $0x2670;
	[sflag:s22] =	ssyncadd.s32 $0xFFFFEC00  }
0x157: {  	[tilespmem:s16], [sflag:$0x4] =	stream.indirect.gather [hbm4b:s4+s10], $0x40, s9, s10, $0xb8;
	[tilespmem:$0x197D0] =	vst v63  }
0x158: {  	_ =	swait.ge [sflag:s29], $0x1400  }
0x159: {  	[sflag:s29] =	ssyncset.done $0x0  }
0x15a: {  	s23 =	simm.s32 $0x4E20;
	[sflag:s29] =	ssyncadd.s32 $0xFFFFEC00  }
0x15b: {  	[spmem:s2] =	stream.indirect.scatter.add.bf16 [tilespmem:s14], [sflag:$0xB], $0x40, s23, s10, $0xb8;
	[tilespmem:$0x197D0] =	vst v63  }
0x15c: {  	_ =	swait.ge [sflag:s24], $0x1400  }
0x15d: {  	[sflag:s24] =	ssyncset.done $0x0  }
0x15e: {  	s3 =	simm.s32 $0x26C0;
	[sflag:s24] =	ssyncadd.s32 $0xFFFFEC00  }
0x15f: {  	[tilespmem:s18], [sflag:$0x5] =	stream.indirect.gather [hbm4b:s4+s10], $0x40, s3, s10, $0xb8;
	[tilespmem:$0x197D0] =	vst v63  }
0x160: {  	_ =	swait.ge [sflag:s30], $0x1400  }
0x161: {  	[sflag:s30] =	ssyncset.done $0x0  }
0x162: {  	s9 =	simm.s32 $0x4E70;
	[sflag:s30] =	ssyncadd.s32 $0xFFFFEC00  }
0x163: {  	[spmem:s2] =	stream.indirect.scatter.add.bf16 [tilespmem:s16], [sflag:$0xC], $0x40, s9, s10, $0xb8;
	[tilespmem:$0x197D0] =	vst v63  }
0x164: {  	_ =	swait.ge [sflag:s8], $0x1400  }
0x165: {  	[sflag:s8] =	ssyncset.done $0x0  }
0x166: {  	[sflag:s8] =	ssyncadd.s32 $0xFFFFEC00  }
0x167: {  	_ =	swait.ge [sflag:s15], $0x1400  }
0x168: {  	[sflag:s15] =	ssyncset.done $0x0  }
0x169: {  	s23 =	simm.s32 $0x4EC0;
	[sflag:s15] =	ssyncadd.s32 $0xFFFFEC00  }
0x16a: {  	[spmem:s2] =	stream.indirect.scatter.add.bf16 [tilespmem:s18], [sflag:$0xD], $0x40, s23, s10, $0xb8;
	[tilespmem:$0x197D0] =	vst v63  }
0x16b: {  	_ =	swait.ge [sflag:s25], $0x1400  }
0x16c: {  	[sflag:s25] =	ssyncset.done $0x0  }
0x16d: {  	[sflag:s25] =	ssyncadd.s32 $0xFFFFEC00  }
0x16e: {  	_ =	swait.ge [sflag:s7], $0x1400  }
0x16f: {  	[sflag:s7] =	ssyncset.done $0x0  }
0x170: {  	[sflag:s7] =	ssyncadd.s32 $0xFFFFEC00  }
0x171: {  	_ =	swait.ge [sflag:s31], $0x1400  }
0x172: {  	[sflag:s31] =	ssyncset.done $0x0  }
0x173: {  	[sflag:s31] =	ssyncadd.s32 $0xFFFFEC00  }
0x174: {  	_ =	swait.ge [sflag:s6], $0x1400  }
0x175: {  	[sflag:s6] =	ssyncset.done $0x0  }
0x176: {  	[sflag:s6] =	ssyncadd.s32 $0xFFFFEC00  }
0x177: {  	_ =	swait.ge [sflag:s0], $0x1400  }
0x178: {  	[sflag:s0] =	ssyncset.done $0x0  }
0x179: {  	[sflag:s0] =	ssyncadd.s32 $0xFFFFEC00  }
0x17a: {  	_ =	swait.ge [sflag:s22], $0x1400  }
0x17b: {  	[sflag:s22] =	ssyncset.done $0x0  }
0x17c: {  	[sflag:s22] =	ssyncadd.s32 $0xFFFFEC00  }
0x17d: {  	_ =	swait.ge [sflag:s24], $0x1400  }
0x17e: {  	[sflag:s24] =	ssyncset.done $0x0  }
0x17f: {  	[sflag:s24] =	ssyncadd.s32 $0xFFFFEC00  }
0x180: {  	s1 =	stileid.u32;
	[bflag:$0x0] =	sbarrier.arrive $0xFFFF  }
0x181: {  	s3 =	sshll.u32 @p0 s1, $0x6;
	s1 =	rddreg [dreg:$0x15]  }
0x182: {  	s3 =	sor.u32 @p0 $0x1C11, s3;
	s23 =	rddreg [dreg:$0x14];
	s9 =	sshrl.u32 @p0 s1, $0x3  }
0x183: {  	[hbm:s23], [sflag:s3] =	dma.local @p0 [spmem:s9], $0x1F40  }
0x184: {  	s3 =	simm.s32 @p0 $0x11  }
0x185: {  	_ =	swait.ge @p0 [sflag:s3], $0x1F40  }
0x186: {  	s9 =	stileid.u32;
	[sflag:s3] =	ssyncset.done @p0 $0x0  }
0x187: {  	s9 =	sshll.u32 @p1 s9, $0x6;
	[sflag:s3] =	ssyncadd.s32 @p0 $0xFFFFE0C0  }
0x188: {  	s3 =	sor.u32 @p1 $0x1C11, s9;
	s9 =	sshrl.u32 @p1 s1, $0x3;
	s1 =	rddreg [dreg:$0x16]  }
0x189: {  	[hbm:s1], [sflag:s3] =	dma.local @p1 [spmem:s9], $0x1F40  }
0x18a: {  	s3 =	simm.s32 @p1 $0x11  }
0x18b: {  	_ =	swait.ge @p1 [sflag:s3], $0x1F40  }
0x18c: {  	s1 =	rddreg [dreg:$0x1d]  }
0x18d: {  	s9 =	sadd.s32 $0x1, s1;
	s1 =	rddreg [dreg:$0x17]  }
0x18e: {  	p3 =	sne.s32 s9, s1  }
.Ltmp3:
0x18f: {  	_ = 	snop;
	(pc) =	sbr.rel @p3 .LBB2_1-.Ltmp3, $3  }
0x190: {  	_ =	sdelay $0x1  }
0x191: {  	[sflag:s3] =	ssyncset.done @p1 $0x0  }
0x192: {  	s23 =	stileid.u32;
	[sflag:s3] =	ssyncadd.s32 @p1 $0xFFFFE0C0  }
0x193: {  	_ =	sfence.sel $0x180000  }
0x194: {  	[bflag:$0x0] =	sbarrier.arrive $0xFFFF  }
0x195: {  	_ =	strace $0x9000004A  }
0x196: {  	[bflag:$0x2] =	sbarrier.arrive $0xFFFF  }
0x197: {  	p0 =	sne.s32 s23, $0x0;
	s0 =	rddreg [dreg:$0x2]  }
0x198: {  	s0 =	sadd.s32 @!p0 $0x100000, s0  }
0x199: {  	[sflag:s0] =	ssyncadd.tile.s32 @!p0 $0x1;
	_ =	shalt  }
.Lfunc_end2:
_tile_overlayer_lowered:
.L_overlay_start_2:
0x19a: {  	(tag) =	ssettag $0x2  }
0x19b: {  	s0 =	rddreg [dreg:$0x0];
	s2 =	stileid.u32  }
0x19c: {  	s1 =	rddreg [dreg:$0x1];
	p0 =	sne.s32 s2, $0x0  }
0x19d: {  	s3 =	rddreg [dreg:$0x2];
	[bflag:$0x3] =	sbarrier.arrive $0xFFFF;
	s2 =	simm.s32 @!p0 $0x1C11  }
0x19e: {  	[timem:s3], [sflag:s2] =	dma.local @!p0 [hbm:s0], s1  }
0x19f: {  	s0 =	simm.s32 @!p0 $0x11  }
0x1a0: {  	_ =	swait.ge @!p0 [sflag:s0], s1  }
0x1a1: {  	s1 =	ssub.s32 @!p0 $0x0, s1;
	[sflag:s0] =	ssyncset.done @!p0 $0x0  }
0x1a2: {  	[sflag:s0] =	ssyncadd.s32 @!p0 s1  }
0x1a3: {  	[bflag:$0x3] =	sbarrier.arrive $0xFFFF  }
0x1a4: {  	_ =	shalt  }

// kernel: kernel.15.cloned.1.call-start
scs
__scs_entry_jumppad:
0x0: {  	(pc) =	sbr.rel $0x88, $3  }
0x1: {  	(tag) =	ssettag $0x0;
	lr =	simm.s32 $0x1  }
0x2: {  	[smem:$0x3F97] =	sst lr;
	_ =	strace $0xD0000000  }
0x3: {  	_ = 	snop  }
0x4: {  	_ = 	snop  }
0x5: {  	_ = 	snop  }
0x6: {  	_ = 	snop  }
0x7: {  	_ = 	snop  }
__scs_overlays_trampoline_lowered:
0x8: {  	[smem:$0x3FA6] =	sst s0  }
0x9: {  	[smem:$0x3FA7] =	sst s1  }
0xa: {  	[smem:$0x3FA8] =	sst s2  }
0xb: {  	[smem:$0x3FA9] =	sst s3  }
0xc: {  	[smem:$0x3FAA] =	sst s4  }
0xd: {  	[smem:$0x3FAB] =	sst s5  }
0xe: {  	[smem:$0x3FAC] =	sst s6  }
0xf: {  	[smem:$0x3FAD] =	sst s7  }
0x10: {  	[smem:$0x3FAE] =	sst s8  }
0x11: {  	[smem:$0x3FAF] =	sst s9;
	s0 =	simm.s32 @!p0 $0x0  }
0x12: {  	s1 =	sld [smem:$0x3F95];
	s0 =	simm.s32 @p0 $0x1  }
0x13: {  	[smem:$0x3FB0] =	sst s0;
	s0 =	simm.s32 @!p1 $0x0  }
0x14: {  	s2 =	sld [smem:$0x3F94];
	s0 =	simm.s32 @p1 $0x1  }
0x15: {  	[smem:$0x3FB1] =	sst s0;
	s0 =	simm.s32 @!p2 $0x0  }
0x16: {  	s3 =	sld [smem:$0x3FDB];
	s0 =	simm.s32 @p2 $0x1  }
0x17: {  	s4 =	simm.s32 $0x1BF5;
	[smem:$0x3FB3] =	sst s0  }
0x18: {  	s0 =	sld [smem:$0x3F96];
	_ =	swait.ge [sflag:s4], $0x0  }
0x19: {  	s7 =	sld [smem:$0x3F97]  }
0x1a: {  	s8 =	sadd.s32 $0xFFFFE003, lr  }
0x1b: {  	s9 =	sadd.s32 $0xFFFFFEF7, lr;
	s5 =	simm.s32 $0xFFFFFFFF;
	p2 =	slt.u32 s8, $0xFFFFF086  }
0x1c: {  	p1 =	slt.u32 s9, $0xF7A;
	s5 =	simm.s32 @!p2 $0x0  }
0x1d: {  	s5 =	simm.s32 @p1 $0x1;
	p0 =	seq.s32 s7, s2  }
0x1e: {  	s7 =	smul.u32 @!p0 $0xF7A, s2;
	p2 =	seq.s32 @!p0 s5, $0x0  }
0x1f: {  	s9 =	smul.u32 $0xF7A, s1;
	s8 =	simm.s32 @!p0 $0x1BF5;
	p2 =	por !p2, p0  }
0x20: {  	[sflag:s8] =	ssyncset.s32 @!p0 $0xFFFFF086;
	s6 =	sadd.s32 @!p0 s3, s7;
	s7 =	simm.s32 @!p0 $0x108  }
0x21: {  	s3 =	sadd.s32 s3, s9;
	s6 =	sadd.s32 @!p0 $0x88, s6;
	s7 =	simm.s32 @p2 $0x1082  }
0x22: {  	[simem:s7], [sflag:s8] =	dma.local @!p0 [hbm:s6], $0xF7A  }
0x23: {  	s9 =	sor.u32 $0xD0000000, s2;
	s6 =	simm.s32 $0x108;
	_ =	swait.ge @!p0 [sflag:s8], $0x0  }
0x24: {  	s3 =	sadd.s32 $0x88, s3;
	s6 =	simm.s32 @!p1 $0x1082;
	[sflag:s4] =	ssyncset.s32 $0xFFFFF086  }
0x25: {  	[simem:s6], [sflag:s4] =	dma.local [hbm:s3], $0xF7A  }
0x26: {  	[smem:$0x3F97] =	sst s1;
	(tag) =	ssettag s2;
	_ =	strace s9  }
0x27: {  	s1 =	sld [smem:$0x3FA7]  }
0x28: {  	s2 =	sld [smem:$0x3FA8]  }
0x29: {  	s4 =	sld [smem:$0x3FAA]  }
0x2a: {  	p0 =	seq.s32 s5, $0x0;
	s5 =	sld [smem:$0x3FAB]  }
0x2b: {  	s6 =	sld [smem:$0x3FAC]  }
0x2c: {  	s7 =	sld [smem:$0x3FAD]  }
0x2d: {  	s3 =	simm.s32 $0x108;
	s8 =	sld [smem:$0x3FAE]  }
0x2e: {  	s3 =	simm.s32 @!p0 $0x1082;
	s9 =	sld [smem:$0x3FAF]  }
0x2f: {  	lr =	sadd.s32 s0, s3;
	s0 =	sld [smem:$0x3FA6]  }
0x30: {  	s3 =	sld [smem:$0x3FA9]  }
0x31: {  	[smem:$0x3FB2] =	sst s10  }
0x32: {  	s10 =	sld [smem:$0x3FB0];
	_ =	sdelay $0x3  }
0x33: {  	p0 =	seq.s32 s10, $0x1;
	s10 =	sld [smem:$0x3FB2];
	_ =	sdelay $0x3  }
0x34: {  	[smem:$0x3FB2] =	sst s10  }
0x35: {  	s10 =	sld [smem:$0x3FB1];
	_ =	sdelay $0x3  }
0x36: {  	p1 =	seq.s32 s10, $0x1;
	s10 =	sld [smem:$0x3FB2];
	_ =	sdelay $0x3  }
0x37: {  	[smem:$0x3FB2] =	sst s10  }
0x38: {  	s10 =	sld [smem:$0x3FB3]  }
0x39: {  	_ = 	snop;
	(pc) =	sbr.ind lr, $3  }
0x3a: {  	_ = 	snop  }
0x3b: {  	_ = 	snop  }
0x3c: {  	p2 =	seq.s32 s10, $0x1;
	s10 =	sld [smem:$0x3FB2]  }
0x3d: {  	_ =	shalt  }
0x3e: {  	_ =	shalt  }
0x3f: {  	_ =	shalt  }
0x40: {  	_ =	shalt  }
0x41: {  	_ =	shalt  }
0x42: {  	_ =	shalt  }
0x43: {  	_ =	shalt  }
0x44: {  	_ =	shalt  }
0x45: {  	_ =	shalt  }
0x46: {  	_ =	shalt  }
0x47: {  	_ =	shalt  }
0x48: {  	_ =	shalt  }
0x49: {  	_ =	shalt  }
0x4a: {  	_ =	shalt  }
0x4b: {  	_ =	shalt  }
0x4c: {  	_ =	shalt  }
0x4d: {  	_ =	shalt  }
0x4e: {  	_ =	shalt  }
0x4f: {  	_ =	shalt  }
0x50: {  	_ =	shalt  }
0x51: {  	_ =	shalt  }
0x52: {  	_ =	shalt  }
0x53: {  	_ =	shalt  }
0x54: {  	_ =	shalt  }
0x55: {  	_ =	shalt  }
0x56: {  	_ =	shalt  }
0x57: {  	_ =	shalt  }
0x58: {  	_ =	shalt  }
0x59: {  	_ =	shalt  }
0x5a: {  	_ =	shalt  }
0x5b: {  	_ =	shalt  }
0x5c: {  	_ =	shalt  }
0x5d: {  	_ =	shalt  }
0x5e: {  	_ =	shalt  }
0x5f: {  	_ =	shalt  }
0x60: {  	_ =	shalt  }
0x61: {  	_ =	shalt  }
0x62: {  	_ =	shalt  }
0x63: {  	_ =	shalt  }
0x64: {  	_ =	shalt  }
0x65: {  	_ =	shalt  }
0x66: {  	_ =	shalt  }
0x67: {  	_ =	shalt  }
0x68: {  	_ =	shalt  }
0x69: {  	_ =	shalt  }
0x6a: {  	_ =	shalt  }
0x6b: {  	_ =	shalt  }
0x6c: {  	_ =	shalt  }
0x6d: {  	_ =	shalt  }
0x6e: {  	_ =	shalt  }
0x6f: {  	_ =	shalt  }
0x70: {  	_ =	shalt  }
0x71: {  	_ =	shalt  }
0x72: {  	_ =	shalt  }
0x73: {  	_ =	shalt  }
0x74: {  	_ =	shalt  }
0x75: {  	_ =	shalt  }
0x76: {  	_ =	shalt  }
0x77: {  	_ =	shalt  }
0x78: {  	_ =	shalt  }
0x79: {  	_ =	shalt  }
0x7a: {  	_ =	shalt  }
0x7b: {  	_ =	shalt  }
0x7c: {  	_ =	shalt  }
0x7d: {  	_ =	shalt  }
0x7e: {  	_ =	shalt  }
0x7f: {  	_ =	shalt  }
0x80: {  	_ =	shalt  }
0x81: {  	_ =	shalt  }
0x82: {  	_ =	shalt  }
0x83: {  	_ =	shalt  }
0x84: {  	_ =	shalt  }
0x85: {  	_ =	shalt  }
0x86: {  	_ =	shalt  }
0x87: {  	_ =	shalt  }
.Lfunc_end0:
.L_simem_size_0:
called_computation.2_lowered:
.L_overlay_start_0:
0x88: {  	s2 =	sld [smem:$0x3FD9]  }
0x89: {  	s3 =	sld [smem:$0x3FFE];
	_ =	sdelay $0x1  }
0x8a: {  	s1 =	srdreg.scid  }
0x8b: {  	s0 =	sand.u32 $0x1, s1  }
0x8c: {  	s17 =	sshll.u32 s0, $0xA;
	s2 =	sadd.s32 s3, s2  }
0x8d: {  	s2 =	sadd.s32 s2, s17  }
0x8e: {  	[smem:$0x3FBE] =	sst s2  }
0x8f: {  	_ = 	snop  }
0x90: {  	s2 =	sld [smem:$0x3FD0];
	(tm) =	ssettm $0x1  }
0x91: {  	s18 =	sld [smem:$0x3FFB];
	_ =	sdelay $0x3  }
0x92: {  	_ =	strace s18  }
0x93: {  	s3 =	sld [smem:$0x3FFC];
	_ =	sdelay $0x3  }
0x94: {  	_ =	strace s3  }
0x95: {  	s3 =	sld [smem:$0x3FFD];
	_ =	sdelay $0x3  }
0x96: {  	_ =	strace s3  }
0x97: {  	_ =	strace $0x8FFFFFFF  }
0x98: {  	s19 =	sld [smem:$0x3FDB];
	_ =	sdelay $0x1  }
0x99: {  	s4 =	simm.s32 $_scs_section_size  }
0x9a: {  	s5 =	simm.s32 $_size__tile_overlayer_lowered;
	s6 =	simm.s32 $_tile_overlayer_lowered  }
0x9b: {  	s22 =	simm.s32 $0x1BFF;
	s21 =	sshll.u32 s6, $0x1;
	s3 =	sadd.s32 s4, s19  }
0x9c: {  	s7 =	simm.s32 $0x0;
	s20 =	sshll.u32 s5, $0x1;
	s5 =	sadd.s32 s21, s3  }
0x9d: {  	[timem:s7], [sflag:s22] =	dma.local [hbm:s5], s20  }
0x9e: {  	_ =	swait.ge [sflag:s22], s20  }
0x9f: {  	s4 =	ssub.s32 $0x0, s20;
	[sflag:s22] =	ssyncset.done $0x0  }
0xa0: {  	[sflag:s22] =	ssyncadd.s32 s4;
	_ =	sdelay $0x1  }
0xa1: {  	s23 =	simm.s32 $0x1B8B  }
0xa2: {  	_ =	swait.ge [sflag:s23], $0x1  }
0xa3: {  	[sflag:s23] =	ssyncset.done $0x0  }
0xa4: {  	s25 =	simm.s32 $0x1B8E;
	s24 =	sld [smem:$0x3FFE];
	[sflag:s23] =	ssyncadd.s32 $0xFFFFFFFF  }
0xa5: {  	s26 =	simm.s32 $execute0_lowered;
	[smem:$0x3FD2] =	sst s25  }
0xa6: {  	s5 =	sshll.u32 s26, $0x1;
	_ =	strace $0x8000004C;
	[dreg:$0x1] =	wrdreg $0xFFFFFFFF  }
0xa7: {  	s28 =	simm.s32 $_size_execute0_lowered;
	s3 =	sadd.s32 s3, s5;
	[dreg:$0x0] =	wrdreg $0x0  }
0xa8: {  	s5 =	sshll.u32 s28, $0x1;
	[dreg:$0x2] =	wrdreg s3  }
0xa9: {  	[dreg:$0x3] =	wrdreg s5  }
0xaa: {  	[dreg:$0x4] =	wrdreg $0xC0  }
0xab: {  	_ =	task [dreg:s7], $0x5FFFF  }
0xac: {  	[dreg:$0x1] =	wrdreg $0xFFFFFFFF  }
0xad: {  	[dreg:$0x0] =	wrdreg $0x60  }
0xae: {  	[dreg:$0x2] =	wrdreg s2  }
0xaf: {  	[dreg:$0x3] =	wrdreg s24  }
0xb0: {  	[dreg:$0x4] =	wrdreg $0xA5500  }
0xb1: {  	[dreg:$0x5] =	wrdreg $0x9  }
0xb2: {  	_ =	task.clear_ibuf [dreg:s7], $0x6FFFF;
	_ =	strace $0x9000004C  }
0xb3: {  	s29 =	simm.s32 $0x9;
	_ =	strace $0x8000004E  }
0xb4: {  	_ =	swait.ge [sflag:s29], $0x1  }
0xb5: {  	[sflag:s29] =	ssyncadd.s32 $0xFFFFFFFF  }
0xb6: {  	_ =	strace $0x9000004E  }
0xb7: {  	_ =	sfence  }
0xb8: {  	s30 =	sld [smem:$0x0];
	_ =	sdelay $0x2  }
0xb9: {  	s31 =	sshll.u32 s1, $0xD;
	s1 =	sshrl.u32 s1, $0x2  }
0xba: {  	s3 =	sand.u32 $0x4000, s31;
	s1 =	sadd.s32 s1, s30  }
0xbb: {  	s0 =	sor.u32 s3, s0;
	s1 =	sshll.u32 s1, $0x11  }
0xbc: {  	s0 =	sor.u32 s1, s0  }
0xbd: {  	s0 =	sadd.s32 $0x8F2B, s0  }
0xbe: {  	[sflag:s0] =	ssyncadd.remote.s32 $0x1  }
0xbf: {  	_ =	sfence.sel $0xFFFF  }
0xc0: {  	[dreg:$0x0] =	wrdreg $0xFFFFFFFF;
	(pc) =	sbr.abs _section_cstart, $3  }
0xc1: {  	[dreg:$0x1] =	wrdreg $0xFFFFFFFF  }
0xc2: {  	_ =	task.clear_ibuf [dreg:s7], $0x2FFFF;
	_ =	strace $0x9FFFFFFF  }
0xc3: {  	(tm) =	ssettm $0x7FFFFFFF  }
tec
execute0_lowered:
.L_overlay_start_1:
0x0: {  	(tag) =	ssettag $0x1  }
0x1: {  	s1 =	rddreg [dreg:$0x0]  }
0x2: {  	s0 =	srdreg.scid;
	s2 =	rddreg [dreg:$0x1]  }
0x3: {  	s10 =	stileid.u32;
	s3 =	rddreg [dreg:$0x2];
	s5 =	simm.s32 $0x0  }
0x4: {  	s0 =	sand.u32 $0x1, s0;
	s4 =	sshll.u32 s10, $0x1;
	[smem:$0x7FF] =	sst s5  }
0x5: {  	s21 =	smul.u32 $0xFA00, s10;
	s4 =	sor.u32 s0, s4;
	_ =	strace $0x8000004D  }
0x6: {  	s6 =	ssub.s32 $0x2, s0;
	p0 =	seq.s32 s0, $0x0;
	p2 =	seq.s32 s0, $0x1  }
0x7: {  	s4 =	smul.u32 $0x4E2, s4;
	s9 =	sshrl.u32 s6, $0x1;
	s18 =	sshrl.u32 s21, $0x1  }
0x8: {  	s8 =	sshrl.u32 s21, $0x4;
	s6 =	ssub.s32 s6, s9;
	s0 =	sadd.s32 s18, s3  }
0x9: {  	s4 =	sadd.s32 s4, s2;
	[dreg:$0x16] =	wrdreg s0;
	s21 =	smax.u32 s6, $0x1  }
0xa: {  	s7 =	smul.u32 $0x1F400, s10;
	s22 =	sadd.s32 $0x1200, s4;
	[dreg:$0x18] =	wrdreg s21  }
0xb: {  	s2 =	sadd.s32 s8, s2;
	s4 =	sadd.s32 $0xB000, s4;
	[dreg:$0x4] =	wrdreg s22  }
0xc: {  	s29 =	simm.s32 $0x3;
	s19 =	sadd.s32 $0x45E00, s2;
	[dreg:$0x5] =	wrdreg s4  }
0xd: {  	s7 =	sshrl.u32 s7, $0x2;
	s20 =	sadd.s32 $0x3C000, s2;
	[dreg:$0x15] =	wrdreg s19  }
0xe: {  	s30 =	simm.s32 $0x4;
	s4 =	sadd.s32 s7, s3;
	[dreg:$0x17] =	wrdreg s20  }
0xf: {  	s28 =	simm.s32 $0x7;
	s7 =	sadd.s32 $0x640, s4;
	[dreg:$0x6] =	wrdreg s4  }
0x10: {  	s31 =	simm.s32 $0x9;
	s23 =	sadd.s32 $0xC80, s4;
	[dreg:$0x7] =	wrdreg s7  }
0x11: {  	p1 =	slt.u32 s10, $0xA;
	s24 =	sadd.s32 $0x12C0, s4;
	[dreg:$0x8] =	wrdreg s23  }
0x12: {  	s5 =	simm.s32 $0x8;
	s25 =	sadd.s32 $0x1900, s4;
	[dreg:$0x9] =	wrdreg s24  }
0x13: {  	p0 =	por !p0, !p1;
	s26 =	sadd.s32 $0x1F40, s4;
	[dreg:$0xa] =	wrdreg s25  }
0x14: {  	p1 =	por !p1, !p2;
	s8 =	sadd.s32 $0x2580, s4;
	[dreg:$0xb] =	wrdreg s26  }
0x15: {  	p2 =	sgt.u32 s10, $0x9;
	s9 =	sadd.s32 $0x2BC0, s4;
	[dreg:$0xc] =	wrdreg s8  }
0x16: {  	s10 =	simm.s32 $0x50;
	s11 =	sadd.s32 $0x3200, s4;
	[dreg:$0xd] =	wrdreg s9  }
0x17: {  	p0 =	por !p0, !p0;
	s12 =	sadd.s32 $0x3840, s4;
	[dreg:$0xe] =	wrdreg s11  }
0x18: {  	p1 =	por !p1, !p1;
	s13 =	sadd.s32 $0x3E80, s4;
	[dreg:$0xf] =	wrdreg s12  }
0x19: {  	s18 =	simm.s32 $0x7710;
	s14 =	sadd.s32 $0x44C0, s4;
	[dreg:$0x10] =	wrdreg s13  }
0x1a: {  	s6 =	simm.s32 $0xA;
	s15 =	sadd.s32 $0x4B00, s4;
	[dreg:$0x11] =	wrdreg s14  }
0x1b: {  	s0 =	simm.s32 $0xB;
	s16 =	sadd.s32 $0x5140, s4;
	[dreg:$0x12] =	wrdreg s15  }
0x1c: {  	s21 =	simm.s32 $0x6;
	s17 =	sadd.s32 $0x5780, s4;
	[dreg:$0x13] =	wrdreg s16  }
0x1d: {  	s20 =	simm.s32 $0x8110;
	s22 =	sadd.s32 $0x5DC0, s4;
	[dreg:$0x14] =	wrdreg s17  }
0x1e: {  	s19 =	simm.s32 $0x2;
	[dreg:$0x19] =	wrdreg s22;
	s23 =	sadd.s32 $0x6400, s4  }
0x1f: {  	s24 =	sadd.s32 $0x6A40, s4;
	s25 =	sadd.s32 $0x7080, s4;
	s26 =	sadd.s32 $0x76C0, s4  }
0x20: {  	s11 =	simm.s32 $0x4F10;
	s12 =	simm.s32 $0x5910;
	s14 =	simm.s32 $0x6310  }
0x21: {  	s16 =	simm.s32 $0x6D10;
	s13 =	simm.s32 $0x8B10;
	[dreg:$0x1a] =	wrdreg s23  }
0x22: {  	s17 =	simm.s32 $0x9510;
	s15 =	simm.s32 $0x5;
	[dreg:$0x1b] =	wrdreg s24  }
0x23: {  	s22 =	simm.s32 $0xC;
	s8 =	simm.s32 $0xE;
	[dreg:$0x1c] =	wrdreg s25  }
0x24: {  	s7 =	simm.s32 $0x10;
	s9 =	simm.s32 $0x0;
	[dreg:$0x1d] =	wrdreg s26  }
0x25: {  	v0 =	vimm.s32 $0x0;
	v1 =	vimm.bf16 $0.0e+00;
	s26 =	simm.s32 $0x1;
	s24 =	simm.s32 $0xD;
	s25 =	simm.s32 $0xF  }
.LBB2_1:
0x26: {  	[dreg:$0x1e] =	wrdreg s9  }
0x27: {  	s2 =	simm.s32 $0x0;
	s4 =	rddreg [dreg:$0x4];
	s9 =	simm.s32 $0x11  }
0x28: {  	[tilespmem:s2], [sflag:$0x11] =	stream.linear.gather [hbm4b:s4+s2], $0x2710, $0x38;
	[tilespmem:$0xF370] =	vst v63  }
0x29: {  	_ =	swait.ge [sflag:s9], $0x2710  }
0x2a: {  	[sflag:s9] =	ssyncset.done $0x0  }
0x2b: {  	s23 =	simm.s32 $0x2800;
	s4 =	rddreg [dreg:$0x5];
	[sflag:s9] =	ssyncadd.s32 $0xFFFFD8F0  }
0x2c: {  	[tilespmem:s23], [sflag:$0x11] =	stream.linear.gather [hbm4b:s4+s2], $0x2710, $0x38;
	[tilespmem:$0xF370] =	vst v63  }
0x2d: {  	_ =	swait.ge [sflag:s9], $0x2710  }
0x2e: {  	[sflag:s9] =	ssyncset.done $0x0  }
0x2f: {  	[sflag:s9] =	ssyncadd.s32 $0xFFFFD8F0  }
0x30: {  	[tilespmem:$0x2710] =	vst v0  }
0x31: {  	[tilespmem:$0x2720] =	vst v0  }
0x32: {  	[tilespmem:$0x2730] =	vst v0  }
0x33: {  	s4 =	sand.u32 $0x1FC0, s2;
	[tilespmem:$0x2740] =	vst v0  }
0x34: {  	s23 =	sshrl.u32 s4, $0x2;
	s9 =	simm.s32 $0x40;
	[tilespmem:$0x2750] =	vst v0  }
.LBB2_2:
0x35: {  	p3 =	sne.s32 s9, $0x18C0;
	[tilespmem:s23+$0x9F10] =	vst v1;
	s23 =	smov.u32 s9;
	s9 =	sadd.s32 $0x40, s9  }
.Ltmp0:
0x36: {  	(pc) =	sbr.rel @p3 .LBB2_2-.Ltmp0, $3  }
0x37: {  	_ =	sdelay $0x1  }
0x38: {  	s23 =	sand.u32 $0x1FC0, s23  }
0x39: {  	s23 =	sshrl.u32 s23, $0x2  }
.Ltmp1:
0x3a: {  	(pc) =	sbr.rel @p2 .LBB2_5-.Ltmp1, $2  }
0x3b: {  	_ =	sdelay $0x2  }
0x3c: {  	[tilespmem:s23+$0x9F10] =	vst v1  }
0x3d: {  	s2 =	rddreg [dreg:$0x6];
	s9 =	simm.s32 $0x9F10;
	s4 =	simm.s32 $0x11  }
0x3e: {  	[spmem:s2] =	stream.linear.scatter [tilespmem:s9], [sflag:$0x11], $0x640, $0x38;
	[tilespmem:$0xF370] =	vst v63  }
0x3f: {  	_ =	swait.ge [sflag:s4], $0x640  }
0x40: {  	[sflag:s4] =	ssyncset.done $0x0  }
0x41: {  	s23 =	rddreg [dreg:$0x7];
	[sflag:s4] =	ssyncadd.s32 $0xFFFFF9C0  }
0x42: {  	[spmem:s23] =	stream.linear.scatter [tilespmem:s9], [sflag:$0x11], $0x640, $0x38;
	[tilespmem:$0xF370] =	vst v63  }
0x43: {  	_ =	swait.ge [sflag:s4], $0x640  }
0x44: {  	[sflag:s4] =	ssyncset.done $0x0  }
0x45: {  	s23 =	rddreg [dreg:$0x8];
	[sflag:s4] =	ssyncadd.s32 $0xFFFFF9C0  }
0x46: {  	[spmem:s23] =	stream.linear.scatter [tilespmem:s9], [sflag:$0x11], $0x640, $0x38;
	[tilespmem:$0xF370] =	vst v63  }
0x47: {  	_ =	swait.ge [sflag:s4], $0x640  }
0x48: {  	[sflag:s4] =	ssyncset.done $0x0  }
0x49: {  	s23 =	rddreg [dreg:$0x9];
	[sflag:s4] =	ssyncadd.s32 $0xFFFFF9C0  }
0x4a: {  	[spmem:s23] =	stream.linear.scatter [tilespmem:s9], [sflag:$0x11], $0x640, $0x38;
	[tilespmem:$0xF370] =	vst v63  }
0x4b: {  	_ =	swait.ge [sflag:s4], $0x640  }
0x4c: {  	[sflag:s4] =	ssyncset.done $0x0  }
0x4d: {  	s23 =	rddreg [dreg:$0xa];
	[sflag:s4] =	ssyncadd.s32 $0xFFFFF9C0  }
0x4e: {  	[spmem:s23] =	stream.linear.scatter [tilespmem:s9], [sflag:$0x11], $0x640, $0x38;
	[tilespmem:$0xF370] =	vst v63  }
0x4f: {  	_ =	swait.ge [sflag:s4], $0x640  }
0x50: {  	[sflag:s4] =	ssyncset.done $0x0  }
0x51: {  	s23 =	rddreg [dreg:$0xb];
	[sflag:s4] =	ssyncadd.s32 $0xFFFFF9C0  }
0x52: {  	[spmem:s23] =	stream.linear.scatter [tilespmem:s9], [sflag:$0x11], $0x640, $0x38;
	[tilespmem:$0xF370] =	vst v63  }
0x53: {  	_ =	swait.ge [sflag:s4], $0x640  }
0x54: {  	[sflag:s4] =	ssyncset.done $0x0  }
0x55: {  	s23 =	rddreg [dreg:$0xc];
	[sflag:s4] =	ssyncadd.s32 $0xFFFFF9C0  }
0x56: {  	[spmem:s23] =	stream.linear.scatter [tilespmem:s9], [sflag:$0x11], $0x640, $0x38;
	[tilespmem:$0xF370] =	vst v63  }
0x57: {  	_ =	swait.ge [sflag:s4], $0x640  }
0x58: {  	[sflag:s4] =	ssyncset.done $0x0  }
0x59: {  	s23 =	rddreg [dreg:$0xd];
	[sflag:s4] =	ssyncadd.s32 $0xFFFFF9C0  }
0x5a: {  	[spmem:s23] =	stream.linear.scatter [tilespmem:s9], [sflag:$0x11], $0x640, $0x38;
	[tilespmem:$0xF370] =	vst v63  }
0x5b: {  	_ =	swait.ge [sflag:s4], $0x640  }
0x5c: {  	[sflag:s4] =	ssyncset.done $0x0  }
0x5d: {  	s23 =	rddreg [dreg:$0xe];
	[sflag:s4] =	ssyncadd.s32 $0xFFFFF9C0  }
0x5e: {  	[spmem:s23] =	stream.linear.scatter [tilespmem:s9], [sflag:$0x11], $0x640, $0x38;
	[tilespmem:$0xF370] =	vst v63  }
0x5f: {  	_ =	swait.ge [sflag:s4], $0x640  }
0x60: {  	[sflag:s4] =	ssyncset.done $0x0  }
0x61: {  	s23 =	rddreg [dreg:$0xf];
	[sflag:s4] =	ssyncadd.s32 $0xFFFFF9C0  }
0x62: {  	[spmem:s23] =	stream.linear.scatter [tilespmem:s9], [sflag:$0x11], $0x640, $0x38;
	[tilespmem:$0xF370] =	vst v63  }
0x63: {  	_ =	swait.ge [sflag:s4], $0x640  }
0x64: {  	[sflag:s4] =	ssyncset.done $0x0  }
0x65: {  	s23 =	rddreg [dreg:$0x10];
	[sflag:s4] =	ssyncadd.s32 $0xFFFFF9C0  }
0x66: {  	[spmem:s23] =	stream.linear.scatter [tilespmem:s9], [sflag:$0x11], $0x640, $0x38;
	[tilespmem:$0xF370] =	vst v63  }
0x67: {  	_ =	swait.ge [sflag:s4], $0x640  }
0x68: {  	[sflag:s4] =	ssyncset.done $0x0  }
0x69: {  	s23 =	rddreg [dreg:$0x11];
	[sflag:s4] =	ssyncadd.s32 $0xFFFFF9C0  }
0x6a: {  	[spmem:s23] =	stream.linear.scatter [tilespmem:s9], [sflag:$0x11], $0x640, $0x38;
	[tilespmem:$0xF370] =	vst v63  }
0x6b: {  	_ =	swait.ge [sflag:s4], $0x640  }
0x6c: {  	[sflag:s4] =	ssyncset.done $0x0  }
0x6d: {  	s23 =	rddreg [dreg:$0x12];
	[sflag:s4] =	ssyncadd.s32 $0xFFFFF9C0  }
0x6e: {  	[spmem:s23] =	stream.linear.scatter [tilespmem:s9], [sflag:$0x11], $0x640, $0x38;
	[tilespmem:$0xF370] =	vst v63  }
0x6f: {  	_ =	swait.ge [sflag:s4], $0x640  }
0x70: {  	[sflag:s4] =	ssyncset.done $0x0  }
0x71: {  	s23 =	rddreg [dreg:$0x13];
	[sflag:s4] =	ssyncadd.s32 $0xFFFFF9C0  }
0x72: {  	[spmem:s23] =	stream.linear.scatter [tilespmem:s9], [sflag:$0x11], $0x640, $0x38;
	[tilespmem:$0xF370] =	vst v63  }
0x73: {  	_ =	swait.ge [sflag:s4], $0x640  }
0x74: {  	[sflag:s4] =	ssyncset.done $0x0  }
0x75: {  	s23 =	rddreg [dreg:$0x14];
	[sflag:s4] =	ssyncadd.s32 $0xFFFFF9C0  }
0x76: {  	[spmem:s23] =	stream.linear.scatter [tilespmem:s9], [sflag:$0x11], $0x640, $0x38;
	[tilespmem:$0xF370] =	vst v63  }
0x77: {  	_ =	swait.ge [sflag:s4], $0x640  }
0x78: {  	[sflag:s4] =	ssyncset.done $0x0  }
0x79: {  	s23 =	rddreg [dreg:$0x19];
	[sflag:s4] =	ssyncadd.s32 $0xFFFFF9C0  }
0x7a: {  	[spmem:s23] =	stream.linear.scatter [tilespmem:s9], [sflag:$0x11], $0x640, $0x38;
	[tilespmem:$0xF370] =	vst v63  }
0x7b: {  	_ =	swait.ge [sflag:s4], $0x640  }
0x7c: {  	[sflag:s4] =	ssyncset.done $0x0  }
0x7d: {  	s23 =	rddreg [dreg:$0x1a];
	[sflag:s4] =	ssyncadd.s32 $0xFFFFF9C0  }
0x7e: {  	[spmem:s23] =	stream.linear.scatter [tilespmem:s9], [sflag:$0x11], $0x640, $0x38;
	[tilespmem:$0xF370] =	vst v63  }
0x7f: {  	_ =	swait.ge [sflag:s4], $0x640  }
0x80: {  	[sflag:s4] =	ssyncset.done $0x0  }
0x81: {  	s23 =	rddreg [dreg:$0x1b];
	[sflag:s4] =	ssyncadd.s32 $0xFFFFF9C0  }
0x82: {  	[spmem:s23] =	stream.linear.scatter [tilespmem:s9], [sflag:$0x11], $0x640, $0x38;
	[tilespmem:$0xF370] =	vst v63  }
0x83: {  	_ =	swait.ge [sflag:s4], $0x640  }
0x84: {  	[sflag:s4] =	ssyncset.done $0x0  }
0x85: {  	s23 =	rddreg [dreg:$0x1c];
	[sflag:s4] =	ssyncadd.s32 $0xFFFFF9C0  }
0x86: {  	[spmem:s23] =	stream.linear.scatter [tilespmem:s9], [sflag:$0x11], $0x640, $0x38;
	[tilespmem:$0xF370] =	vst v63  }
0x87: {  	_ =	swait.ge [sflag:s4], $0x640  }
0x88: {  	[sflag:s4] =	ssyncset.done $0x0  }
0x89: {  	s23 =	rddreg [dreg:$0x1d];
	[sflag:s4] =	ssyncadd.s32 $0xFFFFF9C0  }
0x8a: {  	[spmem:s23] =	stream.linear.scatter [tilespmem:s9], [sflag:$0x11], $0x640, $0x38;
	[tilespmem:$0xF370] =	vst v63  }
0x8b: {  	_ =	swait.ge [sflag:s4], $0x640  }
0x8c: {  	[sflag:s4] =	ssyncset.done $0x0  }
0x8d: {  	[sflag:s4] =	ssyncadd.s32 $0xFFFFF9C0  }
.LBB2_5:
0x8e: {  	[bflag:$0x0] =	sbarrier.arrive $0xFFFF;
	s9 =	simm.s32 $0x0  }
0x8f: {  	[tilespmem:s11], [sflag:$0x1] =	stream.indirect.gather [hbm4b:s1+s10], $0x20, s9, s10, $0xb8;
	[tilespmem:$0xF370] =	vst v63  }
0x90: {  	_ = 	snop  }
0x91: {  	[tilespmem:s12], [sflag:$0x2] =	stream.indirect.gather [hbm4b:s1+s10], $0x20, s10, s10, $0xb8;
	[tilespmem:$0xF370] =	vst v63  }
0x92: {  	s2 =	simm.s32 $0xA0  }
0x93: {  	[tilespmem:s14], [sflag:$0x3] =	stream.indirect.gather [hbm4b:s1+s10], $0x20, s2, s10, $0xb8;
	[tilespmem:$0xF370] =	vst v63  }
0x94: {  	s4 =	simm.s32 $0xF0  }
0x95: {  	[tilespmem:s16], [sflag:$0x4] =	stream.indirect.gather [hbm4b:s1+s10], $0x20, s4, s10, $0xb8;
	[tilespmem:$0xF370] =	vst v63  }
0x96: {  	s9 =	simm.s32 $0x140  }
0x97: {  	[tilespmem:s18], [sflag:$0x5] =	stream.indirect.gather [hbm4b:s1+s10], $0x20, s9, s10, $0xb8;
	[tilespmem:$0xF370] =	vst v63  }
0x98: {  	s23 =	simm.s32 $0x190  }
0x99: {  	[tilespmem:s20], [sflag:$0x6] =	stream.indirect.gather [hbm4b:s1+s10], $0x20, s23, s10, $0xb8;
	[tilespmem:$0xF370] =	vst v63  }
0x9a: {  	s4 =	simm.s32 $0x1E0  }
0x9b: {  	[tilespmem:s13], [sflag:$0x7] =	stream.indirect.gather [hbm4b:s1+s10], $0x20, s4, s10, $0xb8;
	[tilespmem:$0xF370] =	vst v63  }
0x9c: {  	s9 =	simm.s32 $0x230  }
0x9d: {  	[tilespmem:s17], [sflag:$0x8] =	stream.indirect.gather [hbm4b:s1+s10], $0x20, s9, s10, $0xb8;
	[tilespmem:$0xF370] =	vst v63  }
0x9e: {  	_ =	swait.ge [sflag:s26], $0xA00  }
0x9f: {  	[sflag:s26] =	ssyncset.done $0x0  }
0xa0: {  	s23 =	simm.s32 $0x2800;
	[sflag:s26] =	ssyncadd.s32 $0xFFFFF600  }
0xa1: {  	[spmem:s3] =	stream.indirect.scatter.add.bf16 [tilespmem:s11], [sflag:$0x9], $0x20, s23, s10, $0xb8;
	[tilespmem:$0xF370] =	vst v63  }
0xa2: {  	_ =	swait.ge [sflag:s19], $0xA00  }
0xa3: {  	[sflag:s19] =	ssyncset.done $0x0  }
0xa4: {  	s4 =	simm.s32 $0x2850;
	[sflag:s19] =	ssyncadd.s32 $0xFFFFF600  }
0xa5: {  	[spmem:s3] =	stream.indirect.scatter.add.bf16 [tilespmem:s12], [sflag:$0xA], $0x20, s4, s10, $0xb8;
	[tilespmem:$0xF370] =	vst v63  }
0xa6: {  	_ =	swait.ge [sflag:s29], $0xA00  }
0xa7: {  	[sflag:s29] =	ssyncset.done $0x0  }
0xa8: {  	s9 =	simm.s32 $0x28A0;
	[sflag:s29] =	ssyncadd.s32 $0xFFFFF600  }
0xa9: {  	[spmem:s3] =	stream.indirect.scatter.add.bf16 [tilespmem:s14], [sflag:$0xB], $0x20, s9, s10, $0xb8;
	[tilespmem:$0xF370] =	vst v63  }
0xaa: {  	_ =	swait.ge [sflag:s30], $0xA00  }
0xab: {  	[sflag:s30] =	ssyncset.done $0x0  }
0xac: {  	s23 =	simm.s32 $0x28F0;
	[sflag:s30] =	ssyncadd.s32 $0xFFFFF600  }
0xad: {  	[spmem:s3] =	stream.indirect.scatter.add.bf16 [tilespmem:s16], [sflag:$0xC], $0x20, s23, s10, $0xb8;
	[tilespmem:$0xF370] =	vst v63  }
0xae: {  	_ =	swait.ge [sflag:s15], $0xA00  }
0xaf: {  	[sflag:s15] =	ssyncset.done $0x0  }
0xb0: {  	s4 =	simm.s32 $0x2940;
	[sflag:s15] =	ssyncadd.s32 $0xFFFFF600  }
0xb1: {  	[spmem:s3] =	stream.indirect.scatter.add.bf16 [tilespmem:s18], [sflag:$0xD], $0x20, s4, s10, $0xb8;
	[tilespmem:$0xF370] =	vst v63  }
0xb2: {  	_ =	swait.ge [sflag:s21], $0xA00  }
0xb3: {  	[sflag:s21] =	ssyncset.done $0x0  }
0xb4: {  	s9 =	simm.s32 $0x2990;
	[sflag:s21] =	ssyncadd.s32 $0xFFFFF600  }
0xb5: {  	[spmem:s3] =	stream.indirect.scatter.add.bf16 [tilespmem:s20], [sflag:$0xE], $0x20, s9, s10, $0xb8;
	[tilespmem:$0xF370] =	vst v63  }
0xb6: {  	_ =	swait.ge [sflag:s28], $0xA00  }
0xb7: {  	[sflag:s28] =	ssyncset.done $0x0  }
0xb8: {  	s23 =	simm.s32 $0x29E0;
	[sflag:s28] =	ssyncadd.s32 $0xFFFFF600  }
0xb9: {  	[spmem:s3] =	stream.indirect.scatter.add.bf16 [tilespmem:s13], [sflag:$0xF], $0x20, s23, s10, $0xb8;
	[tilespmem:$0xF370] =	vst v63  }
0xba: {  	_ =	swait.ge [sflag:s31], $0xA00  }
0xbb: {  	[sflag:s31] =	ssyncset.done $0x0  }
0xbc: {  	s2 =	simm.s32 $0x280;
	[sflag:s31] =	ssyncadd.s32 $0xFFFFF600  }
0xbd: {  	[tilespmem:s11], [sflag:$0x1] =	stream.indirect.gather [hbm4b:s1+s10], $0x20, s2, s10, $0xb8;
	[tilespmem:$0xF370] =	vst v63  }
0xbe: {  	_ =	swait.ge [sflag:s5], $0xA00  }
0xbf: {  	[sflag:s5] =	ssyncset.done $0x0  }
0xc0: {  	s4 =	simm.s32 $0x2A30;
	[sflag:s5] =	ssyncadd.s32 $0xFFFFF600  }
0xc1: {  	[spmem:s3] =	stream.indirect.scatter.add.bf16 [tilespmem:s17], [sflag:$0x10], $0x20, s4, s10, $0xb8;
	[tilespmem:$0xF370] =	vst v63  }
0xc2: {  	_ =	swait.ge [sflag:s6], $0xA00  }
0xc3: {  	[sflag:s6] =	ssyncset.done $0x0  }
0xc4: {  	s23 =	simm.s32 $0x2D0;
	[sflag:s6] =	ssyncadd.s32 $0xFFFFF600  }
0xc5: {  	[tilespmem:s12], [sflag:$0x2] =	stream.indirect.gather [hbm4b:s1+s10], $0x20, s23, s10, $0xb8;
	[tilespmem:$0xF370] =	vst v63  }
0xc6: {  	_ =	swait.ge [sflag:s26], $0xA00  }
0xc7: {  	[sflag:s26] =	ssyncset.done $0x0  }
0xc8: {  	s2 =	simm.s32 $0x2A80;
	[sflag:s26] =	ssyncadd.s32 $0xFFFFF600  }
0xc9: {  	[spmem:s3] =	stream.indirect.scatter.add.bf16 [tilespmem:s11], [sflag:$0x9], $0x20, s2, s10, $0xb8;
	[tilespmem:$0xF370] =	vst v63  }
0xca: {  	_ =	swait.ge [sflag:s0], $0xA00  }
0xcb: {  	[sflag:s0] =	ssyncset.done $0x0  }
0xcc: {  	s4 =	simm.s32 $0x320;
	[sflag:s0] =	ssyncadd.s32 $0xFFFFF600  }
0xcd: {  	[tilespmem:s14], [sflag:$0x3] =	stream.indirect.gather [hbm4b:s1+s10], $0x20, s4, s10, $0xb8;
	[tilespmem:$0xF370] =	vst v63  }
0xce: {  	_ =	swait.ge [sflag:s19], $0xA00  }
0xcf: {  	[sflag:s19] =	ssyncset.done $0x0  }
0xd0: {  	s23 =	simm.s32 $0x2AD0;
	[sflag:s19] =	ssyncadd.s32 $0xFFFFF600  }
0xd1: {  	[spmem:s3] =	stream.indirect.scatter.add.bf16 [tilespmem:s12], [sflag:$0xA], $0x20, s23, s10, $0xb8;
	[tilespmem:$0xF370] =	vst v63  }
0xd2: {  	_ =	swait.ge [sflag:s22], $0xA00  }
0xd3: {  	[sflag:s22] =	ssyncset.done $0x0  }
0xd4: {  	s2 =	simm.s32 $0x370;
	[sflag:s22] =	ssyncadd.s32 $0xFFFFF600  }
0xd5: {  	[tilespmem:s16], [sflag:$0x4] =	stream.indirect.gather [hbm4b:s1+s10], $0x20, s2, s10, $0xb8;
	[tilespmem:$0xF370] =	vst v63  }
0xd6: {  	_ =	swait.ge [sflag:s29], $0xA00  }
0xd7: {  	[sflag:s29] =	ssyncset.done $0x0  }
0xd8: {  	s4 =	simm.s32 $0x2B20;
	[sflag:s29] =	ssyncadd.s32 $0xFFFFF600  }
0xd9: {  	[spmem:s3] =	stream.indirect.scatter.add.bf16 [tilespmem:s14], [sflag:$0xB], $0x20, s4, s10, $0xb8;
	[tilespmem:$0xF370] =	vst v63  }
0xda: {  	_ =	swait.ge [sflag:s24], $0xA00  }
0xdb: {  	[sflag:s24] =	ssyncset.done $0x0  }
0xdc: {  	s23 =	simm.s32 $0x3C0;
	[sflag:s24] =	ssyncadd.s32 $0xFFFFF600  }
0xdd: {  	[tilespmem:s18], [sflag:$0x5] =	stream.indirect.gather [hbm4b:s1+s10], $0x20, s23, s10, $0xb8;
	[tilespmem:$0xF370] =	vst v63  }
0xde: {  	_ =	swait.ge [sflag:s30], $0xA00  }
0xdf: {  	[sflag:s30] =	ssyncset.done $0x0  }
0xe0: {  	s2 =	simm.s32 $0x2B70;
	[sflag:s30] =	ssyncadd.s32 $0xFFFFF600  }
0xe1: {  	[spmem:s3] =	stream.indirect.scatter.add.bf16 [tilespmem:s16], [sflag:$0xC], $0x20, s2, s10, $0xb8;
	[tilespmem:$0xF370] =	vst v63  }
0xe2: {  	_ =	swait.ge [sflag:s8], $0xA00  }
0xe3: {  	[sflag:s8] =	ssyncset.done $0x0  }
0xe4: {  	s4 =	simm.s32 $0x410;
	[sflag:s8] =	ssyncadd.s32 $0xFFFFF600  }
0xe5: {  	[tilespmem:s20], [sflag:$0x6] =	stream.indirect.gather [hbm4b:s1+s10], $0x20, s4, s10, $0xb8;
	[tilespmem:$0xF370] =	vst v63  }
0xe6: {  	_ =	swait.ge [sflag:s15], $0xA00  }
0xe7: {  	[sflag:s15] =	ssyncset.done $0x0  }
0xe8: {  	s23 =	simm.s32 $0x2BC0;
	[sflag:s15] =	ssyncadd.s32 $0xFFFFF600  }
0xe9: {  	[spmem:s3] =	stream.indirect.scatter.add.bf16 [tilespmem:s18], [sflag:$0xD], $0x20, s23, s10, $0xb8;
	[tilespmem:$0xF370] =	vst v63  }
0xea: {  	_ =	swait.ge [sflag:s25], $0xA00  }
0xeb: {  	[sflag:s25] =	ssyncset.done $0x0  }
0xec: {  	s2 =	simm.s32 $0x460;
	[sflag:s25] =	ssyncadd.s32 $0xFFFFF600  }
0xed: {  	[tilespmem:s13], [sflag:$0x7] =	stream.indirect.gather [hbm4b:s1+s10], $0x20, s2, s10, $0xb8;
	[tilespmem:$0xF370] =	vst v63  }
0xee: {  	_ =	swait.ge [sflag:s21], $0xA00  }
0xef: {  	[sflag:s21] =	ssyncset.done $0x0  }
0xf0: {  	s4 =	simm.s32 $0x2C10;
	[sflag:s21] =	ssyncadd.s32 $0xFFFFF600  }
0xf1: {  	[spmem:s3] =	stream.indirect.scatter.add.bf16 [tilespmem:s20], [sflag:$0xE], $0x20, s4, s10, $0xb8;
	[tilespmem:$0xF370] =	vst v63  }
0xf2: {  	_ =	swait.ge [sflag:s7], $0xA00  }
0xf3: {  	[sflag:s7] =	ssyncset.done $0x0  }
0xf4: {  	s23 =	simm.s32 $0x4B0;
	[sflag:s7] =	ssyncadd.s32 $0xFFFFF600  }
0xf5: {  	[tilespmem:s17], [sflag:$0x8] =	stream.indirect.gather [hbm4b:s1+s10], $0x20, s23, s10, $0xb8;
	[tilespmem:$0xF370] =	vst v63  }
0xf6: {  	_ =	swait.ge [sflag:s28], $0xA00  }
0xf7: {  	[sflag:s28] =	ssyncset.done $0x0  }
0xf8: {  	s9 =	simm.s32 $0x2C60;
	s23 =	simm.s32 $0xA00;
	[sflag:s28] =	ssyncadd.s32 $0xFFFFF600  }
.LBB2_6:
0xf9: {  	[spmem:s3] =	stream.indirect.scatter.add.bf16 [tilespmem:s13], [sflag:$0xF], $0x20, s9, s10, $0xb8;
	[tilespmem:$0xF370] =	vst v63  }
0xfa: {  	s9 =	smov.u32 s23  }
0xfb: {  	p3 =	sne.s32 s23, $0x8200;
	s23 =	sadd.s32 $0xA00, s23;
	_ =	swait.ge [sflag:s31], $0xA00  }
0xfc: {  	s9 =	sshra.s32 s9, $0x2;
	[sflag:s31] =	ssyncset.done $0x0  }
0xfd: {  	s4 =	sadd.s32 $0x280, s9;
	[sflag:s31] =	ssyncadd.s32 $0xFFFFF600  }
0xfe: {  	[tilespmem:s11], [sflag:$0x1] =	stream.indirect.gather [hbm4b:s1+s10], $0x20, s4, s10, $0xb8;
	[tilespmem:$0xF370] =	vst v63  }
0xff: {  	_ =	swait.ge [sflag:s5], $0xA00  }
0x100: {  	[sflag:s5] =	ssyncset.done $0x0  }
0x101: {  	s4 =	sadd.s32 $0x2A30, s9;
	[sflag:s5] =	ssyncadd.s32 $0xFFFFF600  }
0x102: {  	[spmem:s3] =	stream.indirect.scatter.add.bf16 [tilespmem:s17], [sflag:$0x10], $0x20, s4, s10, $0xb8;
	[tilespmem:$0xF370] =	vst v63  }
0x103: {  	_ =	swait.ge [sflag:s6], $0xA00  }
0x104: {  	[sflag:s6] =	ssyncset.done $0x0  }
0x105: {  	s4 =	sadd.s32 $0x2D0, s9;
	[sflag:s6] =	ssyncadd.s32 $0xFFFFF600  }
0x106: {  	[tilespmem:s12], [sflag:$0x2] =	stream.indirect.gather [hbm4b:s1+s10], $0x20, s4, s10, $0xb8;
	[tilespmem:$0xF370] =	vst v63  }
0x107: {  	_ =	swait.ge [sflag:s26], $0xA00  }
0x108: {  	[sflag:s26] =	ssyncset.done $0x0  }
0x109: {  	s4 =	sadd.s32 $0x2A80, s9;
	[sflag:s26] =	ssyncadd.s32 $0xFFFFF600  }
0x10a: {  	[spmem:s3] =	stream.indirect.scatter.add.bf16 [tilespmem:s11], [sflag:$0x9], $0x20, s4, s10, $0xb8;
	[tilespmem:$0xF370] =	vst v63  }
0x10b: {  	_ =	swait.ge [sflag:s0], $0xA00  }
0x10c: {  	[sflag:s0] =	ssyncset.done $0x0  }
0x10d: {  	s4 =	sadd.s32 $0x320, s9;
	[sflag:s0] =	ssyncadd.s32 $0xFFFFF600  }
0x10e: {  	[tilespmem:s14], [sflag:$0x3] =	stream.indirect.gather [hbm4b:s1+s10], $0x20, s4, s10, $0xb8;
	[tilespmem:$0xF370] =	vst v63  }
0x10f: {  	_ =	swait.ge [sflag:s19], $0xA00  }
0x110: {  	[sflag:s19] =	ssyncset.done $0x0  }
0x111: {  	s4 =	sadd.s32 $0x2AD0, s9;
	[sflag:s19] =	ssyncadd.s32 $0xFFFFF600  }
0x112: {  	[spmem:s3] =	stream.indirect.scatter.add.bf16 [tilespmem:s12], [sflag:$0xA], $0x20, s4, s10, $0xb8;
	[tilespmem:$0xF370] =	vst v63  }
0x113: {  	_ =	swait.ge [sflag:s22], $0xA00  }
0x114: {  	[sflag:s22] =	ssyncset.done $0x0  }
0x115: {  	s4 =	sadd.s32 $0x370, s9;
	[sflag:s22] =	ssyncadd.s32 $0xFFFFF600  }
0x116: {  	[tilespmem:s16], [sflag:$0x4] =	stream.indirect.gather [hbm4b:s1+s10], $0x20, s4, s10, $0xb8;
	[tilespmem:$0xF370] =	vst v63  }
0x117: {  	_ =	swait.ge [sflag:s29], $0xA00  }
0x118: {  	[sflag:s29] =	ssyncset.done $0x0  }
0x119: {  	s4 =	sadd.s32 $0x2B20, s9;
	[sflag:s29] =	ssyncadd.s32 $0xFFFFF600  }
0x11a: {  	[spmem:s3] =	stream.indirect.scatter.add.bf16 [tilespmem:s14], [sflag:$0xB], $0x20, s4, s10, $0xb8;
	[tilespmem:$0xF370] =	vst v63  }
0x11b: {  	_ =	swait.ge [sflag:s24], $0xA00  }
0x11c: {  	[sflag:s24] =	ssyncset.done $0x0  }
0x11d: {  	s4 =	sadd.s32 $0x3C0, s9;
	[sflag:s24] =	ssyncadd.s32 $0xFFFFF600  }
0x11e: {  	[tilespmem:s18], [sflag:$0x5] =	stream.indirect.gather [hbm4b:s1+s10], $0x20, s4, s10, $0xb8;
	[tilespmem:$0xF370] =	vst v63  }
0x11f: {  	_ =	swait.ge [sflag:s30], $0xA00  }
0x120: {  	[sflag:s30] =	ssyncset.done $0x0  }
0x121: {  	s4 =	sadd.s32 $0x2B70, s9;
	[sflag:s30] =	ssyncadd.s32 $0xFFFFF600  }
0x122: {  	[spmem:s3] =	stream.indirect.scatter.add.bf16 [tilespmem:s16], [sflag:$0xC], $0x20, s4, s10, $0xb8;
	[tilespmem:$0xF370] =	vst v63  }
0x123: {  	_ =	swait.ge [sflag:s8], $0xA00  }
0x124: {  	[sflag:s8] =	ssyncset.done $0x0  }
0x125: {  	s4 =	sadd.s32 $0x410, s9;
	[sflag:s8] =	ssyncadd.s32 $0xFFFFF600  }
0x126: {  	[tilespmem:s20], [sflag:$0x6] =	stream.indirect.gather [hbm4b:s1+s10], $0x20, s4, s10, $0xb8;
	[tilespmem:$0xF370] =	vst v63  }
0x127: {  	_ =	swait.ge [sflag:s15], $0xA00  }
0x128: {  	[sflag:s15] =	ssyncset.done $0x0  }
0x129: {  	s4 =	sadd.s32 $0x2BC0, s9;
	[sflag:s15] =	ssyncadd.s32 $0xFFFFF600  }
0x12a: {  	[spmem:s3] =	stream.indirect.scatter.add.bf16 [tilespmem:s18], [sflag:$0xD], $0x20, s4, s10, $0xb8;
	[tilespmem:$0xF370] =	vst v63  }
0x12b: {  	_ =	swait.ge [sflag:s25], $0xA00  }
0x12c: {  	[sflag:s25] =	ssyncset.done $0x0  }
0x12d: {  	s4 =	sadd.s32 $0x460, s9;
	[sflag:s25] =	ssyncadd.s32 $0xFFFFF600  }
0x12e: {  	[tilespmem:s13], [sflag:$0x7] =	stream.indirect.gather [hbm4b:s1+s10], $0x20, s4, s10, $0xb8;
	[tilespmem:$0xF370] =	vst v63  }
0x12f: {  	_ =	swait.ge [sflag:s21], $0xA00  }
0x130: {  	[sflag:s21] =	ssyncset.done $0x0  }
0x131: {  	s4 =	sadd.s32 $0x2C10, s9;
	[sflag:s21] =	ssyncadd.s32 $0xFFFFF600  }
0x132: {  	[spmem:s3] =	stream.indirect.scatter.add.bf16 [tilespmem:s20], [sflag:$0xE], $0x20, s4, s10, $0xb8;
	[tilespmem:$0xF370] =	vst v63  }
0x133: {  	_ =	swait.ge [sflag:s7], $0xA00  }
0x134: {  	[sflag:s7] =	ssyncset.done $0x0  }
.Ltmp2:
0x135: {  	s4 =	sadd.s32 $0x4B0, s9;
	[sflag:s7] =	ssyncadd.s32 $0xFFFFF600;
	(pc) =	sbr.rel @p3 .LBB2_6-.Ltmp2, $4  }
0x136: {  	[tilespmem:s17], [sflag:$0x8] =	stream.indirect.gather [hbm4b:s1+s10], $0x20, s4, s10, $0xb8;
	[tilespmem:$0xF370] =	vst v63  }
0x137: {  	_ =	swait.ge [sflag:s28], $0xA00  }
0x138: {  	[sflag:s28] =	ssyncset.done $0x0  }
0x139: {  	s9 =	sadd.s32 $0x2C60, s9;
	[sflag:s28] =	ssyncadd.s32 $0xFFFFF600  }
0x13a: {  	[spmem:s3] =	stream.indirect.scatter.add.bf16 [tilespmem:s13], [sflag:$0xF], $0x20, s9, s10, $0xb8;
	[tilespmem:$0xF370] =	vst v63  }
0x13b: {  	_ =	swait.ge [sflag:s31], $0xA00  }
0x13c: {  	[sflag:s31] =	ssyncset.done $0x0  }
0x13d: {  	s2 =	simm.s32 $0x2580;
	[sflag:s31] =	ssyncadd.s32 $0xFFFFF600  }
0x13e: {  	[tilespmem:s11], [sflag:$0x1] =	stream.indirect.gather [hbm4b:s1+s10], $0x20, s2, s10, $0xb8;
	[tilespmem:$0xF370] =	vst v63  }
0x13f: {  	_ =	swait.ge [sflag:s5], $0xA00  }
0x140: {  	[sflag:s5] =	ssyncset.done $0x0  }
0x141: {  	s23 =	simm.s32 $0x4D30;
	[sflag:s5] =	ssyncadd.s32 $0xFFFFF600  }
0x142: {  	[spmem:s3] =	stream.indirect.scatter.add.bf16 [tilespmem:s17], [sflag:$0x10], $0x20, s23, s10, $0xb8;
	[tilespmem:$0xF370] =	vst v63  }
0x143: {  	_ =	swait.ge [sflag:s6], $0xA00  }
0x144: {  	[sflag:s6] =	ssyncset.done $0x0  }
0x145: {  	s4 =	simm.s32 $0x25D0;
	[sflag:s6] =	ssyncadd.s32 $0xFFFFF600  }
0x146: {  	[tilespmem:s12], [sflag:$0x2] =	stream.indirect.gather [hbm4b:s1+s10], $0x20, s4, s10, $0xb8;
	[tilespmem:$0xF370] =	vst v63  }
0x147: {  	_ =	swait.ge [sflag:s26], $0xA00  }
0x148: {  	[sflag:s26] =	ssyncset.done $0x0  }
0x149: {  	s9 =	simm.s32 $0x4D80;
	[sflag:s26] =	ssyncadd.s32 $0xFFFFF600  }
0x14a: {  	[spmem:s3] =	stream.indirect.scatter.add.bf16 [tilespmem:s11], [sflag:$0x9], $0x20, s9, s10, $0xb8;
	[tilespmem:$0xF370] =	vst v63  }
0x14b: {  	_ =	swait.ge [sflag:s0], $0xA00  }
0x14c: {  	[sflag:s0] =	ssyncset.done $0x0  }
0x14d: {  	s23 =	simm.s32 $0x2620;
	[sflag:s0] =	ssyncadd.s32 $0xFFFFF600  }
0x14e: {  	[tilespmem:s14], [sflag:$0x3] =	stream.indirect.gather [hbm4b:s1+s10], $0x20, s23, s10, $0xb8;
	[tilespmem:$0xF370] =	vst v63  }
0x14f: {  	_ =	swait.ge [sflag:s19], $0xA00  }
0x150: {  	[sflag:s19] =	ssyncset.done $0x0  }
0x151: {  	s4 =	simm.s32 $0x4DD0;
	[sflag:s19] =	ssyncadd.s32 $0xFFFFF600  }
0x152: {  	[spmem:s3] =	stream.indirect.scatter.add.bf16 [tilespmem:s12], [sflag:$0xA], $0x20, s4, s10, $0xb8;
	[tilespmem:$0xF370] =	vst v63  }
0x153: {  	_ =	swait.ge [sflag:s22], $0xA00  }
0x154: {  	[sflag:s22] =	ssyncset.done $0x0  }
0x155: {  	s9 =	simm.s32 $0x2670;
	[sflag:s22] =	ssyncadd.s32 $0xFFFFF600  }
0x156: {  	[tilespmem:s16], [sflag:$0x4] =	stream.indirect.gather [hbm4b:s1+s10], $0x20, s9, s10, $0xb8;
	[tilespmem:$0xF370] =	vst v63  }
0x157: {  	_ =	swait.ge [sflag:s29], $0xA00  }
0x158: {  	[sflag:s29] =	ssyncset.done $0x0  }
0x159: {  	s23 =	simm.s32 $0x4E20;
	[sflag:s29] =	ssyncadd.s32 $0xFFFFF600  }
0x15a: {  	[spmem:s3] =	stream.indirect.scatter.add.bf16 [tilespmem:s14], [sflag:$0xB], $0x20, s23, s10, $0xb8;
	[tilespmem:$0xF370] =	vst v63  }
0x15b: {  	_ =	swait.ge [sflag:s24], $0xA00  }
0x15c: {  	[sflag:s24] =	ssyncset.done $0x0  }
0x15d: {  	s4 =	simm.s32 $0x26C0;
	[sflag:s24] =	ssyncadd.s32 $0xFFFFF600  }
0x15e: {  	[tilespmem:s18], [sflag:$0x5] =	stream.indirect.gather [hbm4b:s1+s10], $0x20, s4, s10, $0xb8;
	[tilespmem:$0xF370] =	vst v63  }
0x15f: {  	_ =	swait.ge [sflag:s30], $0xA00  }
0x160: {  	[sflag:s30] =	ssyncset.done $0x0  }
0x161: {  	s9 =	simm.s32 $0x4E70;
	[sflag:s30] =	ssyncadd.s32 $0xFFFFF600  }
0x162: {  	[spmem:s3] =	stream.indirect.scatter.add.bf16 [tilespmem:s16], [sflag:$0xC], $0x20, s9, s10, $0xb8;
	[tilespmem:$0xF370] =	vst v63  }
0x163: {  	_ =	swait.ge [sflag:s8], $0xA00  }
0x164: {  	[sflag:s8] =	ssyncset.done $0x0  }
0x165: {  	[sflag:s8] =	ssyncadd.s32 $0xFFFFF600  }
0x166: {  	_ =	swait.ge [sflag:s15], $0xA00  }
0x167: {  	[sflag:s15] =	ssyncset.done $0x0  }
0x168: {  	s23 =	simm.s32 $0x4EC0;
	[sflag:s15] =	ssyncadd.s32 $0xFFFFF600  }
0x169: {  	[spmem:s3] =	stream.indirect.scatter.add.bf16 [tilespmem:s18], [sflag:$0xD], $0x20, s23, s10, $0xb8;
	[tilespmem:$0xF370] =	vst v63  }
0x16a: {  	_ =	swait.ge [sflag:s25], $0xA00  }
0x16b: {  	[sflag:s25] =	ssyncset.done $0x0  }
0x16c: {  	[sflag:s25] =	ssyncadd.s32 $0xFFFFF600  }
0x16d: {  	_ =	swait.ge [sflag:s7], $0xA00  }
0x16e: {  	[sflag:s7] =	ssyncset.done $0x0  }
0x16f: {  	[sflag:s7] =	ssyncadd.s32 $0xFFFFF600  }
0x170: {  	_ =	swait.ge [sflag:s31], $0xA00  }
0x171: {  	[sflag:s31] =	ssyncset.done $0x0  }
0x172: {  	[sflag:s31] =	ssyncadd.s32 $0xFFFFF600  }
0x173: {  	_ =	swait.ge [sflag:s6], $0xA00  }
0x174: {  	[sflag:s6] =	ssyncset.done $0x0  }
0x175: {  	[sflag:s6] =	ssyncadd.s32 $0xFFFFF600  }
0x176: {  	_ =	swait.ge [sflag:s0], $0xA00  }
0x177: {  	[sflag:s0] =	ssyncset.done $0x0  }
0x178: {  	[sflag:s0] =	ssyncadd.s32 $0xFFFFF600  }
0x179: {  	_ =	swait.ge [sflag:s22], $0xA00  }
0x17a: {  	[sflag:s22] =	ssyncset.done $0x0  }
0x17b: {  	[sflag:s22] =	ssyncadd.s32 $0xFFFFF600  }
0x17c: {  	_ =	swait.ge [sflag:s24], $0xA00  }
0x17d: {  	[sflag:s24] =	ssyncset.done $0x0  }
0x17e: {  	[sflag:s24] =	ssyncadd.s32 $0xFFFFF600  }
0x17f: {  	s2 =	stileid.u32;
	[bflag:$0x0] =	sbarrier.arrive $0xFFFF  }
0x180: {  	s4 =	sshll.u32 @p0 s2, $0x6;
	s2 =	rddreg [dreg:$0x16]  }
0x181: {  	s4 =	sor.u32 @p0 $0x1C11, s4;
	s23 =	rddreg [dreg:$0x15];
	s9 =	sshrl.u32 @p0 s2, $0x3  }
0x182: {  	[hbm:s23], [sflag:s4] =	dma.local @p0 [spmem:s9], $0xFA0  }
0x183: {  	s4 =	simm.s32 @p0 $0x11  }
0x184: {  	_ =	swait.ge @p0 [sflag:s4], $0xFA0  }
0x185: {  	s9 =	stileid.u32;
	[sflag:s4] =	ssyncset.done @p0 $0x0  }
0x186: {  	s9 =	sshll.u32 @p1 s9, $0x6;
	[sflag:s4] =	ssyncadd.s32 @p0 $0xFFFFF060  }
0x187: {  	s4 =	sor.u32 @p1 $0x1C11, s9;
	s9 =	sshrl.u32 @p1 s2, $0x3;
	s2 =	rddreg [dreg:$0x17]  }
0x188: {  	[hbm:s2], [sflag:s4] =	dma.local @p1 [spmem:s9], $0xFA0  }
0x189: {  	s4 =	simm.s32 @p1 $0x11  }
0x18a: {  	_ =	swait.ge @p1 [sflag:s4], $0xFA0  }
0x18b: {  	s2 =	rddreg [dreg:$0x1e]  }
0x18c: {  	s9 =	sadd.s32 $0x1, s2;
	s2 =	rddreg [dreg:$0x18]  }
0x18d: {  	p3 =	sne.s32 s9, s2  }
.Ltmp3:
0x18e: {  	_ = 	snop;
	(pc) =	sbr.rel @p3 .LBB2_1-.Ltmp3, $3  }
0x18f: {  	_ =	sdelay $0x1  }
0x190: {  	[sflag:s4] =	ssyncset.done @p1 $0x0  }
0x191: {  	s23 =	stileid.u32;
	[sflag:s4] =	ssyncadd.s32 @p1 $0xFFFFF060  }
0x192: {  	_ =	sfence.sel $0x180000  }
0x193: {  	[bflag:$0x0] =	sbarrier.arrive $0xFFFF  }
0x194: {  	_ =	strace $0x9000004D  }
0x195: {  	[bflag:$0x2] =	sbarrier.arrive $0xFFFF  }
0x196: {  	p0 =	sne.s32 s23, $0x0;
	s0 =	rddreg [dreg:$0x3]  }
0x197: {  	s0 =	sadd.s32 @!p0 $0x100000, s0  }
0x198: {  	[sflag:s0] =	ssyncadd.tile.s32 @!p0 $0x1;
	_ =	shalt  }
.Lfunc_end2:
_tile_overlayer_lowered:
.L_overlay_start_2:
0x199: {  	(tag) =	ssettag $0x2  }
0x19a: {  	s0 =	rddreg [dreg:$0x0];
	s2 =	stileid.u32  }
0x19b: {  	s1 =	rddreg [dreg:$0x1];
	p0 =	sne.s32 s2, $0x0  }
0x19c: {  	s3 =	rddreg [dreg:$0x2];
	[bflag:$0x3] =	sbarrier.arrive $0xFFFF;
	s2 =	simm.s32 @!p0 $0x1C11  }
0x19d: {  	[timem:s3], [sflag:s2] =	dma.local @!p0 [hbm:s0], s1  }
0x19e: {  	s0 =	simm.s32 @!p0 $0x11  }
0x19f: {  	_ =	swait.ge @!p0 [sflag:s0], s1  }
0x1a0: {  	s1 =	ssub.s32 @!p0 $0x0, s1;
	[sflag:s0] =	ssyncset.done @!p0 $0x0  }
0x1a1: {  	[sflag:s0] =	ssyncadd.s32 @!p0 s1  }
0x1a2: {  	[bflag:$0x3] =	sbarrier.arrive $0xFFFF  }
0x1a3: {  	_ =	shalt  }

// kernel: kernel.18.cloned.1.call-start
scs
__scs_entry_jumppad:
0x0: {  	(pc) =	sbr.rel $0x88, $3  }
0x1: {  	(tag) =	ssettag $0x0;
	lr =	simm.s32 $0x1  }
0x2: {  	[smem:$0x3F97] =	sst lr;
	_ =	strace $0xD0000000  }
0x3: {  	_ = 	snop  }
0x4: {  	_ = 	snop  }
0x5: {  	_ = 	snop  }
0x6: {  	_ = 	snop  }
0x7: {  	_ = 	snop  }
__scs_overlays_trampoline_lowered:
0x8: {  	[smem:$0x3FA6] =	sst s0  }
0x9: {  	[smem:$0x3FA7] =	sst s1  }
0xa: {  	[smem:$0x3FA8] =	sst s2  }
0xb: {  	[smem:$0x3FA9] =	sst s3  }
0xc: {  	[smem:$0x3FAA] =	sst s4  }
0xd: {  	[smem:$0x3FAB] =	sst s5  }
0xe: {  	[smem:$0x3FAC] =	sst s6  }
0xf: {  	[smem:$0x3FAD] =	sst s7  }
0x10: {  	[smem:$0x3FAE] =	sst s8  }
0x11: {  	[smem:$0x3FAF] =	sst s9;
	s0 =	simm.s32 @!p0 $0x0  }
0x12: {  	s1 =	sld [smem:$0x3F95];
	s0 =	simm.s32 @p0 $0x1  }
0x13: {  	[smem:$0x3FB0] =	sst s0;
	s0 =	simm.s32 @!p1 $0x0  }
0x14: {  	s2 =	sld [smem:$0x3F94];
	s0 =	simm.s32 @p1 $0x1  }
0x15: {  	[smem:$0x3FB1] =	sst s0;
	s0 =	simm.s32 @!p2 $0x0  }
0x16: {  	s3 =	sld [smem:$0x3FDB];
	s0 =	simm.s32 @p2 $0x1  }
0x17: {  	s4 =	simm.s32 $0x1BF5;
	[smem:$0x3FB3] =	sst s0  }
0x18: {  	s0 =	sld [smem:$0x3F96];
	_ =	swait.ge [sflag:s4], $0x0  }
0x19: {  	s7 =	sld [smem:$0x3F97]  }
0x1a: {  	s8 =	sadd.s32 $0xFFFFE003, lr  }
0x1b: {  	s9 =	sadd.s32 $0xFFFFFEF7, lr;
	s5 =	simm.s32 $0xFFFFFFFF;
	p2 =	slt.u32 s8, $0xFFFFF086  }
0x1c: {  	p1 =	slt.u32 s9, $0xF7A;
	s5 =	simm.s32 @!p2 $0x0  }
0x1d: {  	s5 =	simm.s32 @p1 $0x1;
	p0 =	seq.s32 s7, s2  }
0x1e: {  	s7 =	smul.u32 @!p0 $0xF7A, s2;
	p2 =	seq.s32 @!p0 s5, $0x0  }
0x1f: {  	s9 =	smul.u32 $0xF7A, s1;
	s8 =	simm.s32 @!p0 $0x1BF5;
	p2 =	por !p2, p0  }
0x20: {  	[sflag:s8] =	ssyncset.s32 @!p0 $0xFFFFF086;
	s6 =	sadd.s32 @!p0 s3, s7;
	s7 =	simm.s32 @!p0 $0x108  }
0x21: {  	s3 =	sadd.s32 s3, s9;
	s6 =	sadd.s32 @!p0 $0x88, s6;
	s7 =	simm.s32 @p2 $0x1082  }
0x22: {  	[simem:s7], [sflag:s8] =	dma.local @!p0 [hbm:s6], $0xF7A  }
0x23: {  	s9 =	sor.u32 $0xD0000000, s2;
	s6 =	simm.s32 $0x108;
	_ =	swait.ge @!p0 [sflag:s8], $0x0  }
0x24: {  	s3 =	sadd.s32 $0x88, s3;
	s6 =	simm.s32 @!p1 $0x1082;
	[sflag:s4] =	ssyncset.s32 $0xFFFFF086  }
0x25: {  	[simem:s6], [sflag:s4] =	dma.local [hbm:s3], $0xF7A  }
0x26: {  	[smem:$0x3F97] =	sst s1;
	(tag) =	ssettag s2;
	_ =	strace s9  }
0x27: {  	s1 =	sld [smem:$0x3FA7]  }
0x28: {  	s2 =	sld [smem:$0x3FA8]  }
0x29: {  	s4 =	sld [smem:$0x3FAA]  }
0x2a: {  	p0 =	seq.s32 s5, $0x0;
	s5 =	sld [smem:$0x3FAB]  }
0x2b: {  	s6 =	sld [smem:$0x3FAC]  }
0x2c: {  	s7 =	sld [smem:$0x3FAD]  }
0x2d: {  	s3 =	simm.s32 $0x108;
	s8 =	sld [smem:$0x3FAE]  }
0x2e: {  	s3 =	simm.s32 @!p0 $0x1082;
	s9 =	sld [smem:$0x3FAF]  }
0x2f: {  	lr =	sadd.s32 s0, s3;
	s0 =	sld [smem:$0x3FA6]  }
0x30: {  	s3 =	sld [smem:$0x3FA9]  }
0x31: {  	[smem:$0x3FB2] =	sst s10  }
0x32: {  	s10 =	sld [smem:$0x3FB0];
	_ =	sdelay $0x3  }
0x33: {  	p0 =	seq.s32 s10, $0x1;
	s10 =	sld [smem:$0x3FB2];
	_ =	sdelay $0x3  }
0x34: {  	[smem:$0x3FB2] =	sst s10  }
0x35: {  	s10 =	sld [smem:$0x3FB1];
	_ =	sdelay $0x3  }
0x36: {  	p1 =	seq.s32 s10, $0x1;
	s10 =	sld [smem:$0x3FB2];
	_ =	sdelay $0x3  }
0x37: {  	[smem:$0x3FB2] =	sst s10  }
0x38: {  	s10 =	sld [smem:$0x3FB3]  }
0x39: {  	_ = 	snop;
	(pc) =	sbr.ind lr, $3  }
0x3a: {  	_ = 	snop  }
0x3b: {  	_ = 	snop  }
0x3c: {  	p2 =	seq.s32 s10, $0x1;
	s10 =	sld [smem:$0x3FB2]  }
0x3d: {  	_ =	shalt  }
0x3e: {  	_ =	shalt  }
0x3f: {  	_ =	shalt  }
0x40: {  	_ =	shalt  }
0x41: {  	_ =	shalt  }
0x42: {  	_ =	shalt  }
0x43: {  	_ =	shalt  }
0x44: {  	_ =	shalt  }
0x45: {  	_ =	shalt  }
0x46: {  	_ =	shalt  }
0x47: {  	_ =	shalt  }
0x48: {  	_ =	shalt  }
0x49: {  	_ =	shalt  }
0x4a: {  	_ =	shalt  }
0x4b: {  	_ =	shalt  }
0x4c: {  	_ =	shalt  }
0x4d: {  	_ =	shalt  }
0x4e: {  	_ =	shalt  }
0x4f: {  	_ =	shalt  }
0x50: {  	_ =	shalt  }
0x51: {  	_ =	shalt  }
0x52: {  	_ =	shalt  }
0x53: {  	_ =	shalt  }
0x54: {  	_ =	shalt  }
0x55: {  	_ =	shalt  }
0x56: {  	_ =	shalt  }
0x57: {  	_ =	shalt  }
0x58: {  	_ =	shalt  }
0x59: {  	_ =	shalt  }
0x5a: {  	_ =	shalt  }
0x5b: {  	_ =	shalt  }
0x5c: {  	_ =	shalt  }
0x5d: {  	_ =	shalt  }
0x5e: {  	_ =	shalt  }
0x5f: {  	_ =	shalt  }
0x60: {  	_ =	shalt  }
0x61: {  	_ =	shalt  }
0x62: {  	_ =	shalt  }
0x63: {  	_ =	shalt  }
0x64: {  	_ =	shalt  }
0x65: {  	_ =	shalt  }
0x66: {  	_ =	shalt  }
0x67: {  	_ =	shalt  }
0x68: {  	_ =	shalt  }
0x69: {  	_ =	shalt  }
0x6a: {  	_ =	shalt  }
0x6b: {  	_ =	shalt  }
0x6c: {  	_ =	shalt  }
0x6d: {  	_ =	shalt  }
0x6e: {  	_ =	shalt  }
0x6f: {  	_ =	shalt  }
0x70: {  	_ =	shalt  }
0x71: {  	_ =	shalt  }
0x72: {  	_ =	shalt  }
0x73: {  	_ =	shalt  }
0x74: {  	_ =	shalt  }
0x75: {  	_ =	shalt  }
0x76: {  	_ =	shalt  }
0x77: {  	_ =	shalt  }
0x78: {  	_ =	shalt  }
0x79: {  	_ =	shalt  }
0x7a: {  	_ =	shalt  }
0x7b: {  	_ =	shalt  }
0x7c: {  	_ =	shalt  }
0x7d: {  	_ =	shalt  }
0x7e: {  	_ =	shalt  }
0x7f: {  	_ =	shalt  }
0x80: {  	_ =	shalt  }
0x81: {  	_ =	shalt  }
0x82: {  	_ =	shalt  }
0x83: {  	_ =	shalt  }
0x84: {  	_ =	shalt  }
0x85: {  	_ =	shalt  }
0x86: {  	_ =	shalt  }
0x87: {  	_ =	shalt  }
.Lfunc_end0:
.L_simem_size_0:
called_computation.3_lowered:
.L_overlay_start_0:
0x88: {  	s2 =	sld [smem:$0x3FD9]  }
0x89: {  	s3 =	sld [smem:$0x3FFE];
	_ =	sdelay $0x1  }
0x8a: {  	s1 =	srdreg.scid  }
0x8b: {  	s0 =	sand.u32 $0x1, s1  }
0x8c: {  	s17 =	sshll.u32 s0, $0xA;
	s2 =	sadd.s32 s3, s2  }
0x8d: {  	s2 =	sadd.s32 s2, s17  }
0x8e: {  	[smem:$0x3FBE] =	sst s2  }
0x8f: {  	_ = 	snop  }
0x90: {  	s2 =	sld [smem:$0x3FD0];
	(tm) =	ssettm $0x1  }
0x91: {  	s18 =	sld [smem:$0x3FFB];
	_ =	sdelay $0x3  }
0x92: {  	_ =	strace s18  }
0x93: {  	s3 =	sld [smem:$0x3FFC];
	_ =	sdelay $0x3  }
0x94: {  	_ =	strace s3  }
0x95: {  	s3 =	sld [smem:$0x3FFD];
	_ =	sdelay $0x3  }
0x96: {  	_ =	strace s3  }
0x97: {  	_ =	strace $0x8FFFFFFF  }
0x98: {  	s19 =	sld [smem:$0x3FDB];
	_ =	sdelay $0x1  }
0x99: {  	s4 =	simm.s32 $_scs_section_size  }
0x9a: {  	s5 =	simm.s32 $_size__tile_overlayer_lowered;
	s6 =	simm.s32 $_tile_overlayer_lowered  }
0x9b: {  	s22 =	simm.s32 $0x1BFF;
	s21 =	sshll.u32 s6, $0x1;
	s3 =	sadd.s32 s4, s19  }
0x9c: {  	s7 =	simm.s32 $0x0;
	s20 =	sshll.u32 s5, $0x1;
	s5 =	sadd.s32 s21, s3  }
0x9d: {  	[timem:s7], [sflag:s22] =	dma.local [hbm:s5], s20  }
0x9e: {  	_ =	swait.ge [sflag:s22], s20  }
0x9f: {  	s4 =	ssub.s32 $0x0, s20;
	[sflag:s22] =	ssyncset.done $0x0  }
0xa0: {  	[sflag:s22] =	ssyncadd.s32 s4;
	_ =	sdelay $0x1  }
0xa1: {  	s23 =	simm.s32 $0x1B8B  }
0xa2: {  	_ =	swait.ge [sflag:s23], $0x1  }
0xa3: {  	[sflag:s23] =	ssyncset.done $0x0  }
0xa4: {  	s25 =	simm.s32 $0x1B8E;
	s24 =	sld [smem:$0x3FFE];
	[sflag:s23] =	ssyncadd.s32 $0xFFFFFFFF  }
0xa5: {  	s26 =	simm.s32 $execute0_lowered;
	[smem:$0x3FD2] =	sst s25  }
0xa6: {  	s5 =	sshll.u32 s26, $0x1;
	_ =	strace $0x8000004F;
	[dreg:$0x1] =	wrdreg $0xFFFFFFFF  }
0xa7: {  	s28 =	simm.s32 $_size_execute0_lowered;
	s3 =	sadd.s32 s3, s5;
	[dreg:$0x0] =	wrdreg $0x0  }
0xa8: {  	s5 =	sshll.u32 s28, $0x1;
	[dreg:$0x2] =	wrdreg s3  }
0xa9: {  	[dreg:$0x3] =	wrdreg s5  }
0xaa: {  	[dreg:$0x4] =	wrdreg $0xC0  }
0xab: {  	_ =	task [dreg:s7], $0x5FFFF  }
0xac: {  	[dreg:$0x1] =	wrdreg $0xFFFFFFFF  }
0xad: {  	[dreg:$0x0] =	wrdreg $0x60  }
0xae: {  	[dreg:$0x2] =	wrdreg s2  }
0xaf: {  	[dreg:$0x3] =	wrdreg s24  }
0xb0: {  	[dreg:$0x4] =	wrdreg $0x9  }
0xb1: {  	_ =	task.clear_ibuf [dreg:s7], $0x5FFFF;
	_ =	strace $0x9000004F  }
0xb2: {  	s29 =	simm.s32 $0x9;
	_ =	strace $0x80000051  }
0xb3: {  	_ =	swait.ge [sflag:s29], $0x1  }
0xb4: {  	[sflag:s29] =	ssyncadd.s32 $0xFFFFFFFF  }
0xb5: {  	_ =	strace $0x90000051  }
0xb6: {  	_ =	sfence  }
0xb7: {  	s30 =	sld [smem:$0x0];
	_ =	sdelay $0x2  }
0xb8: {  	s31 =	sshll.u32 s1, $0xD;
	s1 =	sshrl.u32 s1, $0x2  }
0xb9: {  	s3 =	sand.u32 $0x4000, s31;
	s1 =	sadd.s32 s1, s30  }
0xba: {  	s0 =	sor.u32 s3, s0;
	s1 =	sshll.u32 s1, $0x11  }
0xbb: {  	s0 =	sor.u32 s1, s0  }
0xbc: {  	s0 =	sadd.s32 $0x8F2B, s0  }
0xbd: {  	[sflag:s0] =	ssyncadd.remote.s32 $0x1  }
0xbe: {  	_ =	sfence.sel $0xFFFF  }
0xbf: {  	[dreg:$0x0] =	wrdreg $0xFFFFFFFF;
	(pc) =	sbr.abs _section_cstart, $3  }
0xc0: {  	[dreg:$0x1] =	wrdreg $0xFFFFFFFF  }
0xc1: {  	_ =	task.clear_ibuf [dreg:s7], $0x2FFFF;
	_ =	strace $0x9FFFFFFF  }
0xc2: {  	(tm) =	ssettm $0x7FFFFFFF  }
0xc3: {  	_ =	shalt  }
tec
execute0_lowered:
.L_overlay_start_1:
0x0: {  	(tag) =	ssettag $0x1  }
0x1: {  	s2 =	rddreg [dreg:$0x0];
	s1 =	srdreg.scid  }
0x2: {  	s0 =	stileid.u32;
	s5 =	rddreg [dreg:$0x1]  }
0x3: {  	s3 =	simm.s32 $0x0;
	s10 =	simm.s32 $0x4E20;
	s11 =	simm.s32 $0x7530  }
0x4: {  	s12 =	simm.s32 $0x1;
	s4 =	sand.u32 $0x1, s1;
	s6 =	sshll.u32 s0, $0x1  }
0x5: {  	s13 =	simm.s32 $0x9C40;
	s14 =	simm.s32 $0x2;
	s6 =	sor.u32 s4, s6  }
0x6: {  	s15 =	simm.s32 $0x0;
	[smem:$0x7FF] =	sst s3;
	s6 =	smul.u32 $0x4E2, s6  }
0x7: {  	s1 =	rddreg [dreg:$0x2];
	_ =	strace $0x80000050;
	s7 =	ssub.s32 $0x2, s4  }
0x8: {  	s4 =	sadd.s32 $0x1200, s5;
	s31 =	sshrl.u32 s7, $0x1;
	s8 =	sadd.s32 s6, s5  }
0x9: {  	s9 =	ssub.s32 s7, s31;
	s5 =	sadd.s32 $0x4FE00, s8;
	s6 =	sadd.s32 $0x59C00, s8  }
0xa: {  	s7 =	sadd.s32 $0x1800, s8;
	s8 =	smax.u32 s9, $0x1;
	s9 =	simm.s32 $0x2710  }
.LBB2_1:
0xb: {  	[tilespmem:s3], [sflag:$0x1] =	stream.linear.gather [hbm4b:s2+s3], $0x2710, $0x38;
	[tilespmem:$0xC350] =	vst v63  }
0xc: {  	_ = 	snop  }
0xd: {  	[tilespmem:s9], [sflag:$0x1] =	stream.linear.gather [hbm4b:s4+s3], $0x2710, $0x38;
	[tilespmem:$0xC350] =	vst v63  }
0xe: {  	_ = 	snop  }
0xf: {  	[tilespmem:s10], [sflag:$0x1] =	stream.linear.gather [hbm4b:s5+s3], $0x2710, $0x38;
	[tilespmem:$0xC350] =	vst v63  }
0x10: {  	_ = 	snop  }
0x11: {  	[tilespmem:s11], [sflag:$0x1] =	stream.linear.gather [hbm4b:s6+s3], $0x2710, $0x38;
	[tilespmem:$0xC350] =	vst v63  }
0x12: {  	_ =	swait.ge [sflag:s12], $0x2710  }
0x13: {  	[sflag:s12] =	ssyncset.done $0x0  }
0x14: {  	[sflag:s12] =	ssyncadd.s32 $0xFFFFD8F0  }
0x15: {  	_ =	swait.ge [sflag:s12], $0x2710  }
0x16: {  	[sflag:s12] =	ssyncset.done $0x0  }
0x17: {  	[sflag:s12] =	ssyncadd.s32 $0xFFFFD8F0  }
0x18: {  	_ =	swait.ge [sflag:s12], $0x2710  }
0x19: {  	[sflag:s12] =	ssyncset.done $0x0  }
0x1a: {  	[sflag:s12] =	ssyncadd.s32 $0xFFFFD8F0  }
0x1b: {  	_ =	swait.ge [sflag:s12], $0x2710  }
0x1c: {  	[sflag:s12] =	ssyncset.done $0x0  }
0x1d: {  	s16 =	simm.s32 $0x0;
	[sflag:s12] =	ssyncadd.s32 $0xFFFFD8F0  }
0x1e: {  	v0 =	vld [tilespmem:s16+$0x7530]  }
0x1f: {  	v1 =	vld [tilespmem:s16+$0x4E20];
	_ =	sdelay $0x6  }
0x20: {  	v0 =	vld.idx.msk [tilespmem:v0+s9+$0x0], $0xffff  }
0x21: {  	s17 =	simm.s32 $0x10;
	v2 =	vld.idx.msk [tilespmem:v1+s3+$0x0], $0xffff  }
0x22: {  	s18 =	simm.s32 $0x80;
	v1 =	vld [tilespmem:s17+$0x7530]  }
.LBB2_2:
0x23: {  	p0 =	sne.s32 s18, $0x9C00;
	v3 =	vld [tilespmem:s17+$0x4E20];
	_ =	sdelay $0x3  }
0x24: {  	v0 =	vadd.f32 v0, v2  }
.Ltmp0:
0x25: {  	(pc) =	sbr.rel @p0 .LBB2_2-.Ltmp0, $4  }
0x26: {  	[tilespmem:s16+$0x9C40] =	vst v0;
	s16 =	smov.u32 s17  }
0x27: {  	v0 =	vld.idx.msk [tilespmem:v1+s9+$0x0], $0xffff  }
0x28: {  	s17 =	sshra.s32 s18, $0x2;
	v2 =	vld.idx.msk [tilespmem:v3+s3+$0x0], $0xffff  }
0x29: {  	s18 =	sadd.s32 $0x40, s18;
	v1 =	vld [tilespmem:s17+$0x7530]  }
0x2a: {  	_ = 	snop  }
0x2b: {  	v3 =	vld [tilespmem:s17+$0x4E20];
	_ =	sdelay $0x3  }
0x2c: {  	v0 =	vadd.f32 v0, v2;
	_ =	sdelay $0x1  }
0x2d: {  	[tilespmem:s16+$0x9C40] =	vst v0  }
0x2e: {  	v0 =	vld.idx.msk [tilespmem:v1+s9+$0x0], $0xffff  }
0x2f: {  	v63 =	vld.idx.msk [tilespmem:v3+s3+$0x0], $0xffff;
	_ =	sdelay $0x4  }
0x30: {  	s15 =	sadd.s32 $0x1, s15;
	v0 =	vadd.f32 v0, v63  }
0x31: {  	p0 =	sne.s32 s15, s8  }
.Ltmp1:
0x32: {  	[tilespmem:s17+$0x9C40] =	vst v0;
	(pc) =	sbr.rel @p0 .LBB2_1-.Ltmp1, $4  }
0x33: {  	[hbm4b:s7+s3] =	stream.linear.scatter [tilespmem:s13], [sflag:$0x2], $0x2710, $0x38;
	[tilespmem:$0xC350] =	vst v63  }
0x34: {  	_ =	swait.ge [sflag:s14], $0x2710  }
0x35: {  	[sflag:s14] =	ssyncset.done $0x0  }
0x36: {  	[sflag:s14] =	ssyncadd.s32 $0xFFFFD8F0  }
0x37: {  	_ =	sfence.sel $0x180000  }
0x38: {  	[bflag:$0x0] =	sbarrier.arrive $0xFFFF  }
0x39: {  	p0 =	sne.s32 s0, $0x0;
	_ =	strace $0x90000050  }
0x3a: {  	s0 =	sadd.s32 @!p0 $0x100000, s1;
	[bflag:$0x2] =	sbarrier.arrive $0xFFFF  }
0x3b: {  	[sflag:s0] =	ssyncadd.tile.s32 @!p0 $0x1;
	_ =	shalt  }
.Lfunc_end2:
_tile_overlayer_lowered:
.L_overlay_start_2:
0x3c: {  	(tag) =	ssettag $0x2  }
0x3d: {  	s0 =	rddreg [dreg:$0x0];
	s2 =	stileid.u32  }
0x3e: {  	s1 =	rddreg [dreg:$0x1];
	p0 =	sne.s32 s2, $0x0  }
0x3f: {  	s3 =	rddreg [dreg:$0x2];
	[bflag:$0x3] =	sbarrier.arrive $0xFFFF;
	s2 =	simm.s32 @!p0 $0x1C02  }
0x40: {  	[timem:s3], [sflag:s2] =	dma.local @!p0 [hbm:s0], s1  }
0x41: {  	s0 =	simm.s32 @!p0 $0x2  }
0x42: {  	_ =	swait.ge @!p0 [sflag:s0], s1  }
0x43: {  	s1 =	ssub.s32 @!p0 $0x0, s1;
	[sflag:s0] =	ssyncset.done @!p0 $0x0  }
0x44: {  	[sflag:s0] =	ssyncadd.s32 @!p0 s1  }
0x45: {  	[bflag:$0x3] =	sbarrier.arrive $0xFFFF  }
0x46: {  	_ =	shalt  }

// kernel: kernel.9.cloned.1.call-start
scs
__scs_entry_jumppad:
0x0: {  	(pc) =	sbr.rel $0x88, $3  }
0x1: {  	(tag) =	ssettag $0x0;
	lr =	simm.s32 $0x1  }
0x2: {  	[smem:$0x3F97] =	sst lr;
	_ =	strace $0xD0000000  }
0x3: {  	_ = 	snop  }
0x4: {  	_ = 	snop  }
0x5: {  	_ = 	snop  }
0x6: {  	_ = 	snop  }
0x7: {  	_ = 	snop  }
__scs_overlays_trampoline_lowered:
0x8: {  	[smem:$0x3FA6] =	sst s0  }
0x9: {  	[smem:$0x3FA7] =	sst s1  }
0xa: {  	[smem:$0x3FA8] =	sst s2  }
0xb: {  	[smem:$0x3FA9] =	sst s3  }
0xc: {  	[smem:$0x3FAA] =	sst s4  }
0xd: {  	[smem:$0x3FAB] =	sst s5  }
0xe: {  	[smem:$0x3FAC] =	sst s6  }
0xf: {  	[smem:$0x3FAD] =	sst s7  }
0x10: {  	[smem:$0x3FAE] =	sst s8  }
0x11: {  	[smem:$0x3FAF] =	sst s9;
	s0 =	simm.s32 @!p0 $0x0  }
0x12: {  	s1 =	sld [smem:$0x3F95];
	s0 =	simm.s32 @p0 $0x1  }
0x13: {  	[smem:$0x3FB0] =	sst s0;
	s0 =	simm.s32 @!p1 $0x0  }
0x14: {  	s2 =	sld [smem:$0x3F94];
	s0 =	simm.s32 @p1 $0x1  }
0x15: {  	[smem:$0x3FB1] =	sst s0;
	s0 =	simm.s32 @!p2 $0x0  }
0x16: {  	s3 =	sld [smem:$0x3FDB];
	s0 =	simm.s32 @p2 $0x1  }
0x17: {  	s4 =	simm.s32 $0x1BF5;
	[smem:$0x3FB3] =	sst s0  }
0x18: {  	s0 =	sld [smem:$0x3F96];
	_ =	swait.ge [sflag:s4], $0x0  }
0x19: {  	s7 =	sld [smem:$0x3F97]  }
0x1a: {  	s8 =	sadd.s32 $0xFFFFE003, lr  }
0x1b: {  	s9 =	sadd.s32 $0xFFFFFEF7, lr;
	s5 =	simm.s32 $0xFFFFFFFF;
	p2 =	slt.u32 s8, $0xFFFFF086  }
0x1c: {  	p1 =	slt.u32 s9, $0xF7A;
	s5 =	simm.s32 @!p2 $0x0  }
0x1d: {  	s5 =	simm.s32 @p1 $0x1;
	p0 =	seq.s32 s7, s2  }
0x1e: {  	s7 =	smul.u32 @!p0 $0xF7A, s2;
	p2 =	seq.s32 @!p0 s5, $0x0  }
0x1f: {  	s9 =	smul.u32 $0xF7A, s1;
	s8 =	simm.s32 @!p0 $0x1BF5;
	p2 =	por !p2, p0  }
0x20: {  	[sflag:s8] =	ssyncset.s32 @!p0 $0xFFFFF086;
	s6 =	sadd.s32 @!p0 s3, s7;
	s7 =	simm.s32 @!p0 $0x108  }
0x21: {  	s3 =	sadd.s32 s3, s9;
	s6 =	sadd.s32 @!p0 $0x88, s6;
	s7 =	simm.s32 @p2 $0x1082  }
0x22: {  	[simem:s7], [sflag:s8] =	dma.local @!p0 [hbm:s6], $0xF7A  }
0x23: {  	s9 =	sor.u32 $0xD0000000, s2;
	s6 =	simm.s32 $0x108;
	_ =	swait.ge @!p0 [sflag:s8], $0x0  }
0x24: {  	s3 =	sadd.s32 $0x88, s3;
	s6 =	simm.s32 @!p1 $0x1082;
	[sflag:s4] =	ssyncset.s32 $0xFFFFF086  }
0x25: {  	[simem:s6], [sflag:s4] =	dma.local [hbm:s3], $0xF7A  }
0x26: {  	[smem:$0x3F97] =	sst s1;
	(tag) =	ssettag s2;
	_ =	strace s9  }
0x27: {  	s1 =	sld [smem:$0x3FA7]  }
0x28: {  	s2 =	sld [smem:$0x3FA8]  }
0x29: {  	s4 =	sld [smem:$0x3FAA]  }
0x2a: {  	p0 =	seq.s32 s5, $0x0;
	s5 =	sld [smem:$0x3FAB]  }
0x2b: {  	s6 =	sld [smem:$0x3FAC]  }
0x2c: {  	s7 =	sld [smem:$0x3FAD]  }
0x2d: {  	s3 =	simm.s32 $0x108;
	s8 =	sld [smem:$0x3FAE]  }
0x2e: {  	s3 =	simm.s32 @!p0 $0x1082;
	s9 =	sld [smem:$0x3FAF]  }
0x2f: {  	lr =	sadd.s32 s0, s3;
	s0 =	sld [smem:$0x3FA6]  }
0x30: {  	s3 =	sld [smem:$0x3FA9]  }
0x31: {  	[smem:$0x3FB2] =	sst s10  }
0x32: {  	s10 =	sld [smem:$0x3FB0];
	_ =	sdelay $0x3  }
0x33: {  	p0 =	seq.s32 s10, $0x1;
	s10 =	sld [smem:$0x3FB2];
	_ =	sdelay $0x3  }
0x34: {  	[smem:$0x3FB2] =	sst s10  }
0x35: {  	s10 =	sld [smem:$0x3FB1];
	_ =	sdelay $0x3  }
0x36: {  	p1 =	seq.s32 s10, $0x1;
	s10 =	sld [smem:$0x3FB2];
	_ =	sdelay $0x3  }
0x37: {  	[smem:$0x3FB2] =	sst s10  }
0x38: {  	s10 =	sld [smem:$0x3FB3]  }
0x39: {  	_ = 	snop;
	(pc) =	sbr.ind lr, $3  }
0x3a: {  	_ = 	snop  }
0x3b: {  	_ = 	snop  }
0x3c: {  	p2 =	seq.s32 s10, $0x1;
	s10 =	sld [smem:$0x3FB2]  }
0x3d: {  	_ =	shalt  }
0x3e: {  	_ =	shalt  }
0x3f: {  	_ =	shalt  }
0x40: {  	_ =	shalt  }
0x41: {  	_ =	shalt  }
0x42: {  	_ =	shalt  }
0x43: {  	_ =	shalt  }
0x44: {  	_ =	shalt  }
0x45: {  	_ =	shalt  }
0x46: {  	_ =	shalt  }
0x47: {  	_ =	shalt  }
0x48: {  	_ =	shalt  }
0x49: {  	_ =	shalt  }
0x4a: {  	_ =	shalt  }
0x4b: {  	_ =	shalt  }
0x4c: {  	_ =	shalt  }
0x4d: {  	_ =	shalt  }
0x4e: {  	_ =	shalt  }
0x4f: {  	_ =	shalt  }
0x50: {  	_ =	shalt  }
0x51: {  	_ =	shalt  }
0x52: {  	_ =	shalt  }
0x53: {  	_ =	shalt  }
0x54: {  	_ =	shalt  }
0x55: {  	_ =	shalt  }
0x56: {  	_ =	shalt  }
0x57: {  	_ =	shalt  }
0x58: {  	_ =	shalt  }
0x59: {  	_ =	shalt  }
0x5a: {  	_ =	shalt  }
0x5b: {  	_ =	shalt  }
0x5c: {  	_ =	shalt  }
0x5d: {  	_ =	shalt  }
0x5e: {  	_ =	shalt  }
0x5f: {  	_ =	shalt  }
0x60: {  	_ =	shalt  }
0x61: {  	_ =	shalt  }
0x62: {  	_ =	shalt  }
0x63: {  	_ =	shalt  }
0x64: {  	_ =	shalt  }
0x65: {  	_ =	shalt  }
0x66: {  	_ =	shalt  }
0x67: {  	_ =	shalt  }
0x68: {  	_ =	shalt  }
0x69: {  	_ =	shalt  }
0x6a: {  	_ =	shalt  }
0x6b: {  	_ =	shalt  }
0x6c: {  	_ =	shalt  }
0x6d: {  	_ =	shalt  }
0x6e: {  	_ =	shalt  }
0x6f: {  	_ =	shalt  }
0x70: {  	_ =	shalt  }
0x71: {  	_ =	shalt  }
0x72: {  	_ =	shalt  }
0x73: {  	_ =	shalt  }
0x74: {  	_ =	shalt  }
0x75: {  	_ =	shalt  }
0x76: {  	_ =	shalt  }
0x77: {  	_ =	shalt  }
0x78: {  	_ =	shalt  }
0x79: {  	_ =	shalt  }
0x7a: {  	_ =	shalt  }
0x7b: {  	_ =	shalt  }
0x7c: {  	_ =	shalt  }
0x7d: {  	_ =	shalt  }
0x7e: {  	_ =	shalt  }
0x7f: {  	_ =	shalt  }
0x80: {  	_ =	shalt  }
0x81: {  	_ =	shalt  }
0x82: {  	_ =	shalt  }
0x83: {  	_ =	shalt  }
0x84: {  	_ =	shalt  }
0x85: {  	_ =	shalt  }
0x86: {  	_ =	shalt  }
0x87: {  	_ =	shalt  }
.Lfunc_end0:
.L_simem_size_0:
called_computation_lowered:
.L_overlay_start_0:
0x88: {  	s2 =	sld [smem:$0x3FD9]  }
0x89: {  	s3 =	sld [smem:$0x3FFE];
	_ =	sdelay $0x1  }
0x8a: {  	s1 =	srdreg.scid  }
0x8b: {  	s0 =	sand.u32 $0x1, s1  }
0x8c: {  	s17 =	sshll.u32 s0, $0xA;
	s2 =	sadd.s32 s3, s2  }
0x8d: {  	s2 =	sadd.s32 s2, s17  }
0x8e: {  	[smem:$0x3FBE] =	sst s2  }
0x8f: {  	_ = 	snop  }
0x90: {  	s2 =	sld [smem:$0x3FD0];
	(tm) =	ssettm $0x1  }
0x91: {  	s18 =	sld [smem:$0x3FFB];
	_ =	sdelay $0x3  }
0x92: {  	_ =	strace s18  }
0x93: {  	s3 =	sld [smem:$0x3FFC];
	_ =	sdelay $0x3  }
0x94: {  	_ =	strace s3  }
0x95: {  	s3 =	sld [smem:$0x3FFD];
	_ =	sdelay $0x3  }
0x96: {  	_ =	strace s3  }
0x97: {  	_ =	strace $0x8FFFFFFF  }
0x98: {  	s19 =	sld [smem:$0x3FDB];
	_ =	sdelay $0x1  }
0x99: {  	s4 =	simm.s32 $_scs_section_size  }
0x9a: {  	s5 =	simm.s32 $_size__tile_overlayer_lowered;
	s6 =	simm.s32 $_tile_overlayer_lowered  }
0x9b: {  	s22 =	simm.s32 $0x1BFF;
	s21 =	sshll.u32 s6, $0x1;
	s3 =	sadd.s32 s4, s19  }
0x9c: {  	s7 =	simm.s32 $0x0;
	s20 =	sshll.u32 s5, $0x1;
	s5 =	sadd.s32 s21, s3  }
0x9d: {  	[timem:s7], [sflag:s22] =	dma.local [hbm:s5], s20  }
0x9e: {  	_ =	swait.ge [sflag:s22], s20  }
0x9f: {  	s4 =	ssub.s32 $0x0, s20;
	[sflag:s22] =	ssyncset.done $0x0  }
0xa0: {  	[sflag:s22] =	ssyncadd.s32 s4;
	_ =	sdelay $0x1  }
0xa1: {  	s23 =	simm.s32 $0x1B8B  }
0xa2: {  	_ =	swait.ge [sflag:s23], $0x1  }
0xa3: {  	[sflag:s23] =	ssyncset.done $0x0  }
0xa4: {  	s25 =	simm.s32 $0x1B8E;
	s24 =	sld [smem:$0x3FFE];
	[sflag:s23] =	ssyncadd.s32 $0xFFFFFFFF  }
0xa5: {  	s26 =	simm.s32 $execute0_lowered;
	[smem:$0x3FD2] =	sst s25  }
0xa6: {  	s5 =	sshll.u32 s26, $0x1;
	_ =	strace $0x80000046;
	[dreg:$0x1] =	wrdreg $0xFFFFFFFF  }
0xa7: {  	s28 =	simm.s32 $_size_execute0_lowered;
	s3 =	sadd.s32 s3, s5;
	[dreg:$0x0] =	wrdreg $0x0  }
0xa8: {  	s5 =	sshll.u32 s28, $0x1;
	[dreg:$0x2] =	wrdreg s3  }
0xa9: {  	[dreg:$0x3] =	wrdreg s5  }
0xaa: {  	[dreg:$0x4] =	wrdreg $0xC0  }
0xab: {  	_ =	task [dreg:s7], $0x5FFFF  }
0xac: {  	[dreg:$0x1] =	wrdreg $0xFFFFFFFF  }
0xad: {  	[dreg:$0x0] =	wrdreg $0x60  }
0xae: {  	[dreg:$0x2] =	wrdreg s24  }
0xaf: {  	[dreg:$0x3] =	wrdreg s2  }
0xb0: {  	[dreg:$0x4] =	wrdreg $0xA0A00  }
0xb1: {  	[dreg:$0x5] =	wrdreg $0x9  }
0xb2: {  	_ =	task.clear_ibuf [dreg:s7], $0x6FFFF;
	_ =	strace $0x90000046  }
0xb3: {  	s29 =	simm.s32 $0x9;
	_ =	strace $0x80000048  }
0xb4: {  	_ =	swait.ge [sflag:s29], $0x1  }
0xb5: {  	[sflag:s29] =	ssyncadd.s32 $0xFFFFFFFF  }
0xb6: {  	_ =	strace $0x90000048  }
0xb7: {  	_ =	sfence  }
0xb8: {  	s30 =	sld [smem:$0x0];
	_ =	sdelay $0x2  }
0xb9: {  	s31 =	sshll.u32 s1, $0xD;
	s1 =	sshrl.u32 s1, $0x2  }
0xba: {  	s3 =	sand.u32 $0x4000, s31;
	s1 =	sadd.s32 s1, s30  }
0xbb: {  	s0 =	sor.u32 s3, s0;
	s1 =	sshll.u32 s1, $0x11  }
0xbc: {  	s0 =	sor.u32 s1, s0  }
0xbd: {  	s0 =	sadd.s32 $0x8F2B, s0  }
0xbe: {  	[sflag:s0] =	ssyncadd.remote.s32 $0x1  }
0xbf: {  	_ =	sfence.sel $0xFFFF  }
0xc0: {  	[dreg:$0x0] =	wrdreg $0xFFFFFFFF;
	(pc) =	sbr.abs _section_cstart, $3  }
0xc1: {  	[dreg:$0x1] =	wrdreg $0xFFFFFFFF  }
0xc2: {  	_ =	task.clear_ibuf [dreg:s7], $0x2FFFF;
	_ =	strace $0x9FFFFFFF  }
0xc3: {  	(tm) =	ssettm $0x7FFFFFFF  }
tec
execute0_lowered:
.L_overlay_start_1:
0x0: {  	(tag) =	ssettag $0x1  }
0x1: {  	s1 =	srdreg.scid  }
0x2: {  	s1 =	sand.u32 $0x1, s1  }
0x3: {  	p0 =	seq.s32 s1, $0x1  }
.Ltmp0:
0x4: {  	s4 =	rddreg [dreg:$0x0];
	(pc) =	sbr.rel @p0 .LBB2_8-.Ltmp0, $4  }
0x5: {  	s2 =	rddreg [dreg:$0x1]  }
0x6: {  	s3 =	rddreg [dreg:$0x2];
	s5 =	simm.s32 $0x0  }
0x7: {  	[smem:$0x7FF] =	sst s5  }
0x8: {  	s0 =	rddreg [dreg:$0x3];
	_ =	strace $0x80000047;
	s1 =	stileid.u32  }
0x9: {  	s6 =	smul.u32 $0x9C4, s1  }
0xa: {  	s4 =	sadd.s32 $0xB000, s4;
	s7 =	smul.u32 $0xA000, s1  }
0xb: {  	s29 =	smul.u32 $0x280, s1;
	s8 =	simm.s32 $0x1;
	s4 =	sadd.s32 s4, s6  }
0xc: {  	[tilespmem:s5], [sflag:$0x1] =	stream.linear.gather [hbm4b:s4+s5], $0x4E20, $0x38;
	[tilespmem:$0xC8A0] =	vst v63  }
0xd: {  	s30 =	sshrl.u32 s7, $0x2;
	_ =	swait.ge [sflag:s8], $0x4E20  }
0xe: {  	s31 =	sshrl.u32 s29, $0x3;
	s4 =	sadd.s32 s30, s3;
	[sflag:s8] =	ssyncset.done $0x0  }
0xf: {  	v0 =	vimm.f32 $0.0e+00;
	s3 =	sadd.s32 s29, s3;
	s2 =	sadd.s32 s2, s31;
	[sflag:s8] =	ssyncadd.s32 $0xFFFFB1E0  }
.LBB2_2:
0x10: {  	p0 =	sne.s32 s5, $0x9FC0  }
.Ltmp1:
0x11: {  	_ = 	snop;
	(pc) =	sbr.rel @p0 .LBB2_2-.Ltmp1, $3  }
0x12: {  	_ =	sdelay $0x1  }
0x13: {  	s6 =	sshra.s32 s5, $0x2  }
0x14: {  	s5 =	sadd.s32 $0x40, s5;
	[tilespmem:s6+$0x4E20] =	vst v0  }
0x15: {  	v0 =	vimm.f32 $1.000000000e+00;
	s5 =	simm.s32 $0x4E20;
	s7 =	simm.s32 $0x0;
	s6 =	simm.s32 $0x40  }
.LBB2_4:
0x16: {  	p0 =	sne.s32 s6, $0x13840;
	v1 =	vld [tilespmem:s7+$0x0];
	_ =	sdelay $0x3  }
.Ltmp2:
0x17: {  	(pc) =	sbr.rel @p0 .LBB2_4-.Ltmp2, $2  }
0x18: {  	_ =	sdelay $0x2  }
0x19: {  	s7 =	sshra.s32 s6, $0x2;
	s6 =	sadd.s32 $0x40, s6;
	[tilespmem:v1+s5+$0x0] =	vst.idx.add.f32.msk $0xffff, v0  }
0x1a: {  	v1 =	vld [tilespmem:s7+$0x0];
	_ =	sdelay $0x7  }
0x1b: {  	s28 =	simm.s32 $0x4E20;
	s29 =	simm.s32 $0x1;
	[tilespmem:v1+s5+$0x0] =	vst.idx.add.f32.msk $0xffff, v0  }
0x1c: {  	[spmem:s4] =	stream.linear.scatter [tilespmem:s28], [sflag:$0x1], $0x2800, $0x38;
	[tilespmem:$0xC8A0] =	vst v63  }
0x1d: {  	_ =	swait.ge [sflag:s29], $0x2800  }
0x1e: {  	[sflag:s29] =	ssyncset.done $0x0  }
0x1f: {  	s30 =	simm.s32 $0x280;
	[sflag:s29] =	ssyncadd.s32 $0xFFFFD800  }
0x20: {  	s6 =	simm.s32 $0x2800;
	s31 =	simm.s32 $0x7620;
	[bflag:$0x0] =	sbarrier.arrive $0xFFFF  }
0x21: {  	[tilespmem:s31], [sflag:$0x1] =	stream.strided.gather [spmem:s3], $0x2800, s6, s30, $0x38;
	[tilespmem:$0xC8A0] =	vst v63  }
0x22: {  	_ =	swait.ge [sflag:s29], $0x2800  }
0x23: {  	[sflag:s29] =	ssyncset.done $0x0  }
0x24: {  	s4 =	simm.s32 $0x0;
	[sflag:s29] =	ssyncadd.s32 $0xFFFFD800  }
0x25: {  	v0 =	vld [tilespmem:s4+$0x7620]  }
0x26: {  	v1 =	vld [tilespmem:s4+$0x78A0];
	_ =	sdelay $0x1  }
0x27: {  	v2 =	vld [tilespmem:s4+$0x7B20];
	_ =	sdelay $0x1  }
0x28: {  	v3 =	vld [tilespmem:s4+$0x7DA0]  }
0x29: {  	v0 =	vadd.f32 v1, v0  }
0x2a: {  	v1 =	vld [tilespmem:s4+$0x8020]  }
0x2b: {  	v0 =	vadd.f32 v2, v0  }
0x2c: {  	v2 =	vld [tilespmem:s4+$0x82A0]  }
0x2d: {  	v0 =	vadd.f32 v3, v0  }
0x2e: {  	v3 =	vld [tilespmem:s4+$0x8520]  }
0x2f: {  	v0 =	vadd.f32 v1, v0  }
0x30: {  	v1 =	vld [tilespmem:s4+$0x87A0]  }
0x31: {  	s3 =	simm.s32 $0x10;
	v4 =	vld [tilespmem:s4+$0x8A20];
	v0 =	vadd.f32 v2, v0  }
0x32: {  	v5 =	vld [tilespmem:s3+$0x7620]  }
0x33: {  	v2 =	vld [tilespmem:s4+$0x8CA0];
	v0 =	vadd.f32 v3, v0  }
0x34: {  	v3 =	vld [tilespmem:s3+$0x78A0]  }
0x35: {  	v6 =	vld [tilespmem:s3+$0x7B20];
	v0 =	vadd.f32 v1, v0  }
0x36: {  	v1 =	vld [tilespmem:s4+$0x8F20]  }
0x37: {  	v7 =	vld [tilespmem:s3+$0x7DA0];
	v0 =	vadd.f32 v4, v0  }
0x38: {  	v4 =	vld [tilespmem:s4+$0x91A0]  }
0x39: {  	v3 =	vadd.f32 v3, v5;
	v5 =	vld [tilespmem:s3+$0x8020];
	v0 =	vadd.f32 v2, v0  }
0x3a: {  	v2 =	vld [tilespmem:s4+$0x9420]  }
0x3b: {  	v3 =	vadd.f32 v6, v3;
	v6 =	vld [tilespmem:s3+$0x82A0];
	v0 =	vadd.f32 v1, v0  }
0x3c: {  	v1 =	vld [tilespmem:s4+$0x96A0]  }
0x3d: {  	v8 =	vld [tilespmem:s3+$0x8520];
	v3 =	vadd.f32 v7, v3;
	v0 =	vadd.f32 v4, v0  }
0x3e: {  	v7 =	vld [tilespmem:s4+$0x9920]  }
0x3f: {  	v4 =	vadd.f32 v5, v3;
	v3 =	vld [tilespmem:s3+$0x87A0];
	v5 =	vadd.f32 v2, v0  }
0x40: {  	v2 =	vld [tilespmem:s4+$0x9BA0]  }
0x41: {  	v0 =	vld [tilespmem:s3+$0x8CA0];
	v6 =	vadd.f32 v6, v4;
	v9 =	vadd.f32 v1, v5  }
0x42: {  	s5 =	simm.s32 $0x20;
	v4 =	vld [tilespmem:s3+$0x8A20]  }
0x43: {  	s6 =	simm.s32 $0xC0;
	v1 =	vld [tilespmem:s5+$0x7620];
	v5 =	vadd.f32 v8, v6;
	v6 =	vadd.f32 v7, v9  }
.LBB2_6:
0x44: {  	p0 =	sne.s32 s6, $0x9C0;
	v7 =	vld [tilespmem:s5+$0x78A0]  }
0x45: {  	v3 =	vadd.f32 v3, v5;
	v5 =	vld [tilespmem:s3+$0x8F20];
	v2 =	vadd.f32 v2, v6  }
0x46: {  	v6 =	vld [tilespmem:s5+$0x7B20]  }
0x47: {  	v3 =	vadd.f32 v4, v3;
	v4 =	vld [tilespmem:s3+$0x91A0];
	[tilespmem:s4+$0x9E20] =	vst v2;
	s4 =	smov.u32 s3;
	s3 =	smov.u32 s5  }
0x48: {  	v2 =	vld [tilespmem:s3+$0x7DA0]  }
0x49: {  	v1 =	vadd.f32 v7, v1;
	v0 =	vadd.f32 v0, v3;
	v3 =	vld [tilespmem:s4+$0x9420]  }
0x4a: {  	v7 =	vld [tilespmem:s3+$0x8020]  }
0x4b: {  	v1 =	vadd.f32 v6, v1;
	v0 =	vadd.f32 v5, v0;
	v5 =	vld [tilespmem:s4+$0x96A0]  }
0x4c: {  	v6 =	vld [tilespmem:s3+$0x82A0]  }
0x4d: {  	v1 =	vadd.f32 v2, v1;
	v0 =	vadd.f32 v4, v0;
	v8 =	vld [tilespmem:s4+$0x9920]  }
0x4e: {  	v9 =	vld [tilespmem:s3+$0x8520]  }
.Ltmp3:
0x4f: {  	v1 =	vadd.f32 v7, v1;
	v4 =	vadd.f32 v3, v0;
	v2 =	vld [tilespmem:s4+$0x9BA0];
	(pc) =	sbr.rel @p0 .LBB2_6-.Ltmp3, $4  }
0x50: {  	v3 =	vld [tilespmem:s3+$0x87A0]  }
0x51: {  	v6 =	vadd.f32 v6, v1;
	v0 =	vld [tilespmem:s3+$0x8CA0];
	v7 =	vadd.f32 v5, v4  }
0x52: {  	s5 =	sshra.s32 s6, $0x2;
	v4 =	vld [tilespmem:s3+$0x8A20]  }
0x53: {  	s6 =	sadd.s32 $0x40, s6;
	v1 =	vld [tilespmem:s5+$0x7620];
	v5 =	vadd.f32 v9, v6;
	v6 =	vadd.f32 v8, v7  }
0x54: {  	v7 =	vld [tilespmem:s5+$0x78A0]  }
0x55: {  	v8 =	vld [tilespmem:s3+$0x8F20];
	v2 =	vadd.f32 v2, v6  }
0x56: {  	v46 =	vld [tilespmem:s5+$0x7B20]  }
0x57: {  	v9 =	vld [tilespmem:s3+$0x91A0];
	v3 =	vadd.f32 v3, v5;
	[tilespmem:s4+$0x9E20] =	vst v2  }
0x58: {  	v2 =	vld [tilespmem:s5+$0x7DA0]  }
0x59: {  	v3 =	vadd.f32 v4, v3;
	v1 =	vadd.f32 v7, v1  }
0x5a: {  	v47 =	vld [tilespmem:s5+$0x8020]  }
0x5b: {  	v48 =	vld [tilespmem:s3+$0x9420];
	v0 =	vadd.f32 v0, v3;
	v1 =	vadd.f32 v46, v1  }
0x5c: {  	v49 =	vld [tilespmem:s5+$0x82A0]  }
0x5d: {  	v50 =	vld [tilespmem:s3+$0x96A0];
	v0 =	vadd.f32 v8, v0;
	v1 =	vadd.f32 v2, v1  }
0x5e: {  	v51 =	vld [tilespmem:s5+$0x8520]  }
0x5f: {  	v52 =	vld [tilespmem:s3+$0x9920];
	v0 =	vadd.f32 v9, v0;
	v1 =	vadd.f32 v47, v1  }
0x60: {  	v53 =	vld [tilespmem:s5+$0x87A0]  }
0x61: {  	v54 =	vld [tilespmem:s3+$0x9BA0];
	v0 =	vadd.f32 v48, v0;
	v1 =	vadd.f32 v49, v1  }
0x62: {  	v55 =	vld [tilespmem:s5+$0x8A20]  }
0x63: {  	v0 =	vadd.f32 v50, v0;
	v1 =	vadd.f32 v51, v1  }
0x64: {  	v56 =	vld [tilespmem:s5+$0x8CA0]  }
0x65: {  	v0 =	vadd.f32 v52, v0;
	v1 =	vadd.f32 v53, v1  }
0x66: {  	v57 =	vld [tilespmem:s5+$0x8F20]  }
0x67: {  	v0 =	vadd.f32 v54, v0;
	v1 =	vadd.f32 v55, v1  }
0x68: {  	v58 =	vld [tilespmem:s5+$0x91A0]  }
0x69: {  	[tilespmem:s3+$0x9E20] =	vst v0;
	v59 =	vadd.f32 v56, v1  }
0x6a: {  	v60 =	vld [tilespmem:s5+$0x9420]  }
0x6b: {  	v0 =	vadd.f32 v57, v59  }
0x6c: {  	v61 =	vld [tilespmem:s5+$0x96A0]  }
0x6d: {  	v0 =	vadd.f32 v58, v0  }
0x6e: {  	v62 =	vld [tilespmem:s5+$0x9920]  }
0x6f: {  	v0 =	vadd.f32 v60, v0  }
0x70: {  	v63 =	vld [tilespmem:s5+$0x9BA0]  }
0x71: {  	v0 =	vadd.f32 v61, v0;
	_ =	sdelay $0x1  }
0x72: {  	v0 =	vadd.f32 v62, v0;
	_ =	sdelay $0x1  }
0x73: {  	v0 =	vadd.f32 v63, v0;
	_ =	sdelay $0x1  }
0x74: {  	s29 =	simm.s32 $0x0;
	s30 =	simm.s32 $0x9E20;
	s31 =	simm.s32 $0x1;
	[tilespmem:s5+$0x9E20] =	vst v0  }
0x75: {  	[hbm4b:s2+s29] =	stream.linear.scatter [tilespmem:s30], [sflag:$0x1], $0x280, $0x38;
	[tilespmem:$0xC8A0] =	vst v63  }
0x76: {  	_ =	swait.ge [sflag:s31], $0x280  }
0x77: {  	[sflag:s31] =	ssyncset.done $0x0  }
0x78: {  	[sflag:s31] =	ssyncadd.s32 $0xFFFFFD80  }
.LBB2_8:
0x79: {  	_ =	sfence.sel $0x180000  }
0x7a: {  	[bflag:$0x0] =	sbarrier.arrive $0xFFFF  }
0x7b: {  	p0 =	sne.s32 s1, $0x0;
	_ =	strace $0x90000047  }
0x7c: {  	s0 =	sadd.s32 @!p0 $0x100000, s0;
	[bflag:$0x2] =	sbarrier.arrive $0xFFFF  }
0x7d: {  	[sflag:s0] =	ssyncadd.tile.s32 @!p0 $0x1;
	_ =	shalt  }
.Lfunc_end2:
_tile_overlayer_lowered:
.L_overlay_start_2:
0x7e: {  	(tag) =	ssettag $0x2  }
0x7f: {  	s0 =	rddreg [dreg:$0x0];
	s2 =	stileid.u32  }
0x80: {  	s1 =	rddreg [dreg:$0x1];
	p0 =	sne.s32 s2, $0x0  }
0x81: {  	s3 =	rddreg [dreg:$0x2];
	[bflag:$0x3] =	sbarrier.arrive $0xFFFF;
	s2 =	simm.s32 @!p0 $0x1C01  }
0x82: {  	[timem:s3], [sflag:s2] =	dma.local @!p0 [hbm:s0], s1  }
0x83: {  	s0 =	simm.s32 @!p0 $0x1  }
0x84: {  	_ =	swait.ge @!p0 [sflag:s0], s1  }
0x85: {  	s1 =	ssub.s32 @!p0 $0x0, s1;
	[sflag:s0] =	ssyncset.done @!p0 $0x0  }
0x86: {  	[sflag:s0] =	ssyncadd.s32 @!p0 s1  }
0x87: {  	[bflag:$0x3] =	sbarrier.arrive $0xFFFF  }
0x88: {  	_ =	shalt  }

</sc_bundles>
